<compile_context>
chip_gen: v7x
topology: tpu7x:2x2x1
jax: 0.10.2.dev20260603
libtpu: 0.0.44.dev20260713+nightly
codegen_flags: <defaults>
</compile_context>

<pallas_src>
import functools

import jax
import jax.numpy as jnp
from jax import lax
from jax.experimental import pallas as pl
from jax.experimental.pallas import tpu as pltpu
from jax.experimental.pallas import tpu_sc as plsc

F32 = jnp.float32

N = 10000
E = 320000
DF = 128
DE = 16

NC = 2
NS = 16
L = 16
NW = NC * NS
CHUNK = 640
G = 128
NG = CHUNK // G
NBLK = E // CHUNK
AGG_R = 10240
RPT = AGG_R // NS



def _tables_body(af_ref, w_ref, p_ref, q_ref, sd_ref):
    y = jnp.dot(af_ref[...], w_ref[...], preferred_element_type=F32)
    p_ref[...] = y[:, :DE]
    q_ref[...] = y[:, DE:2 * DE]
    sd_ref[...] = y[:, 2 * DE:]


def _node_tables(af, wcat):
    return pl.pallas_call(
        _tables_body,
        grid=(5,),
        in_specs=[pl.BlockSpec((N // 5, DF), lambda i: (i, 0)),
                  pl.BlockSpec((DF, 34), lambda i: (0, 0))],
        out_specs=[pl.BlockSpec((N // 5, DE), lambda i: (i, 0)),
                   pl.BlockSpec((N // 5, DE), lambda i: (i, 0)),
                   pl.BlockSpec((N // 5, 2), lambda i: (i, 0))],
        out_shape=[jax.ShapeDtypeStruct((N, DE), F32),
                   jax.ShapeDtypeStruct((N, DE), F32),
                   jax.ShapeDtypeStruct((N, 2), F32)],
    )(af, wcat)


def _edgebase_body(bf_ref, wb_ref, wa_ref, bb_ref, ba_ref, ob_ref, oa_ref):
    x = bf_ref[...]
    ob_ref[...] = (jnp.dot(x, wb_ref[...], preferred_element_type=F32)
                   + bb_ref[...])
    oa_ref[...] = (jnp.dot(x, wa_ref[...], preferred_element_type=F32)
                   + ba_ref[...])


def _edge_base(bf8, w8b, w8a, bb, ba):
    R = 800
    E8 = E // 8
    return pl.pallas_call(
        _edgebase_body,
        grid=(E8 // R,),
        in_specs=[pl.BlockSpec((R, 128), lambda i: (i, 0)),
                  pl.BlockSpec((128, 128), lambda i: (0, 0)),
                  pl.BlockSpec((128, 8), lambda i: (0, 0)),
                  pl.BlockSpec((1, 128), lambda i: (0, 0)),
                  pl.BlockSpec((1, 8), lambda i: (0, 0))],
        out_specs=[pl.BlockSpec((R, 128), lambda i: (i, 0)),
                   pl.BlockSpec((R, 8), lambda i: (i, 0))],
        out_shape=[jax.ShapeDtypeStruct((E8, 128), F32),
                   jax.ShapeDtypeStruct((E8, 8), F32)],
    )(bf8, w8b, w8a, bb, ba)


def _node_body(af_ref, agg_ref, w1_ref, w2_ref, b_ref, o_ref):
    s = agg_ref[0] + agg_ref[1]
    y = (jnp.dot(af_ref[...], w1_ref[...], preferred_element_type=F32)
         + jnp.dot(s, w2_ref[...], preferred_element_type=F32) + b_ref[...])
    o_ref[...] = jnp.maximum(y, 0.0)


def _node_mlp(af, aggp, w1, w2, b):
    R = N // 5
    return pl.pallas_call(
        _node_body,
        grid=(5,),
        in_specs=[pl.BlockSpec((R, DF), lambda i: (i, 0)),
                  pl.BlockSpec((NC, R, DE), lambda i: (0, i, 0)),
                  pl.BlockSpec((DF, DF), lambda i: (0, 0)),
                  pl.BlockSpec((DE, DF), lambda i: (0, 0)),
                  pl.BlockSpec((1, DF), lambda i: (0, 0))],
        out_specs=pl.BlockSpec((R, DF), lambda i: (i, 0)),
        out_shape=jax.ShapeDtypeStruct((N, DF), F32),
    )(af, aggp, w1, w2, b)



def _sc_edge_body(src128, dst128, p16, q16, sa, da, b8, bae,
                  ubf_out, agg_out,
                  sa_v, da_v, si_v, di_v, p_v, q_v, b_v, ba_v, at_v,
                  ubf_v, msg_v, z_v, agg_sh, sem_g, sem_b, sem_w):
    cid = lax.axis_index("c")
    sid = lax.axis_index("s")
    wid = sid * NC + cid

    pltpu.sync_copy(sa, sa_v)
    pltpu.sync_copy(da, da_v)

    def _zrow(i, _):
        z_v[i, :] = jnp.zeros((L,), F32)
        return 0
    lax.fori_loop(0, RPT, _zrow, 0)
    pltpu.sync_copy(z_v, agg_sh.at[pl.ds(sid * RPT, RPT)])
    plsc.subcore_barrier()

    iota = lax.iota(jnp.int32, L)

    def _chunk(ci, _):
        blk = wid + NW * ci
        base = blk * CHUNK
        pltpu.sync_copy(src128.at[pl.ds(blk * NG, NG)], si_v)
        pltpu.sync_copy(dst128.at[pl.ds(blk * NG, NG)], di_v)
        gds = []
        for g in range(NG):
            gds.append(pltpu.async_copy(
                p16.at[si_v.at[g]], p_v.at[pl.ds(g * G, G)], sem_g))
            gds.append(pltpu.async_copy(
                q16.at[di_v.at[g]], q_v.at[pl.ds(g * G, G)], sem_g))
        d_b = pltpu.async_copy(
            b8.at[pl.ds(blk * (CHUNK // 8), CHUNK // 8)], b_v, sem_b)
        d_ba = pltpu.async_copy(bae.at[pl.ds(base, CHUNK)], ba_v, sem_b)
        d_b.wait()
        d_ba.wait()
        for g in range(NG):
            for j in range(G // L):
                off = g * G + j * L
                sv = si_v[g, pl.ds(j * L, L)]
                dv = di_v[g, pl.ds(j * L, L)]
                pa = (plsc.load_gather(sa_v, [sv])
                      + plsc.load_gather(da_v, [dv])
                      + ba_v[pl.ds(off, L)])
                at_v[pl.ds(off, L)] = 1.0 / (1.0 + jnp.exp(-pa))
        for d in gds:
            d.wait()

        def _row(r, _):
            for k in range(8):
                i = r * 8 + k
                pre = (p_v[i, :] + q_v[i, :]
                       + b_v[r, pl.ds(k * DE, DE)])
                u = jnp.maximum(pre, 0.0)
                plsc.store_scatter(
                    ubf_v, [iota // 8, jnp.broadcast_to(i // 128, (L,)),
                            iota % 8, jnp.broadcast_to(i % 128, (L,))], u)
                av = plsc.load_gather(at_v, [jnp.broadcast_to(i, (L,))])
                msg_v[i, :] = u * av
            return 0
        lax.fori_loop(0, CHUNK // 8, _row, 0)

        d_u = pltpu.async_copy(
            ubf_v, ubf_out.at[:, pl.ds(blk * (CHUNK // 128), CHUNK // 128)],
            sem_w)
        for g in range(NG):
            pltpu.sync_copy(msg_v.at[pl.ds(g * G, G)],
                            agg_sh.at[di_v.at[g]], add=True)
        d_u.wait()
        return 0
    n_w = (NBLK - 1 - wid) // NW + 1
    lax.fori_loop(0, n_w, _chunk, 0)

    plsc.subcore_barrier()
    pltpu.sync_copy(agg_sh.at[pl.ds(sid * RPT, RPT)], z_v)
    pltpu.sync_copy(z_v, agg_out.at[pl.ds(cid * AGG_R + sid * RPT, RPT)])


@functools.partial(jax.jit, static_argnums=())
def _sc_edge(src128, dst128, p16, q16, sa, da, b8, bae):
    mesh = plsc.VectorSubcoreMesh(core_axis_name="c", subcore_axis_name="s")
    return pl.kernel(
        _sc_edge_body,
        out_type=(jax.ShapeDtypeStruct((2, E // 128, 8, 128), F32),
                  jax.ShapeDtypeStruct((NC * AGG_R, DE), F32)),
        mesh=mesh,
        compiler_params=pltpu.CompilerParams(use_tc_tiling_on_sc=False,
                                             needs_layout_passes=False),
        scratch_types=[
            pltpu.VMEM((N,), F32),
            pltpu.VMEM((N,), F32),
            pltpu.VMEM((NG, G), jnp.int32),
            pltpu.VMEM((NG, G), jnp.int32),
            pltpu.VMEM((CHUNK, DE), F32),
            pltpu.VMEM((CHUNK, DE), F32),
            pltpu.VMEM((CHUNK // 8, 128), F32),
            pltpu.VMEM((CHUNK,), F32),
            pltpu.VMEM((CHUNK,), F32),
            pltpu.VMEM((2, CHUNK // 128, 8, 128), F32),
            pltpu.VMEM((CHUNK, DE), F32),
            pltpu.VMEM((RPT, DE), F32),
            pltpu.VMEM_SHARED((AGG_R, DE), F32),
            pltpu.SemaphoreType.DMA,
            pltpu.SemaphoreType.DMA,
            pltpu.SemaphoreType.DMA,
        ],
    )(src128, dst128, p16, q16, sa, da, b8, bae)



def kernel(af, edge_index, bf, W_edge, b_edge, W_attn, b_attn, W_node, b_node):
    wcat = jnp.concatenate(
        [W_edge[:DF], W_edge[DF:2 * DF], W_attn[:DF], W_attn[DF:2 * DF]],
        axis=1)
    p16, q16, sda = _node_tables(af, wcat)

    w16 = W_edge[2 * DF:]
    wa = W_attn[2 * DF:]
    zero = jnp.zeros_like(w16)
    w8b = jnp.concatenate(
        [jnp.concatenate([w16 if i == j else zero for j in range(8)], axis=1)
         for i in range(8)], axis=0)
    zcol = jnp.zeros_like(wa)
    w8a = jnp.concatenate(
        [jnp.concatenate([wa if i == j else zcol for j in range(8)], axis=1)
         for i in range(8)], axis=0)
    bb = jnp.tile(b_edge, 8)[None, :]
    ba = jnp.tile(b_attn, 8)[None, :]
    bf8 = bf.reshape(E // 8, 128)
    b8, a8 = _edge_base(bf8, w8b, w8a, bb, ba)

    src2 = edge_index[0].reshape(E // G, G)
    dst2 = edge_index[1].reshape(E // G, G)
    sa = sda[:, 0]
    da = sda[:, 1]
    bae = a8.reshape(E // 8 * 8)
    ubf4, aggf = _sc_edge(src2, dst2, p16, q16, sa, da, b8, bae)
    ubf = ubf4.transpose(1, 3, 0, 2).reshape(E, DE)
    aggp = aggf.reshape(NC, AGG_R, DE)[:, :N]

    uaf = _node_mlp(af, aggp, W_node[:DF], W_node[DF:], b_node[None, :])
    return (uaf, ubf)

# --- scband reference (transcript-rebuilt; emitter-appended) ---
"""Pipeline reference for scband-atom-gc-34256659153247 (READ-ONLY COPY).

The authoritative reference and input builder live on the scoring server;
editing this copy changes nothing except your own understanding.
"""

import jax, jax.numpy as jnp
import numpy as np

N_NODES = 10000
N_EDGES = 320000
D_FEAT = 128
D_EDGE = 16

def setup_inputs(seed: int = 0) -> dict:
    key = jax.random.key(seed)
    k = jax.random.split(key, 10)
    af = jax.random.normal(k[0], (N_NODES, D_FEAT), dtype=jnp.float32)
    edge_index = jax.random.randint(k[1], (2, N_EDGES), 0, N_NODES, dtype=jnp.int64 if jax.config.jax_enable_x64 else jnp.int32).astype(jnp.int32)
    bf = jax.random.normal(k[2], (N_EDGES, D_EDGE), dtype=jnp.float32)
    # learned parameters (edge_model, attn_model, node_model)
    W_edge = jax.random.normal(k[3], (2 * D_FEAT + D_EDGE, D_EDGE), dtype=jnp.float32) * 0.05
    b_edge = jnp.zeros((D_EDGE,), dtype=jnp.float32)
    W_attn = jax.random.normal(k[4], (2 * D_FEAT + D_EDGE, 1), dtype=jnp.float32) * 0.05
    b_attn = jnp.zeros((1,), dtype=jnp.float32)
    W_node = jax.random.normal(k[5], (D_FEAT + D_EDGE, D_FEAT), dtype=jnp.float32) * 0.05
    b_node = jnp.zeros((D_FEAT,), dtype=jnp.float32)
    return {"af": af, "edge_index": edge_index, "bf": bf,
            "W_edge": W_edge, "b_edge": b_edge,
            "W_attn": W_attn, "b_attn": b_attn,
            "W_node": W_node, "b_node": b_node}

def reference(af, edge_index, bf, W_edge, b_edge, W_attn, b_attn, W_node, b_node):
    # MPNN over the ('atom','interacts','atom') subgraph.
    src = edge_index[0]
    dst = edge_index[1]
    h_src = jnp.take(af, src, axis=0)          # gather [E, d_feat]
    h_dst = jnp.take(af, dst, axis=0)          # gather [E, d_feat]
    e_in = jnp.concatenate([h_src, h_dst, bf], axis=-1)   # [E, 2*d_feat+d_edge]
    # edge_model: updated bond features
    ubf = jax.nn.relu(e_in @ W_edge + b_edge)             # [E, d_edge]
    # attn_model: per-edge attention gate
    attn = jax.nn.sigmoid(e_in @ W_attn + b_attn)         # [E, 1]
    msg = ubf * attn                                      # [E, d_edge]
    # sum-aggregate messages to destination atoms (a2f_aggr = 'sum')
    agg_m = jax.ops.segment_sum(msg, dst, num_segments=N_NODES)  # [N, d_edge]
    # node_model: updated atom features (conv_feat)
    uaf = jax.nn.relu(jnp.concatenate([af, agg_m], axis=-1) @ W_node + b_node)  # [N, d_feat]
    return (uaf, ubf)

if __name__ == "__main__":
    import jax
    _d = setup_inputs()
    print(jax.jit(kernel)(*tuple(_d.values())))

</pallas_src>

<mosaic_0001>
#map = affine_map<(d0, d1) -> (0, 0)>
#map1 = affine_map<(d0, d1) -> (0)>
#map2 = affine_map<(d0, d1) -> (0, 0, 0, 0)>
module attributes {stable_mosaic.version = 14 : i64} {
  func.func @_sc_edge_body(%arg0: i32, %arg1: i32, %arg2: memref<2500x128xi32, #tpu.memory_space<hbm>>, %arg3: memref<2500x128xi32, #tpu.memory_space<hbm>>, %arg4: memref<10000x16xf32, #tpu.memory_space<hbm>>, %arg5: memref<10000x16xf32, #tpu.memory_space<hbm>>, %arg6: memref<10000xf32, #tpu.memory_space<hbm>>, %arg7: memref<10000xf32, #tpu.memory_space<hbm>>, %arg8: memref<40000x128xf32, #tpu.memory_space<hbm>>, %arg9: memref<320000xf32, #tpu.memory_space<hbm>>, %arg10: memref<2x2500x8x128xf32, #tpu.memory_space<hbm>>, %arg11: memref<20480x16xf32, #tpu.memory_space<hbm>>, %arg12: memref<10000xf32, #tpu.memory_space<vmem>>, %arg13: memref<10000xf32, #tpu.memory_space<vmem>>, %arg14: memref<5x128xi32, #tpu.memory_space<vmem>>, %arg15: memref<5x128xi32, #tpu.memory_space<vmem>>, %arg16: memref<640x16xf32, #tpu.memory_space<vmem>>, %arg17: memref<640x16xf32, #tpu.memory_space<vmem>>, %arg18: memref<80x128xf32, #tpu.memory_space<vmem>>, %arg19: memref<640xf32, #tpu.memory_space<vmem>>, %arg20: memref<640xf32, #tpu.memory_space<vmem>>, %arg21: memref<2x5x8x128xf32, #tpu.memory_space<vmem>>, %arg22: memref<640x16xf32, #tpu.memory_space<vmem>>, %arg23: memref<640x16xf32, #tpu.memory_space<vmem>>, %arg24: memref<10240x16xf32, #tpu.memory_space<vmem_shared>>, %arg25: memref<!tpu.dma_semaphore, #tpu.memory_space<semaphore_mem>>, %arg26: memref<!tpu.dma_semaphore, #tpu.memory_space<semaphore_mem>>, %arg27: memref<!tpu.dma_semaphore, #tpu.memory_space<semaphore_mem>>) attributes {dimension_semantics = [#tpu.dimension_semantics<core_parallel>, #tpu.dimension_semantics<subcore_parallel>], iteration_bounds = array<i64: 2, 16>, scalar_prefetch = 0 : i64, scratch_operands = 16 : i64, tpu.core_type = #tpu.core_type<sc_vector_subcore>, window_params = [{transform_indices = #map}, {transform_indices = #map}, {transform_indices = #map}, {transform_indices = #map}, {transform_indices = #map1}, {transform_indices = #map1}, {transform_indices = #map}, {transform_indices = #map1}, {transform_indices = #map2}, {transform_indices = #map}]} {
    %mul3A = arith.constant 2 : i32
    %mul3A_0 = arith.muli %arg1, %mul3A : i32
    %add3A = arith.addi %mul3A_0, %arg0 : i32
    "tpu.region"() ({
      %run_scoped3A = tpu.sem_alloc : memref<!tpu.dma_semaphore, #tpu.memory_space<semaphore_mem>>
      tpu.enqueue_dma source(%arg6 : memref<10000xf32, #tpu.memory_space<hbm>>) target(%arg12 : memref<10000xf32, #tpu.memory_space<vmem>>) target_semaphore(%run_scoped3A : memref<!tpu.dma_semaphore, #tpu.memory_space<semaphore_mem>>)
      tpu.wait_dma2 semaphore(%run_scoped3A : memref<!tpu.dma_semaphore, #tpu.memory_space<semaphore_mem>>) src(%arg6 : memref<10000xf32, #tpu.memory_space<hbm>>) dst(%arg12 : memref<10000xf32, #tpu.memory_space<vmem>>)
      tpu.yield
    }) : () -> ()
    "tpu.region"() ({
      %run_scoped3A = tpu.sem_alloc : memref<!tpu.dma_semaphore, #tpu.memory_space<semaphore_mem>>
      tpu.enqueue_dma source(%arg7 : memref<10000xf32, #tpu.memory_space<hbm>>) target(%arg13 : memref<10000xf32, #tpu.memory_space<vmem>>) target_semaphore(%run_scoped3A : memref<!tpu.dma_semaphore, #tpu.memory_space<semaphore_mem>>)
      tpu.wait_dma2 semaphore(%run_scoped3A : memref<!tpu.dma_semaphore, #tpu.memory_space<semaphore_mem>>) src(%arg7 : memref<10000xf32, #tpu.memory_space<hbm>>) dst(%arg13 : memref<10000xf32, #tpu.memory_space<vmem>>)
      tpu.yield
    }) : () -> ()
    %scan3A = arith.constant 0 : i32
    %scan3A_1 = arith.constant 0 : i32
    %scan3A_2 = arith.constant 640 : i32
    %scan3A_3 = arith.addi %scan3A_1, %scan3A_2 : i32
    %scan3A_4 = arith.constant 1 : i32
    %scan3A_5 = scf.for %scan3A_48 = %scan3A_1 to %scan3A_3 step %scan3A_4 iter_args(%scan3A_49 = %scan3A) -> (i32)  : i32 {
      %broadcast_in_dim3A = arith.constant 0.000000e+00 : f32
      %broadcast_in_dim3A_50 = vector.broadcast %broadcast_in_dim3A : f32 to vector<16xf32>
      %swap3A = arith.index_cast %scan3A_48 : i32 to index
      %swap3A_51 = arith.constant 0 : index
      %swap3A_52 = tpu.vector_load %arg23[%swap3A, %swap3A_51] {strides = array<i32>} : memref<640x16xf32, #tpu.memory_space<vmem>>, vector<16xf32>,
      tpu.vector_store %arg23[%swap3A, %swap3A_51], %broadcast_in_dim3A_50 {strides = array<i32>} : memref<640x16xf32, #tpu.memory_space<vmem>>, vector<16xf32>,
      %scan3A_53 = arith.constant 0 : i32
      scf.yield %scan3A_53 : i32
    }
    %scan3A_6 = arith.constant 640 : i32
    %mul3A_7 = arith.constant 640 : i32
    %mul3A_8 = arith.muli %arg1, %mul3A_7 : i32
    "tpu.region"() ({
      %run_scoped3A = tpu.sem_alloc : memref<!tpu.dma_semaphore, #tpu.memory_space<semaphore_mem>>
      %dma_start3A = arith.constant 0 : i32
      %dma_start3A_48 = tpu.memref_slice %arg24[%mul3A_8, %dma_start3A] : memref<10240x16xf32, #tpu.memory_space<vmem_shared>> -> memref<640x16xf32, #tpu.memory_space<vmem_shared>>
      %dma_start3A_49 = arith.constant 0 : i32
      %dma_start3A_50 = tpu.memref_slice %arg24[%mul3A_8, %dma_start3A_49] : memref<10240x16xf32, #tpu.memory_space<vmem_shared>> -> memref<640x16xf32, #tpu.memory_space<vmem_shared>>
      tpu.enqueue_dma source(%arg23 : memref<640x16xf32, #tpu.memory_space<vmem>>) target(%dma_start3A_50 : memref<640x16xf32, #tpu.memory_space<vmem_shared>>) target_semaphore(%run_scoped3A : memref<!tpu.dma_semaphore, #tpu.memory_space<semaphore_mem>>)
      %dma_wait3A = arith.constant 0 : i32
      %dma_wait3A_51 = tpu.memref_slice %arg24[%mul3A_8, %dma_wait3A] : memref<10240x16xf32, #tpu.memory_space<vmem_shared>> -> memref<640x16xf32, #tpu.memory_space<vmem_shared>>
      %dma_wait3A_52 = arith.constant 0 : i32
      %dma_wait3A_53 = tpu.memref_slice %arg24[%mul3A_8, %dma_wait3A_52] : memref<10240x16xf32, #tpu.memory_space<vmem_shared>> -> memref<640x16xf32, #tpu.memory_space<vmem_shared>>
      tpu.wait_dma2 semaphore(%run_scoped3A : memref<!tpu.dma_semaphore, #tpu.memory_space<semaphore_mem>>) src(%arg23 : memref<640x16xf32, #tpu.memory_space<vmem>>) dst(%dma_wait3A_53 : memref<640x16xf32, #tpu.memory_space<vmem_shared>>)
      tpu.yield
    }) : () -> ()
    %barrier3A = arith.constant 0 : index
    tpu.barrier barrier_id(%barrier3A)
    %iota3A = tpu.iota {dimensions = array<i32: 0>} : vector<16xi32>
    %sub3A = arith.constant 499 : i32
    %sub3A_9 = arith.subi %sub3A, %add3A : i32
    %jit3A = arith.constant 32 : i32
    %div3A = arith.divsi %sub3A_9, %jit3A : i32
    %sign3A = arith.constant 0 : i32
    %sign3A_10 = arith.cmpi sgt, %sub3A_9, %sign3A : i32
    %sign3A_11 = arith.extui %sign3A_10 : i1 to i32
    %sign3A_12 = arith.constant 0 : i32
    %sign3A_13 = arith.cmpi slt, %sub3A_9, %sign3A_12 : i32
    %sign3A_14 = arith.extui %sign3A_13 : i1 to i32
    %sign3A_15 = arith.subi %sign3A_11, %sign3A_14 : i32
    %sign3A_16 = arith.constant 0 : i32
    %sign3A_17 = arith.cmpi sgt, %jit3A, %sign3A_16 : i32
    %sign3A_18 = arith.extui %sign3A_17 : i1 to i32
    %sign3A_19 = arith.constant 0 : i32
    %sign3A_20 = arith.cmpi slt, %jit3A, %sign3A_19 : i32
    %sign3A_21 = arith.extui %sign3A_20 : i1 to i32
    %sign3A_22 = arith.subi %sign3A_18, %sign3A_21 : i32
    %ne3A = arith.cmpi ne, %sign3A_15, %sign3A_22 : i32
    %rem3A = arith.remsi %sub3A_9, %jit3A : i32
    %ne3A_23 = arith.constant 0 : i32
    %ne3A_24 = arith.cmpi ne, %rem3A, %ne3A_23 : i32
    %and3A = arith.andi %ne3A, %ne3A_24 : i1
    %sub3A_25 = arith.constant 1 : i32
    %sub3A_26 = arith.subi %div3A, %sub3A_25 : i32
    %select_n3A = arith.select %and3A, %sub3A_26, %div3A : i32
    %add3A_27 = arith.constant 1 : i32
    %add3A_28 = arith.addi %select_n3A, %add3A_27 : i32
    %while3A = arith.constant 0 : i32
    %while3A_29 = arith.constant 0 : i32
    %while3A_30 = arith.subi %add3A_28, %while3A : i32
    %while3A_31 = arith.addi %while3A, %while3A_30 : i32
    %while3A_32 = arith.constant 1 : i32
    %while3A_33 = arith.divsi %while3A_30, %while3A_32 : i32
    %while3A_34 = arith.muli %while3A_33, %while3A_32 : i32
    %while3A_35 = arith.addi %while3A, %while3A_34 : i32
    %while3A_36 = arith.constant 1 : i32
    %while3A_37 = scf.for %while3A_48 = %while3A to %while3A_35 step %while3A_36 iter_args(%while3A_49 = %while3A_29) -> (i32)  : i32 {
      %mul3A_50 = arith.constant 32 : i32
      %mul3A_51 = arith.muli %mul3A_50, %while3A_48 : i32
      %add3A_52 = arith.addi %add3A, %mul3A_51 : i32
      %mul3A_53 = arith.constant 640 : i32
      %mul3A_54 = arith.muli %add3A_52, %mul3A_53 : i32
      %mul3A_55 = arith.constant 5 : i32
      %mul3A_56 = arith.muli %add3A_52, %mul3A_55 : i32
      "tpu.region"() ({
        %run_scoped3A_1336 = tpu.sem_alloc : memref<!tpu.dma_semaphore, #tpu.memory_space<semaphore_mem>>
        %dma_start3A_1337 = arith.constant 0 : i32
        %dma_start3A_1338 = tpu.memref_slice %arg2[%mul3A_56, %dma_start3A_1337] : memref<2500x128xi32, #tpu.memory_space<hbm>> -> memref<5x128xi32, #tpu.memory_space<hbm>>
        %dma_start3A_1339 = arith.constant 0 : i32
        %dma_start3A_1340 = tpu.memref_slice %arg2[%mul3A_56, %dma_start3A_1339] : memref<2500x128xi32, #tpu.memory_space<hbm>> -> memref<5x128xi32, #tpu.memory_space<hbm>>
        tpu.enqueue_dma source(%dma_start3A_1340 : memref<5x128xi32, #tpu.memory_space<hbm>>) target(%arg14 : memref<5x128xi32, #tpu.memory_space<vmem>>) target_semaphore(%run_scoped3A_1336 : memref<!tpu.dma_semaphore, #tpu.memory_space<semaphore_mem>>)
        %dma_wait3A_1341 = arith.constant 0 : i32
        %dma_wait3A_1342 = tpu.memref_slice %arg2[%mul3A_56, %dma_wait3A_1341] : memref<2500x128xi32, #tpu.memory_space<hbm>> -> memref<5x128xi32, #tpu.memory_space<hbm>>
        %dma_wait3A_1343 = arith.constant 0 : i32
        %dma_wait3A_1344 = tpu.memref_slice %arg2[%mul3A_56, %dma_wait3A_1343] : memref<2500x128xi32, #tpu.memory_space<hbm>> -> memref<5x128xi32, #tpu.memory_space<hbm>>
        tpu.wait_dma2 semaphore(%run_scoped3A_1336 : memref<!tpu.dma_semaphore, #tpu.memory_space<semaphore_mem>>) src(%dma_wait3A_1344 : memref<5x128xi32, #tpu.memory_space<hbm>>) dst(%arg14 : memref<5x128xi32, #tpu.memory_space<vmem>>)
        tpu.yield
      }) : () -> ()
      %mul3A_57 = arith.constant 5 : i32
      %mul3A_58 = arith.muli %add3A_52, %mul3A_57 : i32
      "tpu.region"() ({
        %run_scoped3A_1336 = tpu.sem_alloc : memref<!tpu.dma_semaphore, #tpu.memory_space<semaphore_mem>>
        %dma_start3A_1337 = arith.constant 0 : i32
        %dma_start3A_1338 = tpu.memref_slice %arg3[%mul3A_58, %dma_start3A_1337] : memref<2500x128xi32, #tpu.memory_space<hbm>> -> memref<5x128xi32, #tpu.memory_space<hbm>>
        %dma_start3A_1339 = arith.constant 0 : i32
        %dma_start3A_1340 = tpu.memref_slice %arg3[%mul3A_58, %dma_start3A_1339] : memref<2500x128xi32, #tpu.memory_space<hbm>> -> memref<5x128xi32, #tpu.memory_space<hbm>>
        tpu.enqueue_dma source(%dma_start3A_1340 : memref<5x128xi32, #tpu.memory_space<hbm>>) target(%arg15 : memref<5x128xi32, #tpu.memory_space<vmem>>) target_semaphore(%run_scoped3A_1336 : memref<!tpu.dma_semaphore, #tpu.memory_space<semaphore_mem>>)
        %dma_wait3A_1341 = arith.constant 0 : i32
        %dma_wait3A_1342 = tpu.memref_slice %arg3[%mul3A_58, %dma_wait3A_1341] : memref<2500x128xi32, #tpu.memory_space<hbm>> -> memref<5x128xi32, #tpu.memory_space<hbm>>
        %dma_wait3A_1343 = arith.constant 0 : i32
        %dma_wait3A_1344 = tpu.memref_slice %arg3[%mul3A_58, %dma_wait3A_1343] : memref<2500x128xi32, #tpu.memory_space<hbm>> -> memref<5x128xi32, #tpu.memory_space<hbm>>
        tpu.wait_dma2 semaphore(%run_scoped3A_1336 : memref<!tpu.dma_semaphore, #tpu.memory_space<semaphore_mem>>) src(%dma_wait3A_1344 : memref<5x128xi32, #tpu.memory_space<hbm>>) dst(%arg15 : memref<5x128xi32, #tpu.memory_space<vmem>>)
        tpu.yield
      }) : () -> ()
      %dma_start3A = arith.constant 0 : i32
      %dma_start3A_59 = arith.constant 0 : i32
      %dma_start3A_60 = arith.constant 0 : i32
      %dma_start3A_61 = tpu.memref_slice %arg16[%dma_start3A_59, %dma_start3A_60] : memref<640x16xf32, #tpu.memory_space<vmem>> -> memref<128x16xf32, #tpu.memory_space<vmem>>
      %dma_start3A_62 = arith.constant 0 : i32
      %dma_start3A_63 = tpu.memref_slice %arg14[%dma_start3A, %dma_start3A_62] : memref<5x128xi32, #tpu.memory_space<vmem>> -> memref<1x128xi32, #tpu.memory_space<vmem>>
      %dma_start3A_64 = tpu.memref_squeeze %dma_start3A_63 : memref<1x128xi32, #tpu.memory_space<vmem>> -> memref<128xi32, #tpu.memory_space<vmem>>
      %dma_start3A_65 = arith.constant 0 : i32
      %dma_start3A_66 = arith.constant 0 : i32
      %dma_start3A_67 = tpu.memref_slice %arg4[%dma_start3A_65, %dma_start3A_66] : memref<10000x16xf32, #tpu.memory_space<hbm>> -> memref<10000x16xf32, #tpu.memory_space<hbm>>
      tpu.enqueue_indirect_dma source(%dma_start3A_67 : memref<10000x16xf32, #tpu.memory_space<hbm>>) target(%dma_start3A_61 : memref<128x16xf32, #tpu.memory_space<vmem>>) offsets(%dma_start3A_64 : memref<128xi32, #tpu.memory_space<vmem>>) semaphore(%arg25 : memref<!tpu.dma_semaphore, #tpu.memory_space<semaphore_mem>>)
      %dma_start3A_68 = arith.constant 0 : i32
      %dma_start3A_69 = arith.constant 0 : i32
      %dma_start3A_70 = arith.constant 0 : i32
      %dma_start3A_71 = tpu.memref_slice %arg17[%dma_start3A_69, %dma_start3A_70] : memref<640x16xf32, #tpu.memory_space<vmem>> -> memref<128x16xf32, #tpu.memory_space<vmem>>
      %dma_start3A_72 = arith.constant 0 : i32
      %dma_start3A_73 = tpu.memref_slice %arg15[%dma_start3A_68, %dma_start3A_72] : memref<5x128xi32, #tpu.memory_space<vmem>> -> memref<1x128xi32, #tpu.memory_space<vmem>>
      %dma_start3A_74 = tpu.memref_squeeze %dma_start3A_73 : memref<1x128xi32, #tpu.memory_space<vmem>> -> memref<128xi32, #tpu.memory_space<vmem>>
      %dma_start3A_75 = arith.constant 0 : i32
      %dma_start3A_76 = arith.constant 0 : i32
      %dma_start3A_77 = tpu.memref_slice %arg5[%dma_start3A_75, %dma_start3A_76] : memref<10000x16xf32, #tpu.memory_space<hbm>> -> memref<10000x16xf32, #tpu.memory_space<hbm>>
      tpu.enqueue_indirect_dma source(%dma_start3A_77 : memref<10000x16xf32, #tpu.memory_space<hbm>>) target(%dma_start3A_71 : memref<128x16xf32, #tpu.memory_space<vmem>>) offsets(%dma_start3A_74 : memref<128xi32, #tpu.memory_space<vmem>>) semaphore(%arg25 : memref<!tpu.dma_semaphore, #tpu.memory_space<semaphore_mem>>)
      %dma_start3A_78 = arith.constant 1 : i32
      %dma_start3A_79 = arith.constant 128 : i32
      %dma_start3A_80 = arith.constant 0 : i32
      %dma_start3A_81 = tpu.memref_slice %arg16[%dma_start3A_79, %dma_start3A_80] : memref<640x16xf32, #tpu.memory_space<vmem>> -> memref<128x16xf32, #tpu.memory_space<vmem>>
      %dma_start3A_82 = arith.constant 0 : i32
      %dma_start3A_83 = tpu.memref_slice %arg14[%dma_start3A_78, %dma_start3A_82] : memref<5x128xi32, #tpu.memory_space<vmem>> -> memref<1x128xi32, #tpu.memory_space<vmem>>
      %dma_start3A_84 = tpu.memref_squeeze %dma_start3A_83 : memref<1x128xi32, #tpu.memory_space<vmem>> -> memref<128xi32, #tpu.memory_space<vmem>>
      %dma_start3A_85 = arith.constant 0 : i32
      %dma_start3A_86 = arith.constant 0 : i32
      %dma_start3A_87 = tpu.memref_slice %arg4[%dma_start3A_85, %dma_start3A_86] : memref<10000x16xf32, #tpu.memory_space<hbm>> -> memref<10000x16xf32, #tpu.memory_space<hbm>>
      tpu.enqueue_indirect_dma source(%dma_start3A_87 : memref<10000x16xf32, #tpu.memory_space<hbm>>) target(%dma_start3A_81 : memref<128x16xf32, #tpu.memory_space<vmem>>) offsets(%dma_start3A_84 : memref<128xi32, #tpu.memory_space<vmem>>) semaphore(%arg25 : memref<!tpu.dma_semaphore, #tpu.memory_space<semaphore_mem>>)
      %dma_start3A_88 = arith.constant 1 : i32
      %dma_start3A_89 = arith.constant 128 : i32
      %dma_start3A_90 = arith.constant 0 : i32
      %dma_start3A_91 = tpu.memref_slice %arg17[%dma_start3A_89, %dma_start3A_90] : memref<640x16xf32, #tpu.memory_space<vmem>> -> memref<128x16xf32, #tpu.memory_space<vmem>>
      %dma_start3A_92 = arith.constant 0 : i32
      %dma_start3A_93 = tpu.memref_slice %arg15[%dma_start3A_88, %dma_start3A_92] : memref<5x128xi32, #tpu.memory_space<vmem>> -> memref<1x128xi32, #tpu.memory_space<vmem>>
      %dma_start3A_94 = tpu.memref_squeeze %dma_start3A_93 : memref<1x128xi32, #tpu.memory_space<vmem>> -> memref<128xi32, #tpu.memory_space<vmem>>
      %dma_start3A_95 = arith.constant 0 : i32
      %dma_start3A_96 = arith.constant 0 : i32
      %dma_start3A_97 = tpu.memref_slice %arg5[%dma_start3A_95, %dma_start3A_96] : memref<10000x16xf32, #tpu.memory_space<hbm>> -> memref<10000x16xf32, #tpu.memory_space<hbm>>
      tpu.enqueue_indirect_dma source(%dma_start3A_97 : memref<10000x16xf32, #tpu.memory_space<hbm>>) target(%dma_start3A_91 : memref<128x16xf32, #tpu.memory_space<vmem>>) offsets(%dma_start3A_94 : memref<128xi32, #tpu.memory_space<vmem>>) semaphore(%arg25 : memref<!tpu.dma_semaphore, #tpu.memory_space<semaphore_mem>>)
      %dma_start3A_98 = arith.constant 2 : i32
      %dma_start3A_99 = arith.constant 256 : i32
      %dma_start3A_100 = arith.constant 0 : i32
      %dma_start3A_101 = tpu.memref_slice %arg16[%dma_start3A_99, %dma_start3A_100] : memref<640x16xf32, #tpu.memory_space<vmem>> -> memref<128x16xf32, #tpu.memory_space<vmem>>
      %dma_start3A_102 = arith.constant 0 : i32
      %dma_start3A_103 = tpu.memref_slice %arg14[%dma_start3A_98, %dma_start3A_102] : memref<5x128xi32, #tpu.memory_space<vmem>> -> memref<1x128xi32, #tpu.memory_space<vmem>>
      %dma_start3A_104 = tpu.memref_squeeze %dma_start3A_103 : memref<1x128xi32, #tpu.memory_space<vmem>> -> memref<128xi32, #tpu.memory_space<vmem>>
      %dma_start3A_105 = arith.constant 0 : i32
      %dma_start3A_106 = arith.constant 0 : i32
      %dma_start3A_107 = tpu.memref_slice %arg4[%dma_start3A_105, %dma_start3A_106] : memref<10000x16xf32, #tpu.memory_space<hbm>> -> memref<10000x16xf32, #tpu.memory_space<hbm>>
      tpu.enqueue_indirect_dma source(%dma_start3A_107 : memref<10000x16xf32, #tpu.memory_space<hbm>>) target(%dma_start3A_101 : memref<128x16xf32, #tpu.memory_space<vmem>>) offsets(%dma_start3A_104 : memref<128xi32, #tpu.memory_space<vmem>>) semaphore(%arg25 : memref<!tpu.dma_semaphore, #tpu.memory_space<semaphore_mem>>)
      %dma_start3A_108 = arith.constant 2 : i32
      %dma_start3A_109 = arith.constant 256 : i32
      %dma_start3A_110 = arith.constant 0 : i32
      %dma_start3A_111 = tpu.memref_slice %arg17[%dma_start3A_109, %dma_start3A_110] : memref<640x16xf32, #tpu.memory_space<vmem>> -> memref<128x16xf32, #tpu.memory_space<vmem>>
      %dma_start3A_112 = arith.constant 0 : i32
      %dma_start3A_113 = tpu.memref_slice %arg15[%dma_start3A_108, %dma_start3A_112] : memref<5x128xi32, #tpu.memory_space<vmem>> -> memref<1x128xi32, #tpu.memory_space<vmem>>
      %dma_start3A_114 = tpu.memref_squeeze %dma_start3A_113 : memref<1x128xi32, #tpu.memory_space<vmem>> -> memref<128xi32, #tpu.memory_space<vmem>>
      %dma_start3A_115 = arith.constant 0 : i32
      %dma_start3A_116 = arith.constant 0 : i32
      %dma_start3A_117 = tpu.memref_slice %arg5[%dma_start3A_115, %dma_start3A_116] : memref<10000x16xf32, #tpu.memory_space<hbm>> -> memref<10000x16xf32, #tpu.memory_space<hbm>>
      tpu.enqueue_indirect_dma source(%dma_start3A_117 : memref<10000x16xf32, #tpu.memory_space<hbm>>) target(%dma_start3A_111 : memref<128x16xf32, #tpu.memory_space<vmem>>) offsets(%dma_start3A_114 : memref<128xi32, #tpu.memory_space<vmem>>) semaphore(%arg25 : memref<!tpu.dma_semaphore, #tpu.memory_space<semaphore_mem>>)
      %dma_start3A_118 = arith.constant 3 : i32
      %dma_start3A_119 = arith.constant 384 : i32
      %dma_start3A_120 = arith.constant 0 : i32
      %dma_start3A_121 = tpu.memref_slice %arg16[%dma_start3A_119, %dma_start3A_120] : memref<640x16xf32, #tpu.memory_space<vmem>> -> memref<128x16xf32, #tpu.memory_space<vmem>>
      %dma_start3A_122 = arith.constant 0 : i32
      %dma_start3A_123 = tpu.memref_slice %arg14[%dma_start3A_118, %dma_start3A_122] : memref<5x128xi32, #tpu.memory_space<vmem>> -> memref<1x128xi32, #tpu.memory_space<vmem>>
      %dma_start3A_124 = tpu.memref_squeeze %dma_start3A_123 : memref<1x128xi32, #tpu.memory_space<vmem>> -> memref<128xi32, #tpu.memory_space<vmem>>
      %dma_start3A_125 = arith.constant 0 : i32
      %dma_start3A_126 = arith.constant 0 : i32
      %dma_start3A_127 = tpu.memref_slice %arg4[%dma_start3A_125, %dma_start3A_126] : memref<10000x16xf32, #tpu.memory_space<hbm>> -> memref<10000x16xf32, #tpu.memory_space<hbm>>
      tpu.enqueue_indirect_dma source(%dma_start3A_127 : memref<10000x16xf32, #tpu.memory_space<hbm>>) target(%dma_start3A_121 : memref<128x16xf32, #tpu.memory_space<vmem>>) offsets(%dma_start3A_124 : memref<128xi32, #tpu.memory_space<vmem>>) semaphore(%arg25 : memref<!tpu.dma_semaphore, #tpu.memory_space<semaphore_mem>>)
      %dma_start3A_128 = arith.constant 3 : i32
      %dma_start3A_129 = arith.constant 384 : i32
      %dma_start3A_130 = arith.constant 0 : i32
      %dma_start3A_131 = tpu.memref_slice %arg17[%dma_start3A_129, %dma_start3A_130] : memref<640x16xf32, #tpu.memory_space<vmem>> -> memref<128x16xf32, #tpu.memory_space<vmem>>
      %dma_start3A_132 = arith.constant 0 : i32
      %dma_start3A_133 = tpu.memref_slice %arg15[%dma_start3A_128, %dma_start3A_132] : memref<5x128xi32, #tpu.memory_space<vmem>> -> memref<1x128xi32, #tpu.memory_space<vmem>>
      %dma_start3A_134 = tpu.memref_squeeze %dma_start3A_133 : memref<1x128xi32, #tpu.memory_space<vmem>> -> memref<128xi32, #tpu.memory_space<vmem>>
      %dma_start3A_135 = arith.constant 0 : i32
      %dma_start3A_136 = arith.constant 0 : i32
      %dma_start3A_137 = tpu.memref_slice %arg5[%dma_start3A_135, %dma_start3A_136] : memref<10000x16xf32, #tpu.memory_space<hbm>> -> memref<10000x16xf32, #tpu.memory_space<hbm>>
      tpu.enqueue_indirect_dma source(%dma_start3A_137 : memref<10000x16xf32, #tpu.memory_space<hbm>>) target(%dma_start3A_131 : memref<128x16xf32, #tpu.memory_space<vmem>>) offsets(%dma_start3A_134 : memref<128xi32, #tpu.memory_space<vmem>>) semaphore(%arg25 : memref<!tpu.dma_semaphore, #tpu.memory_space<semaphore_mem>>)
      %dma_start3A_138 = arith.constant 4 : i32
      %dma_start3A_139 = arith.constant 512 : i32
      %dma_start3A_140 = arith.constant 0 : i32
      %dma_start3A_141 = tpu.memref_slice %arg16[%dma_start3A_139, %dma_start3A_140] : memref<640x16xf32, #tpu.memory_space<vmem>> -> memref<128x16xf32, #tpu.memory_space<vmem>>
      %dma_start3A_142 = arith.constant 0 : i32
      %dma_start3A_143 = tpu.memref_slice %arg14[%dma_start3A_138, %dma_start3A_142] : memref<5x128xi32, #tpu.memory_space<vmem>> -> memref<1x128xi32, #tpu.memory_space<vmem>>
      %dma_start3A_144 = tpu.memref_squeeze %dma_start3A_143 : memref<1x128xi32, #tpu.memory_space<vmem>> -> memref<128xi32, #tpu.memory_space<vmem>>
      %dma_start3A_145 = arith.constant 0 : i32
      %dma_start3A_146 = arith.constant 0 : i32
      %dma_start3A_147 = tpu.memref_slice %arg4[%dma_start3A_145, %dma_start3A_146] : memref<10000x16xf32, #tpu.memory_space<hbm>> -> memref<10000x16xf32, #tpu.memory_space<hbm>>
      tpu.enqueue_indirect_dma source(%dma_start3A_147 : memref<10000x16xf32, #tpu.memory_space<hbm>>) target(%dma_start3A_141 : memref<128x16xf32, #tpu.memory_space<vmem>>) offsets(%dma_start3A_144 : memref<128xi32, #tpu.memory_space<vmem>>) semaphore(%arg25 : memref<!tpu.dma_semaphore, #tpu.memory_space<semaphore_mem>>)
      %dma_start3A_148 = arith.constant 4 : i32
      %dma_start3A_149 = arith.constant 512 : i32
      %dma_start3A_150 = arith.constant 0 : i32
      %dma_start3A_151 = tpu.memref_slice %arg17[%dma_start3A_149, %dma_start3A_150] : memref<640x16xf32, #tpu.memory_space<vmem>> -> memref<128x16xf32, #tpu.memory_space<vmem>>
      %dma_start3A_152 = arith.constant 0 : i32
      %dma_start3A_153 = tpu.memref_slice %arg15[%dma_start3A_148, %dma_start3A_152] : memref<5x128xi32, #tpu.memory_space<vmem>> -> memref<1x128xi32, #tpu.memory_space<vmem>>
      %dma_start3A_154 = tpu.memref_squeeze %dma_start3A_153 : memref<1x128xi32, #tpu.memory_space<vmem>> -> memref<128xi32, #tpu.memory_space<vmem>>
      %dma_start3A_155 = arith.constant 0 : i32
      %dma_start3A_156 = arith.constant 0 : i32
      %dma_start3A_157 = tpu.memref_slice %arg5[%dma_start3A_155, %dma_start3A_156] : memref<10000x16xf32, #tpu.memory_space<hbm>> -> memref<10000x16xf32, #tpu.memory_space<hbm>>
      tpu.enqueue_indirect_dma source(%dma_start3A_157 : memref<10000x16xf32, #tpu.memory_space<hbm>>) target(%dma_start3A_151 : memref<128x16xf32, #tpu.memory_space<vmem>>) offsets(%dma_start3A_154 : memref<128xi32, #tpu.memory_space<vmem>>) semaphore(%arg25 : memref<!tpu.dma_semaphore, #tpu.memory_space<semaphore_mem>>)
      %mul3A_158 = arith.constant 80 : i32
      %mul3A_159 = arith.muli %add3A_52, %mul3A_158 : i32
      %dma_start3A_160 = arith.constant 0 : i32
      %dma_start3A_161 = tpu.memref_slice %arg8[%mul3A_159, %dma_start3A_160] : memref<40000x128xf32, #tpu.memory_space<hbm>> -> memref<80x128xf32, #tpu.memory_space<hbm>>
      %dma_start3A_162 = arith.constant 0 : i32
      %dma_start3A_163 = tpu.memref_slice %arg8[%mul3A_159, %dma_start3A_162] : memref<40000x128xf32, #tpu.memory_space<hbm>> -> memref<80x128xf32, #tpu.memory_space<hbm>>
      tpu.enqueue_dma source(%dma_start3A_163 : memref<80x128xf32, #tpu.memory_space<hbm>>) target(%arg18 : memref<80x128xf32, #tpu.memory_space<vmem>>) target_semaphore(%arg26 : memref<!tpu.dma_semaphore, #tpu.memory_space<semaphore_mem>>)
      %dma_start3A_164 = tpu.memref_slice %arg9[%mul3A_54] : memref<320000xf32, #tpu.memory_space<hbm>> -> memref<640xf32, #tpu.memory_space<hbm>>
      %dma_start3A_165 = tpu.memref_slice %arg9[%mul3A_54] : memref<320000xf32, #tpu.memory_space<hbm>> -> memref<640xf32, #tpu.memory_space<hbm>>
      tpu.enqueue_dma source(%dma_start3A_165 : memref<640xf32, #tpu.memory_space<hbm>>) target(%arg19 : memref<640xf32, #tpu.memory_space<vmem>>) target_semaphore(%arg26 : memref<!tpu.dma_semaphore, #tpu.memory_space<semaphore_mem>>)
      %dma_wait3A = arith.constant 0 : i32
      %dma_wait3A_166 = tpu.memref_slice %arg8[%mul3A_159, %dma_wait3A] : memref<40000x128xf32, #tpu.memory_space<hbm>> -> memref<80x128xf32, #tpu.memory_space<hbm>>
      %dma_wait3A_167 = arith.constant 0 : i32
      %dma_wait3A_168 = tpu.memref_slice %arg8[%mul3A_159, %dma_wait3A_167] : memref<40000x128xf32, #tpu.memory_space<hbm>> -> memref<80x128xf32, #tpu.memory_space<hbm>>
      tpu.wait_dma2 semaphore(%arg26 : memref<!tpu.dma_semaphore, #tpu.memory_space<semaphore_mem>>) src(%dma_wait3A_168 : memref<80x128xf32, #tpu.memory_space<hbm>>) dst(%arg18 : memref<80x128xf32, #tpu.memory_space<vmem>>)
      %dma_wait3A_169 = tpu.memref_slice %arg9[%mul3A_54] : memref<320000xf32, #tpu.memory_space<hbm>> -> memref<640xf32, #tpu.memory_space<hbm>>
      %dma_wait3A_170 = tpu.memref_slice %arg9[%mul3A_54] : memref<320000xf32, #tpu.memory_space<hbm>> -> memref<640xf32, #tpu.memory_space<hbm>>
      tpu.wait_dma2 semaphore(%arg26 : memref<!tpu.dma_semaphore, #tpu.memory_space<semaphore_mem>>) src(%dma_wait3A_170 : memref<640xf32, #tpu.memory_space<hbm>>) dst(%arg19 : memref<640xf32, #tpu.memory_space<vmem>>)
      %get3A = arith.constant 0 : i32
      %get3A_171 = arith.index_cast %get3A : i32 to index
      %get3A_172 = arith.constant 0 : index
      %get3A_173 = tpu.vector_load %arg14[%get3A_171, %get3A_172] {strides = array<i32>} : memref<5x128xi32, #tpu.memory_space<vmem>>, vector<16xi32>,
      %get3A_174 = arith.constant 0 : i32
      %get3A_175 = arith.index_cast %get3A_174 : i32 to index
      %get3A_176 = arith.constant 0 : index
      %get3A_177 = tpu.vector_load %arg15[%get3A_175, %get3A_176] {strides = array<i32>} : memref<5x128xi32, #tpu.memory_space<vmem>>, vector<16xi32>,
      %gather3A = tpu.vector_load_idx %arg12[%get3A_173] : memref<10000xf32, #tpu.memory_space<vmem>>[vector<16xi32>], vector<16xf32>,
      %gather3A_178 = tpu.vector_load_idx %arg13[%get3A_177] : memref<10000xf32, #tpu.memory_space<vmem>>[vector<16xi32>], vector<16xf32>,
      %add3A_179 = arith.addf %gather3A, %gather3A_178 : vector<16xf32>
      %get3A_180 = arith.constant 0 : index
      %get3A_181 = tpu.vector_load %arg19[%get3A_180] {strides = array<i32>} : memref<640xf32, #tpu.memory_space<vmem>>, vector<16xf32>,
      %add3A_182 = arith.addf %add3A_179, %get3A_181 : vector<16xf32>
      %neg3A = arith.constant 0.000000e+00 : f32
      %neg3A_183 = vector.broadcast %neg3A : f32 to vector<16xf32>
      %neg3A_184 = arith.subf %neg3A_183, %add3A_182 : vector<16xf32>
      %exp3A = math.exp %neg3A_184 : vector<16xf32>
      %add3A_185 = arith.constant 1.000000e+00 : f32
      %add3A_186 = vector.broadcast %add3A_185 : f32 to vector<16xf32>
      %add3A_187 = arith.addf %add3A_186, %exp3A : vector<16xf32>
      %div3A_188 = arith.constant 1.000000e+00 : f32
      %div3A_189 = vector.broadcast %div3A_188 : f32 to vector<16xf32>
      %div3A_190 = arith.divf %div3A_189, %add3A_187 : vector<16xf32>
      %swap3A = arith.constant 0 : index
      %swap3A_191 = tpu.vector_load %arg20[%swap3A] {strides = array<i32>} : memref<640xf32, #tpu.memory_space<vmem>>, vector<16xf32>,
      tpu.vector_store %arg20[%swap3A], %div3A_190 {strides = array<i32>} : memref<640xf32, #tpu.memory_space<vmem>>, vector<16xf32>,
      %get3A_192 = arith.constant 0 : i32
      %get3A_193 = arith.index_cast %get3A_192 : i32 to index
      %get3A_194 = arith.constant 16 : index
      %get3A_195 = tpu.vector_load %arg14[%get3A_193, %get3A_194] {strides = array<i32>} : memref<5x128xi32, #tpu.memory_space<vmem>>, vector<16xi32>,
      %get3A_196 = arith.constant 0 : i32
      %get3A_197 = arith.index_cast %get3A_196 : i32 to index
      %get3A_198 = arith.constant 16 : index
      %get3A_199 = tpu.vector_load %arg15[%get3A_197, %get3A_198] {strides = array<i32>} : memref<5x128xi32, #tpu.memory_space<vmem>>, vector<16xi32>,
      %gather3A_200 = tpu.vector_load_idx %arg12[%get3A_195] : memref<10000xf32, #tpu.memory_space<vmem>>[vector<16xi32>], vector<16xf32>,
      %gather3A_201 = tpu.vector_load_idx %arg13[%get3A_199] : memref<10000xf32, #tpu.memory_space<vmem>>[vector<16xi32>], vector<16xf32>,
      %add3A_202 = arith.addf %gather3A_200, %gather3A_201 : vector<16xf32>
      %get3A_203 = arith.constant 16 : index
      %get3A_204 = tpu.vector_load %arg19[%get3A_203] {strides = array<i32>} : memref<640xf32, #tpu.memory_space<vmem>>, vector<16xf32>,
      %add3A_205 = arith.addf %add3A_202, %get3A_204 : vector<16xf32>
      %neg3A_206 = arith.constant 0.000000e+00 : f32
      %neg3A_207 = vector.broadcast %neg3A_206 : f32 to vector<16xf32>
      %neg3A_208 = arith.subf %neg3A_207, %add3A_205 : vector<16xf32>
      %exp3A_209 = math.exp %neg3A_208 : vector<16xf32>
      %add3A_210 = arith.constant 1.000000e+00 : f32
      %add3A_211 = vector.broadcast %add3A_210 : f32 to vector<16xf32>
      %add3A_212 = arith.addf %add3A_211, %exp3A_209 : vector<16xf32>
      %div3A_213 = arith.constant 1.000000e+00 : f32
      %div3A_214 = vector.broadcast %div3A_213 : f32 to vector<16xf32>
      %div3A_215 = arith.divf %div3A_214, %add3A_212 : vector<16xf32>
      %swap3A_216 = arith.constant 16 : index
      %swap3A_217 = tpu.vector_load %arg20[%swap3A_216] {strides = array<i32>} : memref<640xf32, #tpu.memory_space<vmem>>, vector<16xf32>,
      tpu.vector_store %arg20[%swap3A_216], %div3A_215 {strides = array<i32>} : memref<640xf32, #tpu.memory_space<vmem>>, vector<16xf32>,
      %get3A_218 = arith.constant 0 : i32
      %get3A_219 = arith.index_cast %get3A_218 : i32 to index
      %get3A_220 = arith.constant 32 : index
      %get3A_221 = tpu.vector_load %arg14[%get3A_219, %get3A_220] {strides = array<i32>} : memref<5x128xi32, #tpu.memory_space<vmem>>, vector<16xi32>,
      %get3A_222 = arith.constant 0 : i32
      %get3A_223 = arith.index_cast %get3A_222 : i32 to index
      %get3A_224 = arith.constant 32 : index
      %get3A_225 = tpu.vector_load %arg15[%get3A_223, %get3A_224] {strides = array<i32>} : memref<5x128xi32, #tpu.memory_space<vmem>>, vector<16xi32>,
      %gather3A_226 = tpu.vector_load_idx %arg12[%get3A_221] : memref<10000xf32, #tpu.memory_space<vmem>>[vector<16xi32>], vector<16xf32>,
      %gather3A_227 = tpu.vector_load_idx %arg13[%get3A_225] : memref<10000xf32, #tpu.memory_space<vmem>>[vector<16xi32>], vector<16xf32>,
      %add3A_228 = arith.addf %gather3A_226, %gather3A_227 : vector<16xf32>
      %get3A_229 = arith.constant 32 : index
      %get3A_230 = tpu.vector_load %arg19[%get3A_229] {strides = array<i32>} : memref<640xf32, #tpu.memory_space<vmem>>, vector<16xf32>,
      %add3A_231 = arith.addf %add3A_228, %get3A_230 : vector<16xf32>
      %neg3A_232 = arith.constant 0.000000e+00 : f32
      %neg3A_233 = vector.broadcast %neg3A_232 : f32 to vector<16xf32>
      %neg3A_234 = arith.subf %neg3A_233, %add3A_231 : vector<16xf32>
      %exp3A_235 = math.exp %neg3A_234 : vector<16xf32>
      %add3A_236 = arith.constant 1.000000e+00 : f32
      %add3A_237 = vector.broadcast %add3A_236 : f32 to vector<16xf32>
      %add3A_238 = arith.addf %add3A_237, %exp3A_235 : vector<16xf32>
      %div3A_239 = arith.constant 1.000000e+00 : f32
      %div3A_240 = vector.broadcast %div3A_239 : f32 to vector<16xf32>
      %div3A_241 = arith.divf %div3A_240, %add3A_238 : vector<16xf32>
      %swap3A_242 = arith.constant 32 : index
      %swap3A_243 = tpu.vector_load %arg20[%swap3A_242] {strides = array<i32>} : memref<640xf32, #tpu.memory_space<vmem>>, vector<16xf32>,
      tpu.vector_store %arg20[%swap3A_242], %div3A_241 {strides = array<i32>} : memref<640xf32, #tpu.memory_space<vmem>>, vector<16xf32>,
      %get3A_244 = arith.constant 0 : i32
      %get3A_245 = arith.index_cast %get3A_244 : i32 to index
      %get3A_246 = arith.constant 48 : index
      %get3A_247 = tpu.vector_load %arg14[%get3A_245, %get3A_246] {strides = array<i32>} : memref<5x128xi32, #tpu.memory_space<vmem>>, vector<16xi32>,
      %get3A_248 = arith.constant 0 : i32
      %get3A_249 = arith.index_cast %get3A_248 : i32 to index
      %get3A_250 = arith.constant 48 : index
      %get3A_251 = tpu.vector_load %arg15[%get3A_249, %get3A_250] {strides = array<i32>} : memref<5x128xi32, #tpu.memory_space<vmem>>, vector<16xi32>,
      %gather3A_252 = tpu.vector_load_idx %arg12[%get3A_247] : memref<10000xf32, #tpu.memory_space<vmem>>[vector<16xi32>], vector<16xf32>,
      %gather3A_253 = tpu.vector_load_idx %arg13[%get3A_251] : memref<10000xf32, #tpu.memory_space<vmem>>[vector<16xi32>], vector<16xf32>,
      %add3A_254 = arith.addf %gather3A_252, %gather3A_253 : vector<16xf32>
      %get3A_255 = arith.constant 48 : index
      %get3A_256 = tpu.vector_load %arg19[%get3A_255] {strides = array<i32>} : memref<640xf32, #tpu.memory_space<vmem>>, vector<16xf32>,
      %add3A_257 = arith.addf %add3A_254, %get3A_256 : vector<16xf32>
      %neg3A_258 = arith.constant 0.000000e+00 : f32
      %neg3A_259 = vector.broadcast %neg3A_258 : f32 to vector<16xf32>
      %neg3A_260 = arith.subf %neg3A_259, %add3A_257 : vector<16xf32>
      %exp3A_261 = math.exp %neg3A_260 : vector<16xf32>
      %add3A_262 = arith.constant 1.000000e+00 : f32
      %add3A_263 = vector.broadcast %add3A_262 : f32 to vector<16xf32>
      %add3A_264 = arith.addf %add3A_263, %exp3A_261 : vector<16xf32>
      %div3A_265 = arith.constant 1.000000e+00 : f32
      %div3A_266 = vector.broadcast %div3A_265 : f32 to vector<16xf32>
      %div3A_267 = arith.divf %div3A_266, %add3A_264 : vector<16xf32>
      %swap3A_268 = arith.constant 48 : index
      %swap3A_269 = tpu.vector_load %arg20[%swap3A_268] {strides = array<i32>} : memref<640xf32, #tpu.memory_space<vmem>>, vector<16xf32>,
      tpu.vector_store %arg20[%swap3A_268], %div3A_267 {strides = array<i32>} : memref<640xf32, #tpu.memory_space<vmem>>, vector<16xf32>,
      %get3A_270 = arith.constant 0 : i32
      %get3A_271 = arith.index_cast %get3A_270 : i32 to index
      %get3A_272 = arith.constant 64 : index
      %get3A_273 = tpu.vector_load %arg14[%get3A_271, %get3A_272] {strides = array<i32>} : memref<5x128xi32, #tpu.memory_space<vmem>>, vector<16xi32>,
      %get3A_274 = arith.constant 0 : i32
      %get3A_275 = arith.index_cast %get3A_274 : i32 to index
      %get3A_276 = arith.constant 64 : index
      %get3A_277 = tpu.vector_load %arg15[%get3A_275, %get3A_276] {strides = array<i32>} : memref<5x128xi32, #tpu.memory_space<vmem>>, vector<16xi32>,
      %gather3A_278 = tpu.vector_load_idx %arg12[%get3A_273] : memref<10000xf32, #tpu.memory_space<vmem>>[vector<16xi32>], vector<16xf32>,
      %gather3A_279 = tpu.vector_load_idx %arg13[%get3A_277] : memref<10000xf32, #tpu.memory_space<vmem>>[vector<16xi32>], vector<16xf32>,
      %add3A_280 = arith.addf %gather3A_278, %gather3A_279 : vector<16xf32>
      %get3A_281 = arith.constant 64 : index
      %get3A_282 = tpu.vector_load %arg19[%get3A_281] {strides = array<i32>} : memref<640xf32, #tpu.memory_space<vmem>>, vector<16xf32>,
      %add3A_283 = arith.addf %add3A_280, %get3A_282 : vector<16xf32>
      %neg3A_284 = arith.constant 0.000000e+00 : f32
      %neg3A_285 = vector.broadcast %neg3A_284 : f32 to vector<16xf32>
      %neg3A_286 = arith.subf %neg3A_285, %add3A_283 : vector<16xf32>
      %exp3A_287 = math.exp %neg3A_286 : vector<16xf32>
      %add3A_288 = arith.constant 1.000000e+00 : f32
      %add3A_289 = vector.broadcast %add3A_288 : f32 to vector<16xf32>
      %add3A_290 = arith.addf %add3A_289, %exp3A_287 : vector<16xf32>
      %div3A_291 = arith.constant 1.000000e+00 : f32
      %div3A_292 = vector.broadcast %div3A_291 : f32 to vector<16xf32>
      %div3A_293 = arith.divf %div3A_292, %add3A_290 : vector<16xf32>
      %swap3A_294 = arith.constant 64 : index
      %swap3A_295 = tpu.vector_load %arg20[%swap3A_294] {strides = array<i32>} : memref<640xf32, #tpu.memory_space<vmem>>, vector<16xf32>,
      tpu.vector_store %arg20[%swap3A_294], %div3A_293 {strides = array<i32>} : memref<640xf32, #tpu.memory_space<vmem>>, vector<16xf32>,
      %get3A_296 = arith.constant 0 : i32
      %get3A_297 = arith.index_cast %get3A_296 : i32 to index
      %get3A_298 = arith.constant 80 : index
      %get3A_299 = tpu.vector_load %arg14[%get3A_297, %get3A_298] {strides = array<i32>} : memref<5x128xi32, #tpu.memory_space<vmem>>, vector<16xi32>,
      %get3A_300 = arith.constant 0 : i32
      %get3A_301 = arith.index_cast %get3A_300 : i32 to index
      %get3A_302 = arith.constant 80 : index
      %get3A_303 = tpu.vector_load %arg15[%get3A_301, %get3A_302] {strides = array<i32>} : memref<5x128xi32, #tpu.memory_space<vmem>>, vector<16xi32>,
      %gather3A_304 = tpu.vector_load_idx %arg12[%get3A_299] : memref<10000xf32, #tpu.memory_space<vmem>>[vector<16xi32>], vector<16xf32>,
      %gather3A_305 = tpu.vector_load_idx %arg13[%get3A_303] : memref<10000xf32, #tpu.memory_space<vmem>>[vector<16xi32>], vector<16xf32>,
      %add3A_306 = arith.addf %gather3A_304, %gather3A_305 : vector<16xf32>
      %get3A_307 = arith.constant 80 : index
      %get3A_308 = tpu.vector_load %arg19[%get3A_307] {strides = array<i32>} : memref<640xf32, #tpu.memory_space<vmem>>, vector<16xf32>,
      %add3A_309 = arith.addf %add3A_306, %get3A_308 : vector<16xf32>
      %neg3A_310 = arith.constant 0.000000e+00 : f32
      %neg3A_311 = vector.broadcast %neg3A_310 : f32 to vector<16xf32>
      %neg3A_312 = arith.subf %neg3A_311, %add3A_309 : vector<16xf32>
      %exp3A_313 = math.exp %neg3A_312 : vector<16xf32>
      %add3A_314 = arith.constant 1.000000e+00 : f32
      %add3A_315 = vector.broadcast %add3A_314 : f32 to vector<16xf32>
      %add3A_316 = arith.addf %add3A_315, %exp3A_313 : vector<16xf32>
      %div3A_317 = arith.constant 1.000000e+00 : f32
      %div3A_318 = vector.broadcast %div3A_317 : f32 to vector<16xf32>
      %div3A_319 = arith.divf %div3A_318, %add3A_316 : vector<16xf32>
      %swap3A_320 = arith.constant 80 : index
      %swap3A_321 = tpu.vector_load %arg20[%swap3A_320] {strides = array<i32>} : memref<640xf32, #tpu.memory_space<vmem>>, vector<16xf32>,
      tpu.vector_store %arg20[%swap3A_320], %div3A_319 {strides = array<i32>} : memref<640xf32, #tpu.memory_space<vmem>>, vector<16xf32>,
      %get3A_322 = arith.constant 0 : i32
      %get3A_323 = arith.index_cast %get3A_322 : i32 to index
      %get3A_324 = arith.constant 96 : index
      %get3A_325 = tpu.vector_load %arg14[%get3A_323, %get3A_324] {strides = array<i32>} : memref<5x128xi32, #tpu.memory_space<vmem>>, vector<16xi32>,
      %get3A_326 = arith.constant 0 : i32
      %get3A_327 = arith.index_cast %get3A_326 : i32 to index
      %get3A_328 = arith.constant 96 : index
      %get3A_329 = tpu.vector_load %arg15[%get3A_327, %get3A_328] {strides = array<i32>} : memref<5x128xi32, #tpu.memory_space<vmem>>, vector<16xi32>,
      %gather3A_330 = tpu.vector_load_idx %arg12[%get3A_325] : memref<10000xf32, #tpu.memory_space<vmem>>[vector<16xi32>], vector<16xf32>,
      %gather3A_331 = tpu.vector_load_idx %arg13[%get3A_329] : memref<10000xf32, #tpu.memory_space<vmem>>[vector<16xi32>], vector<16xf32>,
      %add3A_332 = arith.addf %gather3A_330, %gather3A_331 : vector<16xf32>
      %get3A_333 = arith.constant 96 : index
      %get3A_334 = tpu.vector_load %arg19[%get3A_333] {strides = array<i32>} : memref<640xf32, #tpu.memory_space<vmem>>, vector<16xf32>,
      %add3A_335 = arith.addf %add3A_332, %get3A_334 : vector<16xf32>
      %neg3A_336 = arith.constant 0.000000e+00 : f32
      %neg3A_337 = vector.broadcast %neg3A_336 : f32 to vector<16xf32>
      %neg3A_338 = arith.subf %neg3A_337, %add3A_335 : vector<16xf32>
      %exp3A_339 = math.exp %neg3A_338 : vector<16xf32>
      %add3A_340 = arith.constant 1.000000e+00 : f32
      %add3A_341 = vector.broadcast %add3A_340 : f32 to vector<16xf32>
      %add3A_342 = arith.addf %add3A_341, %exp3A_339 : vector<16xf32>
      %div3A_343 = arith.constant 1.000000e+00 : f32
      %div3A_344 = vector.broadcast %div3A_343 : f32 to vector<16xf32>
      %div3A_345 = arith.divf %div3A_344, %add3A_342 : vector<16xf32>
      %swap3A_346 = arith.constant 96 : index
      %swap3A_347 = tpu.vector_load %arg20[%swap3A_346] {strides = array<i32>} : memref<640xf32, #tpu.memory_space<vmem>>, vector<16xf32>,
      tpu.vector_store %arg20[%swap3A_346], %div3A_345 {strides = array<i32>} : memref<640xf32, #tpu.memory_space<vmem>>, vector<16xf32>,
      %get3A_348 = arith.constant 0 : i32
      %get3A_349 = arith.index_cast %get3A_348 : i32 to index
      %get3A_350 = arith.constant 112 : index
      %get3A_351 = tpu.vector_load %arg14[%get3A_349, %get3A_350] {strides = array<i32>} : memref<5x128xi32, #tpu.memory_space<vmem>>, vector<16xi32>,
      %get3A_352 = arith.constant 0 : i32
      %get3A_353 = arith.index_cast %get3A_352 : i32 to index
      %get3A_354 = arith.constant 112 : index
      %get3A_355 = tpu.vector_load %arg15[%get3A_353, %get3A_354] {strides = array<i32>} : memref<5x128xi32, #tpu.memory_space<vmem>>, vector<16xi32>,
      %gather3A_356 = tpu.vector_load_idx %arg12[%get3A_351] : memref<10000xf32, #tpu.memory_space<vmem>>[vector<16xi32>], vector<16xf32>,
      %gather3A_357 = tpu.vector_load_idx %arg13[%get3A_355] : memref<10000xf32, #tpu.memory_space<vmem>>[vector<16xi32>], vector<16xf32>,
      %add3A_358 = arith.addf %gather3A_356, %gather3A_357 : vector<16xf32>
      %get3A_359 = arith.constant 112 : index
      %get3A_360 = tpu.vector_load %arg19[%get3A_359] {strides = array<i32>} : memref<640xf32, #tpu.memory_space<vmem>>, vector<16xf32>,
      %add3A_361 = arith.addf %add3A_358, %get3A_360 : vector<16xf32>
      %neg3A_362 = arith.constant 0.000000e+00 : f32
      %neg3A_363 = vector.broadcast %neg3A_362 : f32 to vector<16xf32>
      %neg3A_364 = arith.subf %neg3A_363, %add3A_361 : vector<16xf32>
      %exp3A_365 = math.exp %neg3A_364 : vector<16xf32>
      %add3A_366 = arith.constant 1.000000e+00 : f32
      %add3A_367 = vector.broadcast %add3A_366 : f32 to vector<16xf32>
      %add3A_368 = arith.addf %add3A_367, %exp3A_365 : vector<16xf32>
      %div3A_369 = arith.constant 1.000000e+00 : f32
      %div3A_370 = vector.broadcast %div3A_369 : f32 to vector<16xf32>
      %div3A_371 = arith.divf %div3A_370, %add3A_368 : vector<16xf32>
      %swap3A_372 = arith.constant 112 : index
      %swap3A_373 = tpu.vector_load %arg20[%swap3A_372] {strides = array<i32>} : memref<640xf32, #tpu.memory_space<vmem>>, vector<16xf32>,
      tpu.vector_store %arg20[%swap3A_372], %div3A_371 {strides = array<i32>} : memref<640xf32, #tpu.memory_space<vmem>>, vector<16xf32>,
      %get3A_374 = arith.constant 1 : i32
      %get3A_375 = arith.index_cast %get3A_374 : i32 to index
      %get3A_376 = arith.constant 0 : index
      %get3A_377 = tpu.vector_load %arg14[%get3A_375, %get3A_376] {strides = array<i32>} : memref<5x128xi32, #tpu.memory_space<vmem>>, vector<16xi32>,
      %get3A_378 = arith.constant 1 : i32
      %get3A_379 = arith.index_cast %get3A_378 : i32 to index
      %get3A_380 = arith.constant 0 : index
      %get3A_381 = tpu.vector_load %arg15[%get3A_379, %get3A_380] {strides = array<i32>} : memref<5x128xi32, #tpu.memory_space<vmem>>, vector<16xi32>,
      %gather3A_382 = tpu.vector_load_idx %arg12[%get3A_377] : memref<10000xf32, #tpu.memory_space<vmem>>[vector<16xi32>], vector<16xf32>,
      %gather3A_383 = tpu.vector_load_idx %arg13[%get3A_381] : memref<10000xf32, #tpu.memory_space<vmem>>[vector<16xi32>], vector<16xf32>,
      %add3A_384 = arith.addf %gather3A_382, %gather3A_383 : vector<16xf32>
      %get3A_385 = arith.constant 128 : index
      %get3A_386 = tpu.vector_load %arg19[%get3A_385] {strides = array<i32>} : memref<640xf32, #tpu.memory_space<vmem>>, vector<16xf32>,
      %add3A_387 = arith.addf %add3A_384, %get3A_386 : vector<16xf32>
      %neg3A_388 = arith.constant 0.000000e+00 : f32
      %neg3A_389 = vector.broadcast %neg3A_388 : f32 to vector<16xf32>
      %neg3A_390 = arith.subf %neg3A_389, %add3A_387 : vector<16xf32>
      %exp3A_391 = math.exp %neg3A_390 : vector<16xf32>
      %add3A_392 = arith.constant 1.000000e+00 : f32
      %add3A_393 = vector.broadcast %add3A_392 : f32 to vector<16xf32>
      %add3A_394 = arith.addf %add3A_393, %exp3A_391 : vector<16xf32>
      %div3A_395 = arith.constant 1.000000e+00 : f32
      %div3A_396 = vector.broadcast %div3A_395 : f32 to vector<16xf32>
      %div3A_397 = arith.divf %div3A_396, %add3A_394 : vector<16xf32>
      %swap3A_398 = arith.constant 128 : index
      %swap3A_399 = tpu.vector_load %arg20[%swap3A_398] {strides = array<i32>} : memref<640xf32, #tpu.memory_space<vmem>>, vector<16xf32>,
      tpu.vector_store %arg20[%swap3A_398], %div3A_397 {strides = array<i32>} : memref<640xf32, #tpu.memory_space<vmem>>, vector<16xf32>,
      %get3A_400 = arith.constant 1 : i32
      %get3A_401 = arith.index_cast %get3A_400 : i32 to index
      %get3A_402 = arith.constant 16 : index
      %get3A_403 = tpu.vector_load %arg14[%get3A_401, %get3A_402] {strides = array<i32>} : memref<5x128xi32, #tpu.memory_space<vmem>>, vector<16xi32>,
      %get3A_404 = arith.constant 1 : i32
      %get3A_405 = arith.index_cast %get3A_404 : i32 to index
      %get3A_406 = arith.constant 16 : index
      %get3A_407 = tpu.vector_load %arg15[%get3A_405, %get3A_406] {strides = array<i32>} : memref<5x128xi32, #tpu.memory_space<vmem>>, vector<16xi32>,
      %gather3A_408 = tpu.vector_load_idx %arg12[%get3A_403] : memref<10000xf32, #tpu.memory_space<vmem>>[vector<16xi32>], vector<16xf32>,
      %gather3A_409 = tpu.vector_load_idx %arg13[%get3A_407] : memref<10000xf32, #tpu.memory_space<vmem>>[vector<16xi32>], vector<16xf32>,
      %add3A_410 = arith.addf %gather3A_408, %gather3A_409 : vector<16xf32>
      %get3A_411 = arith.constant 144 : index
      %get3A_412 = tpu.vector_load %arg19[%get3A_411] {strides = array<i32>} : memref<640xf32, #tpu.memory_space<vmem>>, vector<16xf32>,
      %add3A_413 = arith.addf %add3A_410, %get3A_412 : vector<16xf32>
      %neg3A_414 = arith.constant 0.000000e+00 : f32
      %neg3A_415 = vector.broadcast %neg3A_414 : f32 to vector<16xf32>
      %neg3A_416 = arith.subf %neg3A_415, %add3A_413 : vector<16xf32>
      %exp3A_417 = math.exp %neg3A_416 : vector<16xf32>
      %add3A_418 = arith.constant 1.000000e+00 : f32
      %add3A_419 = vector.broadcast %add3A_418 : f32 to vector<16xf32>
      %add3A_420 = arith.addf %add3A_419, %exp3A_417 : vector<16xf32>
      %div3A_421 = arith.constant 1.000000e+00 : f32
      %div3A_422 = vector.broadcast %div3A_421 : f32 to vector<16xf32>
      %div3A_423 = arith.divf %div3A_422, %add3A_420 : vector<16xf32>
      %swap3A_424 = arith.constant 144 : index
      %swap3A_425 = tpu.vector_load %arg20[%swap3A_424] {strides = array<i32>} : memref<640xf32, #tpu.memory_space<vmem>>, vector<16xf32>,
      tpu.vector_store %arg20[%swap3A_424], %div3A_423 {strides = array<i32>} : memref<640xf32, #tpu.memory_space<vmem>>, vector<16xf32>,
      %get3A_426 = arith.constant 1 : i32
      %get3A_427 = arith.index_cast %get3A_426 : i32 to index
      %get3A_428 = arith.constant 32 : index
      %get3A_429 = tpu.vector_load %arg14[%get3A_427, %get3A_428] {strides = array<i32>} : memref<5x128xi32, #tpu.memory_space<vmem>>, vector<16xi32>,
      %get3A_430 = arith.constant 1 : i32
      %get3A_431 = arith.index_cast %get3A_430 : i32 to index
      %get3A_432 = arith.constant 32 : index
      %get3A_433 = tpu.vector_load %arg15[%get3A_431, %get3A_432] {strides = array<i32>} : memref<5x128xi32, #tpu.memory_space<vmem>>, vector<16xi32>,
      %gather3A_434 = tpu.vector_load_idx %arg12[%get3A_429] : memref<10000xf32, #tpu.memory_space<vmem>>[vector<16xi32>], vector<16xf32>,
      %gather3A_435 = tpu.vector_load_idx %arg13[%get3A_433] : memref<10000xf32, #tpu.memory_space<vmem>>[vector<16xi32>], vector<16xf32>,
      %add3A_436 = arith.addf %gather3A_434, %gather3A_435 : vector<16xf32>
      %get3A_437 = arith.constant 160 : index
      %get3A_438 = tpu.vector_load %arg19[%get3A_437] {strides = array<i32>} : memref<640xf32, #tpu.memory_space<vmem>>, vector<16xf32>,
      %add3A_439 = arith.addf %add3A_436, %get3A_438 : vector<16xf32>
      %neg3A_440 = arith.constant 0.000000e+00 : f32
      %neg3A_441 = vector.broadcast %neg3A_440 : f32 to vector<16xf32>
      %neg3A_442 = arith.subf %neg3A_441, %add3A_439 : vector<16xf32>
      %exp3A_443 = math.exp %neg3A_442 : vector<16xf32>
      %add3A_444 = arith.constant 1.000000e+00 : f32
      %add3A_445 = vector.broadcast %add3A_444 : f32 to vector<16xf32>
      %add3A_446 = arith.addf %add3A_445, %exp3A_443 : vector<16xf32>
      %div3A_447 = arith.constant 1.000000e+00 : f32
      %div3A_448 = vector.broadcast %div3A_447 : f32 to vector<16xf32>
      %div3A_449 = arith.divf %div3A_448, %add3A_446 : vector<16xf32>
      %swap3A_450 = arith.constant 160 : index
      %swap3A_451 = tpu.vector_load %arg20[%swap3A_450] {strides = array<i32>} : memref<640xf32, #tpu.memory_space<vmem>>, vector<16xf32>,
      tpu.vector_store %arg20[%swap3A_450], %div3A_449 {strides = array<i32>} : memref<640xf32, #tpu.memory_space<vmem>>, vector<16xf32>,
      %get3A_452 = arith.constant 1 : i32
      %get3A_453 = arith.index_cast %get3A_452 : i32 to index
      %get3A_454 = arith.constant 48 : index
      %get3A_455 = tpu.vector_load %arg14[%get3A_453, %get3A_454] {strides = array<i32>} : memref<5x128xi32, #tpu.memory_space<vmem>>, vector<16xi32>,
      %get3A_456 = arith.constant 1 : i32
      %get3A_457 = arith.index_cast %get3A_456 : i32 to index
      %get3A_458 = arith.constant 48 : index
      %get3A_459 = tpu.vector_load %arg15[%get3A_457, %get3A_458] {strides = array<i32>} : memref<5x128xi32, #tpu.memory_space<vmem>>, vector<16xi32>,
      %gather3A_460 = tpu.vector_load_idx %arg12[%get3A_455] : memref<10000xf32, #tpu.memory_space<vmem>>[vector<16xi32>], vector<16xf32>,
      %gather3A_461 = tpu.vector_load_idx %arg13[%get3A_459] : memref<10000xf32, #tpu.memory_space<vmem>>[vector<16xi32>], vector<16xf32>,
      %add3A_462 = arith.addf %gather3A_460, %gather3A_461 : vector<16xf32>
      %get3A_463 = arith.constant 176 : index
      %get3A_464 = tpu.vector_load %arg19[%get3A_463] {strides = array<i32>} : memref<640xf32, #tpu.memory_space<vmem>>, vector<16xf32>,
      %add3A_465 = arith.addf %add3A_462, %get3A_464 : vector<16xf32>
      %neg3A_466 = arith.constant 0.000000e+00 : f32
      %neg3A_467 = vector.broadcast %neg3A_466 : f32 to vector<16xf32>
      %neg3A_468 = arith.subf %neg3A_467, %add3A_465 : vector<16xf32>
      %exp3A_469 = math.exp %neg3A_468 : vector<16xf32>
      %add3A_470 = arith.constant 1.000000e+00 : f32
      %add3A_471 = vector.broadcast %add3A_470 : f32 to vector<16xf32>
      %add3A_472 = arith.addf %add3A_471, %exp3A_469 : vector<16xf32>
      %div3A_473 = arith.constant 1.000000e+00 : f32
      %div3A_474 = vector.broadcast %div3A_473 : f32 to vector<16xf32>
      %div3A_475 = arith.divf %div3A_474, %add3A_472 : vector<16xf32>
      %swap3A_476 = arith.constant 176 : index
      %swap3A_477 = tpu.vector_load %arg20[%swap3A_476] {strides = array<i32>} : memref<640xf32, #tpu.memory_space<vmem>>, vector<16xf32>,
      tpu.vector_store %arg20[%swap3A_476], %div3A_475 {strides = array<i32>} : memref<640xf32, #tpu.memory_space<vmem>>, vector<16xf32>,
      %get3A_478 = arith.constant 1 : i32
      %get3A_479 = arith.index_cast %get3A_478 : i32 to index
      %get3A_480 = arith.constant 64 : index
      %get3A_481 = tpu.vector_load %arg14[%get3A_479, %get3A_480] {strides = array<i32>} : memref<5x128xi32, #tpu.memory_space<vmem>>, vector<16xi32>,
      %get3A_482 = arith.constant 1 : i32
      %get3A_483 = arith.index_cast %get3A_482 : i32 to index
      %get3A_484 = arith.constant 64 : index
      %get3A_485 = tpu.vector_load %arg15[%get3A_483, %get3A_484] {strides = array<i32>} : memref<5x128xi32, #tpu.memory_space<vmem>>, vector<16xi32>,
      %gather3A_486 = tpu.vector_load_idx %arg12[%get3A_481] : memref<10000xf32, #tpu.memory_space<vmem>>[vector<16xi32>], vector<16xf32>,
      %gather3A_487 = tpu.vector_load_idx %arg13[%get3A_485] : memref<10000xf32, #tpu.memory_space<vmem>>[vector<16xi32>], vector<16xf32>,
      %add3A_488 = arith.addf %gather3A_486, %gather3A_487 : vector<16xf32>
      %get3A_489 = arith.constant 192 : index
      %get3A_490 = tpu.vector_load %arg19[%get3A_489] {strides = array<i32>} : memref<640xf32, #tpu.memory_space<vmem>>, vector<16xf32>,
      %add3A_491 = arith.addf %add3A_488, %get3A_490 : vector<16xf32>
      %neg3A_492 = arith.constant 0.000000e+00 : f32
      %neg3A_493 = vector.broadcast %neg3A_492 : f32 to vector<16xf32>
      %neg3A_494 = arith.subf %neg3A_493, %add3A_491 : vector<16xf32>
      %exp3A_495 = math.exp %neg3A_494 : vector<16xf32>
      %add3A_496 = arith.constant 1.000000e+00 : f32
      %add3A_497 = vector.broadcast %add3A_496 : f32 to vector<16xf32>
      %add3A_498 = arith.addf %add3A_497, %exp3A_495 : vector<16xf32>
      %div3A_499 = arith.constant 1.000000e+00 : f32
      %div3A_500 = vector.broadcast %div3A_499 : f32 to vector<16xf32>
      %div3A_501 = arith.divf %div3A_500, %add3A_498 : vector<16xf32>
      %swap3A_502 = arith.constant 192 : index
      %swap3A_503 = tpu.vector_load %arg20[%swap3A_502] {strides = array<i32>} : memref<640xf32, #tpu.memory_space<vmem>>, vector<16xf32>,
      tpu.vector_store %arg20[%swap3A_502], %div3A_501 {strides = array<i32>} : memref<640xf32, #tpu.memory_space<vmem>>, vector<16xf32>,
      %get3A_504 = arith.constant 1 : i32
      %get3A_505 = arith.index_cast %get3A_504 : i32 to index
      %get3A_506 = arith.constant 80 : index
      %get3A_507 = tpu.vector_load %arg14[%get3A_505, %get3A_506] {strides = array<i32>} : memref<5x128xi32, #tpu.memory_space<vmem>>, vector<16xi32>,
      %get3A_508 = arith.constant 1 : i32
      %get3A_509 = arith.index_cast %get3A_508 : i32 to index
      %get3A_510 = arith.constant 80 : index
      %get3A_511 = tpu.vector_load %arg15[%get3A_509, %get3A_510] {strides = array<i32>} : memref<5x128xi32, #tpu.memory_space<vmem>>, vector<16xi32>,
      %gather3A_512 = tpu.vector_load_idx %arg12[%get3A_507] : memref<10000xf32, #tpu.memory_space<vmem>>[vector<16xi32>], vector<16xf32>,
      %gather3A_513 = tpu.vector_load_idx %arg13[%get3A_511] : memref<10000xf32, #tpu.memory_space<vmem>>[vector<16xi32>], vector<16xf32>,
      %add3A_514 = arith.addf %gather3A_512, %gather3A_513 : vector<16xf32>
      %get3A_515 = arith.constant 208 : index
      %get3A_516 = tpu.vector_load %arg19[%get3A_515] {strides = array<i32>} : memref<640xf32, #tpu.memory_space<vmem>>, vector<16xf32>,
      %add3A_517 = arith.addf %add3A_514, %get3A_516 : vector<16xf32>
      %neg3A_518 = arith.constant 0.000000e+00 : f32
      %neg3A_519 = vector.broadcast %neg3A_518 : f32 to vector<16xf32>
      %neg3A_520 = arith.subf %neg3A_519, %add3A_517 : vector<16xf32>
      %exp3A_521 = math.exp %neg3A_520 : vector<16xf32>
      %add3A_522 = arith.constant 1.000000e+00 : f32
      %add3A_523 = vector.broadcast %add3A_522 : f32 to vector<16xf32>
      %add3A_524 = arith.addf %add3A_523, %exp3A_521 : vector<16xf32>
      %div3A_525 = arith.constant 1.000000e+00 : f32
      %div3A_526 = vector.broadcast %div3A_525 : f32 to vector<16xf32>
      %div3A_527 = arith.divf %div3A_526, %add3A_524 : vector<16xf32>
      %swap3A_528 = arith.constant 208 : index
      %swap3A_529 = tpu.vector_load %arg20[%swap3A_528] {strides = array<i32>} : memref<640xf32, #tpu.memory_space<vmem>>, vector<16xf32>,
      tpu.vector_store %arg20[%swap3A_528], %div3A_527 {strides = array<i32>} : memref<640xf32, #tpu.memory_space<vmem>>, vector<16xf32>,
      %get3A_530 = arith.constant 1 : i32
      %get3A_531 = arith.index_cast %get3A_530 : i32 to index
      %get3A_532 = arith.constant 96 : index
      %get3A_533 = tpu.vector_load %arg14[%get3A_531, %get3A_532] {strides = array<i32>} : memref<5x128xi32, #tpu.memory_space<vmem>>, vector<16xi32>,
      %get3A_534 = arith.constant 1 : i32
      %get3A_535 = arith.index_cast %get3A_534 : i32 to index
      %get3A_536 = arith.constant 96 : index
      %get3A_537 = tpu.vector_load %arg15[%get3A_535, %get3A_536] {strides = array<i32>} : memref<5x128xi32, #tpu.memory_space<vmem>>, vector<16xi32>,
      %gather3A_538 = tpu.vector_load_idx %arg12[%get3A_533] : memref<10000xf32, #tpu.memory_space<vmem>>[vector<16xi32>], vector<16xf32>,
      %gather3A_539 = tpu.vector_load_idx %arg13[%get3A_537] : memref<10000xf32, #tpu.memory_space<vmem>>[vector<16xi32>], vector<16xf32>,
      %add3A_540 = arith.addf %gather3A_538, %gather3A_539 : vector<16xf32>
      %get3A_541 = arith.constant 224 : index
      %get3A_542 = tpu.vector_load %arg19[%get3A_541] {strides = array<i32>} : memref<640xf32, #tpu.memory_space<vmem>>, vector<16xf32>,
      %add3A_543 = arith.addf %add3A_540, %get3A_542 : vector<16xf32>
      %neg3A_544 = arith.constant 0.000000e+00 : f32
      %neg3A_545 = vector.broadcast %neg3A_544 : f32 to vector<16xf32>
      %neg3A_546 = arith.subf %neg3A_545, %add3A_543 : vector<16xf32>
      %exp3A_547 = math.exp %neg3A_546 : vector<16xf32>
      %add3A_548 = arith.constant 1.000000e+00 : f32
      %add3A_549 = vector.broadcast %add3A_548 : f32 to vector<16xf32>
      %add3A_550 = arith.addf %add3A_549, %exp3A_547 : vector<16xf32>
      %div3A_551 = arith.constant 1.000000e+00 : f32
      %div3A_552 = vector.broadcast %div3A_551 : f32 to vector<16xf32>
      %div3A_553 = arith.divf %div3A_552, %add3A_550 : vector<16xf32>
      %swap3A_554 = arith.constant 224 : index
      %swap3A_555 = tpu.vector_load %arg20[%swap3A_554] {strides = array<i32>} : memref<640xf32, #tpu.memory_space<vmem>>, vector<16xf32>,
      tpu.vector_store %arg20[%swap3A_554], %div3A_553 {strides = array<i32>} : memref<640xf32, #tpu.memory_space<vmem>>, vector<16xf32>,
      %get3A_556 = arith.constant 1 : i32
      %get3A_557 = arith.index_cast %get3A_556 : i32 to index
      %get3A_558 = arith.constant 112 : index
      %get3A_559 = tpu.vector_load %arg14[%get3A_557, %get3A_558] {strides = array<i32>} : memref<5x128xi32, #tpu.memory_space<vmem>>, vector<16xi32>,
      %get3A_560 = arith.constant 1 : i32
      %get3A_561 = arith.index_cast %get3A_560 : i32 to index
      %get3A_562 = arith.constant 112 : index
      %get3A_563 = tpu.vector_load %arg15[%get3A_561, %get3A_562] {strides = array<i32>} : memref<5x128xi32, #tpu.memory_space<vmem>>, vector<16xi32>,
      %gather3A_564 = tpu.vector_load_idx %arg12[%get3A_559] : memref<10000xf32, #tpu.memory_space<vmem>>[vector<16xi32>], vector<16xf32>,
      %gather3A_565 = tpu.vector_load_idx %arg13[%get3A_563] : memref<10000xf32, #tpu.memory_space<vmem>>[vector<16xi32>], vector<16xf32>,
      %add3A_566 = arith.addf %gather3A_564, %gather3A_565 : vector<16xf32>
      %get3A_567 = arith.constant 240 : index
      %get3A_568 = tpu.vector_load %arg19[%get3A_567] {strides = array<i32>} : memref<640xf32, #tpu.memory_space<vmem>>, vector<16xf32>,
      %add3A_569 = arith.addf %add3A_566, %get3A_568 : vector<16xf32>
      %neg3A_570 = arith.constant 0.000000e+00 : f32
      %neg3A_571 = vector.broadcast %neg3A_570 : f32 to vector<16xf32>
      %neg3A_572 = arith.subf %neg3A_571, %add3A_569 : vector<16xf32>
      %exp3A_573 = math.exp %neg3A_572 : vector<16xf32>
      %add3A_574 = arith.constant 1.000000e+00 : f32
      %add3A_575 = vector.broadcast %add3A_574 : f32 to vector<16xf32>
      %add3A_576 = arith.addf %add3A_575, %exp3A_573 : vector<16xf32>
      %div3A_577 = arith.constant 1.000000e+00 : f32
      %div3A_578 = vector.broadcast %div3A_577 : f32 to vector<16xf32>
      %div3A_579 = arith.divf %div3A_578, %add3A_576 : vector<16xf32>
      %swap3A_580 = arith.constant 240 : index
      %swap3A_581 = tpu.vector_load %arg20[%swap3A_580] {strides = array<i32>} : memref<640xf32, #tpu.memory_space<vmem>>, vector<16xf32>,
      tpu.vector_store %arg20[%swap3A_580], %div3A_579 {strides = array<i32>} : memref<640xf32, #tpu.memory_space<vmem>>, vector<16xf32>,
      %get3A_582 = arith.constant 2 : i32
      %get3A_583 = arith.index_cast %get3A_582 : i32 to index
      %get3A_584 = arith.constant 0 : index
      %get3A_585 = tpu.vector_load %arg14[%get3A_583, %get3A_584] {strides = array<i32>} : memref<5x128xi32, #tpu.memory_space<vmem>>, vector<16xi32>,
      %get3A_586 = arith.constant 2 : i32
      %get3A_587 = arith.index_cast %get3A_586 : i32 to index
      %get3A_588 = arith.constant 0 : index
      %get3A_589 = tpu.vector_load %arg15[%get3A_587, %get3A_588] {strides = array<i32>} : memref<5x128xi32, #tpu.memory_space<vmem>>, vector<16xi32>,
      %gather3A_590 = tpu.vector_load_idx %arg12[%get3A_585] : memref<10000xf32, #tpu.memory_space<vmem>>[vector<16xi32>], vector<16xf32>,
      %gather3A_591 = tpu.vector_load_idx %arg13[%get3A_589] : memref<10000xf32, #tpu.memory_space<vmem>>[vector<16xi32>], vector<16xf32>,
      %add3A_592 = arith.addf %gather3A_590, %gather3A_591 : vector<16xf32>
      %get3A_593 = arith.constant 256 : index
      %get3A_594 = tpu.vector_load %arg19[%get3A_593] {strides = array<i32>} : memref<640xf32, #tpu.memory_space<vmem>>, vector<16xf32>,
      %add3A_595 = arith.addf %add3A_592, %get3A_594 : vector<16xf32>
      %neg3A_596 = arith.constant 0.000000e+00 : f32
      %neg3A_597 = vector.broadcast %neg3A_596 : f32 to vector<16xf32>
      %neg3A_598 = arith.subf %neg3A_597, %add3A_595 : vector<16xf32>
      %exp3A_599 = math.exp %neg3A_598 : vector<16xf32>
      %add3A_600 = arith.constant 1.000000e+00 : f32
      %add3A_601 = vector.broadcast %add3A_600 : f32 to vector<16xf32>
      %add3A_602 = arith.addf %add3A_601, %exp3A_599 : vector<16xf32>
      %div3A_603 = arith.constant 1.000000e+00 : f32
      %div3A_604 = vector.broadcast %div3A_603 : f32 to vector<16xf32>
      %div3A_605 = arith.divf %div3A_604, %add3A_602 : vector<16xf32>
      %swap3A_606 = arith.constant 256 : index
      %swap3A_607 = tpu.vector_load %arg20[%swap3A_606] {strides = array<i32>} : memref<640xf32, #tpu.memory_space<vmem>>, vector<16xf32>,
      tpu.vector_store %arg20[%swap3A_606], %div3A_605 {strides = array<i32>} : memref<640xf32, #tpu.memory_space<vmem>>, vector<16xf32>,
      %get3A_608 = arith.constant 2 : i32
      %get3A_609 = arith.index_cast %get3A_608 : i32 to index
      %get3A_610 = arith.constant 16 : index
      %get3A_611 = tpu.vector_load %arg14[%get3A_609, %get3A_610] {strides = array<i32>} : memref<5x128xi32, #tpu.memory_space<vmem>>, vector<16xi32>,
      %get3A_612 = arith.constant 2 : i32
      %get3A_613 = arith.index_cast %get3A_612 : i32 to index
      %get3A_614 = arith.constant 16 : index
      %get3A_615 = tpu.vector_load %arg15[%get3A_613, %get3A_614] {strides = array<i32>} : memref<5x128xi32, #tpu.memory_space<vmem>>, vector<16xi32>,
      %gather3A_616 = tpu.vector_load_idx %arg12[%get3A_611] : memref<10000xf32, #tpu.memory_space<vmem>>[vector<16xi32>], vector<16xf32>,
      %gather3A_617 = tpu.vector_load_idx %arg13[%get3A_615] : memref<10000xf32, #tpu.memory_space<vmem>>[vector<16xi32>], vector<16xf32>,
      %add3A_618 = arith.addf %gather3A_616, %gather3A_617 : vector<16xf32>
      %get3A_619 = arith.constant 272 : index
      %get3A_620 = tpu.vector_load %arg19[%get3A_619] {strides = array<i32>} : memref<640xf32, #tpu.memory_space<vmem>>, vector<16xf32>,
      %add3A_621 = arith.addf %add3A_618, %get3A_620 : vector<16xf32>
      %neg3A_622 = arith.constant 0.000000e+00 : f32
      %neg3A_623 = vector.broadcast %neg3A_622 : f32 to vector<16xf32>
      %neg3A_624 = arith.subf %neg3A_623, %add3A_621 : vector<16xf32>
      %exp3A_625 = math.exp %neg3A_624 : vector<16xf32>
      %add3A_626 = arith.constant 1.000000e+00 : f32
      %add3A_627 = vector.broadcast %add3A_626 : f32 to vector<16xf32>
      %add3A_628 = arith.addf %add3A_627, %exp3A_625 : vector<16xf32>
      %div3A_629 = arith.constant 1.000000e+00 : f32
      %div3A_630 = vector.broadcast %div3A_629 : f32 to vector<16xf32>
      %div3A_631 = arith.divf %div3A_630, %add3A_628 : vector<16xf32>
      %swap3A_632 = arith.constant 272 : index
      %swap3A_633 = tpu.vector_load %arg20[%swap3A_632] {strides = array<i32>} : memref<640xf32, #tpu.memory_space<vmem>>, vector<16xf32>,
      tpu.vector_store %arg20[%swap3A_632], %div3A_631 {strides = array<i32>} : memref<640xf32, #tpu.memory_space<vmem>>, vector<16xf32>,
      %get3A_634 = arith.constant 2 : i32
      %get3A_635 = arith.index_cast %get3A_634 : i32 to index
      %get3A_636 = arith.constant 32 : index
      %get3A_637 = tpu.vector_load %arg14[%get3A_635, %get3A_636] {strides = array<i32>} : memref<5x128xi32, #tpu.memory_space<vmem>>, vector<16xi32>,
      %get3A_638 = arith.constant 2 : i32
      %get3A_639 = arith.index_cast %get3A_638 : i32 to index
      %get3A_640 = arith.constant 32 : index
      %get3A_641 = tpu.vector_load %arg15[%get3A_639, %get3A_640] {strides = array<i32>} : memref<5x128xi32, #tpu.memory_space<vmem>>, vector<16xi32>,
      %gather3A_642 = tpu.vector_load_idx %arg12[%get3A_637] : memref<10000xf32, #tpu.memory_space<vmem>>[vector<16xi32>], vector<16xf32>,
      %gather3A_643 = tpu.vector_load_idx %arg13[%get3A_641] : memref<10000xf32, #tpu.memory_space<vmem>>[vector<16xi32>], vector<16xf32>,
      %add3A_644 = arith.addf %gather3A_642, %gather3A_643 : vector<16xf32>
      %get3A_645 = arith.constant 288 : index
      %get3A_646 = tpu.vector_load %arg19[%get3A_645] {strides = array<i32>} : memref<640xf32, #tpu.memory_space<vmem>>, vector<16xf32>,
      %add3A_647 = arith.addf %add3A_644, %get3A_646 : vector<16xf32>
      %neg3A_648 = arith.constant 0.000000e+00 : f32
      %neg3A_649 = vector.broadcast %neg3A_648 : f32 to vector<16xf32>
      %neg3A_650 = arith.subf %neg3A_649, %add3A_647 : vector<16xf32>
      %exp3A_651 = math.exp %neg3A_650 : vector<16xf32>
      %add3A_652 = arith.constant 1.000000e+00 : f32
      %add3A_653 = vector.broadcast %add3A_652 : f32 to vector<16xf32>
      %add3A_654 = arith.addf %add3A_653, %exp3A_651 : vector<16xf32>
      %div3A_655 = arith.constant 1.000000e+00 : f32
      %div3A_656 = vector.broadcast %div3A_655 : f32 to vector<16xf32>
      %div3A_657 = arith.divf %div3A_656, %add3A_654 : vector<16xf32>
      %swap3A_658 = arith.constant 288 : index
      %swap3A_659 = tpu.vector_load %arg20[%swap3A_658] {strides = array<i32>} : memref<640xf32, #tpu.memory_space<vmem>>, vector<16xf32>,
      tpu.vector_store %arg20[%swap3A_658], %div3A_657 {strides = array<i32>} : memref<640xf32, #tpu.memory_space<vmem>>, vector<16xf32>,
      %get3A_660 = arith.constant 2 : i32
      %get3A_661 = arith.index_cast %get3A_660 : i32 to index
      %get3A_662 = arith.constant 48 : index
      %get3A_663 = tpu.vector_load %arg14[%get3A_661, %get3A_662] {strides = array<i32>} : memref<5x128xi32, #tpu.memory_space<vmem>>, vector<16xi32>,
      %get3A_664 = arith.constant 2 : i32
      %get3A_665 = arith.index_cast %get3A_664 : i32 to index
      %get3A_666 = arith.constant 48 : index
      %get3A_667 = tpu.vector_load %arg15[%get3A_665, %get3A_666] {strides = array<i32>} : memref<5x128xi32, #tpu.memory_space<vmem>>, vector<16xi32>,
      %gather3A_668 = tpu.vector_load_idx %arg12[%get3A_663] : memref<10000xf32, #tpu.memory_space<vmem>>[vector<16xi32>], vector<16xf32>,
      %gather3A_669 = tpu.vector_load_idx %arg13[%get3A_667] : memref<10000xf32, #tpu.memory_space<vmem>>[vector<16xi32>], vector<16xf32>,
      %add3A_670 = arith.addf %gather3A_668, %gather3A_669 : vector<16xf32>
      %get3A_671 = arith.constant 304 : index
      %get3A_672 = tpu.vector_load %arg19[%get3A_671] {strides = array<i32>} : memref<640xf32, #tpu.memory_space<vmem>>, vector<16xf32>,
      %add3A_673 = arith.addf %add3A_670, %get3A_672 : vector<16xf32>
      %neg3A_674 = arith.constant 0.000000e+00 : f32
      %neg3A_675 = vector.broadcast %neg3A_674 : f32 to vector<16xf32>
      %neg3A_676 = arith.subf %neg3A_675, %add3A_673 : vector<16xf32>
      %exp3A_677 = math.exp %neg3A_676 : vector<16xf32>
      %add3A_678 = arith.constant 1.000000e+00 : f32
      %add3A_679 = vector.broadcast %add3A_678 : f32 to vector<16xf32>
      %add3A_680 = arith.addf %add3A_679, %exp3A_677 : vector<16xf32>
      %div3A_681 = arith.constant 1.000000e+00 : f32
      %div3A_682 = vector.broadcast %div3A_681 : f32 to vector<16xf32>
      %div3A_683 = arith.divf %div3A_682, %add3A_680 : vector<16xf32>
      %swap3A_684 = arith.constant 304 : index
      %swap3A_685 = tpu.vector_load %arg20[%swap3A_684] {strides = array<i32>} : memref<640xf32, #tpu.memory_space<vmem>>, vector<16xf32>,
      tpu.vector_store %arg20[%swap3A_684], %div3A_683 {strides = array<i32>} : memref<640xf32, #tpu.memory_space<vmem>>, vector<16xf32>,
      %get3A_686 = arith.constant 2 : i32
      %get3A_687 = arith.index_cast %get3A_686 : i32 to index
      %get3A_688 = arith.constant 64 : index
      %get3A_689 = tpu.vector_load %arg14[%get3A_687, %get3A_688] {strides = array<i32>} : memref<5x128xi32, #tpu.memory_space<vmem>>, vector<16xi32>,
      %get3A_690 = arith.constant 2 : i32
      %get3A_691 = arith.index_cast %get3A_690 : i32 to index
      %get3A_692 = arith.constant 64 : index
      %get3A_693 = tpu.vector_load %arg15[%get3A_691, %get3A_692] {strides = array<i32>} : memref<5x128xi32, #tpu.memory_space<vmem>>, vector<16xi32>,
      %gather3A_694 = tpu.vector_load_idx %arg12[%get3A_689] : memref<10000xf32, #tpu.memory_space<vmem>>[vector<16xi32>], vector<16xf32>,
      %gather3A_695 = tpu.vector_load_idx %arg13[%get3A_693] : memref<10000xf32, #tpu.memory_space<vmem>>[vector<16xi32>], vector<16xf32>,
      %add3A_696 = arith.addf %gather3A_694, %gather3A_695 : vector<16xf32>
      %get3A_697 = arith.constant 320 : index
      %get3A_698 = tpu.vector_load %arg19[%get3A_697] {strides = array<i32>} : memref<640xf32, #tpu.memory_space<vmem>>, vector<16xf32>,
      %add3A_699 = arith.addf %add3A_696, %get3A_698 : vector<16xf32>
      %neg3A_700 = arith.constant 0.000000e+00 : f32
      %neg3A_701 = vector.broadcast %neg3A_700 : f32 to vector<16xf32>
      %neg3A_702 = arith.subf %neg3A_701, %add3A_699 : vector<16xf32>
      %exp3A_703 = math.exp %neg3A_702 : vector<16xf32>
      %add3A_704 = arith.constant 1.000000e+00 : f32
      %add3A_705 = vector.broadcast %add3A_704 : f32 to vector<16xf32>
      %add3A_706 = arith.addf %add3A_705, %exp3A_703 : vector<16xf32>
      %div3A_707 = arith.constant 1.000000e+00 : f32
      %div3A_708 = vector.broadcast %div3A_707 : f32 to vector<16xf32>
      %div3A_709 = arith.divf %div3A_708, %add3A_706 : vector<16xf32>
      %swap3A_710 = arith.constant 320 : index
      %swap3A_711 = tpu.vector_load %arg20[%swap3A_710] {strides = array<i32>} : memref<640xf32, #tpu.memory_space<vmem>>, vector<16xf32>,
      tpu.vector_store %arg20[%swap3A_710], %div3A_709 {strides = array<i32>} : memref<640xf32, #tpu.memory_space<vmem>>, vector<16xf32>,
      %get3A_712 = arith.constant 2 : i32
      %get3A_713 = arith.index_cast %get3A_712 : i32 to index
      %get3A_714 = arith.constant 80 : index
      %get3A_715 = tpu.vector_load %arg14[%get3A_713, %get3A_714] {strides = array<i32>} : memref<5x128xi32, #tpu.memory_space<vmem>>, vector<16xi32>,
      %get3A_716 = arith.constant 2 : i32
      %get3A_717 = arith.index_cast %get3A_716 : i32 to index
      %get3A_718 = arith.constant 80 : index
      %get3A_719 = tpu.vector_load %arg15[%get3A_717, %get3A_718] {strides = array<i32>} : memref<5x128xi32, #tpu.memory_space<vmem>>, vector<16xi32>,
      %gather3A_720 = tpu.vector_load_idx %arg12[%get3A_715] : memref<10000xf32, #tpu.memory_space<vmem>>[vector<16xi32>], vector<16xf32>,
      %gather3A_721 = tpu.vector_load_idx %arg13[%get3A_719] : memref<10000xf32, #tpu.memory_space<vmem>>[vector<16xi32>], vector<16xf32>,
      %add3A_722 = arith.addf %gather3A_720, %gather3A_721 : vector<16xf32>
      %get3A_723 = arith.constant 336 : index
      %get3A_724 = tpu.vector_load %arg19[%get3A_723] {strides = array<i32>} : memref<640xf32, #tpu.memory_space<vmem>>, vector<16xf32>,
      %add3A_725 = arith.addf %add3A_722, %get3A_724 : vector<16xf32>
      %neg3A_726 = arith.constant 0.000000e+00 : f32
      %neg3A_727 = vector.broadcast %neg3A_726 : f32 to vector<16xf32>
      %neg3A_728 = arith.subf %neg3A_727, %add3A_725 : vector<16xf32>
      %exp3A_729 = math.exp %neg3A_728 : vector<16xf32>
      %add3A_730 = arith.constant 1.000000e+00 : f32
      %add3A_731 = vector.broadcast %add3A_730 : f32 to vector<16xf32>
      %add3A_732 = arith.addf %add3A_731, %exp3A_729 : vector<16xf32>
      %div3A_733 = arith.constant 1.000000e+00 : f32
      %div3A_734 = vector.broadcast %div3A_733 : f32 to vector<16xf32>
      %div3A_735 = arith.divf %div3A_734, %add3A_732 : vector<16xf32>
      %swap3A_736 = arith.constant 336 : index
      %swap3A_737 = tpu.vector_load %arg20[%swap3A_736] {strides = array<i32>} : memref<640xf32, #tpu.memory_space<vmem>>, vector<16xf32>,
      tpu.vector_store %arg20[%swap3A_736], %div3A_735 {strides = array<i32>} : memref<640xf32, #tpu.memory_space<vmem>>, vector<16xf32>,
      %get3A_738 = arith.constant 2 : i32
      %get3A_739 = arith.index_cast %get3A_738 : i32 to index
      %get3A_740 = arith.constant 96 : index
      %get3A_741 = tpu.vector_load %arg14[%get3A_739, %get3A_740] {strides = array<i32>} : memref<5x128xi32, #tpu.memory_space<vmem>>, vector<16xi32>,
      %get3A_742 = arith.constant 2 : i32
      %get3A_743 = arith.index_cast %get3A_742 : i32 to index
      %get3A_744 = arith.constant 96 : index
      %get3A_745 = tpu.vector_load %arg15[%get3A_743, %get3A_744] {strides = array<i32>} : memref<5x128xi32, #tpu.memory_space<vmem>>, vector<16xi32>,
      %gather3A_746 = tpu.vector_load_idx %arg12[%get3A_741] : memref<10000xf32, #tpu.memory_space<vmem>>[vector<16xi32>], vector<16xf32>,
      %gather3A_747 = tpu.vector_load_idx %arg13[%get3A_745] : memref<10000xf32, #tpu.memory_space<vmem>>[vector<16xi32>], vector<16xf32>,
      %add3A_748 = arith.addf %gather3A_746, %gather3A_747 : vector<16xf32>
      %get3A_749 = arith.constant 352 : index
      %get3A_750 = tpu.vector_load %arg19[%get3A_749] {strides = array<i32>} : memref<640xf32, #tpu.memory_space<vmem>>, vector<16xf32>,
      %add3A_751 = arith.addf %add3A_748, %get3A_750 : vector<16xf32>
      %neg3A_752 = arith.constant 0.000000e+00 : f32
      %neg3A_753 = vector.broadcast %neg3A_752 : f32 to vector<16xf32>
      %neg3A_754 = arith.subf %neg3A_753, %add3A_751 : vector<16xf32>
      %exp3A_755 = math.exp %neg3A_754 : vector<16xf32>
      %add3A_756 = arith.constant 1.000000e+00 : f32
      %add3A_757 = vector.broadcast %add3A_756 : f32 to vector<16xf32>
      %add3A_758 = arith.addf %add3A_757, %exp3A_755 : vector<16xf32>
      %div3A_759 = arith.constant 1.000000e+00 : f32
      %div3A_760 = vector.broadcast %div3A_759 : f32 to vector<16xf32>
      %div3A_761 = arith.divf %div3A_760, %add3A_758 : vector<16xf32>
      %swap3A_762 = arith.constant 352 : index
      %swap3A_763 = tpu.vector_load %arg20[%swap3A_762] {strides = array<i32>} : memref<640xf32, #tpu.memory_space<vmem>>, vector<16xf32>,
      tpu.vector_store %arg20[%swap3A_762], %div3A_761 {strides = array<i32>} : memref<640xf32, #tpu.memory_space<vmem>>, vector<16xf32>,
      %get3A_764 = arith.constant 2 : i32
      %get3A_765 = arith.index_cast %get3A_764 : i32 to index
      %get3A_766 = arith.constant 112 : index
      %get3A_767 = tpu.vector_load %arg14[%get3A_765, %get3A_766] {strides = array<i32>} : memref<5x128xi32, #tpu.memory_space<vmem>>, vector<16xi32>,
      %get3A_768 = arith.constant 2 : i32
      %get3A_769 = arith.index_cast %get3A_768 : i32 to index
      %get3A_770 = arith.constant 112 : index
      %get3A_771 = tpu.vector_load %arg15[%get3A_769, %get3A_770] {strides = array<i32>} : memref<5x128xi32, #tpu.memory_space<vmem>>, vector<16xi32>,
      %gather3A_772 = tpu.vector_load_idx %arg12[%get3A_767] : memref<10000xf32, #tpu.memory_space<vmem>>[vector<16xi32>], vector<16xf32>,
      %gather3A_773 = tpu.vector_load_idx %arg13[%get3A_771] : memref<10000xf32, #tpu.memory_space<vmem>>[vector<16xi32>], vector<16xf32>,
      %add3A_774 = arith.addf %gather3A_772, %gather3A_773 : vector<16xf32>
      %get3A_775 = arith.constant 368 : index
      %get3A_776 = tpu.vector_load %arg19[%get3A_775] {strides = array<i32>} : memref<640xf32, #tpu.memory_space<vmem>>, vector<16xf32>,
      %add3A_777 = arith.addf %add3A_774, %get3A_776 : vector<16xf32>
      %neg3A_778 = arith.constant 0.000000e+00 : f32
      %neg3A_779 = vector.broadcast %neg3A_778 : f32 to vector<16xf32>
      %neg3A_780 = arith.subf %neg3A_779, %add3A_777 : vector<16xf32>
      %exp3A_781 = math.exp %neg3A_780 : vector<16xf32>
      %add3A_782 = arith.constant 1.000000e+00 : f32
      %add3A_783 = vector.broadcast %add3A_782 : f32 to vector<16xf32>
      %add3A_784 = arith.addf %add3A_783, %exp3A_781 : vector<16xf32>
      %div3A_785 = arith.constant 1.000000e+00 : f32
      %div3A_786 = vector.broadcast %div3A_785 : f32 to vector<16xf32>
      %div3A_787 = arith.divf %div3A_786, %add3A_784 : vector<16xf32>
      %swap3A_788 = arith.constant 368 : index
      %swap3A_789 = tpu.vector_load %arg20[%swap3A_788] {strides = array<i32>} : memref<640xf32, #tpu.memory_space<vmem>>, vector<16xf32>,
      tpu.vector_store %arg20[%swap3A_788], %div3A_787 {strides = array<i32>} : memref<640xf32, #tpu.memory_space<vmem>>, vector<16xf32>,
      %get3A_790 = arith.constant 3 : i32
      %get3A_791 = arith.index_cast %get3A_790 : i32 to index
      %get3A_792 = arith.constant 0 : index
      %get3A_793 = tpu.vector_load %arg14[%get3A_791, %get3A_792] {strides = array<i32>} : memref<5x128xi32, #tpu.memory_space<vmem>>, vector<16xi32>,
      %get3A_794 = arith.constant 3 : i32
      %get3A_795 = arith.index_cast %get3A_794 : i32 to index
      %get3A_796 = arith.constant 0 : index
      %get3A_797 = tpu.vector_load %arg15[%get3A_795, %get3A_796] {strides = array<i32>} : memref<5x128xi32, #tpu.memory_space<vmem>>, vector<16xi32>,
      %gather3A_798 = tpu.vector_load_idx %arg12[%get3A_793] : memref<10000xf32, #tpu.memory_space<vmem>>[vector<16xi32>], vector<16xf32>,
      %gather3A_799 = tpu.vector_load_idx %arg13[%get3A_797] : memref<10000xf32, #tpu.memory_space<vmem>>[vector<16xi32>], vector<16xf32>,
      %add3A_800 = arith.addf %gather3A_798, %gather3A_799 : vector<16xf32>
      %get3A_801 = arith.constant 384 : index
      %get3A_802 = tpu.vector_load %arg19[%get3A_801] {strides = array<i32>} : memref<640xf32, #tpu.memory_space<vmem>>, vector<16xf32>,
      %add3A_803 = arith.addf %add3A_800, %get3A_802 : vector<16xf32>
      %neg3A_804 = arith.constant 0.000000e+00 : f32
      %neg3A_805 = vector.broadcast %neg3A_804 : f32 to vector<16xf32>
      %neg3A_806 = arith.subf %neg3A_805, %add3A_803 : vector<16xf32>
      %exp3A_807 = math.exp %neg3A_806 : vector<16xf32>
      %add3A_808 = arith.constant 1.000000e+00 : f32
      %add3A_809 = vector.broadcast %add3A_808 : f32 to vector<16xf32>
      %add3A_810 = arith.addf %add3A_809, %exp3A_807 : vector<16xf32>
      %div3A_811 = arith.constant 1.000000e+00 : f32
      %div3A_812 = vector.broadcast %div3A_811 : f32 to vector<16xf32>
      %div3A_813 = arith.divf %div3A_812, %add3A_810 : vector<16xf32>
      %swap3A_814 = arith.constant 384 : index
      %swap3A_815 = tpu.vector_load %arg20[%swap3A_814] {strides = array<i32>} : memref<640xf32, #tpu.memory_space<vmem>>, vector<16xf32>,
      tpu.vector_store %arg20[%swap3A_814], %div3A_813 {strides = array<i32>} : memref<640xf32, #tpu.memory_space<vmem>>, vector<16xf32>,
      %get3A_816 = arith.constant 3 : i32
      %get3A_817 = arith.index_cast %get3A_816 : i32 to index
      %get3A_818 = arith.constant 16 : index
      %get3A_819 = tpu.vector_load %arg14[%get3A_817, %get3A_818] {strides = array<i32>} : memref<5x128xi32, #tpu.memory_space<vmem>>, vector<16xi32>,
      %get3A_820 = arith.constant 3 : i32
      %get3A_821 = arith.index_cast %get3A_820 : i32 to index
      %get3A_822 = arith.constant 16 : index
      %get3A_823 = tpu.vector_load %arg15[%get3A_821, %get3A_822] {strides = array<i32>} : memref<5x128xi32, #tpu.memory_space<vmem>>, vector<16xi32>,
      %gather3A_824 = tpu.vector_load_idx %arg12[%get3A_819] : memref<10000xf32, #tpu.memory_space<vmem>>[vector<16xi32>], vector<16xf32>,
      %gather3A_825 = tpu.vector_load_idx %arg13[%get3A_823] : memref<10000xf32, #tpu.memory_space<vmem>>[vector<16xi32>], vector<16xf32>,
      %add3A_826 = arith.addf %gather3A_824, %gather3A_825 : vector<16xf32>
      %get3A_827 = arith.constant 400 : index
      %get3A_828 = tpu.vector_load %arg19[%get3A_827] {strides = array<i32>} : memref<640xf32, #tpu.memory_space<vmem>>, vector<16xf32>,
      %add3A_829 = arith.addf %add3A_826, %get3A_828 : vector<16xf32>
      %neg3A_830 = arith.constant 0.000000e+00 : f32
      %neg3A_831 = vector.broadcast %neg3A_830 : f32 to vector<16xf32>
      %neg3A_832 = arith.subf %neg3A_831, %add3A_829 : vector<16xf32>
      %exp3A_833 = math.exp %neg3A_832 : vector<16xf32>
      %add3A_834 = arith.constant 1.000000e+00 : f32
      %add3A_835 = vector.broadcast %add3A_834 : f32 to vector<16xf32>
      %add3A_836 = arith.addf %add3A_835, %exp3A_833 : vector<16xf32>
      %div3A_837 = arith.constant 1.000000e+00 : f32
      %div3A_838 = vector.broadcast %div3A_837 : f32 to vector<16xf32>
      %div3A_839 = arith.divf %div3A_838, %add3A_836 : vector<16xf32>
      %swap3A_840 = arith.constant 400 : index
      %swap3A_841 = tpu.vector_load %arg20[%swap3A_840] {strides = array<i32>} : memref<640xf32, #tpu.memory_space<vmem>>, vector<16xf32>,
      tpu.vector_store %arg20[%swap3A_840], %div3A_839 {strides = array<i32>} : memref<640xf32, #tpu.memory_space<vmem>>, vector<16xf32>,
      %get3A_842 = arith.constant 3 : i32
      %get3A_843 = arith.index_cast %get3A_842 : i32 to index
      %get3A_844 = arith.constant 32 : index
      %get3A_845 = tpu.vector_load %arg14[%get3A_843, %get3A_844] {strides = array<i32>} : memref<5x128xi32, #tpu.memory_space<vmem>>, vector<16xi32>,
      %get3A_846 = arith.constant 3 : i32
      %get3A_847 = arith.index_cast %get3A_846 : i32 to index
      %get3A_848 = arith.constant 32 : index
      %get3A_849 = tpu.vector_load %arg15[%get3A_847, %get3A_848] {strides = array<i32>} : memref<5x128xi32, #tpu.memory_space<vmem>>, vector<16xi32>,
      %gather3A_850 = tpu.vector_load_idx %arg12[%get3A_845] : memref<10000xf32, #tpu.memory_space<vmem>>[vector<16xi32>], vector<16xf32>,
      %gather3A_851 = tpu.vector_load_idx %arg13[%get3A_849] : memref<10000xf32, #tpu.memory_space<vmem>>[vector<16xi32>], vector<16xf32>,
      %add3A_852 = arith.addf %gather3A_850, %gather3A_851 : vector<16xf32>
      %get3A_853 = arith.constant 416 : index
      %get3A_854 = tpu.vector_load %arg19[%get3A_853] {strides = array<i32>} : memref<640xf32, #tpu.memory_space<vmem>>, vector<16xf32>,
      %add3A_855 = arith.addf %add3A_852, %get3A_854 : vector<16xf32>
      %neg3A_856 = arith.constant 0.000000e+00 : f32
      %neg3A_857 = vector.broadcast %neg3A_856 : f32 to vector<16xf32>
      %neg3A_858 = arith.subf %neg3A_857, %add3A_855 : vector<16xf32>
      %exp3A_859 = math.exp %neg3A_858 : vector<16xf32>
      %add3A_860 = arith.constant 1.000000e+00 : f32
      %add3A_861 = vector.broadcast %add3A_860 : f32 to vector<16xf32>
      %add3A_862 = arith.addf %add3A_861, %exp3A_859 : vector<16xf32>
      %div3A_863 = arith.constant 1.000000e+00 : f32
      %div3A_864 = vector.broadcast %div3A_863 : f32 to vector<16xf32>
      %div3A_865 = arith.divf %div3A_864, %add3A_862 : vector<16xf32>
      %swap3A_866 = arith.constant 416 : index
      %swap3A_867 = tpu.vector_load %arg20[%swap3A_866] {strides = array<i32>} : memref<640xf32, #tpu.memory_space<vmem>>, vector<16xf32>,
      tpu.vector_store %arg20[%swap3A_866], %div3A_865 {strides = array<i32>} : memref<640xf32, #tpu.memory_space<vmem>>, vector<16xf32>,
      %get3A_868 = arith.constant 3 : i32
      %get3A_869 = arith.index_cast %get3A_868 : i32 to index
      %get3A_870 = arith.constant 48 : index
      %get3A_871 = tpu.vector_load %arg14[%get3A_869, %get3A_870] {strides = array<i32>} : memref<5x128xi32, #tpu.memory_space<vmem>>, vector<16xi32>,
      %get3A_872 = arith.constant 3 : i32
      %get3A_873 = arith.index_cast %get3A_872 : i32 to index
      %get3A_874 = arith.constant 48 : index
      %get3A_875 = tpu.vector_load %arg15[%get3A_873, %get3A_874] {strides = array<i32>} : memref<5x128xi32, #tpu.memory_space<vmem>>, vector<16xi32>,
      %gather3A_876 = tpu.vector_load_idx %arg12[%get3A_871] : memref<10000xf32, #tpu.memory_space<vmem>>[vector<16xi32>], vector<16xf32>,
      %gather3A_877 = tpu.vector_load_idx %arg13[%get3A_875] : memref<10000xf32, #tpu.memory_space<vmem>>[vector<16xi32>], vector<16xf32>,
      %add3A_878 = arith.addf %gather3A_876, %gather3A_877 : vector<16xf32>
      %get3A_879 = arith.constant 432 : index
      %get3A_880 = tpu.vector_load %arg19[%get3A_879] {strides = array<i32>} : memref<640xf32, #tpu.memory_space<vmem>>, vector<16xf32>,
      %add3A_881 = arith.addf %add3A_878, %get3A_880 : vector<16xf32>
      %neg3A_882 = arith.constant 0.000000e+00 : f32
      %neg3A_883 = vector.broadcast %neg3A_882 : f32 to vector<16xf32>
      %neg3A_884 = arith.subf %neg3A_883, %add3A_881 : vector<16xf32>
      %exp3A_885 = math.exp %neg3A_884 : vector<16xf32>
      %add3A_886 = arith.constant 1.000000e+00 : f32
      %add3A_887 = vector.broadcast %add3A_886 : f32 to vector<16xf32>
      %add3A_888 = arith.addf %add3A_887, %exp3A_885 : vector<16xf32>
      %div3A_889 = arith.constant 1.000000e+00 : f32
      %div3A_890 = vector.broadcast %div3A_889 : f32 to vector<16xf32>
      %div3A_891 = arith.divf %div3A_890, %add3A_888 : vector<16xf32>
      %swap3A_892 = arith.constant 432 : index
      %swap3A_893 = tpu.vector_load %arg20[%swap3A_892] {strides = array<i32>} : memref<640xf32, #tpu.memory_space<vmem>>, vector<16xf32>,
      tpu.vector_store %arg20[%swap3A_892], %div3A_891 {strides = array<i32>} : memref<640xf32, #tpu.memory_space<vmem>>, vector<16xf32>,
      %get3A_894 = arith.constant 3 : i32
      %get3A_895 = arith.index_cast %get3A_894 : i32 to index
      %get3A_896 = arith.constant 64 : index
      %get3A_897 = tpu.vector_load %arg14[%get3A_895, %get3A_896] {strides = array<i32>} : memref<5x128xi32, #tpu.memory_space<vmem>>, vector<16xi32>,
      %get3A_898 = arith.constant 3 : i32
      %get3A_899 = arith.index_cast %get3A_898 : i32 to index
      %get3A_900 = arith.constant 64 : index
      %get3A_901 = tpu.vector_load %arg15[%get3A_899, %get3A_900] {strides = array<i32>} : memref<5x128xi32, #tpu.memory_space<vmem>>, vector<16xi32>,
      %gather3A_902 = tpu.vector_load_idx %arg12[%get3A_897] : memref<10000xf32, #tpu.memory_space<vmem>>[vector<16xi32>], vector<16xf32>,
      %gather3A_903 = tpu.vector_load_idx %arg13[%get3A_901] : memref<10000xf32, #tpu.memory_space<vmem>>[vector<16xi32>], vector<16xf32>,
      %add3A_904 = arith.addf %gather3A_902, %gather3A_903 : vector<16xf32>
      %get3A_905 = arith.constant 448 : index
      %get3A_906 = tpu.vector_load %arg19[%get3A_905] {strides = array<i32>} : memref<640xf32, #tpu.memory_space<vmem>>, vector<16xf32>,
      %add3A_907 = arith.addf %add3A_904, %get3A_906 : vector<16xf32>
      %neg3A_908 = arith.constant 0.000000e+00 : f32
      %neg3A_909 = vector.broadcast %neg3A_908 : f32 to vector<16xf32>
      %neg3A_910 = arith.subf %neg3A_909, %add3A_907 : vector<16xf32>
      %exp3A_911 = math.exp %neg3A_910 : vector<16xf32>
      %add3A_912 = arith.constant 1.000000e+00 : f32
      %add3A_913 = vector.broadcast %add3A_912 : f32 to vector<16xf32>
      %add3A_914 = arith.addf %add3A_913, %exp3A_911 : vector<16xf32>
      %div3A_915 = arith.constant 1.000000e+00 : f32
      %div3A_916 = vector.broadcast %div3A_915 : f32 to vector<16xf32>
      %div3A_917 = arith.divf %div3A_916, %add3A_914 : vector<16xf32>
      %swap3A_918 = arith.constant 448 : index
      %swap3A_919 = tpu.vector_load %arg20[%swap3A_918] {strides = array<i32>} : memref<640xf32, #tpu.memory_space<vmem>>, vector<16xf32>,
      tpu.vector_store %arg20[%swap3A_918], %div3A_917 {strides = array<i32>} : memref<640xf32, #tpu.memory_space<vmem>>, vector<16xf32>,
      %get3A_920 = arith.constant 3 : i32
      %get3A_921 = arith.index_cast %get3A_920 : i32 to index
      %get3A_922 = arith.constant 80 : index
      %get3A_923 = tpu.vector_load %arg14[%get3A_921, %get3A_922] {strides = array<i32>} : memref<5x128xi32, #tpu.memory_space<vmem>>, vector<16xi32>,
      %get3A_924 = arith.constant 3 : i32
      %get3A_925 = arith.index_cast %get3A_924 : i32 to index
      %get3A_926 = arith.constant 80 : index
      %get3A_927 = tpu.vector_load %arg15[%get3A_925, %get3A_926] {strides = array<i32>} : memref<5x128xi32, #tpu.memory_space<vmem>>, vector<16xi32>,
      %gather3A_928 = tpu.vector_load_idx %arg12[%get3A_923] : memref<10000xf32, #tpu.memory_space<vmem>>[vector<16xi32>], vector<16xf32>,
      %gather3A_929 = tpu.vector_load_idx %arg13[%get3A_927] : memref<10000xf32, #tpu.memory_space<vmem>>[vector<16xi32>], vector<16xf32>,
      %add3A_930 = arith.addf %gather3A_928, %gather3A_929 : vector<16xf32>
      %get3A_931 = arith.constant 464 : index
      %get3A_932 = tpu.vector_load %arg19[%get3A_931] {strides = array<i32>} : memref<640xf32, #tpu.memory_space<vmem>>, vector<16xf32>,
      %add3A_933 = arith.addf %add3A_930, %get3A_932 : vector<16xf32>
      %neg3A_934 = arith.constant 0.000000e+00 : f32
      %neg3A_935 = vector.broadcast %neg3A_934 : f32 to vector<16xf32>
      %neg3A_936 = arith.subf %neg3A_935, %add3A_933 : vector<16xf32>
      %exp3A_937 = math.exp %neg3A_936 : vector<16xf32>
      %add3A_938 = arith.constant 1.000000e+00 : f32
      %add3A_939 = vector.broadcast %add3A_938 : f32 to vector<16xf32>
      %add3A_940 = arith.addf %add3A_939, %exp3A_937 : vector<16xf32>
      %div3A_941 = arith.constant 1.000000e+00 : f32
      %div3A_942 = vector.broadcast %div3A_941 : f32 to vector<16xf32>
      %div3A_943 = arith.divf %div3A_942, %add3A_940 : vector<16xf32>
      %swap3A_944 = arith.constant 464 : index
      %swap3A_945 = tpu.vector_load %arg20[%swap3A_944] {strides = array<i32>} : memref<640xf32, #tpu.memory_space<vmem>>, vector<16xf32>,
      tpu.vector_store %arg20[%swap3A_944], %div3A_943 {strides = array<i32>} : memref<640xf32, #tpu.memory_space<vmem>>, vector<16xf32>,
      %get3A_946 = arith.constant 3 : i32
      %get3A_947 = arith.index_cast %get3A_946 : i32 to index
      %get3A_948 = arith.constant 96 : index
      %get3A_949 = tpu.vector_load %arg14[%get3A_947, %get3A_948] {strides = array<i32>} : memref<5x128xi32, #tpu.memory_space<vmem>>, vector<16xi32>,
      %get3A_950 = arith.constant 3 : i32
      %get3A_951 = arith.index_cast %get3A_950 : i32 to index
      %get3A_952 = arith.constant 96 : index
      %get3A_953 = tpu.vector_load %arg15[%get3A_951, %get3A_952] {strides = array<i32>} : memref<5x128xi32, #tpu.memory_space<vmem>>, vector<16xi32>,
      %gather3A_954 = tpu.vector_load_idx %arg12[%get3A_949] : memref<10000xf32, #tpu.memory_space<vmem>>[vector<16xi32>], vector<16xf32>,
      %gather3A_955 = tpu.vector_load_idx %arg13[%get3A_953] : memref<10000xf32, #tpu.memory_space<vmem>>[vector<16xi32>], vector<16xf32>,
      %add3A_956 = arith.addf %gather3A_954, %gather3A_955 : vector<16xf32>
      %get3A_957 = arith.constant 480 : index
      %get3A_958 = tpu.vector_load %arg19[%get3A_957] {strides = array<i32>} : memref<640xf32, #tpu.memory_space<vmem>>, vector<16xf32>,
      %add3A_959 = arith.addf %add3A_956, %get3A_958 : vector<16xf32>
      %neg3A_960 = arith.constant 0.000000e+00 : f32
      %neg3A_961 = vector.broadcast %neg3A_960 : f32 to vector<16xf32>
      %neg3A_962 = arith.subf %neg3A_961, %add3A_959 : vector<16xf32>
      %exp3A_963 = math.exp %neg3A_962 : vector<16xf32>
      %add3A_964 = arith.constant 1.000000e+00 : f32
      %add3A_965 = vector.broadcast %add3A_964 : f32 to vector<16xf32>
      %add3A_966 = arith.addf %add3A_965, %exp3A_963 : vector<16xf32>
      %div3A_967 = arith.constant 1.000000e+00 : f32
      %div3A_968 = vector.broadcast %div3A_967 : f32 to vector<16xf32>
      %div3A_969 = arith.divf %div3A_968, %add3A_966 : vector<16xf32>
      %swap3A_970 = arith.constant 480 : index
      %swap3A_971 = tpu.vector_load %arg20[%swap3A_970] {strides = array<i32>} : memref<640xf32, #tpu.memory_space<vmem>>, vector<16xf32>,
      tpu.vector_store %arg20[%swap3A_970], %div3A_969 {strides = array<i32>} : memref<640xf32, #tpu.memory_space<vmem>>, vector<16xf32>,
      %get3A_972 = arith.constant 3 : i32
      %get3A_973 = arith.index_cast %get3A_972 : i32 to index
      %get3A_974 = arith.constant 112 : index
      %get3A_975 = tpu.vector_load %arg14[%get3A_973, %get3A_974] {strides = array<i32>} : memref<5x128xi32, #tpu.memory_space<vmem>>, vector<16xi32>,
      %get3A_976 = arith.constant 3 : i32
      %get3A_977 = arith.index_cast %get3A_976 : i32 to index
      %get3A_978 = arith.constant 112 : index
      %get3A_979 = tpu.vector_load %arg15[%get3A_977, %get3A_978] {strides = array<i32>} : memref<5x128xi32, #tpu.memory_space<vmem>>, vector<16xi32>,
      %gather3A_980 = tpu.vector_load_idx %arg12[%get3A_975] : memref<10000xf32, #tpu.memory_space<vmem>>[vector<16xi32>], vector<16xf32>,
      %gather3A_981 = tpu.vector_load_idx %arg13[%get3A_979] : memref<10000xf32, #tpu.memory_space<vmem>>[vector<16xi32>], vector<16xf32>,
      %add3A_982 = arith.addf %gather3A_980, %gather3A_981 : vector<16xf32>
      %get3A_983 = arith.constant 496 : index
      %get3A_984 = tpu.vector_load %arg19[%get3A_983] {strides = array<i32>} : memref<640xf32, #tpu.memory_space<vmem>>, vector<16xf32>,
      %add3A_985 = arith.addf %add3A_982, %get3A_984 : vector<16xf32>
      %neg3A_986 = arith.constant 0.000000e+00 : f32
      %neg3A_987 = vector.broadcast %neg3A_986 : f32 to vector<16xf32>
      %neg3A_988 = arith.subf %neg3A_987, %add3A_985 : vector<16xf32>
      %exp3A_989 = math.exp %neg3A_988 : vector<16xf32>
      %add3A_990 = arith.constant 1.000000e+00 : f32
      %add3A_991 = vector.broadcast %add3A_990 : f32 to vector<16xf32>
      %add3A_992 = arith.addf %add3A_991, %exp3A_989 : vector<16xf32>
      %div3A_993 = arith.constant 1.000000e+00 : f32
      %div3A_994 = vector.broadcast %div3A_993 : f32 to vector<16xf32>
      %div3A_995 = arith.divf %div3A_994, %add3A_992 : vector<16xf32>
      %swap3A_996 = arith.constant 496 : index
      %swap3A_997 = tpu.vector_load %arg20[%swap3A_996] {strides = array<i32>} : memref<640xf32, #tpu.memory_space<vmem>>, vector<16xf32>,
      tpu.vector_store %arg20[%swap3A_996], %div3A_995 {strides = array<i32>} : memref<640xf32, #tpu.memory_space<vmem>>, vector<16xf32>,
      %get3A_998 = arith.constant 4 : i32
      %get3A_999 = arith.index_cast %get3A_998 : i32 to index
      %get3A_1000 = arith.constant 0 : index
      %get3A_1001 = tpu.vector_load %arg14[%get3A_999, %get3A_1000] {strides = array<i32>} : memref<5x128xi32, #tpu.memory_space<vmem>>, vector<16xi32>,
      %get3A_1002 = arith.constant 4 : i32
      %get3A_1003 = arith.index_cast %get3A_1002 : i32 to index
      %get3A_1004 = arith.constant 0 : index
      %get3A_1005 = tpu.vector_load %arg15[%get3A_1003, %get3A_1004] {strides = array<i32>} : memref<5x128xi32, #tpu.memory_space<vmem>>, vector<16xi32>,
      %gather3A_1006 = tpu.vector_load_idx %arg12[%get3A_1001] : memref<10000xf32, #tpu.memory_space<vmem>>[vector<16xi32>], vector<16xf32>,
      %gather3A_1007 = tpu.vector_load_idx %arg13[%get3A_1005] : memref<10000xf32, #tpu.memory_space<vmem>>[vector<16xi32>], vector<16xf32>,
      %add3A_1008 = arith.addf %gather3A_1006, %gather3A_1007 : vector<16xf32>
      %get3A_1009 = arith.constant 512 : index
      %get3A_1010 = tpu.vector_load %arg19[%get3A_1009] {strides = array<i32>} : memref<640xf32, #tpu.memory_space<vmem>>, vector<16xf32>,
      %add3A_1011 = arith.addf %add3A_1008, %get3A_1010 : vector<16xf32>
      %neg3A_1012 = arith.constant 0.000000e+00 : f32
      %neg3A_1013 = vector.broadcast %neg3A_1012 : f32 to vector<16xf32>
      %neg3A_1014 = arith.subf %neg3A_1013, %add3A_1011 : vector<16xf32>
      %exp3A_1015 = math.exp %neg3A_1014 : vector<16xf32>
      %add3A_1016 = arith.constant 1.000000e+00 : f32
      %add3A_1017 = vector.broadcast %add3A_1016 : f32 to vector<16xf32>
      %add3A_1018 = arith.addf %add3A_1017, %exp3A_1015 : vector<16xf32>
      %div3A_1019 = arith.constant 1.000000e+00 : f32
      %div3A_1020 = vector.broadcast %div3A_1019 : f32 to vector<16xf32>
      %div3A_1021 = arith.divf %div3A_1020, %add3A_1018 : vector<16xf32>
      %swap3A_1022 = arith.constant 512 : index
      %swap3A_1023 = tpu.vector_load %arg20[%swap3A_1022] {strides = array<i32>} : memref<640xf32, #tpu.memory_space<vmem>>, vector<16xf32>,
      tpu.vector_store %arg20[%swap3A_1022], %div3A_1021 {strides = array<i32>} : memref<640xf32, #tpu.memory_space<vmem>>, vector<16xf32>,
      %get3A_1024 = arith.constant 4 : i32
      %get3A_1025 = arith.index_cast %get3A_1024 : i32 to index
      %get3A_1026 = arith.constant 16 : index
      %get3A_1027 = tpu.vector_load %arg14[%get3A_1025, %get3A_1026] {strides = array<i32>} : memref<5x128xi32, #tpu.memory_space<vmem>>, vector<16xi32>,
      %get3A_1028 = arith.constant 4 : i32
      %get3A_1029 = arith.index_cast %get3A_1028 : i32 to index
      %get3A_1030 = arith.constant 16 : index
      %get3A_1031 = tpu.vector_load %arg15[%get3A_1029, %get3A_1030] {strides = array<i32>} : memref<5x128xi32, #tpu.memory_space<vmem>>, vector<16xi32>,
      %gather3A_1032 = tpu.vector_load_idx %arg12[%get3A_1027] : memref<10000xf32, #tpu.memory_space<vmem>>[vector<16xi32>], vector<16xf32>,
      %gather3A_1033 = tpu.vector_load_idx %arg13[%get3A_1031] : memref<10000xf32, #tpu.memory_space<vmem>>[vector<16xi32>], vector<16xf32>,
      %add3A_1034 = arith.addf %gather3A_1032, %gather3A_1033 : vector<16xf32>
      %get3A_1035 = arith.constant 528 : index
      %get3A_1036 = tpu.vector_load %arg19[%get3A_1035] {strides = array<i32>} : memref<640xf32, #tpu.memory_space<vmem>>, vector<16xf32>,
      %add3A_1037 = arith.addf %add3A_1034, %get3A_1036 : vector<16xf32>
      %neg3A_1038 = arith.constant 0.000000e+00 : f32
      %neg3A_1039 = vector.broadcast %neg3A_1038 : f32 to vector<16xf32>
      %neg3A_1040 = arith.subf %neg3A_1039, %add3A_1037 : vector<16xf32>
      %exp3A_1041 = math.exp %neg3A_1040 : vector<16xf32>
      %add3A_1042 = arith.constant 1.000000e+00 : f32
      %add3A_1043 = vector.broadcast %add3A_1042 : f32 to vector<16xf32>
      %add3A_1044 = arith.addf %add3A_1043, %exp3A_1041 : vector<16xf32>
      %div3A_1045 = arith.constant 1.000000e+00 : f32
      %div3A_1046 = vector.broadcast %div3A_1045 : f32 to vector<16xf32>
      %div3A_1047 = arith.divf %div3A_1046, %add3A_1044 : vector<16xf32>
      %swap3A_1048 = arith.constant 528 : index
      %swap3A_1049 = tpu.vector_load %arg20[%swap3A_1048] {strides = array<i32>} : memref<640xf32, #tpu.memory_space<vmem>>, vector<16xf32>,
      tpu.vector_store %arg20[%swap3A_1048], %div3A_1047 {strides = array<i32>} : memref<640xf32, #tpu.memory_space<vmem>>, vector<16xf32>,
      %get3A_1050 = arith.constant 4 : i32
      %get3A_1051 = arith.index_cast %get3A_1050 : i32 to index
      %get3A_1052 = arith.constant 32 : index
      %get3A_1053 = tpu.vector_load %arg14[%get3A_1051, %get3A_1052] {strides = array<i32>} : memref<5x128xi32, #tpu.memory_space<vmem>>, vector<16xi32>,
      %get3A_1054 = arith.constant 4 : i32
      %get3A_1055 = arith.index_cast %get3A_1054 : i32 to index
      %get3A_1056 = arith.constant 32 : index
      %get3A_1057 = tpu.vector_load %arg15[%get3A_1055, %get3A_1056] {strides = array<i32>} : memref<5x128xi32, #tpu.memory_space<vmem>>, vector<16xi32>,
      %gather3A_1058 = tpu.vector_load_idx %arg12[%get3A_1053] : memref<10000xf32, #tpu.memory_space<vmem>>[vector<16xi32>], vector<16xf32>,
      %gather3A_1059 = tpu.vector_load_idx %arg13[%get3A_1057] : memref<10000xf32, #tpu.memory_space<vmem>>[vector<16xi32>], vector<16xf32>,
      %add3A_1060 = arith.addf %gather3A_1058, %gather3A_1059 : vector<16xf32>
      %get3A_1061 = arith.constant 544 : index
      %get3A_1062 = tpu.vector_load %arg19[%get3A_1061] {strides = array<i32>} : memref<640xf32, #tpu.memory_space<vmem>>, vector<16xf32>,
      %add3A_1063 = arith.addf %add3A_1060, %get3A_1062 : vector<16xf32>
      %neg3A_1064 = arith.constant 0.000000e+00 : f32
      %neg3A_1065 = vector.broadcast %neg3A_1064 : f32 to vector<16xf32>
      %neg3A_1066 = arith.subf %neg3A_1065, %add3A_1063 : vector<16xf32>
      %exp3A_1067 = math.exp %neg3A_1066 : vector<16xf32>
      %add3A_1068 = arith.constant 1.000000e+00 : f32
      %add3A_1069 = vector.broadcast %add3A_1068 : f32 to vector<16xf32>
      %add3A_1070 = arith.addf %add3A_1069, %exp3A_1067 : vector<16xf32>
      %div3A_1071 = arith.constant 1.000000e+00 : f32
      %div3A_1072 = vector.broadcast %div3A_1071 : f32 to vector<16xf32>
      %div3A_1073 = arith.divf %div3A_1072, %add3A_1070 : vector<16xf32>
      %swap3A_1074 = arith.constant 544 : index
      %swap3A_1075 = tpu.vector_load %arg20[%swap3A_1074] {strides = array<i32>} : memref<640xf32, #tpu.memory_space<vmem>>, vector<16xf32>,
      tpu.vector_store %arg20[%swap3A_1074], %div3A_1073 {strides = array<i32>} : memref<640xf32, #tpu.memory_space<vmem>>, vector<16xf32>,
      %get3A_1076 = arith.constant 4 : i32
      %get3A_1077 = arith.index_cast %get3A_1076 : i32 to index
      %get3A_1078 = arith.constant 48 : index
      %get3A_1079 = tpu.vector_load %arg14[%get3A_1077, %get3A_1078] {strides = array<i32>} : memref<5x128xi32, #tpu.memory_space<vmem>>, vector<16xi32>,
      %get3A_1080 = arith.constant 4 : i32
      %get3A_1081 = arith.index_cast %get3A_1080 : i32 to index
      %get3A_1082 = arith.constant 48 : index
      %get3A_1083 = tpu.vector_load %arg15[%get3A_1081, %get3A_1082] {strides = array<i32>} : memref<5x128xi32, #tpu.memory_space<vmem>>, vector<16xi32>,
      %gather3A_1084 = tpu.vector_load_idx %arg12[%get3A_1079] : memref<10000xf32, #tpu.memory_space<vmem>>[vector<16xi32>], vector<16xf32>,
      %gather3A_1085 = tpu.vector_load_idx %arg13[%get3A_1083] : memref<10000xf32, #tpu.memory_space<vmem>>[vector<16xi32>], vector<16xf32>,
      %add3A_1086 = arith.addf %gather3A_1084, %gather3A_1085 : vector<16xf32>
      %get3A_1087 = arith.constant 560 : index
      %get3A_1088 = tpu.vector_load %arg19[%get3A_1087] {strides = array<i32>} : memref<640xf32, #tpu.memory_space<vmem>>, vector<16xf32>,
      %add3A_1089 = arith.addf %add3A_1086, %get3A_1088 : vector<16xf32>
      %neg3A_1090 = arith.constant 0.000000e+00 : f32
      %neg3A_1091 = vector.broadcast %neg3A_1090 : f32 to vector<16xf32>
      %neg3A_1092 = arith.subf %neg3A_1091, %add3A_1089 : vector<16xf32>
      %exp3A_1093 = math.exp %neg3A_1092 : vector<16xf32>
      %add3A_1094 = arith.constant 1.000000e+00 : f32
      %add3A_1095 = vector.broadcast %add3A_1094 : f32 to vector<16xf32>
      %add3A_1096 = arith.addf %add3A_1095, %exp3A_1093 : vector<16xf32>
      %div3A_1097 = arith.constant 1.000000e+00 : f32
      %div3A_1098 = vector.broadcast %div3A_1097 : f32 to vector<16xf32>
      %div3A_1099 = arith.divf %div3A_1098, %add3A_1096 : vector<16xf32>
      %swap3A_1100 = arith.constant 560 : index
      %swap3A_1101 = tpu.vector_load %arg20[%swap3A_1100] {strides = array<i32>} : memref<640xf32, #tpu.memory_space<vmem>>, vector<16xf32>,
      tpu.vector_store %arg20[%swap3A_1100], %div3A_1099 {strides = array<i32>} : memref<640xf32, #tpu.memory_space<vmem>>, vector<16xf32>,
      %get3A_1102 = arith.constant 4 : i32
      %get3A_1103 = arith.index_cast %get3A_1102 : i32 to index
      %get3A_1104 = arith.constant 64 : index
      %get3A_1105 = tpu.vector_load %arg14[%get3A_1103, %get3A_1104] {strides = array<i32>} : memref<5x128xi32, #tpu.memory_space<vmem>>, vector<16xi32>,
      %get3A_1106 = arith.constant 4 : i32
      %get3A_1107 = arith.index_cast %get3A_1106 : i32 to index
      %get3A_1108 = arith.constant 64 : index
      %get3A_1109 = tpu.vector_load %arg15[%get3A_1107, %get3A_1108] {strides = array<i32>} : memref<5x128xi32, #tpu.memory_space<vmem>>, vector<16xi32>,
      %gather3A_1110 = tpu.vector_load_idx %arg12[%get3A_1105] : memref<10000xf32, #tpu.memory_space<vmem>>[vector<16xi32>], vector<16xf32>,
      %gather3A_1111 = tpu.vector_load_idx %arg13[%get3A_1109] : memref<10000xf32, #tpu.memory_space<vmem>>[vector<16xi32>], vector<16xf32>,
      %add3A_1112 = arith.addf %gather3A_1110, %gather3A_1111 : vector<16xf32>
      %get3A_1113 = arith.constant 576 : index
      %get3A_1114 = tpu.vector_load %arg19[%get3A_1113] {strides = array<i32>} : memref<640xf32, #tpu.memory_space<vmem>>, vector<16xf32>,
      %add3A_1115 = arith.addf %add3A_1112, %get3A_1114 : vector<16xf32>
      %neg3A_1116 = arith.constant 0.000000e+00 : f32
      %neg3A_1117 = vector.broadcast %neg3A_1116 : f32 to vector<16xf32>
      %neg3A_1118 = arith.subf %neg3A_1117, %add3A_1115 : vector<16xf32>
      %exp3A_1119 = math.exp %neg3A_1118 : vector<16xf32>
      %add3A_1120 = arith.constant 1.000000e+00 : f32
      %add3A_1121 = vector.broadcast %add3A_1120 : f32 to vector<16xf32>
      %add3A_1122 = arith.addf %add3A_1121, %exp3A_1119 : vector<16xf32>
      %div3A_1123 = arith.constant 1.000000e+00 : f32
      %div3A_1124 = vector.broadcast %div3A_1123 : f32 to vector<16xf32>
      %div3A_1125 = arith.divf %div3A_1124, %add3A_1122 : vector<16xf32>
      %swap3A_1126 = arith.constant 576 : index
      %swap3A_1127 = tpu.vector_load %arg20[%swap3A_1126] {strides = array<i32>} : memref<640xf32, #tpu.memory_space<vmem>>, vector<16xf32>,
      tpu.vector_store %arg20[%swap3A_1126], %div3A_1125 {strides = array<i32>} : memref<640xf32, #tpu.memory_space<vmem>>, vector<16xf32>,
      %get3A_1128 = arith.constant 4 : i32
      %get3A_1129 = arith.index_cast %get3A_1128 : i32 to index
      %get3A_1130 = arith.constant 80 : index
      %get3A_1131 = tpu.vector_load %arg14[%get3A_1129, %get3A_1130] {strides = array<i32>} : memref<5x128xi32, #tpu.memory_space<vmem>>, vector<16xi32>,
      %get3A_1132 = arith.constant 4 : i32
      %get3A_1133 = arith.index_cast %get3A_1132 : i32 to index
      %get3A_1134 = arith.constant 80 : index
      %get3A_1135 = tpu.vector_load %arg15[%get3A_1133, %get3A_1134] {strides = array<i32>} : memref<5x128xi32, #tpu.memory_space<vmem>>, vector<16xi32>,
      %gather3A_1136 = tpu.vector_load_idx %arg12[%get3A_1131] : memref<10000xf32, #tpu.memory_space<vmem>>[vector<16xi32>], vector<16xf32>,
      %gather3A_1137 = tpu.vector_load_idx %arg13[%get3A_1135] : memref<10000xf32, #tpu.memory_space<vmem>>[vector<16xi32>], vector<16xf32>,
      %add3A_1138 = arith.addf %gather3A_1136, %gather3A_1137 : vector<16xf32>
      %get3A_1139 = arith.constant 592 : index
      %get3A_1140 = tpu.vector_load %arg19[%get3A_1139] {strides = array<i32>} : memref<640xf32, #tpu.memory_space<vmem>>, vector<16xf32>,
      %add3A_1141 = arith.addf %add3A_1138, %get3A_1140 : vector<16xf32>
      %neg3A_1142 = arith.constant 0.000000e+00 : f32
      %neg3A_1143 = vector.broadcast %neg3A_1142 : f32 to vector<16xf32>
      %neg3A_1144 = arith.subf %neg3A_1143, %add3A_1141 : vector<16xf32>
      %exp3A_1145 = math.exp %neg3A_1144 : vector<16xf32>
      %add3A_1146 = arith.constant 1.000000e+00 : f32
      %add3A_1147 = vector.broadcast %add3A_1146 : f32 to vector<16xf32>
      %add3A_1148 = arith.addf %add3A_1147, %exp3A_1145 : vector<16xf32>
      %div3A_1149 = arith.constant 1.000000e+00 : f32
      %div3A_1150 = vector.broadcast %div3A_1149 : f32 to vector<16xf32>
      %div3A_1151 = arith.divf %div3A_1150, %add3A_1148 : vector<16xf32>
      %swap3A_1152 = arith.constant 592 : index
      %swap3A_1153 = tpu.vector_load %arg20[%swap3A_1152] {strides = array<i32>} : memref<640xf32, #tpu.memory_space<vmem>>, vector<16xf32>,
      tpu.vector_store %arg20[%swap3A_1152], %div3A_1151 {strides = array<i32>} : memref<640xf32, #tpu.memory_space<vmem>>, vector<16xf32>,
      %get3A_1154 = arith.constant 4 : i32
      %get3A_1155 = arith.index_cast %get3A_1154 : i32 to index
      %get3A_1156 = arith.constant 96 : index
      %get3A_1157 = tpu.vector_load %arg14[%get3A_1155, %get3A_1156] {strides = array<i32>} : memref<5x128xi32, #tpu.memory_space<vmem>>, vector<16xi32>,
      %get3A_1158 = arith.constant 4 : i32
      %get3A_1159 = arith.index_cast %get3A_1158 : i32 to index
      %get3A_1160 = arith.constant 96 : index
      %get3A_1161 = tpu.vector_load %arg15[%get3A_1159, %get3A_1160] {strides = array<i32>} : memref<5x128xi32, #tpu.memory_space<vmem>>, vector<16xi32>,
      %gather3A_1162 = tpu.vector_load_idx %arg12[%get3A_1157] : memref<10000xf32, #tpu.memory_space<vmem>>[vector<16xi32>], vector<16xf32>,
      %gather3A_1163 = tpu.vector_load_idx %arg13[%get3A_1161] : memref<10000xf32, #tpu.memory_space<vmem>>[vector<16xi32>], vector<16xf32>,
      %add3A_1164 = arith.addf %gather3A_1162, %gather3A_1163 : vector<16xf32>
      %get3A_1165 = arith.constant 608 : index
      %get3A_1166 = tpu.vector_load %arg19[%get3A_1165] {strides = array<i32>} : memref<640xf32, #tpu.memory_space<vmem>>, vector<16xf32>,
      %add3A_1167 = arith.addf %add3A_1164, %get3A_1166 : vector<16xf32>
      %neg3A_1168 = arith.constant 0.000000e+00 : f32
      %neg3A_1169 = vector.broadcast %neg3A_1168 : f32 to vector<16xf32>
      %neg3A_1170 = arith.subf %neg3A_1169, %add3A_1167 : vector<16xf32>
      %exp3A_1171 = math.exp %neg3A_1170 : vector<16xf32>
      %add3A_1172 = arith.constant 1.000000e+00 : f32
      %add3A_1173 = vector.broadcast %add3A_1172 : f32 to vector<16xf32>
      %add3A_1174 = arith.addf %add3A_1173, %exp3A_1171 : vector<16xf32>
      %div3A_1175 = arith.constant 1.000000e+00 : f32
      %div3A_1176 = vector.broadcast %div3A_1175 : f32 to vector<16xf32>
      %div3A_1177 = arith.divf %div3A_1176, %add3A_1174 : vector<16xf32>
      %swap3A_1178 = arith.constant 608 : index
      %swap3A_1179 = tpu.vector_load %arg20[%swap3A_1178] {strides = array<i32>} : memref<640xf32, #tpu.memory_space<vmem>>, vector<16xf32>,
      tpu.vector_store %arg20[%swap3A_1178], %div3A_1177 {strides = array<i32>} : memref<640xf32, #tpu.memory_space<vmem>>, vector<16xf32>,
      %get3A_1180 = arith.constant 4 : i32
      %get3A_1181 = arith.index_cast %get3A_1180 : i32 to index
      %get3A_1182 = arith.constant 112 : index
      %get3A_1183 = tpu.vector_load %arg14[%get3A_1181, %get3A_1182] {strides = array<i32>} : memref<5x128xi32, #tpu.memory_space<vmem>>, vector<16xi32>,
      %get3A_1184 = arith.constant 4 : i32
      %get3A_1185 = arith.index_cast %get3A_1184 : i32 to index
      %get3A_1186 = arith.constant 112 : index
      %get3A_1187 = tpu.vector_load %arg15[%get3A_1185, %get3A_1186] {strides = array<i32>} : memref<5x128xi32, #tpu.memory_space<vmem>>, vector<16xi32>,
      %gather3A_1188 = tpu.vector_load_idx %arg12[%get3A_1183] : memref<10000xf32, #tpu.memory_space<vmem>>[vector<16xi32>], vector<16xf32>,
      %gather3A_1189 = tpu.vector_load_idx %arg13[%get3A_1187] : memref<10000xf32, #tpu.memory_space<vmem>>[vector<16xi32>], vector<16xf32>,
      %add3A_1190 = arith.addf %gather3A_1188, %gather3A_1189 : vector<16xf32>
      %get3A_1191 = arith.constant 624 : index
      %get3A_1192 = tpu.vector_load %arg19[%get3A_1191] {strides = array<i32>} : memref<640xf32, #tpu.memory_space<vmem>>, vector<16xf32>,
      %add3A_1193 = arith.addf %add3A_1190, %get3A_1192 : vector<16xf32>
      %neg3A_1194 = arith.constant 0.000000e+00 : f32
      %neg3A_1195 = vector.broadcast %neg3A_1194 : f32 to vector<16xf32>
      %neg3A_1196 = arith.subf %neg3A_1195, %add3A_1193 : vector<16xf32>
      %exp3A_1197 = math.exp %neg3A_1196 : vector<16xf32>
      %add3A_1198 = arith.constant 1.000000e+00 : f32
      %add3A_1199 = vector.broadcast %add3A_1198 : f32 to vector<16xf32>
      %add3A_1200 = arith.addf %add3A_1199, %exp3A_1197 : vector<16xf32>
      %div3A_1201 = arith.constant 1.000000e+00 : f32
      %div3A_1202 = vector.broadcast %div3A_1201 : f32 to vector<16xf32>
      %div3A_1203 = arith.divf %div3A_1202, %add3A_1200 : vector<16xf32>
      %swap3A_1204 = arith.constant 624 : index
      %swap3A_1205 = tpu.vector_load %arg20[%swap3A_1204] {strides = array<i32>} : memref<640xf32, #tpu.memory_space<vmem>>, vector<16xf32>,
      tpu.vector_store %arg20[%swap3A_1204], %div3A_1203 {strides = array<i32>} : memref<640xf32, #tpu.memory_space<vmem>>, vector<16xf32>,
      %dma_wait3A_1206 = arith.constant 0 : i32
      %dma_wait3A_1207 = arith.constant 0 : i32
      %dma_wait3A_1208 = arith.constant 0 : i32
      %dma_wait3A_1209 = tpu.memref_slice %arg16[%dma_wait3A_1207, %dma_wait3A_1208] : memref<640x16xf32, #tpu.memory_space<vmem>> -> memref<128x16xf32, #tpu.memory_space<vmem>>
      %dma_wait3A_1210 = arith.constant 0 : i32
      %dma_wait3A_1211 = tpu.memref_slice %arg14[%dma_wait3A_1206, %dma_wait3A_1210] : memref<5x128xi32, #tpu.memory_space<vmem>> -> memref<1x128xi32, #tpu.memory_space<vmem>>
      %dma_wait3A_1212 = tpu.memref_squeeze %dma_wait3A_1211 : memref<1x128xi32, #tpu.memory_space<vmem>> -> memref<128xi32, #tpu.memory_space<vmem>>
      %dma_wait3A_1213 = arith.constant 0 : i32
      %dma_wait3A_1214 = arith.constant 0 : i32
      %dma_wait3A_1215 = tpu.memref_slice %arg4[%dma_wait3A_1213, %dma_wait3A_1214] : memref<10000x16xf32, #tpu.memory_space<hbm>> -> memref<10000x16xf32, #tpu.memory_space<hbm>>
      tpu.wait_indirect_dma semaphore(%arg25 : memref<!tpu.dma_semaphore, #tpu.memory_space<semaphore_mem>>) src(%dma_wait3A_1215 : memref<10000x16xf32, #tpu.memory_space<hbm>>) dst(%dma_wait3A_1209 : memref<128x16xf32, #tpu.memory_space<vmem>>)
      %dma_wait3A_1216 = arith.constant 0 : i32
      %dma_wait3A_1217 = arith.constant 0 : i32
      %dma_wait3A_1218 = arith.constant 0 : i32
      %dma_wait3A_1219 = tpu.memref_slice %arg17[%dma_wait3A_1217, %dma_wait3A_1218] : memref<640x16xf32, #tpu.memory_space<vmem>> -> memref<128x16xf32, #tpu.memory_space<vmem>>
      %dma_wait3A_1220 = arith.constant 0 : i32
      %dma_wait3A_1221 = tpu.memref_slice %arg15[%dma_wait3A_1216, %dma_wait3A_1220] : memref<5x128xi32, #tpu.memory_space<vmem>> -> memref<1x128xi32, #tpu.memory_space<vmem>>
      %dma_wait3A_1222 = tpu.memref_squeeze %dma_wait3A_1221 : memref<1x128xi32, #tpu.memory_space<vmem>> -> memref<128xi32, #tpu.memory_space<vmem>>
      %dma_wait3A_1223 = arith.constant 0 : i32
      %dma_wait3A_1224 = arith.constant 0 : i32
      %dma_wait3A_1225 = tpu.memref_slice %arg5[%dma_wait3A_1223, %dma_wait3A_1224] : memref<10000x16xf32, #tpu.memory_space<hbm>> -> memref<10000x16xf32, #tpu.memory_space<hbm>>
      tpu.wait_indirect_dma semaphore(%arg25 : memref<!tpu.dma_semaphore, #tpu.memory_space<semaphore_mem>>) src(%dma_wait3A_1225 : memref<10000x16xf32, #tpu.memory_space<hbm>>) dst(%dma_wait3A_1219 : memref<128x16xf32, #tpu.memory_space<vmem>>)
      %dma_wait3A_1226 = arith.constant 1 : i32
      %dma_wait3A_1227 = arith.constant 128 : i32
      %dma_wait3A_1228 = arith.constant 0 : i32
      %dma_wait3A_1229 = tpu.memref_slice %arg16[%dma_wait3A_1227, %dma_wait3A_1228] : memref<640x16xf32, #tpu.memory_space<vmem>> -> memref<128x16xf32, #tpu.memory_space<vmem>>
      %dma_wait3A_1230 = arith.constant 0 : i32
      %dma_wait3A_1231 = tpu.memref_slice %arg14[%dma_wait3A_1226, %dma_wait3A_1230] : memref<5x128xi32, #tpu.memory_space<vmem>> -> memref<1x128xi32, #tpu.memory_space<vmem>>
      %dma_wait3A_1232 = tpu.memref_squeeze %dma_wait3A_1231 : memref<1x128xi32, #tpu.memory_space<vmem>> -> memref<128xi32, #tpu.memory_space<vmem>>
      %dma_wait3A_1233 = arith.constant 0 : i32
      %dma_wait3A_1234 = arith.constant 0 : i32
      %dma_wait3A_1235 = tpu.memref_slice %arg4[%dma_wait3A_1233, %dma_wait3A_1234] : memref<10000x16xf32, #tpu.memory_space<hbm>> -> memref<10000x16xf32, #tpu.memory_space<hbm>>
      tpu.wait_indirect_dma semaphore(%arg25 : memref<!tpu.dma_semaphore, #tpu.memory_space<semaphore_mem>>) src(%dma_wait3A_1235 : memref<10000x16xf32, #tpu.memory_space<hbm>>) dst(%dma_wait3A_1229 : memref<128x16xf32, #tpu.memory_space<vmem>>)
      %dma_wait3A_1236 = arith.constant 1 : i32
      %dma_wait3A_1237 = arith.constant 128 : i32
      %dma_wait3A_1238 = arith.constant 0 : i32
      %dma_wait3A_1239 = tpu.memref_slice %arg17[%dma_wait3A_1237, %dma_wait3A_1238] : memref<640x16xf32, #tpu.memory_space<vmem>> -> memref<128x16xf32, #tpu.memory_space<vmem>>
      %dma_wait3A_1240 = arith.constant 0 : i32
      %dma_wait3A_1241 = tpu.memref_slice %arg15[%dma_wait3A_1236, %dma_wait3A_1240] : memref<5x128xi32, #tpu.memory_space<vmem>> -> memref<1x128xi32, #tpu.memory_space<vmem>>
      %dma_wait3A_1242 = tpu.memref_squeeze %dma_wait3A_1241 : memref<1x128xi32, #tpu.memory_space<vmem>> -> memref<128xi32, #tpu.memory_space<vmem>>
      %dma_wait3A_1243 = arith.constant 0 : i32
      %dma_wait3A_1244 = arith.constant 0 : i32
      %dma_wait3A_1245 = tpu.memref_slice %arg5[%dma_wait3A_1243, %dma_wait3A_1244] : memref<10000x16xf32, #tpu.memory_space<hbm>> -> memref<10000x16xf32, #tpu.memory_space<hbm>>
      tpu.wait_indirect_dma semaphore(%arg25 : memref<!tpu.dma_semaphore, #tpu.memory_space<semaphore_mem>>) src(%dma_wait3A_1245 : memref<10000x16xf32, #tpu.memory_space<hbm>>) dst(%dma_wait3A_1239 : memref<128x16xf32, #tpu.memory_space<vmem>>)
      %dma_wait3A_1246 = arith.constant 2 : i32
      %dma_wait3A_1247 = arith.constant 256 : i32
      %dma_wait3A_1248 = arith.constant 0 : i32
      %dma_wait3A_1249 = tpu.memref_slice %arg16[%dma_wait3A_1247, %dma_wait3A_1248] : memref<640x16xf32, #tpu.memory_space<vmem>> -> memref<128x16xf32, #tpu.memory_space<vmem>>
      %dma_wait3A_1250 = arith.constant 0 : i32
      %dma_wait3A_1251 = tpu.memref_slice %arg14[%dma_wait3A_1246, %dma_wait3A_1250] : memref<5x128xi32, #tpu.memory_space<vmem>> -> memref<1x128xi32, #tpu.memory_space<vmem>>
      %dma_wait3A_1252 = tpu.memref_squeeze %dma_wait3A_1251 : memref<1x128xi32, #tpu.memory_space<vmem>> -> memref<128xi32, #tpu.memory_space<vmem>>
      %dma_wait3A_1253 = arith.constant 0 : i32
      %dma_wait3A_1254 = arith.constant 0 : i32
      %dma_wait3A_1255 = tpu.memref_slice %arg4[%dma_wait3A_1253, %dma_wait3A_1254] : memref<10000x16xf32, #tpu.memory_space<hbm>> -> memref<10000x16xf32, #tpu.memory_space<hbm>>
      tpu.wait_indirect_dma semaphore(%arg25 : memref<!tpu.dma_semaphore, #tpu.memory_space<semaphore_mem>>) src(%dma_wait3A_1255 : memref<10000x16xf32, #tpu.memory_space<hbm>>) dst(%dma_wait3A_1249 : memref<128x16xf32, #tpu.memory_space<vmem>>)
      %dma_wait3A_1256 = arith.constant 2 : i32
      %dma_wait3A_1257 = arith.constant 256 : i32
      %dma_wait3A_1258 = arith.constant 0 : i32
      %dma_wait3A_1259 = tpu.memref_slice %arg17[%dma_wait3A_1257, %dma_wait3A_1258] : memref<640x16xf32, #tpu.memory_space<vmem>> -> memref<128x16xf32, #tpu.memory_space<vmem>>
      %dma_wait3A_1260 = arith.constant 0 : i32
      %dma_wait3A_1261 = tpu.memref_slice %arg15[%dma_wait3A_1256, %dma_wait3A_1260] : memref<5x128xi32, #tpu.memory_space<vmem>> -> memref<1x128xi32, #tpu.memory_space<vmem>>
      %dma_wait3A_1262 = tpu.memref_squeeze %dma_wait3A_1261 : memref<1x128xi32, #tpu.memory_space<vmem>> -> memref<128xi32, #tpu.memory_space<vmem>>
      %dma_wait3A_1263 = arith.constant 0 : i32
      %dma_wait3A_1264 = arith.constant 0 : i32
      %dma_wait3A_1265 = tpu.memref_slice %arg5[%dma_wait3A_1263, %dma_wait3A_1264] : memref<10000x16xf32, #tpu.memory_space<hbm>> -> memref<10000x16xf32, #tpu.memory_space<hbm>>
      tpu.wait_indirect_dma semaphore(%arg25 : memref<!tpu.dma_semaphore, #tpu.memory_space<semaphore_mem>>) src(%dma_wait3A_1265 : memref<10000x16xf32, #tpu.memory_space<hbm>>) dst(%dma_wait3A_1259 : memref<128x16xf32, #tpu.memory_space<vmem>>)
      %dma_wait3A_1266 = arith.constant 3 : i32
      %dma_wait3A_1267 = arith.constant 384 : i32
      %dma_wait3A_1268 = arith.constant 0 : i32
      %dma_wait3A_1269 = tpu.memref_slice %arg16[%dma_wait3A_1267, %dma_wait3A_1268] : memref<640x16xf32, #tpu.memory_space<vmem>> -> memref<128x16xf32, #tpu.memory_space<vmem>>
      %dma_wait3A_1270 = arith.constant 0 : i32
      %dma_wait3A_1271 = tpu.memref_slice %arg14[%dma_wait3A_1266, %dma_wait3A_1270] : memref<5x128xi32, #tpu.memory_space<vmem>> -> memref<1x128xi32, #tpu.memory_space<vmem>>
      %dma_wait3A_1272 = tpu.memref_squeeze %dma_wait3A_1271 : memref<1x128xi32, #tpu.memory_space<vmem>> -> memref<128xi32, #tpu.memory_space<vmem>>
      %dma_wait3A_1273 = arith.constant 0 : i32
      %dma_wait3A_1274 = arith.constant 0 : i32
      %dma_wait3A_1275 = tpu.memref_slice %arg4[%dma_wait3A_1273, %dma_wait3A_1274] : memref<10000x16xf32, #tpu.memory_space<hbm>> -> memref<10000x16xf32, #tpu.memory_space<hbm>>
      tpu.wait_indirect_dma semaphore(%arg25 : memref<!tpu.dma_semaphore, #tpu.memory_space<semaphore_mem>>) src(%dma_wait3A_1275 : memref<10000x16xf32, #tpu.memory_space<hbm>>) dst(%dma_wait3A_1269 : memref<128x16xf32, #tpu.memory_space<vmem>>)
      %dma_wait3A_1276 = arith.constant 3 : i32
      %dma_wait3A_1277 = arith.constant 384 : i32
      %dma_wait3A_1278 = arith.constant 0 : i32
      %dma_wait3A_1279 = tpu.memref_slice %arg17[%dma_wait3A_1277, %dma_wait3A_1278] : memref<640x16xf32, #tpu.memory_space<vmem>> -> memref<128x16xf32, #tpu.memory_space<vmem>>
      %dma_wait3A_1280 = arith.constant 0 : i32
      %dma_wait3A_1281 = tpu.memref_slice %arg15[%dma_wait3A_1276, %dma_wait3A_1280] : memref<5x128xi32, #tpu.memory_space<vmem>> -> memref<1x128xi32, #tpu.memory_space<vmem>>
      %dma_wait3A_1282 = tpu.memref_squeeze %dma_wait3A_1281 : memref<1x128xi32, #tpu.memory_space<vmem>> -> memref<128xi32, #tpu.memory_space<vmem>>
      %dma_wait3A_1283 = arith.constant 0 : i32
      %dma_wait3A_1284 = arith.constant 0 : i32
      %dma_wait3A_1285 = tpu.memref_slice %arg5[%dma_wait3A_1283, %dma_wait3A_1284] : memref<10000x16xf32, #tpu.memory_space<hbm>> -> memref<10000x16xf32, #tpu.memory_space<hbm>>
      tpu.wait_indirect_dma semaphore(%arg25 : memref<!tpu.dma_semaphore, #tpu.memory_space<semaphore_mem>>) src(%dma_wait3A_1285 : memref<10000x16xf32, #tpu.memory_space<hbm>>) dst(%dma_wait3A_1279 : memref<128x16xf32, #tpu.memory_space<vmem>>)
      %dma_wait3A_1286 = arith.constant 4 : i32
      %dma_wait3A_1287 = arith.constant 512 : i32
      %dma_wait3A_1288 = arith.constant 0 : i32
      %dma_wait3A_1289 = tpu.memref_slice %arg16[%dma_wait3A_1287, %dma_wait3A_1288] : memref<640x16xf32, #tpu.memory_space<vmem>> -> memref<128x16xf32, #tpu.memory_space<vmem>>
      %dma_wait3A_1290 = arith.constant 0 : i32
      %dma_wait3A_1291 = tpu.memref_slice %arg14[%dma_wait3A_1286, %dma_wait3A_1290] : memref<5x128xi32, #tpu.memory_space<vmem>> -> memref<1x128xi32, #tpu.memory_space<vmem>>
      %dma_wait3A_1292 = tpu.memref_squeeze %dma_wait3A_1291 : memref<1x128xi32, #tpu.memory_space<vmem>> -> memref<128xi32, #tpu.memory_space<vmem>>
      %dma_wait3A_1293 = arith.constant 0 : i32
      %dma_wait3A_1294 = arith.constant 0 : i32
      %dma_wait3A_1295 = tpu.memref_slice %arg4[%dma_wait3A_1293, %dma_wait3A_1294] : memref<10000x16xf32, #tpu.memory_space<hbm>> -> memref<10000x16xf32, #tpu.memory_space<hbm>>
      tpu.wait_indirect_dma semaphore(%arg25 : memref<!tpu.dma_semaphore, #tpu.memory_space<semaphore_mem>>) src(%dma_wait3A_1295 : memref<10000x16xf32, #tpu.memory_space<hbm>>) dst(%dma_wait3A_1289 : memref<128x16xf32, #tpu.memory_space<vmem>>)
      %dma_wait3A_1296 = arith.constant 4 : i32
      %dma_wait3A_1297 = arith.constant 512 : i32
      %dma_wait3A_1298 = arith.constant 0 : i32
      %dma_wait3A_1299 = tpu.memref_slice %arg17[%dma_wait3A_1297, %dma_wait3A_1298] : memref<640x16xf32, #tpu.memory_space<vmem>> -> memref<128x16xf32, #tpu.memory_space<vmem>>
      %dma_wait3A_1300 = arith.constant 0 : i32
      %dma_wait3A_1301 = tpu.memref_slice %arg15[%dma_wait3A_1296, %dma_wait3A_1300] : memref<5x128xi32, #tpu.memory_space<vmem>> -> memref<1x128xi32, #tpu.memory_space<vmem>>
      %dma_wait3A_1302 = tpu.memref_squeeze %dma_wait3A_1301 : memref<1x128xi32, #tpu.memory_space<vmem>> -> memref<128xi32, #tpu.memory_space<vmem>>
      %dma_wait3A_1303 = arith.constant 0 : i32
      %dma_wait3A_1304 = arith.constant 0 : i32
      %dma_wait3A_1305 = tpu.memref_slice %arg5[%dma_wait3A_1303, %dma_wait3A_1304] : memref<10000x16xf32, #tpu.memory_space<hbm>> -> memref<10000x16xf32, #tpu.memory_space<hbm>>
      tpu.wait_indirect_dma semaphore(%arg25 : memref<!tpu.dma_semaphore, #tpu.memory_space<semaphore_mem>>) src(%dma_wait3A_1305 : memref<10000x16xf32, #tpu.memory_space<hbm>>) dst(%dma_wait3A_1299 : memref<128x16xf32, #tpu.memory_space<vmem>>)
      %scan3A_1306 = arith.constant 0 : i32
      %scan3A_1307 = arith.constant 0 : i32
      %scan3A_1308 = arith.constant 80 : i32
      %scan3A_1309 = arith.addi %scan3A_1307, %scan3A_1308 : i32
      %scan3A_1310 = arith.constant 1 : i32
      %scan3A_1311 = scf.for %scan3A_1336 = %scan3A_1307 to %scan3A_1309 step %scan3A_1310 iter_args(%scan3A_1337 = %scan3A_1306) -> (i32)  : i32 {
        %mul3A_1338 = arith.constant 8 : i32
        %mul3A_1339 = arith.muli %scan3A_1336, %mul3A_1338 : i32
        %add3A_1340 = arith.constant 0 : i32
        %add3A_1341 = arith.addi %mul3A_1339, %add3A_1340 : i32
        %get3A_1342 = arith.index_cast %add3A_1341 : i32 to index
        %get3A_1343 = arith.constant 0 : index
        %get3A_1344 = tpu.vector_load %arg16[%get3A_1342, %get3A_1343] {strides = array<i32>} : memref<640x16xf32, #tpu.memory_space<vmem>>, vector<16xf32>,
        %get3A_1345 = arith.index_cast %add3A_1341 : i32 to index
        %get3A_1346 = arith.constant 0 : index
        %get3A_1347 = tpu.vector_load %arg17[%get3A_1345, %get3A_1346] {strides = array<i32>} : memref<640x16xf32, #tpu.memory_space<vmem>>, vector<16xf32>,
        %add3A_1348 = arith.addf %get3A_1344, %get3A_1347 : vector<16xf32>
        %get3A_1349 = arith.index_cast %scan3A_1336 : i32 to index
        %get3A_1350 = arith.constant 0 : index
        %get3A_1351 = tpu.vector_load %arg18[%get3A_1349, %get3A_1350] {strides = array<i32>} : memref<80x128xf32, #tpu.memory_space<vmem>>, vector<16xf32>,
        %add3A_1352 = arith.addf %add3A_1348, %get3A_1351 : vector<16xf32>
        %max3A = arith.constant 0.000000e+00 : f32
        %max3A_1353 = vector.broadcast %max3A : f32 to vector<16xf32>
        %max3A_1354 = arith.maximumf %add3A_1352, %max3A_1353 : vector<16xf32>
        %jit3A_1355 = arith.constant 8 : i32
        %div3A_1356 = vector.broadcast %jit3A_1355 : i32 to vector<16xi32>
        %div3A_1357 = arith.divsi %iota3A, %div3A_1356 : vector<16xi32>
        %sign3A_1358 = arith.constant 0 : i32
        %sign3A_1359 = vector.broadcast %sign3A_1358 : i32 to vector<16xi32>
        %sign3A_1360 = arith.cmpi sgt, %iota3A, %sign3A_1359 : vector<16xi32>
        %sign3A_1361 = arith.extui %sign3A_1360 : vector<16xi1> to vector<16xi32>
        %sign3A_1362 = arith.constant 0 : i32
        %sign3A_1363 = vector.broadcast %sign3A_1362 : i32 to vector<16xi32>
        %sign3A_1364 = arith.cmpi slt, %iota3A, %sign3A_1363 : vector<16xi32>
        %sign3A_1365 = arith.extui %sign3A_1364 : vector<16xi1> to vector<16xi32>
        %sign3A_1366 = arith.subi %sign3A_1361, %sign3A_1365 : vector<16xi32>
        %sign3A_1367 = arith.constant 0 : i32
        %sign3A_1368 = arith.cmpi sgt, %jit3A_1355, %sign3A_1367 : i32
        %sign3A_1369 = arith.extui %sign3A_1368 : i1 to i32
        %sign3A_1370 = arith.constant 0 : i32
        %sign3A_1371 = arith.cmpi slt, %jit3A_1355, %sign3A_1370 : i32
        %sign3A_1372 = arith.extui %sign3A_1371 : i1 to i32
        %sign3A_1373 = arith.subi %sign3A_1369, %sign3A_1372 : i32
        %ne3A_1374 = vector.broadcast %sign3A_1373 : i32 to vector<16xi32>
        %ne3A_1375 = arith.cmpi ne, %sign3A_1366, %ne3A_1374 : vector<16xi32>
        %rem3A_1376 = vector.broadcast %jit3A_1355 : i32 to vector<16xi32>
        %rem3A_1377 = arith.remsi %iota3A, %rem3A_1376 : vector<16xi32>
        %ne3A_1378 = arith.constant 0 : i32
        %ne3A_1379 = vector.broadcast %ne3A_1378 : i32 to vector<16xi32>
        %ne3A_1380 = arith.cmpi ne, %rem3A_1377, %ne3A_1379 : vector<16xi32>
        %and3A_1381 = arith.andi %ne3A_1375, %ne3A_1380 : vector<16xi1>
        %sub3A_1382 = arith.constant 1 : i32
        %sub3A_1383 = vector.broadcast %sub3A_1382 : i32 to vector<16xi32>
        %sub3A_1384 = arith.subi %div3A_1357, %sub3A_1383 : vector<16xi32>
        %select_n3A_1385 = arith.select %and3A_1381, %sub3A_1384, %div3A_1357 : vector<16xi1>, vector<16xi32>
        %jit3A_1386 = arith.constant 128 : i32
        %div3A_1387 = arith.divsi %add3A_1341, %jit3A_1386 : i32
        %sign3A_1388 = arith.constant 0 : i32
        %sign3A_1389 = arith.cmpi sgt, %add3A_1341, %sign3A_1388 : i32
        %sign3A_1390 = arith.extui %sign3A_1389 : i1 to i32
        %sign3A_1391 = arith.constant 0 : i32
        %sign3A_1392 = arith.cmpi slt, %add3A_1341, %sign3A_1391 : i32
        %sign3A_1393 = arith.extui %sign3A_1392 : i1 to i32
        %sign3A_1394 = arith.subi %sign3A_1390, %sign3A_1393 : i32
        %sign3A_1395 = arith.constant 0 : i32
        %sign3A_1396 = arith.cmpi sgt, %jit3A_1386, %sign3A_1395 : i32
        %sign3A_1397 = arith.extui %sign3A_1396 : i1 to i32
        %sign3A_1398 = arith.constant 0 : i32
        %sign3A_1399 = arith.cmpi slt, %jit3A_1386, %sign3A_1398 : i32
        %sign3A_1400 = arith.extui %sign3A_1399 : i1 to i32
        %sign3A_1401 = arith.subi %sign3A_1397, %sign3A_1400 : i32
        %ne3A_1402 = arith.cmpi ne, %sign3A_1394, %sign3A_1401 : i32
        %rem3A_1403 = arith.remsi %add3A_1341, %jit3A_1386 : i32
        %ne3A_1404 = arith.constant 0 : i32
        %ne3A_1405 = arith.cmpi ne, %rem3A_1403, %ne3A_1404 : i32
        %and3A_1406 = arith.andi %ne3A_1402, %ne3A_1405 : i1
        %sub3A_1407 = arith.constant 1 : i32
        %sub3A_1408 = arith.subi %div3A_1387, %sub3A_1407 : i32
        %select_n3A_1409 = arith.select %and3A_1406, %sub3A_1408, %div3A_1387 : i32
        %broadcast_in_dim3A = vector.broadcast %select_n3A_1409 : i32 to vector<16xi32>
        %jit3A_1410 = arith.constant 8 : i32
        %eq3A = arith.constant 0 : i32
        %eq3A_1411 = arith.cmpi eq, %jit3A_1410, %eq3A : i32
        %jit3A_1412 = arith.constant 1 : i32
        %select_n3A_1413 = arith.select %eq3A_1411, %jit3A_1412, %jit3A_1410 : i32
        %rem3A_1414 = vector.broadcast %select_n3A_1413 : i32 to vector<16xi32>
        %rem3A_1415 = arith.remsi %iota3A, %rem3A_1414 : vector<16xi32>
        %ne3A_1416 = arith.constant 0 : i32
        %ne3A_1417 = vector.broadcast %ne3A_1416 : i32 to vector<16xi32>
        %ne3A_1418 = arith.cmpi ne, %rem3A_1415, %ne3A_1417 : vector<16xi32>
        %lt3A = arith.constant 0 : i32
        %lt3A_1419 = vector.broadcast %lt3A : i32 to vector<16xi32>
        %lt3A_1420 = arith.cmpi slt, %rem3A_1415, %lt3A_1419 : vector<16xi32>
        %lt3A_1421 = arith.constant 0 : i32
        %lt3A_1422 = arith.cmpi slt, %select_n3A_1413, %lt3A_1421 : i32
        %ne3A_1423 = vector.broadcast %lt3A_1422 : i1 to vector<16xi1>
        %ne3A_1424 = vector.broadcast %ne3A_1423 : vector<16xi1> to vector<16xi1>
        %ne3A_1425 = arith.xori %lt3A_1420, %ne3A_1424 : vector<16xi1>
        %and3A_1426 = arith.andi %ne3A_1425, %ne3A_1418 : vector<16xi1>
        %add3A_1427 = vector.broadcast %select_n3A_1413 : i32 to vector<16xi32>
        %add3A_1428 = arith.addi %rem3A_1415, %add3A_1427 : vector<16xi32>
        %select_n3A_1429 = arith.select %and3A_1426, %add3A_1428, %rem3A_1415 : vector<16xi1>, vector<16xi32>
        %jit3A_1430 = arith.constant 128 : i32
        %eq3A_1431 = arith.constant 0 : i32
        %eq3A_1432 = arith.cmpi eq, %jit3A_1430, %eq3A_1431 : i32
        %jit3A_1433 = arith.constant 1 : i32
        %select_n3A_1434 = arith.select %eq3A_1432, %jit3A_1433, %jit3A_1430 : i32
        %rem3A_1435 = arith.remsi %add3A_1341, %select_n3A_1434 : i32
        %ne3A_1436 = arith.constant 0 : i32
        %ne3A_1437 = arith.cmpi ne, %rem3A_1435, %ne3A_1436 : i32
        %lt3A_1438 = arith.constant 0 : i32
        %lt3A_1439 = arith.cmpi slt, %rem3A_1435, %lt3A_1438 : i32
        %lt3A_1440 = arith.constant 0 : i32
        %lt3A_1441 = arith.cmpi slt, %select_n3A_1434, %lt3A_1440 : i32
        %ne3A_1442 = arith.xori %lt3A_1439, %lt3A_1441 : i1
        %and3A_1443 = arith.andi %ne3A_1442, %ne3A_1437 : i1
        %add3A_1444 = arith.addi %rem3A_1435, %select_n3A_1434 : i32
        %select_n3A_1445 = arith.select %and3A_1443, %add3A_1444, %rem3A_1435 : i32
        %broadcast_in_dim3A_1446 = vector.broadcast %select_n3A_1445 : i32 to vector<16xi32>
        tpu.vector_store_idx %arg21[%select_n3A_1385, %broadcast_in_dim3A, %select_n3A_1429, %broadcast_in_dim3A_1446], %max3A_1354 : memref<2x5x8x128xf32, #tpu.memory_space<vmem>>[vector<16xi32>, vector<16xi32>, vector<16xi32>, vector<16xi32>], vector<16xf32>,
        %broadcast_in_dim3A_1447 = vector.broadcast %add3A_1341 : i32 to vector<16xi32>
        %gather3A_1448 = tpu.vector_load_idx %arg20[%broadcast_in_dim3A_1447] : memref<640xf32, #tpu.memory_space<vmem>>[vector<16xi32>], vector<16xf32>,
        %mul3A_1449 = arith.mulf %max3A_1354, %gather3A_1448 : vector<16xf32>
        %swap3A_1450 = arith.index_cast %add3A_1341 : i32 to index
        %swap3A_1451 = arith.constant 0 : index
        %swap3A_1452 = tpu.vector_load %arg22[%swap3A_1450, %swap3A_1451] {strides = array<i32>} : memref<640x16xf32, #tpu.memory_space<vmem>>, vector<16xf32>,
        tpu.vector_store %arg22[%swap3A_1450, %swap3A_1451], %mul3A_1449 {strides = array<i32>} : memref<640x16xf32, #tpu.memory_space<vmem>>, vector<16xf32>,
        %mul3A_1453 = arith.constant 8 : i32
        %mul3A_1454 = arith.muli %scan3A_1336, %mul3A_1453 : i32
        %add3A_1455 = arith.constant 1 : i32
        %add3A_1456 = arith.addi %mul3A_1454, %add3A_1455 : i32
        %get3A_1457 = arith.index_cast %add3A_1456 : i32 to index
        %get3A_1458 = arith.constant 0 : index
        %get3A_1459 = tpu.vector_load %arg16[%get3A_1457, %get3A_1458] {strides = array<i32>} : memref<640x16xf32, #tpu.memory_space<vmem>>, vector<16xf32>,
        %get3A_1460 = arith.index_cast %add3A_1456 : i32 to index
        %get3A_1461 = arith.constant 0 : index
        %get3A_1462 = tpu.vector_load %arg17[%get3A_1460, %get3A_1461] {strides = array<i32>} : memref<640x16xf32, #tpu.memory_space<vmem>>, vector<16xf32>,
        %add3A_1463 = arith.addf %get3A_1459, %get3A_1462 : vector<16xf32>
        %get3A_1464 = arith.index_cast %scan3A_1336 : i32 to index
        %get3A_1465 = arith.constant 16 : index
        %get3A_1466 = tpu.vector_load %arg18[%get3A_1464, %get3A_1465] {strides = array<i32>} : memref<80x128xf32, #tpu.memory_space<vmem>>, vector<16xf32>,
        %add3A_1467 = arith.addf %add3A_1463, %get3A_1466 : vector<16xf32>
        %max3A_1468 = arith.constant 0.000000e+00 : f32
        %max3A_1469 = vector.broadcast %max3A_1468 : f32 to vector<16xf32>
        %max3A_1470 = arith.maximumf %add3A_1467, %max3A_1469 : vector<16xf32>
        %jit3A_1471 = arith.constant 8 : i32
        %div3A_1472 = vector.broadcast %jit3A_1471 : i32 to vector<16xi32>
        %div3A_1473 = arith.divsi %iota3A, %div3A_1472 : vector<16xi32>
        %sign3A_1474 = arith.constant 0 : i32
        %sign3A_1475 = vector.broadcast %sign3A_1474 : i32 to vector<16xi32>
        %sign3A_1476 = arith.cmpi sgt, %iota3A, %sign3A_1475 : vector<16xi32>
        %sign3A_1477 = arith.extui %sign3A_1476 : vector<16xi1> to vector<16xi32>
        %sign3A_1478 = arith.constant 0 : i32
        %sign3A_1479 = vector.broadcast %sign3A_1478 : i32 to vector<16xi32>
        %sign3A_1480 = arith.cmpi slt, %iota3A, %sign3A_1479 : vector<16xi32>
        %sign3A_1481 = arith.extui %sign3A_1480 : vector<16xi1> to vector<16xi32>
        %sign3A_1482 = arith.subi %sign3A_1477, %sign3A_1481 : vector<16xi32>
        %sign3A_1483 = arith.constant 0 : i32
        %sign3A_1484 = arith.cmpi sgt, %jit3A_1471, %sign3A_1483 : i32
        %sign3A_1485 = arith.extui %sign3A_1484 : i1 to i32
        %sign3A_1486 = arith.constant 0 : i32
        %sign3A_1487 = arith.cmpi slt, %jit3A_1471, %sign3A_1486 : i32
        %sign3A_1488 = arith.extui %sign3A_1487 : i1 to i32
        %sign3A_1489 = arith.subi %sign3A_1485, %sign3A_1488 : i32
        %ne3A_1490 = vector.broadcast %sign3A_1489 : i32 to vector<16xi32>
        %ne3A_1491 = arith.cmpi ne, %sign3A_1482, %ne3A_1490 : vector<16xi32>
        %rem3A_1492 = vector.broadcast %jit3A_1471 : i32 to vector<16xi32>
        %rem3A_1493 = arith.remsi %iota3A, %rem3A_1492 : vector<16xi32>
        %ne3A_1494 = arith.constant 0 : i32
        %ne3A_1495 = vector.broadcast %ne3A_1494 : i32 to vector<16xi32>
        %ne3A_1496 = arith.cmpi ne, %rem3A_1493, %ne3A_1495 : vector<16xi32>
        %and3A_1497 = arith.andi %ne3A_1491, %ne3A_1496 : vector<16xi1>
        %sub3A_1498 = arith.constant 1 : i32
        %sub3A_1499 = vector.broadcast %sub3A_1498 : i32 to vector<16xi32>
        %sub3A_1500 = arith.subi %div3A_1473, %sub3A_1499 : vector<16xi32>
        %select_n3A_1501 = arith.select %and3A_1497, %sub3A_1500, %div3A_1473 : vector<16xi1>, vector<16xi32>
        %jit3A_1502 = arith.constant 128 : i32
        %div3A_1503 = arith.divsi %add3A_1456, %jit3A_1502 : i32
        %sign3A_1504 = arith.constant 0 : i32
        %sign3A_1505 = arith.cmpi sgt, %add3A_1456, %sign3A_1504 : i32
        %sign3A_1506 = arith.extui %sign3A_1505 : i1 to i32
        %sign3A_1507 = arith.constant 0 : i32
        %sign3A_1508 = arith.cmpi slt, %add3A_1456, %sign3A_1507 : i32
        %sign3A_1509 = arith.extui %sign3A_1508 : i1 to i32
        %sign3A_1510 = arith.subi %sign3A_1506, %sign3A_1509 : i32
        %sign3A_1511 = arith.constant 0 : i32
        %sign3A_1512 = arith.cmpi sgt, %jit3A_1502, %sign3A_1511 : i32
        %sign3A_1513 = arith.extui %sign3A_1512 : i1 to i32
        %sign3A_1514 = arith.constant 0 : i32
        %sign3A_1515 = arith.cmpi slt, %jit3A_1502, %sign3A_1514 : i32
        %sign3A_1516 = arith.extui %sign3A_1515 : i1 to i32
        %sign3A_1517 = arith.subi %sign3A_1513, %sign3A_1516 : i32
        %ne3A_1518 = arith.cmpi ne, %sign3A_1510, %sign3A_1517 : i32
        %rem3A_1519 = arith.remsi %add3A_1456, %jit3A_1502 : i32
        %ne3A_1520 = arith.constant 0 : i32
        %ne3A_1521 = arith.cmpi ne, %rem3A_1519, %ne3A_1520 : i32
        %and3A_1522 = arith.andi %ne3A_1518, %ne3A_1521 : i1
        %sub3A_1523 = arith.constant 1 : i32
        %sub3A_1524 = arith.subi %div3A_1503, %sub3A_1523 : i32
        %select_n3A_1525 = arith.select %and3A_1522, %sub3A_1524, %div3A_1503 : i32
        %broadcast_in_dim3A_1526 = vector.broadcast %select_n3A_1525 : i32 to vector<16xi32>
        %jit3A_1527 = arith.constant 8 : i32
        %eq3A_1528 = arith.constant 0 : i32
        %eq3A_1529 = arith.cmpi eq, %jit3A_1527, %eq3A_1528 : i32
        %jit3A_1530 = arith.constant 1 : i32
        %select_n3A_1531 = arith.select %eq3A_1529, %jit3A_1530, %jit3A_1527 : i32
        %rem3A_1532 = vector.broadcast %select_n3A_1531 : i32 to vector<16xi32>
        %rem3A_1533 = arith.remsi %iota3A, %rem3A_1532 : vector<16xi32>
        %ne3A_1534 = arith.constant 0 : i32
        %ne3A_1535 = vector.broadcast %ne3A_1534 : i32 to vector<16xi32>
        %ne3A_1536 = arith.cmpi ne, %rem3A_1533, %ne3A_1535 : vector<16xi32>
        %lt3A_1537 = arith.constant 0 : i32
        %lt3A_1538 = vector.broadcast %lt3A_1537 : i32 to vector<16xi32>
        %lt3A_1539 = arith.cmpi slt, %rem3A_1533, %lt3A_1538 : vector<16xi32>
        %lt3A_1540 = arith.constant 0 : i32
        %lt3A_1541 = arith.cmpi slt, %select_n3A_1531, %lt3A_1540 : i32
        %ne3A_1542 = vector.broadcast %lt3A_1541 : i1 to vector<16xi1>
        %ne3A_1543 = vector.broadcast %ne3A_1542 : vector<16xi1> to vector<16xi1>
        %ne3A_1544 = arith.xori %lt3A_1539, %ne3A_1543 : vector<16xi1>
        %and3A_1545 = arith.andi %ne3A_1544, %ne3A_1536 : vector<16xi1>
        %add3A_1546 = vector.broadcast %select_n3A_1531 : i32 to vector<16xi32>
        %add3A_1547 = arith.addi %rem3A_1533, %add3A_1546 : vector<16xi32>
        %select_n3A_1548 = arith.select %and3A_1545, %add3A_1547, %rem3A_1533 : vector<16xi1>, vector<16xi32>
        %jit3A_1549 = arith.constant 128 : i32
        %eq3A_1550 = arith.constant 0 : i32
        %eq3A_1551 = arith.cmpi eq, %jit3A_1549, %eq3A_1550 : i32
        %jit3A_1552 = arith.constant 1 : i32
        %select_n3A_1553 = arith.select %eq3A_1551, %jit3A_1552, %jit3A_1549 : i32
        %rem3A_1554 = arith.remsi %add3A_1456, %select_n3A_1553 : i32
        %ne3A_1555 = arith.constant 0 : i32
        %ne3A_1556 = arith.cmpi ne, %rem3A_1554, %ne3A_1555 : i32
        %lt3A_1557 = arith.constant 0 : i32
        %lt3A_1558 = arith.cmpi slt, %rem3A_1554, %lt3A_1557 : i32
        %lt3A_1559 = arith.constant 0 : i32
        %lt3A_1560 = arith.cmpi slt, %select_n3A_1553, %lt3A_1559 : i32
        %ne3A_1561 = arith.xori %lt3A_1558, %lt3A_1560 : i1
        %and3A_1562 = arith.andi %ne3A_1561, %ne3A_1556 : i1
        %add3A_1563 = arith.addi %rem3A_1554, %select_n3A_1553 : i32
        %select_n3A_1564 = arith.select %and3A_1562, %add3A_1563, %rem3A_1554 : i32
        %broadcast_in_dim3A_1565 = vector.broadcast %select_n3A_1564 : i32 to vector<16xi32>
        tpu.vector_store_idx %arg21[%select_n3A_1501, %broadcast_in_dim3A_1526, %select_n3A_1548, %broadcast_in_dim3A_1565], %max3A_1470 : memref<2x5x8x128xf32, #tpu.memory_space<vmem>>[vector<16xi32>, vector<16xi32>, vector<16xi32>, vector<16xi32>], vector<16xf32>,
        %broadcast_in_dim3A_1566 = vector.broadcast %add3A_1456 : i32 to vector<16xi32>
        %gather3A_1567 = tpu.vector_load_idx %arg20[%broadcast_in_dim3A_1566] : memref<640xf32, #tpu.memory_space<vmem>>[vector<16xi32>], vector<16xf32>,
        %mul3A_1568 = arith.mulf %max3A_1470, %gather3A_1567 : vector<16xf32>
        %swap3A_1569 = arith.index_cast %add3A_1456 : i32 to index
        %swap3A_1570 = arith.constant 0 : index
        %swap3A_1571 = tpu.vector_load %arg22[%swap3A_1569, %swap3A_1570] {strides = array<i32>} : memref<640x16xf32, #tpu.memory_space<vmem>>, vector<16xf32>,
        tpu.vector_store %arg22[%swap3A_1569, %swap3A_1570], %mul3A_1568 {strides = array<i32>} : memref<640x16xf32, #tpu.memory_space<vmem>>, vector<16xf32>,
        %mul3A_1572 = arith.constant 8 : i32
        %mul3A_1573 = arith.muli %scan3A_1336, %mul3A_1572 : i32
        %add3A_1574 = arith.constant 2 : i32
        %add3A_1575 = arith.addi %mul3A_1573, %add3A_1574 : i32
        %get3A_1576 = arith.index_cast %add3A_1575 : i32 to index
        %get3A_1577 = arith.constant 0 : index
        %get3A_1578 = tpu.vector_load %arg16[%get3A_1576, %get3A_1577] {strides = array<i32>} : memref<640x16xf32, #tpu.memory_space<vmem>>, vector<16xf32>,
        %get3A_1579 = arith.index_cast %add3A_1575 : i32 to index
        %get3A_1580 = arith.constant 0 : index
        %get3A_1581 = tpu.vector_load %arg17[%get3A_1579, %get3A_1580] {strides = array<i32>} : memref<640x16xf32, #tpu.memory_space<vmem>>, vector<16xf32>,
        %add3A_1582 = arith.addf %get3A_1578, %get3A_1581 : vector<16xf32>
        %get3A_1583 = arith.index_cast %scan3A_1336 : i32 to index
        %get3A_1584 = arith.constant 32 : index
        %get3A_1585 = tpu.vector_load %arg18[%get3A_1583, %get3A_1584] {strides = array<i32>} : memref<80x128xf32, #tpu.memory_space<vmem>>, vector<16xf32>,
        %add3A_1586 = arith.addf %add3A_1582, %get3A_1585 : vector<16xf32>
        %max3A_1587 = arith.constant 0.000000e+00 : f32
        %max3A_1588 = vector.broadcast %max3A_1587 : f32 to vector<16xf32>
        %max3A_1589 = arith.maximumf %add3A_1586, %max3A_1588 : vector<16xf32>
        %jit3A_1590 = arith.constant 8 : i32
        %div3A_1591 = vector.broadcast %jit3A_1590 : i32 to vector<16xi32>
        %div3A_1592 = arith.divsi %iota3A, %div3A_1591 : vector<16xi32>
        %sign3A_1593 = arith.constant 0 : i32
        %sign3A_1594 = vector.broadcast %sign3A_1593 : i32 to vector<16xi32>
        %sign3A_1595 = arith.cmpi sgt, %iota3A, %sign3A_1594 : vector<16xi32>
        %sign3A_1596 = arith.extui %sign3A_1595 : vector<16xi1> to vector<16xi32>
        %sign3A_1597 = arith.constant 0 : i32
        %sign3A_1598 = vector.broadcast %sign3A_1597 : i32 to vector<16xi32>
        %sign3A_1599 = arith.cmpi slt, %iota3A, %sign3A_1598 : vector<16xi32>
        %sign3A_1600 = arith.extui %sign3A_1599 : vector<16xi1> to vector<16xi32>
        %sign3A_1601 = arith.subi %sign3A_1596, %sign3A_1600 : vector<16xi32>
        %sign3A_1602 = arith.constant 0 : i32
        %sign3A_1603 = arith.cmpi sgt, %jit3A_1590, %sign3A_1602 : i32
        %sign3A_1604 = arith.extui %sign3A_1603 : i1 to i32
        %sign3A_1605 = arith.constant 0 : i32
        %sign3A_1606 = arith.cmpi slt, %jit3A_1590, %sign3A_1605 : i32
        %sign3A_1607 = arith.extui %sign3A_1606 : i1 to i32
        %sign3A_1608 = arith.subi %sign3A_1604, %sign3A_1607 : i32
        %ne3A_1609 = vector.broadcast %sign3A_1608 : i32 to vector<16xi32>
        %ne3A_1610 = arith.cmpi ne, %sign3A_1601, %ne3A_1609 : vector<16xi32>
        %rem3A_1611 = vector.broadcast %jit3A_1590 : i32 to vector<16xi32>
        %rem3A_1612 = arith.remsi %iota3A, %rem3A_1611 : vector<16xi32>
        %ne3A_1613 = arith.constant 0 : i32
        %ne3A_1614 = vector.broadcast %ne3A_1613 : i32 to vector<16xi32>
        %ne3A_1615 = arith.cmpi ne, %rem3A_1612, %ne3A_1614 : vector<16xi32>
        %and3A_1616 = arith.andi %ne3A_1610, %ne3A_1615 : vector<16xi1>
        %sub3A_1617 = arith.constant 1 : i32
        %sub3A_1618 = vector.broadcast %sub3A_1617 : i32 to vector<16xi32>
        %sub3A_1619 = arith.subi %div3A_1592, %sub3A_1618 : vector<16xi32>
        %select_n3A_1620 = arith.select %and3A_1616, %sub3A_1619, %div3A_1592 : vector<16xi1>, vector<16xi32>
        %jit3A_1621 = arith.constant 128 : i32
        %div3A_1622 = arith.divsi %add3A_1575, %jit3A_1621 : i32
        %sign3A_1623 = arith.constant 0 : i32
        %sign3A_1624 = arith.cmpi sgt, %add3A_1575, %sign3A_1623 : i32
        %sign3A_1625 = arith.extui %sign3A_1624 : i1 to i32
        %sign3A_1626 = arith.constant 0 : i32
        %sign3A_1627 = arith.cmpi slt, %add3A_1575, %sign3A_1626 : i32
        %sign3A_1628 = arith.extui %sign3A_1627 : i1 to i32
        %sign3A_1629 = arith.subi %sign3A_1625, %sign3A_1628 : i32
        %sign3A_1630 = arith.constant 0 : i32
        %sign3A_1631 = arith.cmpi sgt, %jit3A_1621, %sign3A_1630 : i32
        %sign3A_1632 = arith.extui %sign3A_1631 : i1 to i32
        %sign3A_1633 = arith.constant 0 : i32
        %sign3A_1634 = arith.cmpi slt, %jit3A_1621, %sign3A_1633 : i32
        %sign3A_1635 = arith.extui %sign3A_1634 : i1 to i32
        %sign3A_1636 = arith.subi %sign3A_1632, %sign3A_1635 : i32
        %ne3A_1637 = arith.cmpi ne, %sign3A_1629, %sign3A_1636 : i32
        %rem3A_1638 = arith.remsi %add3A_1575, %jit3A_1621 : i32
        %ne3A_1639 = arith.constant 0 : i32
        %ne3A_1640 = arith.cmpi ne, %rem3A_1638, %ne3A_1639 : i32
        %and3A_1641 = arith.andi %ne3A_1637, %ne3A_1640 : i1
        %sub3A_1642 = arith.constant 1 : i32
        %sub3A_1643 = arith.subi %div3A_1622, %sub3A_1642 : i32
        %select_n3A_1644 = arith.select %and3A_1641, %sub3A_1643, %div3A_1622 : i32
        %broadcast_in_dim3A_1645 = vector.broadcast %select_n3A_1644 : i32 to vector<16xi32>
        %jit3A_1646 = arith.constant 8 : i32
        %eq3A_1647 = arith.constant 0 : i32
        %eq3A_1648 = arith.cmpi eq, %jit3A_1646, %eq3A_1647 : i32
        %jit3A_1649 = arith.constant 1 : i32
        %select_n3A_1650 = arith.select %eq3A_1648, %jit3A_1649, %jit3A_1646 : i32
        %rem3A_1651 = vector.broadcast %select_n3A_1650 : i32 to vector<16xi32>
        %rem3A_1652 = arith.remsi %iota3A, %rem3A_1651 : vector<16xi32>
        %ne3A_1653 = arith.constant 0 : i32
        %ne3A_1654 = vector.broadcast %ne3A_1653 : i32 to vector<16xi32>
        %ne3A_1655 = arith.cmpi ne, %rem3A_1652, %ne3A_1654 : vector<16xi32>
        %lt3A_1656 = arith.constant 0 : i32
        %lt3A_1657 = vector.broadcast %lt3A_1656 : i32 to vector<16xi32>
        %lt3A_1658 = arith.cmpi slt, %rem3A_1652, %lt3A_1657 : vector<16xi32>
        %lt3A_1659 = arith.constant 0 : i32
        %lt3A_1660 = arith.cmpi slt, %select_n3A_1650, %lt3A_1659 : i32
        %ne3A_1661 = vector.broadcast %lt3A_1660 : i1 to vector<16xi1>
        %ne3A_1662 = vector.broadcast %ne3A_1661 : vector<16xi1> to vector<16xi1>
        %ne3A_1663 = arith.xori %lt3A_1658, %ne3A_1662 : vector<16xi1>
        %and3A_1664 = arith.andi %ne3A_1663, %ne3A_1655 : vector<16xi1>
        %add3A_1665 = vector.broadcast %select_n3A_1650 : i32 to vector<16xi32>
        %add3A_1666 = arith.addi %rem3A_1652, %add3A_1665 : vector<16xi32>
        %select_n3A_1667 = arith.select %and3A_1664, %add3A_1666, %rem3A_1652 : vector<16xi1>, vector<16xi32>
        %jit3A_1668 = arith.constant 128 : i32
        %eq3A_1669 = arith.constant 0 : i32
        %eq3A_1670 = arith.cmpi eq, %jit3A_1668, %eq3A_1669 : i32
        %jit3A_1671 = arith.constant 1 : i32
        %select_n3A_1672 = arith.select %eq3A_1670, %jit3A_1671, %jit3A_1668 : i32
        %rem3A_1673 = arith.remsi %add3A_1575, %select_n3A_1672 : i32
        %ne3A_1674 = arith.constant 0 : i32
        %ne3A_1675 = arith.cmpi ne, %rem3A_1673, %ne3A_1674 : i32
        %lt3A_1676 = arith.constant 0 : i32
        %lt3A_1677 = arith.cmpi slt, %rem3A_1673, %lt3A_1676 : i32
        %lt3A_1678 = arith.constant 0 : i32
        %lt3A_1679 = arith.cmpi slt, %select_n3A_1672, %lt3A_1678 : i32
        %ne3A_1680 = arith.xori %lt3A_1677, %lt3A_1679 : i1
        %and3A_1681 = arith.andi %ne3A_1680, %ne3A_1675 : i1
        %add3A_1682 = arith.addi %rem3A_1673, %select_n3A_1672 : i32
        %select_n3A_1683 = arith.select %and3A_1681, %add3A_1682, %rem3A_1673 : i32
        %broadcast_in_dim3A_1684 = vector.broadcast %select_n3A_1683 : i32 to vector<16xi32>
        tpu.vector_store_idx %arg21[%select_n3A_1620, %broadcast_in_dim3A_1645, %select_n3A_1667, %broadcast_in_dim3A_1684], %max3A_1589 : memref<2x5x8x128xf32, #tpu.memory_space<vmem>>[vector<16xi32>, vector<16xi32>, vector<16xi32>, vector<16xi32>], vector<16xf32>,
        %broadcast_in_dim3A_1685 = vector.broadcast %add3A_1575 : i32 to vector<16xi32>
        %gather3A_1686 = tpu.vector_load_idx %arg20[%broadcast_in_dim3A_1685] : memref<640xf32, #tpu.memory_space<vmem>>[vector<16xi32>], vector<16xf32>,
        %mul3A_1687 = arith.mulf %max3A_1589, %gather3A_1686 : vector<16xf32>
        %swap3A_1688 = arith.index_cast %add3A_1575 : i32 to index
        %swap3A_1689 = arith.constant 0 : index
        %swap3A_1690 = tpu.vector_load %arg22[%swap3A_1688, %swap3A_1689] {strides = array<i32>} : memref<640x16xf32, #tpu.memory_space<vmem>>, vector<16xf32>,
        tpu.vector_store %arg22[%swap3A_1688, %swap3A_1689], %mul3A_1687 {strides = array<i32>} : memref<640x16xf32, #tpu.memory_space<vmem>>, vector<16xf32>,
        %mul3A_1691 = arith.constant 8 : i32
        %mul3A_1692 = arith.muli %scan3A_1336, %mul3A_1691 : i32
        %add3A_1693 = arith.constant 3 : i32
        %add3A_1694 = arith.addi %mul3A_1692, %add3A_1693 : i32
        %get3A_1695 = arith.index_cast %add3A_1694 : i32 to index
        %get3A_1696 = arith.constant 0 : index
        %get3A_1697 = tpu.vector_load %arg16[%get3A_1695, %get3A_1696] {strides = array<i32>} : memref<640x16xf32, #tpu.memory_space<vmem>>, vector<16xf32>,
        %get3A_1698 = arith.index_cast %add3A_1694 : i32 to index
        %get3A_1699 = arith.constant 0 : index
        %get3A_1700 = tpu.vector_load %arg17[%get3A_1698, %get3A_1699] {strides = array<i32>} : memref<640x16xf32, #tpu.memory_space<vmem>>, vector<16xf32>,
        %add3A_1701 = arith.addf %get3A_1697, %get3A_1700 : vector<16xf32>
        %get3A_1702 = arith.index_cast %scan3A_1336 : i32 to index
        %get3A_1703 = arith.constant 48 : index
        %get3A_1704 = tpu.vector_load %arg18[%get3A_1702, %get3A_1703] {strides = array<i32>} : memref<80x128xf32, #tpu.memory_space<vmem>>, vector<16xf32>,
        %add3A_1705 = arith.addf %add3A_1701, %get3A_1704 : vector<16xf32>
        %max3A_1706 = arith.constant 0.000000e+00 : f32
        %max3A_1707 = vector.broadcast %max3A_1706 : f32 to vector<16xf32>
        %max3A_1708 = arith.maximumf %add3A_1705, %max3A_1707 : vector<16xf32>
        %jit3A_1709 = arith.constant 8 : i32
        %div3A_1710 = vector.broadcast %jit3A_1709 : i32 to vector<16xi32>
        %div3A_1711 = arith.divsi %iota3A, %div3A_1710 : vector<16xi32>
        %sign3A_1712 = arith.constant 0 : i32
        %sign3A_1713 = vector.broadcast %sign3A_1712 : i32 to vector<16xi32>
        %sign3A_1714 = arith.cmpi sgt, %iota3A, %sign3A_1713 : vector<16xi32>
        %sign3A_1715 = arith.extui %sign3A_1714 : vector<16xi1> to vector<16xi32>
        %sign3A_1716 = arith.constant 0 : i32
        %sign3A_1717 = vector.broadcast %sign3A_1716 : i32 to vector<16xi32>
        %sign3A_1718 = arith.cmpi slt, %iota3A, %sign3A_1717 : vector<16xi32>
        %sign3A_1719 = arith.extui %sign3A_1718 : vector<16xi1> to vector<16xi32>
        %sign3A_1720 = arith.subi %sign3A_1715, %sign3A_1719 : vector<16xi32>
        %sign3A_1721 = arith.constant 0 : i32
        %sign3A_1722 = arith.cmpi sgt, %jit3A_1709, %sign3A_1721 : i32
        %sign3A_1723 = arith.extui %sign3A_1722 : i1 to i32
        %sign3A_1724 = arith.constant 0 : i32
        %sign3A_1725 = arith.cmpi slt, %jit3A_1709, %sign3A_1724 : i32
        %sign3A_1726 = arith.extui %sign3A_1725 : i1 to i32
        %sign3A_1727 = arith.subi %sign3A_1723, %sign3A_1726 : i32
        %ne3A_1728 = vector.broadcast %sign3A_1727 : i32 to vector<16xi32>
        %ne3A_1729 = arith.cmpi ne, %sign3A_1720, %ne3A_1728 : vector<16xi32>
        %rem3A_1730 = vector.broadcast %jit3A_1709 : i32 to vector<16xi32>
        %rem3A_1731 = arith.remsi %iota3A, %rem3A_1730 : vector<16xi32>
        %ne3A_1732 = arith.constant 0 : i32
        %ne3A_1733 = vector.broadcast %ne3A_1732 : i32 to vector<16xi32>
        %ne3A_1734 = arith.cmpi ne, %rem3A_1731, %ne3A_1733 : vector<16xi32>
        %and3A_1735 = arith.andi %ne3A_1729, %ne3A_1734 : vector<16xi1>
        %sub3A_1736 = arith.constant 1 : i32
        %sub3A_1737 = vector.broadcast %sub3A_1736 : i32 to vector<16xi32>
        %sub3A_1738 = arith.subi %div3A_1711, %sub3A_1737 : vector<16xi32>
        %select_n3A_1739 = arith.select %and3A_1735, %sub3A_1738, %div3A_1711 : vector<16xi1>, vector<16xi32>
        %jit3A_1740 = arith.constant 128 : i32
        %div3A_1741 = arith.divsi %add3A_1694, %jit3A_1740 : i32
        %sign3A_1742 = arith.constant 0 : i32
        %sign3A_1743 = arith.cmpi sgt, %add3A_1694, %sign3A_1742 : i32
        %sign3A_1744 = arith.extui %sign3A_1743 : i1 to i32
        %sign3A_1745 = arith.constant 0 : i32
        %sign3A_1746 = arith.cmpi slt, %add3A_1694, %sign3A_1745 : i32
        %sign3A_1747 = arith.extui %sign3A_1746 : i1 to i32
        %sign3A_1748 = arith.subi %sign3A_1744, %sign3A_1747 : i32
        %sign3A_1749 = arith.constant 0 : i32
        %sign3A_1750 = arith.cmpi sgt, %jit3A_1740, %sign3A_1749 : i32
        %sign3A_1751 = arith.extui %sign3A_1750 : i1 to i32
        %sign3A_1752 = arith.constant 0 : i32
        %sign3A_1753 = arith.cmpi slt, %jit3A_1740, %sign3A_1752 : i32
        %sign3A_1754 = arith.extui %sign3A_1753 : i1 to i32
        %sign3A_1755 = arith.subi %sign3A_1751, %sign3A_1754 : i32
        %ne3A_1756 = arith.cmpi ne, %sign3A_1748, %sign3A_1755 : i32
        %rem3A_1757 = arith.remsi %add3A_1694, %jit3A_1740 : i32
        %ne3A_1758 = arith.constant 0 : i32
        %ne3A_1759 = arith.cmpi ne, %rem3A_1757, %ne3A_1758 : i32
        %and3A_1760 = arith.andi %ne3A_1756, %ne3A_1759 : i1
        %sub3A_1761 = arith.constant 1 : i32
        %sub3A_1762 = arith.subi %div3A_1741, %sub3A_1761 : i32
        %select_n3A_1763 = arith.select %and3A_1760, %sub3A_1762, %div3A_1741 : i32
        %broadcast_in_dim3A_1764 = vector.broadcast %select_n3A_1763 : i32 to vector<16xi32>
        %jit3A_1765 = arith.constant 8 : i32
        %eq3A_1766 = arith.constant 0 : i32
        %eq3A_1767 = arith.cmpi eq, %jit3A_1765, %eq3A_1766 : i32
        %jit3A_1768 = arith.constant 1 : i32
        %select_n3A_1769 = arith.select %eq3A_1767, %jit3A_1768, %jit3A_1765 : i32
        %rem3A_1770 = vector.broadcast %select_n3A_1769 : i32 to vector<16xi32>
        %rem3A_1771 = arith.remsi %iota3A, %rem3A_1770 : vector<16xi32>
        %ne3A_1772 = arith.constant 0 : i32
        %ne3A_1773 = vector.broadcast %ne3A_1772 : i32 to vector<16xi32>
        %ne3A_1774 = arith.cmpi ne, %rem3A_1771, %ne3A_1773 : vector<16xi32>
        %lt3A_1775 = arith.constant 0 : i32
        %lt3A_1776 = vector.broadcast %lt3A_1775 : i32 to vector<16xi32>
        %lt3A_1777 = arith.cmpi slt, %rem3A_1771, %lt3A_1776 : vector<16xi32>
        %lt3A_1778 = arith.constant 0 : i32
        %lt3A_1779 = arith.cmpi slt, %select_n3A_1769, %lt3A_1778 : i32
        %ne3A_1780 = vector.broadcast %lt3A_1779 : i1 to vector<16xi1>
        %ne3A_1781 = vector.broadcast %ne3A_1780 : vector<16xi1> to vector<16xi1>
        %ne3A_1782 = arith.xori %lt3A_1777, %ne3A_1781 : vector<16xi1>
        %and3A_1783 = arith.andi %ne3A_1782, %ne3A_1774 : vector<16xi1>
        %add3A_1784 = vector.broadcast %select_n3A_1769 : i32 to vector<16xi32>
        %add3A_1785 = arith.addi %rem3A_1771, %add3A_1784 : vector<16xi32>
        %select_n3A_1786 = arith.select %and3A_1783, %add3A_1785, %rem3A_1771 : vector<16xi1>, vector<16xi32>
        %jit3A_1787 = arith.constant 128 : i32
        %eq3A_1788 = arith.constant 0 : i32
        %eq3A_1789 = arith.cmpi eq, %jit3A_1787, %eq3A_1788 : i32
        %jit3A_1790 = arith.constant 1 : i32
        %select_n3A_1791 = arith.select %eq3A_1789, %jit3A_1790, %jit3A_1787 : i32
        %rem3A_1792 = arith.remsi %add3A_1694, %select_n3A_1791 : i32
        %ne3A_1793 = arith.constant 0 : i32
        %ne3A_1794 = arith.cmpi ne, %rem3A_1792, %ne3A_1793 : i32
        %lt3A_1795 = arith.constant 0 : i32
        %lt3A_1796 = arith.cmpi slt, %rem3A_1792, %lt3A_1795 : i32
        %lt3A_1797 = arith.constant 0 : i32
        %lt3A_1798 = arith.cmpi slt, %select_n3A_1791, %lt3A_1797 : i32
        %ne3A_1799 = arith.xori %lt3A_1796, %lt3A_1798 : i1
        %and3A_1800 = arith.andi %ne3A_1799, %ne3A_1794 : i1
        %add3A_1801 = arith.addi %rem3A_1792, %select_n3A_1791 : i32
        %select_n3A_1802 = arith.select %and3A_1800, %add3A_1801, %rem3A_1792 : i32
        %broadcast_in_dim3A_1803 = vector.broadcast %select_n3A_1802 : i32 to vector<16xi32>
        tpu.vector_store_idx %arg21[%select_n3A_1739, %broadcast_in_dim3A_1764, %select_n3A_1786, %broadcast_in_dim3A_1803], %max3A_1708 : memref<2x5x8x128xf32, #tpu.memory_space<vmem>>[vector<16xi32>, vector<16xi32>, vector<16xi32>, vector<16xi32>], vector<16xf32>,
        %broadcast_in_dim3A_1804 = vector.broadcast %add3A_1694 : i32 to vector<16xi32>
        %gather3A_1805 = tpu.vector_load_idx %arg20[%broadcast_in_dim3A_1804] : memref<640xf32, #tpu.memory_space<vmem>>[vector<16xi32>], vector<16xf32>,
        %mul3A_1806 = arith.mulf %max3A_1708, %gather3A_1805 : vector<16xf32>
        %swap3A_1807 = arith.index_cast %add3A_1694 : i32 to index
        %swap3A_1808 = arith.constant 0 : index
        %swap3A_1809 = tpu.vector_load %arg22[%swap3A_1807, %swap3A_1808] {strides = array<i32>} : memref<640x16xf32, #tpu.memory_space<vmem>>, vector<16xf32>,
        tpu.vector_store %arg22[%swap3A_1807, %swap3A_1808], %mul3A_1806 {strides = array<i32>} : memref<640x16xf32, #tpu.memory_space<vmem>>, vector<16xf32>,
        %mul3A_1810 = arith.constant 8 : i32
        %mul3A_1811 = arith.muli %scan3A_1336, %mul3A_1810 : i32
        %add3A_1812 = arith.constant 4 : i32
        %add3A_1813 = arith.addi %mul3A_1811, %add3A_1812 : i32
        %get3A_1814 = arith.index_cast %add3A_1813 : i32 to index
        %get3A_1815 = arith.constant 0 : index
        %get3A_1816 = tpu.vector_load %arg16[%get3A_1814, %get3A_1815] {strides = array<i32>} : memref<640x16xf32, #tpu.memory_space<vmem>>, vector<16xf32>,
        %get3A_1817 = arith.index_cast %add3A_1813 : i32 to index
        %get3A_1818 = arith.constant 0 : index
        %get3A_1819 = tpu.vector_load %arg17[%get3A_1817, %get3A_1818] {strides = array<i32>} : memref<640x16xf32, #tpu.memory_space<vmem>>, vector<16xf32>,
        %add3A_1820 = arith.addf %get3A_1816, %get3A_1819 : vector<16xf32>
        %get3A_1821 = arith.index_cast %scan3A_1336 : i32 to index
        %get3A_1822 = arith.constant 64 : index
        %get3A_1823 = tpu.vector_load %arg18[%get3A_1821, %get3A_1822] {strides = array<i32>} : memref<80x128xf32, #tpu.memory_space<vmem>>, vector<16xf32>,
        %add3A_1824 = arith.addf %add3A_1820, %get3A_1823 : vector<16xf32>
        %max3A_1825 = arith.constant 0.000000e+00 : f32
        %max3A_1826 = vector.broadcast %max3A_1825 : f32 to vector<16xf32>
        %max3A_1827 = arith.maximumf %add3A_1824, %max3A_1826 : vector<16xf32>
        %jit3A_1828 = arith.constant 8 : i32
        %div3A_1829 = vector.broadcast %jit3A_1828 : i32 to vector<16xi32>
        %div3A_1830 = arith.divsi %iota3A, %div3A_1829 : vector<16xi32>
        %sign3A_1831 = arith.constant 0 : i32
        %sign3A_1832 = vector.broadcast %sign3A_1831 : i32 to vector<16xi32>
        %sign3A_1833 = arith.cmpi sgt, %iota3A, %sign3A_1832 : vector<16xi32>
        %sign3A_1834 = arith.extui %sign3A_1833 : vector<16xi1> to vector<16xi32>
        %sign3A_1835 = arith.constant 0 : i32
        %sign3A_1836 = vector.broadcast %sign3A_1835 : i32 to vector<16xi32>
        %sign3A_1837 = arith.cmpi slt, %iota3A, %sign3A_1836 : vector<16xi32>
        %sign3A_1838 = arith.extui %sign3A_1837 : vector<16xi1> to vector<16xi32>
        %sign3A_1839 = arith.subi %sign3A_1834, %sign3A_1838 : vector<16xi32>
        %sign3A_1840 = arith.constant 0 : i32
        %sign3A_1841 = arith.cmpi sgt, %jit3A_1828, %sign3A_1840 : i32
        %sign3A_1842 = arith.extui %sign3A_1841 : i1 to i32
        %sign3A_1843 = arith.constant 0 : i32
        %sign3A_1844 = arith.cmpi slt, %jit3A_1828, %sign3A_1843 : i32
        %sign3A_1845 = arith.extui %sign3A_1844 : i1 to i32
        %sign3A_1846 = arith.subi %sign3A_1842, %sign3A_1845 : i32
        %ne3A_1847 = vector.broadcast %sign3A_1846 : i32 to vector<16xi32>
        %ne3A_1848 = arith.cmpi ne, %sign3A_1839, %ne3A_1847 : vector<16xi32>
        %rem3A_1849 = vector.broadcast %jit3A_1828 : i32 to vector<16xi32>
        %rem3A_1850 = arith.remsi %iota3A, %rem3A_1849 : vector<16xi32>
        %ne3A_1851 = arith.constant 0 : i32
        %ne3A_1852 = vector.broadcast %ne3A_1851 : i32 to vector<16xi32>
        %ne3A_1853 = arith.cmpi ne, %rem3A_1850, %ne3A_1852 : vector<16xi32>
        %and3A_1854 = arith.andi %ne3A_1848, %ne3A_1853 : vector<16xi1>
        %sub3A_1855 = arith.constant 1 : i32
        %sub3A_1856 = vector.broadcast %sub3A_1855 : i32 to vector<16xi32>
        %sub3A_1857 = arith.subi %div3A_1830, %sub3A_1856 : vector<16xi32>
        %select_n3A_1858 = arith.select %and3A_1854, %sub3A_1857, %div3A_1830 : vector<16xi1>, vector<16xi32>
        %jit3A_1859 = arith.constant 128 : i32
        %div3A_1860 = arith.divsi %add3A_1813, %jit3A_1859 : i32
        %sign3A_1861 = arith.constant 0 : i32
        %sign3A_1862 = arith.cmpi sgt, %add3A_1813, %sign3A_1861 : i32
        %sign3A_1863 = arith.extui %sign3A_1862 : i1 to i32
        %sign3A_1864 = arith.constant 0 : i32
        %sign3A_1865 = arith.cmpi slt, %add3A_1813, %sign3A_1864 : i32
        %sign3A_1866 = arith.extui %sign3A_1865 : i1 to i32
        %sign3A_1867 = arith.subi %sign3A_1863, %sign3A_1866 : i32
        %sign3A_1868 = arith.constant 0 : i32
        %sign3A_1869 = arith.cmpi sgt, %jit3A_1859, %sign3A_1868 : i32
        %sign3A_1870 = arith.extui %sign3A_1869 : i1 to i32
        %sign3A_1871 = arith.constant 0 : i32
        %sign3A_1872 = arith.cmpi slt, %jit3A_1859, %sign3A_1871 : i32
        %sign3A_1873 = arith.extui %sign3A_1872 : i1 to i32
        %sign3A_1874 = arith.subi %sign3A_1870, %sign3A_1873 : i32
        %ne3A_1875 = arith.cmpi ne, %sign3A_1867, %sign3A_1874 : i32
        %rem3A_1876 = arith.remsi %add3A_1813, %jit3A_1859 : i32
        %ne3A_1877 = arith.constant 0 : i32
        %ne3A_1878 = arith.cmpi ne, %rem3A_1876, %ne3A_1877 : i32
        %and3A_1879 = arith.andi %ne3A_1875, %ne3A_1878 : i1
        %sub3A_1880 = arith.constant 1 : i32
        %sub3A_1881 = arith.subi %div3A_1860, %sub3A_1880 : i32
        %select_n3A_1882 = arith.select %and3A_1879, %sub3A_1881, %div3A_1860 : i32
        %broadcast_in_dim3A_1883 = vector.broadcast %select_n3A_1882 : i32 to vector<16xi32>
        %jit3A_1884 = arith.constant 8 : i32
        %eq3A_1885 = arith.constant 0 : i32
        %eq3A_1886 = arith.cmpi eq, %jit3A_1884, %eq3A_1885 : i32
        %jit3A_1887 = arith.constant 1 : i32
        %select_n3A_1888 = arith.select %eq3A_1886, %jit3A_1887, %jit3A_1884 : i32
        %rem3A_1889 = vector.broadcast %select_n3A_1888 : i32 to vector<16xi32>
        %rem3A_1890 = arith.remsi %iota3A, %rem3A_1889 : vector<16xi32>
        %ne3A_1891 = arith.constant 0 : i32
        %ne3A_1892 = vector.broadcast %ne3A_1891 : i32 to vector<16xi32>
        %ne3A_1893 = arith.cmpi ne, %rem3A_1890, %ne3A_1892 : vector<16xi32>
        %lt3A_1894 = arith.constant 0 : i32
        %lt3A_1895 = vector.broadcast %lt3A_1894 : i32 to vector<16xi32>
        %lt3A_1896 = arith.cmpi slt, %rem3A_1890, %lt3A_1895 : vector<16xi32>
        %lt3A_1897 = arith.constant 0 : i32
        %lt3A_1898 = arith.cmpi slt, %select_n3A_1888, %lt3A_1897 : i32
        %ne3A_1899 = vector.broadcast %lt3A_1898 : i1 to vector<16xi1>
        %ne3A_1900 = vector.broadcast %ne3A_1899 : vector<16xi1> to vector<16xi1>
        %ne3A_1901 = arith.xori %lt3A_1896, %ne3A_1900 : vector<16xi1>
        %and3A_1902 = arith.andi %ne3A_1901, %ne3A_1893 : vector<16xi1>
        %add3A_1903 = vector.broadcast %select_n3A_1888 : i32 to vector<16xi32>
        %add3A_1904 = arith.addi %rem3A_1890, %add3A_1903 : vector<16xi32>
        %select_n3A_1905 = arith.select %and3A_1902, %add3A_1904, %rem3A_1890 : vector<16xi1>, vector<16xi32>
        %jit3A_1906 = arith.constant 128 : i32
        %eq3A_1907 = arith.constant 0 : i32
        %eq3A_1908 = arith.cmpi eq, %jit3A_1906, %eq3A_1907 : i32
        %jit3A_1909 = arith.constant 1 : i32
        %select_n3A_1910 = arith.select %eq3A_1908, %jit3A_1909, %jit3A_1906 : i32
        %rem3A_1911 = arith.remsi %add3A_1813, %select_n3A_1910 : i32
        %ne3A_1912 = arith.constant 0 : i32
        %ne3A_1913 = arith.cmpi ne, %rem3A_1911, %ne3A_1912 : i32
        %lt3A_1914 = arith.constant 0 : i32
        %lt3A_1915 = arith.cmpi slt, %rem3A_1911, %lt3A_1914 : i32
        %lt3A_1916 = arith.constant 0 : i32
        %lt3A_1917 = arith.cmpi slt, %select_n3A_1910, %lt3A_1916 : i32
        %ne3A_1918 = arith.xori %lt3A_1915, %lt3A_1917 : i1
        %and3A_1919 = arith.andi %ne3A_1918, %ne3A_1913 : i1
        %add3A_1920 = arith.addi %rem3A_1911, %select_n3A_1910 : i32
        %select_n3A_1921 = arith.select %and3A_1919, %add3A_1920, %rem3A_1911 : i32
        %broadcast_in_dim3A_1922 = vector.broadcast %select_n3A_1921 : i32 to vector<16xi32>
        tpu.vector_store_idx %arg21[%select_n3A_1858, %broadcast_in_dim3A_1883, %select_n3A_1905, %broadcast_in_dim3A_1922], %max3A_1827 : memref<2x5x8x128xf32, #tpu.memory_space<vmem>>[vector<16xi32>, vector<16xi32>, vector<16xi32>, vector<16xi32>], vector<16xf32>,
        %broadcast_in_dim3A_1923 = vector.broadcast %add3A_1813 : i32 to vector<16xi32>
        %gather3A_1924 = tpu.vector_load_idx %arg20[%broadcast_in_dim3A_1923] : memref<640xf32, #tpu.memory_space<vmem>>[vector<16xi32>], vector<16xf32>,
        %mul3A_1925 = arith.mulf %max3A_1827, %gather3A_1924 : vector<16xf32>
        %swap3A_1926 = arith.index_cast %add3A_1813 : i32 to index
        %swap3A_1927 = arith.constant 0 : index
        %swap3A_1928 = tpu.vector_load %arg22[%swap3A_1926, %swap3A_1927] {strides = array<i32>} : memref<640x16xf32, #tpu.memory_space<vmem>>, vector<16xf32>,
        tpu.vector_store %arg22[%swap3A_1926, %swap3A_1927], %mul3A_1925 {strides = array<i32>} : memref<640x16xf32, #tpu.memory_space<vmem>>, vector<16xf32>,
        %mul3A_1929 = arith.constant 8 : i32
        %mul3A_1930 = arith.muli %scan3A_1336, %mul3A_1929 : i32
        %add3A_1931 = arith.constant 5 : i32
        %add3A_1932 = arith.addi %mul3A_1930, %add3A_1931 : i32
        %get3A_1933 = arith.index_cast %add3A_1932 : i32 to index
        %get3A_1934 = arith.constant 0 : index
        %get3A_1935 = tpu.vector_load %arg16[%get3A_1933, %get3A_1934] {strides = array<i32>} : memref<640x16xf32, #tpu.memory_space<vmem>>, vector<16xf32>,
        %get3A_1936 = arith.index_cast %add3A_1932 : i32 to index
        %get3A_1937 = arith.constant 0 : index
        %get3A_1938 = tpu.vector_load %arg17[%get3A_1936, %get3A_1937] {strides = array<i32>} : memref<640x16xf32, #tpu.memory_space<vmem>>, vector<16xf32>,
        %add3A_1939 = arith.addf %get3A_1935, %get3A_1938 : vector<16xf32>
        %get3A_1940 = arith.index_cast %scan3A_1336 : i32 to index
        %get3A_1941 = arith.constant 80 : index
        %get3A_1942 = tpu.vector_load %arg18[%get3A_1940, %get3A_1941] {strides = array<i32>} : memref<80x128xf32, #tpu.memory_space<vmem>>, vector<16xf32>,
        %add3A_1943 = arith.addf %add3A_1939, %get3A_1942 : vector<16xf32>
        %max3A_1944 = arith.constant 0.000000e+00 : f32
        %max3A_1945 = vector.broadcast %max3A_1944 : f32 to vector<16xf32>
        %max3A_1946 = arith.maximumf %add3A_1943, %max3A_1945 : vector<16xf32>
        %jit3A_1947 = arith.constant 8 : i32
        %div3A_1948 = vector.broadcast %jit3A_1947 : i32 to vector<16xi32>
        %div3A_1949 = arith.divsi %iota3A, %div3A_1948 : vector<16xi32>
        %sign3A_1950 = arith.constant 0 : i32
        %sign3A_1951 = vector.broadcast %sign3A_1950 : i32 to vector<16xi32>
        %sign3A_1952 = arith.cmpi sgt, %iota3A, %sign3A_1951 : vector<16xi32>
        %sign3A_1953 = arith.extui %sign3A_1952 : vector<16xi1> to vector<16xi32>
        %sign3A_1954 = arith.constant 0 : i32
        %sign3A_1955 = vector.broadcast %sign3A_1954 : i32 to vector<16xi32>
        %sign3A_1956 = arith.cmpi slt, %iota3A, %sign3A_1955 : vector<16xi32>
        %sign3A_1957 = arith.extui %sign3A_1956 : vector<16xi1> to vector<16xi32>
        %sign3A_1958 = arith.subi %sign3A_1953, %sign3A_1957 : vector<16xi32>
        %sign3A_1959 = arith.constant 0 : i32
        %sign3A_1960 = arith.cmpi sgt, %jit3A_1947, %sign3A_1959 : i32
        %sign3A_1961 = arith.extui %sign3A_1960 : i1 to i32
        %sign3A_1962 = arith.constant 0 : i32
        %sign3A_1963 = arith.cmpi slt, %jit3A_1947, %sign3A_1962 : i32
        %sign3A_1964 = arith.extui %sign3A_1963 : i1 to i32
        %sign3A_1965 = arith.subi %sign3A_1961, %sign3A_1964 : i32
        %ne3A_1966 = vector.broadcast %sign3A_1965 : i32 to vector<16xi32>
        %ne3A_1967 = arith.cmpi ne, %sign3A_1958, %ne3A_1966 : vector<16xi32>
        %rem3A_1968 = vector.broadcast %jit3A_1947 : i32 to vector<16xi32>
        %rem3A_1969 = arith.remsi %iota3A, %rem3A_1968 : vector<16xi32>
        %ne3A_1970 = arith.constant 0 : i32
        %ne3A_1971 = vector.broadcast %ne3A_1970 : i32 to vector<16xi32>
        %ne3A_1972 = arith.cmpi ne, %rem3A_1969, %ne3A_1971 : vector<16xi32>
        %and3A_1973 = arith.andi %ne3A_1967, %ne3A_1972 : vector<16xi1>
        %sub3A_1974 = arith.constant 1 : i32
        %sub3A_1975 = vector.broadcast %sub3A_1974 : i32 to vector<16xi32>
        %sub3A_1976 = arith.subi %div3A_1949, %sub3A_1975 : vector<16xi32>
        %select_n3A_1977 = arith.select %and3A_1973, %sub3A_1976, %div3A_1949 : vector<16xi1>, vector<16xi32>
        %jit3A_1978 = arith.constant 128 : i32
        %div3A_1979 = arith.divsi %add3A_1932, %jit3A_1978 : i32
        %sign3A_1980 = arith.constant 0 : i32
        %sign3A_1981 = arith.cmpi sgt, %add3A_1932, %sign3A_1980 : i32
        %sign3A_1982 = arith.extui %sign3A_1981 : i1 to i32
        %sign3A_1983 = arith.constant 0 : i32
        %sign3A_1984 = arith.cmpi slt, %add3A_1932, %sign3A_1983 : i32
        %sign3A_1985 = arith.extui %sign3A_1984 : i1 to i32
        %sign3A_1986 = arith.subi %sign3A_1982, %sign3A_1985 : i32
        %sign3A_1987 = arith.constant 0 : i32
        %sign3A_1988 = arith.cmpi sgt, %jit3A_1978, %sign3A_1987 : i32
        %sign3A_1989 = arith.extui %sign3A_1988 : i1 to i32
        %sign3A_1990 = arith.constant 0 : i32
        %sign3A_1991 = arith.cmpi slt, %jit3A_1978, %sign3A_1990 : i32
        %sign3A_1992 = arith.extui %sign3A_1991 : i1 to i32
        %sign3A_1993 = arith.subi %sign3A_1989, %sign3A_1992 : i32
        %ne3A_1994 = arith.cmpi ne, %sign3A_1986, %sign3A_1993 : i32
        %rem3A_1995 = arith.remsi %add3A_1932, %jit3A_1978 : i32
        %ne3A_1996 = arith.constant 0 : i32
        %ne3A_1997 = arith.cmpi ne, %rem3A_1995, %ne3A_1996 : i32
        %and3A_1998 = arith.andi %ne3A_1994, %ne3A_1997 : i1
        %sub3A_1999 = arith.constant 1 : i32
        %sub3A_2000 = arith.subi %div3A_1979, %sub3A_1999 : i32
        %select_n3A_2001 = arith.select %and3A_1998, %sub3A_2000, %div3A_1979 : i32
        %broadcast_in_dim3A_2002 = vector.broadcast %select_n3A_2001 : i32 to vector<16xi32>
        %jit3A_2003 = arith.constant 8 : i32
        %eq3A_2004 = arith.constant 0 : i32
        %eq3A_2005 = arith.cmpi eq, %jit3A_2003, %eq3A_2004 : i32
        %jit3A_2006 = arith.constant 1 : i32
        %select_n3A_2007 = arith.select %eq3A_2005, %jit3A_2006, %jit3A_2003 : i32
        %rem3A_2008 = vector.broadcast %select_n3A_2007 : i32 to vector<16xi32>
        %rem3A_2009 = arith.remsi %iota3A, %rem3A_2008 : vector<16xi32>
        %ne3A_2010 = arith.constant 0 : i32
        %ne3A_2011 = vector.broadcast %ne3A_2010 : i32 to vector<16xi32>
        %ne3A_2012 = arith.cmpi ne, %rem3A_2009, %ne3A_2011 : vector<16xi32>
        %lt3A_2013 = arith.constant 0 : i32
        %lt3A_2014 = vector.broadcast %lt3A_2013 : i32 to vector<16xi32>
        %lt3A_2015 = arith.cmpi slt, %rem3A_2009, %lt3A_2014 : vector<16xi32>
        %lt3A_2016 = arith.constant 0 : i32
        %lt3A_2017 = arith.cmpi slt, %select_n3A_2007, %lt3A_2016 : i32
        %ne3A_2018 = vector.broadcast %lt3A_2017 : i1 to vector<16xi1>
        %ne3A_2019 = vector.broadcast %ne3A_2018 : vector<16xi1> to vector<16xi1>
        %ne3A_2020 = arith.xori %lt3A_2015, %ne3A_2019 : vector<16xi1>
        %and3A_2021 = arith.andi %ne3A_2020, %ne3A_2012 : vector<16xi1>
        %add3A_2022 = vector.broadcast %select_n3A_2007 : i32 to vector<16xi32>
        %add3A_2023 = arith.addi %rem3A_2009, %add3A_2022 : vector<16xi32>
        %select_n3A_2024 = arith.select %and3A_2021, %add3A_2023, %rem3A_2009 : vector<16xi1>, vector<16xi32>
        %jit3A_2025 = arith.constant 128 : i32
        %eq3A_2026 = arith.constant 0 : i32
        %eq3A_2027 = arith.cmpi eq, %jit3A_2025, %eq3A_2026 : i32
        %jit3A_2028 = arith.constant 1 : i32
        %select_n3A_2029 = arith.select %eq3A_2027, %jit3A_2028, %jit3A_2025 : i32
        %rem3A_2030 = arith.remsi %add3A_1932, %select_n3A_2029 : i32
        %ne3A_2031 = arith.constant 0 : i32
        %ne3A_2032 = arith.cmpi ne, %rem3A_2030, %ne3A_2031 : i32
        %lt3A_2033 = arith.constant 0 : i32
        %lt3A_2034 = arith.cmpi slt, %rem3A_2030, %lt3A_2033 : i32
        %lt3A_2035 = arith.constant 0 : i32
        %lt3A_2036 = arith.cmpi slt, %select_n3A_2029, %lt3A_2035 : i32
        %ne3A_2037 = arith.xori %lt3A_2034, %lt3A_2036 : i1
        %and3A_2038 = arith.andi %ne3A_2037, %ne3A_2032 : i1
        %add3A_2039 = arith.addi %rem3A_2030, %select_n3A_2029 : i32
        %select_n3A_2040 = arith.select %and3A_2038, %add3A_2039, %rem3A_2030 : i32
        %broadcast_in_dim3A_2041 = vector.broadcast %select_n3A_2040 : i32 to vector<16xi32>
        tpu.vector_store_idx %arg21[%select_n3A_1977, %broadcast_in_dim3A_2002, %select_n3A_2024, %broadcast_in_dim3A_2041], %max3A_1946 : memref<2x5x8x128xf32, #tpu.memory_space<vmem>>[vector<16xi32>, vector<16xi32>, vector<16xi32>, vector<16xi32>], vector<16xf32>,
        %broadcast_in_dim3A_2042 = vector.broadcast %add3A_1932 : i32 to vector<16xi32>
        %gather3A_2043 = tpu.vector_load_idx %arg20[%broadcast_in_dim3A_2042] : memref<640xf32, #tpu.memory_space<vmem>>[vector<16xi32>], vector<16xf32>,
        %mul3A_2044 = arith.mulf %max3A_1946, %gather3A_2043 : vector<16xf32>
        %swap3A_2045 = arith.index_cast %add3A_1932 : i32 to index
        %swap3A_2046 = arith.constant 0 : index
        %swap3A_2047 = tpu.vector_load %arg22[%swap3A_2045, %swap3A_2046] {strides = array<i32>} : memref<640x16xf32, #tpu.memory_space<vmem>>, vector<16xf32>,
        tpu.vector_store %arg22[%swap3A_2045, %swap3A_2046], %mul3A_2044 {strides = array<i32>} : memref<640x16xf32, #tpu.memory_space<vmem>>, vector<16xf32>,
        %mul3A_2048 = arith.constant 8 : i32
        %mul3A_2049 = arith.muli %scan3A_1336, %mul3A_2048 : i32
        %add3A_2050 = arith.constant 6 : i32
        %add3A_2051 = arith.addi %mul3A_2049, %add3A_2050 : i32
        %get3A_2052 = arith.index_cast %add3A_2051 : i32 to index
        %get3A_2053 = arith.constant 0 : index
        %get3A_2054 = tpu.vector_load %arg16[%get3A_2052, %get3A_2053] {strides = array<i32>} : memref<640x16xf32, #tpu.memory_space<vmem>>, vector<16xf32>,
        %get3A_2055 = arith.index_cast %add3A_2051 : i32 to index
        %get3A_2056 = arith.constant 0 : index
        %get3A_2057 = tpu.vector_load %arg17[%get3A_2055, %get3A_2056] {strides = array<i32>} : memref<640x16xf32, #tpu.memory_space<vmem>>, vector<16xf32>,
        %add3A_2058 = arith.addf %get3A_2054, %get3A_2057 : vector<16xf32>
        %get3A_2059 = arith.index_cast %scan3A_1336 : i32 to index
        %get3A_2060 = arith.constant 96 : index
        %get3A_2061 = tpu.vector_load %arg18[%get3A_2059, %get3A_2060] {strides = array<i32>} : memref<80x128xf32, #tpu.memory_space<vmem>>, vector<16xf32>,
        %add3A_2062 = arith.addf %add3A_2058, %get3A_2061 : vector<16xf32>
        %max3A_2063 = arith.constant 0.000000e+00 : f32
        %max3A_2064 = vector.broadcast %max3A_2063 : f32 to vector<16xf32>
        %max3A_2065 = arith.maximumf %add3A_2062, %max3A_2064 : vector<16xf32>
        %jit3A_2066 = arith.constant 8 : i32
        %div3A_2067 = vector.broadcast %jit3A_2066 : i32 to vector<16xi32>
        %div3A_2068 = arith.divsi %iota3A, %div3A_2067 : vector<16xi32>
        %sign3A_2069 = arith.constant 0 : i32
        %sign3A_2070 = vector.broadcast %sign3A_2069 : i32 to vector<16xi32>
        %sign3A_2071 = arith.cmpi sgt, %iota3A, %sign3A_2070 : vector<16xi32>
        %sign3A_2072 = arith.extui %sign3A_2071 : vector<16xi1> to vector<16xi32>
        %sign3A_2073 = arith.constant 0 : i32
        %sign3A_2074 = vector.broadcast %sign3A_2073 : i32 to vector<16xi32>
        %sign3A_2075 = arith.cmpi slt, %iota3A, %sign3A_2074 : vector<16xi32>
        %sign3A_2076 = arith.extui %sign3A_2075 : vector<16xi1> to vector<16xi32>
        %sign3A_2077 = arith.subi %sign3A_2072, %sign3A_2076 : vector<16xi32>
        %sign3A_2078 = arith.constant 0 : i32
        %sign3A_2079 = arith.cmpi sgt, %jit3A_2066, %sign3A_2078 : i32
        %sign3A_2080 = arith.extui %sign3A_2079 : i1 to i32
        %sign3A_2081 = arith.constant 0 : i32
        %sign3A_2082 = arith.cmpi slt, %jit3A_2066, %sign3A_2081 : i32
        %sign3A_2083 = arith.extui %sign3A_2082 : i1 to i32
        %sign3A_2084 = arith.subi %sign3A_2080, %sign3A_2083 : i32
        %ne3A_2085 = vector.broadcast %sign3A_2084 : i32 to vector<16xi32>
        %ne3A_2086 = arith.cmpi ne, %sign3A_2077, %ne3A_2085 : vector<16xi32>
        %rem3A_2087 = vector.broadcast %jit3A_2066 : i32 to vector<16xi32>
        %rem3A_2088 = arith.remsi %iota3A, %rem3A_2087 : vector<16xi32>
        %ne3A_2089 = arith.constant 0 : i32
        %ne3A_2090 = vector.broadcast %ne3A_2089 : i32 to vector<16xi32>
        %ne3A_2091 = arith.cmpi ne, %rem3A_2088, %ne3A_2090 : vector<16xi32>
        %and3A_2092 = arith.andi %ne3A_2086, %ne3A_2091 : vector<16xi1>
        %sub3A_2093 = arith.constant 1 : i32
        %sub3A_2094 = vector.broadcast %sub3A_2093 : i32 to vector<16xi32>
        %sub3A_2095 = arith.subi %div3A_2068, %sub3A_2094 : vector<16xi32>
        %select_n3A_2096 = arith.select %and3A_2092, %sub3A_2095, %div3A_2068 : vector<16xi1>, vector<16xi32>
        %jit3A_2097 = arith.constant 128 : i32
        %div3A_2098 = arith.divsi %add3A_2051, %jit3A_2097 : i32
        %sign3A_2099 = arith.constant 0 : i32
        %sign3A_2100 = arith.cmpi sgt, %add3A_2051, %sign3A_2099 : i32
        %sign3A_2101 = arith.extui %sign3A_2100 : i1 to i32
        %sign3A_2102 = arith.constant 0 : i32
        %sign3A_2103 = arith.cmpi slt, %add3A_2051, %sign3A_2102 : i32
        %sign3A_2104 = arith.extui %sign3A_2103 : i1 to i32
        %sign3A_2105 = arith.subi %sign3A_2101, %sign3A_2104 : i32
        %sign3A_2106 = arith.constant 0 : i32
        %sign3A_2107 = arith.cmpi sgt, %jit3A_2097, %sign3A_2106 : i32
        %sign3A_2108 = arith.extui %sign3A_2107 : i1 to i32
        %sign3A_2109 = arith.constant 0 : i32
        %sign3A_2110 = arith.cmpi slt, %jit3A_2097, %sign3A_2109 : i32
        %sign3A_2111 = arith.extui %sign3A_2110 : i1 to i32
        %sign3A_2112 = arith.subi %sign3A_2108, %sign3A_2111 : i32
        %ne3A_2113 = arith.cmpi ne, %sign3A_2105, %sign3A_2112 : i32
        %rem3A_2114 = arith.remsi %add3A_2051, %jit3A_2097 : i32
        %ne3A_2115 = arith.constant 0 : i32
        %ne3A_2116 = arith.cmpi ne, %rem3A_2114, %ne3A_2115 : i32
        %and3A_2117 = arith.andi %ne3A_2113, %ne3A_2116 : i1
        %sub3A_2118 = arith.constant 1 : i32
        %sub3A_2119 = arith.subi %div3A_2098, %sub3A_2118 : i32
        %select_n3A_2120 = arith.select %and3A_2117, %sub3A_2119, %div3A_2098 : i32
        %broadcast_in_dim3A_2121 = vector.broadcast %select_n3A_2120 : i32 to vector<16xi32>
        %jit3A_2122 = arith.constant 8 : i32
        %eq3A_2123 = arith.constant 0 : i32
        %eq3A_2124 = arith.cmpi eq, %jit3A_2122, %eq3A_2123 : i32
        %jit3A_2125 = arith.constant 1 : i32
        %select_n3A_2126 = arith.select %eq3A_2124, %jit3A_2125, %jit3A_2122 : i32
        %rem3A_2127 = vector.broadcast %select_n3A_2126 : i32 to vector<16xi32>
        %rem3A_2128 = arith.remsi %iota3A, %rem3A_2127 : vector<16xi32>
        %ne3A_2129 = arith.constant 0 : i32
        %ne3A_2130 = vector.broadcast %ne3A_2129 : i32 to vector<16xi32>
        %ne3A_2131 = arith.cmpi ne, %rem3A_2128, %ne3A_2130 : vector<16xi32>
        %lt3A_2132 = arith.constant 0 : i32
        %lt3A_2133 = vector.broadcast %lt3A_2132 : i32 to vector<16xi32>
        %lt3A_2134 = arith.cmpi slt, %rem3A_2128, %lt3A_2133 : vector<16xi32>
        %lt3A_2135 = arith.constant 0 : i32
        %lt3A_2136 = arith.cmpi slt, %select_n3A_2126, %lt3A_2135 : i32
        %ne3A_2137 = vector.broadcast %lt3A_2136 : i1 to vector<16xi1>
        %ne3A_2138 = vector.broadcast %ne3A_2137 : vector<16xi1> to vector<16xi1>
        %ne3A_2139 = arith.xori %lt3A_2134, %ne3A_2138 : vector<16xi1>
        %and3A_2140 = arith.andi %ne3A_2139, %ne3A_2131 : vector<16xi1>
        %add3A_2141 = vector.broadcast %select_n3A_2126 : i32 to vector<16xi32>
        %add3A_2142 = arith.addi %rem3A_2128, %add3A_2141 : vector<16xi32>
        %select_n3A_2143 = arith.select %and3A_2140, %add3A_2142, %rem3A_2128 : vector<16xi1>, vector<16xi32>
        %jit3A_2144 = arith.constant 128 : i32
        %eq3A_2145 = arith.constant 0 : i32
        %eq3A_2146 = arith.cmpi eq, %jit3A_2144, %eq3A_2145 : i32
        %jit3A_2147 = arith.constant 1 : i32
        %select_n3A_2148 = arith.select %eq3A_2146, %jit3A_2147, %jit3A_2144 : i32
        %rem3A_2149 = arith.remsi %add3A_2051, %select_n3A_2148 : i32
        %ne3A_2150 = arith.constant 0 : i32
        %ne3A_2151 = arith.cmpi ne, %rem3A_2149, %ne3A_2150 : i32
        %lt3A_2152 = arith.constant 0 : i32
        %lt3A_2153 = arith.cmpi slt, %rem3A_2149, %lt3A_2152 : i32
        %lt3A_2154 = arith.constant 0 : i32
        %lt3A_2155 = arith.cmpi slt, %select_n3A_2148, %lt3A_2154 : i32
        %ne3A_2156 = arith.xori %lt3A_2153, %lt3A_2155 : i1
        %and3A_2157 = arith.andi %ne3A_2156, %ne3A_2151 : i1
        %add3A_2158 = arith.addi %rem3A_2149, %select_n3A_2148 : i32
        %select_n3A_2159 = arith.select %and3A_2157, %add3A_2158, %rem3A_2149 : i32
        %broadcast_in_dim3A_2160 = vector.broadcast %select_n3A_2159 : i32 to vector<16xi32>
        tpu.vector_store_idx %arg21[%select_n3A_2096, %broadcast_in_dim3A_2121, %select_n3A_2143, %broadcast_in_dim3A_2160], %max3A_2065 : memref<2x5x8x128xf32, #tpu.memory_space<vmem>>[vector<16xi32>, vector<16xi32>, vector<16xi32>, vector<16xi32>], vector<16xf32>,
        %broadcast_in_dim3A_2161 = vector.broadcast %add3A_2051 : i32 to vector<16xi32>
        %gather3A_2162 = tpu.vector_load_idx %arg20[%broadcast_in_dim3A_2161] : memref<640xf32, #tpu.memory_space<vmem>>[vector<16xi32>], vector<16xf32>,
        %mul3A_2163 = arith.mulf %max3A_2065, %gather3A_2162 : vector<16xf32>
        %swap3A_2164 = arith.index_cast %add3A_2051 : i32 to index
        %swap3A_2165 = arith.constant 0 : index
        %swap3A_2166 = tpu.vector_load %arg22[%swap3A_2164, %swap3A_2165] {strides = array<i32>} : memref<640x16xf32, #tpu.memory_space<vmem>>, vector<16xf32>,
        tpu.vector_store %arg22[%swap3A_2164, %swap3A_2165], %mul3A_2163 {strides = array<i32>} : memref<640x16xf32, #tpu.memory_space<vmem>>, vector<16xf32>,
        %mul3A_2167 = arith.constant 8 : i32
        %mul3A_2168 = arith.muli %scan3A_1336, %mul3A_2167 : i32
        %add3A_2169 = arith.constant 7 : i32
        %add3A_2170 = arith.addi %mul3A_2168, %add3A_2169 : i32
        %get3A_2171 = arith.index_cast %add3A_2170 : i32 to index
        %get3A_2172 = arith.constant 0 : index
        %get3A_2173 = tpu.vector_load %arg16[%get3A_2171, %get3A_2172] {strides = array<i32>} : memref<640x16xf32, #tpu.memory_space<vmem>>, vector<16xf32>,
        %get3A_2174 = arith.index_cast %add3A_2170 : i32 to index
        %get3A_2175 = arith.constant 0 : index
        %get3A_2176 = tpu.vector_load %arg17[%get3A_2174, %get3A_2175] {strides = array<i32>} : memref<640x16xf32, #tpu.memory_space<vmem>>, vector<16xf32>,
        %add3A_2177 = arith.addf %get3A_2173, %get3A_2176 : vector<16xf32>
        %get3A_2178 = arith.index_cast %scan3A_1336 : i32 to index
        %get3A_2179 = arith.constant 112 : index
        %get3A_2180 = tpu.vector_load %arg18[%get3A_2178, %get3A_2179] {strides = array<i32>} : memref<80x128xf32, #tpu.memory_space<vmem>>, vector<16xf32>,
        %add3A_2181 = arith.addf %add3A_2177, %get3A_2180 : vector<16xf32>
        %max3A_2182 = arith.constant 0.000000e+00 : f32
        %max3A_2183 = vector.broadcast %max3A_2182 : f32 to vector<16xf32>
        %max3A_2184 = arith.maximumf %add3A_2181, %max3A_2183 : vector<16xf32>
        %jit3A_2185 = arith.constant 8 : i32
        %div3A_2186 = vector.broadcast %jit3A_2185 : i32 to vector<16xi32>
        %div3A_2187 = arith.divsi %iota3A, %div3A_2186 : vector<16xi32>
        %sign3A_2188 = arith.constant 0 : i32
        %sign3A_2189 = vector.broadcast %sign3A_2188 : i32 to vector<16xi32>
        %sign3A_2190 = arith.cmpi sgt, %iota3A, %sign3A_2189 : vector<16xi32>
        %sign3A_2191 = arith.extui %sign3A_2190 : vector<16xi1> to vector<16xi32>
        %sign3A_2192 = arith.constant 0 : i32
        %sign3A_2193 = vector.broadcast %sign3A_2192 : i32 to vector<16xi32>
        %sign3A_2194 = arith.cmpi slt, %iota3A, %sign3A_2193 : vector<16xi32>
        %sign3A_2195 = arith.extui %sign3A_2194 : vector<16xi1> to vector<16xi32>
        %sign3A_2196 = arith.subi %sign3A_2191, %sign3A_2195 : vector<16xi32>
        %sign3A_2197 = arith.constant 0 : i32
        %sign3A_2198 = arith.cmpi sgt, %jit3A_2185, %sign3A_2197 : i32
        %sign3A_2199 = arith.extui %sign3A_2198 : i1 to i32
        %sign3A_2200 = arith.constant 0 : i32
        %sign3A_2201 = arith.cmpi slt, %jit3A_2185, %sign3A_2200 : i32
        %sign3A_2202 = arith.extui %sign3A_2201 : i1 to i32
        %sign3A_2203 = arith.subi %sign3A_2199, %sign3A_2202 : i32
        %ne3A_2204 = vector.broadcast %sign3A_2203 : i32 to vector<16xi32>
        %ne3A_2205 = arith.cmpi ne, %sign3A_2196, %ne3A_2204 : vector<16xi32>
        %rem3A_2206 = vector.broadcast %jit3A_2185 : i32 to vector<16xi32>
        %rem3A_2207 = arith.remsi %iota3A, %rem3A_2206 : vector<16xi32>
        %ne3A_2208 = arith.constant 0 : i32
        %ne3A_2209 = vector.broadcast %ne3A_2208 : i32 to vector<16xi32>
        %ne3A_2210 = arith.cmpi ne, %rem3A_2207, %ne3A_2209 : vector<16xi32>
        %and3A_2211 = arith.andi %ne3A_2205, %ne3A_2210 : vector<16xi1>
        %sub3A_2212 = arith.constant 1 : i32
        %sub3A_2213 = vector.broadcast %sub3A_2212 : i32 to vector<16xi32>
        %sub3A_2214 = arith.subi %div3A_2187, %sub3A_2213 : vector<16xi32>
        %select_n3A_2215 = arith.select %and3A_2211, %sub3A_2214, %div3A_2187 : vector<16xi1>, vector<16xi32>
        %jit3A_2216 = arith.constant 128 : i32
        %div3A_2217 = arith.divsi %add3A_2170, %jit3A_2216 : i32
        %sign3A_2218 = arith.constant 0 : i32
        %sign3A_2219 = arith.cmpi sgt, %add3A_2170, %sign3A_2218 : i32
        %sign3A_2220 = arith.extui %sign3A_2219 : i1 to i32
        %sign3A_2221 = arith.constant 0 : i32
        %sign3A_2222 = arith.cmpi slt, %add3A_2170, %sign3A_2221 : i32
        %sign3A_2223 = arith.extui %sign3A_2222 : i1 to i32
        %sign3A_2224 = arith.subi %sign3A_2220, %sign3A_2223 : i32
        %sign3A_2225 = arith.constant 0 : i32
        %sign3A_2226 = arith.cmpi sgt, %jit3A_2216, %sign3A_2225 : i32
        %sign3A_2227 = arith.extui %sign3A_2226 : i1 to i32
        %sign3A_2228 = arith.constant 0 : i32
        %sign3A_2229 = arith.cmpi slt, %jit3A_2216, %sign3A_2228 : i32
        %sign3A_2230 = arith.extui %sign3A_2229 : i1 to i32
        %sign3A_2231 = arith.subi %sign3A_2227, %sign3A_2230 : i32
        %ne3A_2232 = arith.cmpi ne, %sign3A_2224, %sign3A_2231 : i32
        %rem3A_2233 = arith.remsi %add3A_2170, %jit3A_2216 : i32
        %ne3A_2234 = arith.constant 0 : i32
        %ne3A_2235 = arith.cmpi ne, %rem3A_2233, %ne3A_2234 : i32
        %and3A_2236 = arith.andi %ne3A_2232, %ne3A_2235 : i1
        %sub3A_2237 = arith.constant 1 : i32
        %sub3A_2238 = arith.subi %div3A_2217, %sub3A_2237 : i32
        %select_n3A_2239 = arith.select %and3A_2236, %sub3A_2238, %div3A_2217 : i32
        %broadcast_in_dim3A_2240 = vector.broadcast %select_n3A_2239 : i32 to vector<16xi32>
        %jit3A_2241 = arith.constant 8 : i32
        %eq3A_2242 = arith.constant 0 : i32
        %eq3A_2243 = arith.cmpi eq, %jit3A_2241, %eq3A_2242 : i32
        %jit3A_2244 = arith.constant 1 : i32
        %select_n3A_2245 = arith.select %eq3A_2243, %jit3A_2244, %jit3A_2241 : i32
        %rem3A_2246 = vector.broadcast %select_n3A_2245 : i32 to vector<16xi32>
        %rem3A_2247 = arith.remsi %iota3A, %rem3A_2246 : vector<16xi32>
        %ne3A_2248 = arith.constant 0 : i32
        %ne3A_2249 = vector.broadcast %ne3A_2248 : i32 to vector<16xi32>
        %ne3A_2250 = arith.cmpi ne, %rem3A_2247, %ne3A_2249 : vector<16xi32>
        %lt3A_2251 = arith.constant 0 : i32
        %lt3A_2252 = vector.broadcast %lt3A_2251 : i32 to vector<16xi32>
        %lt3A_2253 = arith.cmpi slt, %rem3A_2247, %lt3A_2252 : vector<16xi32>
        %lt3A_2254 = arith.constant 0 : i32
        %lt3A_2255 = arith.cmpi slt, %select_n3A_2245, %lt3A_2254 : i32
        %ne3A_2256 = vector.broadcast %lt3A_2255 : i1 to vector<16xi1>
        %ne3A_2257 = vector.broadcast %ne3A_2256 : vector<16xi1> to vector<16xi1>
        %ne3A_2258 = arith.xori %lt3A_2253, %ne3A_2257 : vector<16xi1>
        %and3A_2259 = arith.andi %ne3A_2258, %ne3A_2250 : vector<16xi1>
        %add3A_2260 = vector.broadcast %select_n3A_2245 : i32 to vector<16xi32>
        %add3A_2261 = arith.addi %rem3A_2247, %add3A_2260 : vector<16xi32>
        %select_n3A_2262 = arith.select %and3A_2259, %add3A_2261, %rem3A_2247 : vector<16xi1>, vector<16xi32>
        %jit3A_2263 = arith.constant 128 : i32
        %eq3A_2264 = arith.constant 0 : i32
        %eq3A_2265 = arith.cmpi eq, %jit3A_2263, %eq3A_2264 : i32
        %jit3A_2266 = arith.constant 1 : i32
        %select_n3A_2267 = arith.select %eq3A_2265, %jit3A_2266, %jit3A_2263 : i32
        %rem3A_2268 = arith.remsi %add3A_2170, %select_n3A_2267 : i32
        %ne3A_2269 = arith.constant 0 : i32
        %ne3A_2270 = arith.cmpi ne, %rem3A_2268, %ne3A_2269 : i32
        %lt3A_2271 = arith.constant 0 : i32
        %lt3A_2272 = arith.cmpi slt, %rem3A_2268, %lt3A_2271 : i32
        %lt3A_2273 = arith.constant 0 : i32
        %lt3A_2274 = arith.cmpi slt, %select_n3A_2267, %lt3A_2273 : i32
        %ne3A_2275 = arith.xori %lt3A_2272, %lt3A_2274 : i1
        %and3A_2276 = arith.andi %ne3A_2275, %ne3A_2270 : i1
        %add3A_2277 = arith.addi %rem3A_2268, %select_n3A_2267 : i32
        %select_n3A_2278 = arith.select %and3A_2276, %add3A_2277, %rem3A_2268 : i32
        %broadcast_in_dim3A_2279 = vector.broadcast %select_n3A_2278 : i32 to vector<16xi32>
        tpu.vector_store_idx %arg21[%select_n3A_2215, %broadcast_in_dim3A_2240, %select_n3A_2262, %broadcast_in_dim3A_2279], %max3A_2184 : memref<2x5x8x128xf32, #tpu.memory_space<vmem>>[vector<16xi32>, vector<16xi32>, vector<16xi32>, vector<16xi32>], vector<16xf32>,
        %broadcast_in_dim3A_2280 = vector.broadcast %add3A_2170 : i32 to vector<16xi32>
        %gather3A_2281 = tpu.vector_load_idx %arg20[%broadcast_in_dim3A_2280] : memref<640xf32, #tpu.memory_space<vmem>>[vector<16xi32>], vector<16xf32>,
        %mul3A_2282 = arith.mulf %max3A_2184, %gather3A_2281 : vector<16xf32>
        %swap3A_2283 = arith.index_cast %add3A_2170 : i32 to index
        %swap3A_2284 = arith.constant 0 : index
        %swap3A_2285 = tpu.vector_load %arg22[%swap3A_2283, %swap3A_2284] {strides = array<i32>} : memref<640x16xf32, #tpu.memory_space<vmem>>, vector<16xf32>,
        tpu.vector_store %arg22[%swap3A_2283, %swap3A_2284], %mul3A_2282 {strides = array<i32>} : memref<640x16xf32, #tpu.memory_space<vmem>>, vector<16xf32>,
        %scan3A_2286 = arith.constant 0 : i32
        scf.yield %scan3A_2286 : i32
      }
      %scan3A_1312 = arith.constant 80 : i32
      %mul3A_1313 = arith.constant 5 : i32
      %mul3A_1314 = arith.muli %add3A_52, %mul3A_1313 : i32
      %dma_start3A_1315 = arith.constant 0 : i32
      %dma_start3A_1316 = arith.constant 0 : i32
      %dma_start3A_1317 = arith.constant 0 : i32
      %dma_start3A_1318 = tpu.memref_slice %arg10[%dma_start3A_1315, %mul3A_1314, %dma_start3A_1316, %dma_start3A_1317] : memref<2x2500x8x128xf32, #tpu.memory_space<hbm>> -> memref<2x5x8x128xf32, #tpu.memory_space<hbm>>
      %dma_start3A_1319 = arith.constant 0 : i32
      %dma_start3A_1320 = arith.constant 0 : i32
      %dma_start3A_1321 = arith.constant 0 : i32
      %dma_start3A_1322 = tpu.memref_slice %arg10[%dma_start3A_1319, %mul3A_1314, %dma_start3A_1320, %dma_start3A_1321] : memref<2x2500x8x128xf32, #tpu.memory_space<hbm>> -> memref<2x5x8x128xf32, #tpu.memory_space<hbm>>
      tpu.enqueue_dma source(%arg21 : memref<2x5x8x128xf32, #tpu.memory_space<vmem>>) target(%dma_start3A_1322 : memref<2x5x8x128xf32, #tpu.memory_space<hbm>>) target_semaphore(%arg27 : memref<!tpu.dma_semaphore, #tpu.memory_space<semaphore_mem>>)
      %run_scoped3A = arith.constant 0 : i32
      "tpu.region"() ({
        %run_scoped3A_1336 = tpu.sem_alloc : memref<!tpu.dma_semaphore, #tpu.memory_space<semaphore_mem>>
        %dma_start3A_1337 = arith.constant 0 : i32
        %dma_start3A_1338 = arith.constant 0 : i32
        %dma_start3A_1339 = tpu.memref_slice %arg22[%dma_start3A_1337, %dma_start3A_1338] : memref<640x16xf32, #tpu.memory_space<vmem>> -> memref<128x16xf32, #tpu.memory_space<vmem>>
        %dma_start3A_1340 = arith.constant 0 : i32
        %dma_start3A_1341 = tpu.memref_slice %arg15[%run_scoped3A, %dma_start3A_1340] : memref<5x128xi32, #tpu.memory_space<vmem>> -> memref<1x128xi32, #tpu.memory_space<vmem>>
        %dma_start3A_1342 = tpu.memref_squeeze %dma_start3A_1341 : memref<1x128xi32, #tpu.memory_space<vmem>> -> memref<128xi32, #tpu.memory_space<vmem>>
        %dma_start3A_1343 = arith.constant 0 : i32
        %dma_start3A_1344 = arith.constant 0 : i32
        %dma_start3A_1345 = tpu.memref_slice %arg24[%dma_start3A_1343, %dma_start3A_1344] : memref<10240x16xf32, #tpu.memory_space<vmem_shared>> -> memref<10240x16xf32, #tpu.memory_space<vmem_shared>>
        tpu.enqueue_indirect_dma source(%dma_start3A_1339 : memref<128x16xf32, #tpu.memory_space<vmem>>) target(%dma_start3A_1345 : memref<10240x16xf32, #tpu.memory_space<vmem_shared>>) offsets(%dma_start3A_1342 : memref<128xi32, #tpu.memory_space<vmem>>) semaphore(%run_scoped3A_1336 : memref<!tpu.dma_semaphore, #tpu.memory_space<semaphore_mem>>) {add = true}
        %dma_wait3A_1346 = arith.constant 0 : i32
        %dma_wait3A_1347 = arith.constant 0 : i32
        %dma_wait3A_1348 = tpu.memref_slice %arg22[%dma_wait3A_1346, %dma_wait3A_1347] : memref<640x16xf32, #tpu.memory_space<vmem>> -> memref<128x16xf32, #tpu.memory_space<vmem>>
        %dma_wait3A_1349 = arith.constant 0 : i32
        %dma_wait3A_1350 = tpu.memref_slice %arg15[%run_scoped3A, %dma_wait3A_1349] : memref<5x128xi32, #tpu.memory_space<vmem>> -> memref<1x128xi32, #tpu.memory_space<vmem>>
        %dma_wait3A_1351 = tpu.memref_squeeze %dma_wait3A_1350 : memref<1x128xi32, #tpu.memory_space<vmem>> -> memref<128xi32, #tpu.memory_space<vmem>>
        %dma_wait3A_1352 = arith.constant 0 : i32
        %dma_wait3A_1353 = arith.constant 0 : i32
        %dma_wait3A_1354 = tpu.memref_slice %arg24[%dma_wait3A_1352, %dma_wait3A_1353] : memref<10240x16xf32, #tpu.memory_space<vmem_shared>> -> memref<10240x16xf32, #tpu.memory_space<vmem_shared>>
        tpu.wait_indirect_dma semaphore(%run_scoped3A_1336 : memref<!tpu.dma_semaphore, #tpu.memory_space<semaphore_mem>>) src(%dma_wait3A_1348 : memref<128x16xf32, #tpu.memory_space<vmem>>) dst(%dma_wait3A_1354 : memref<10240x16xf32, #tpu.memory_space<vmem_shared>>)
        tpu.yield
      }) : () -> ()
      %run_scoped3A_1323 = arith.constant 1 : i32
      "tpu.region"() ({
        %run_scoped3A_1336 = tpu.sem_alloc : memref<!tpu.dma_semaphore, #tpu.memory_space<semaphore_mem>>
        %dma_start3A_1337 = arith.constant 128 : i32
        %dma_start3A_1338 = arith.constant 0 : i32
        %dma_start3A_1339 = tpu.memref_slice %arg22[%dma_start3A_1337, %dma_start3A_1338] : memref<640x16xf32, #tpu.memory_space<vmem>> -> memref<128x16xf32, #tpu.memory_space<vmem>>
        %dma_start3A_1340 = arith.constant 0 : i32
        %dma_start3A_1341 = tpu.memref_slice %arg15[%run_scoped3A_1323, %dma_start3A_1340] : memref<5x128xi32, #tpu.memory_space<vmem>> -> memref<1x128xi32, #tpu.memory_space<vmem>>
        %dma_start3A_1342 = tpu.memref_squeeze %dma_start3A_1341 : memref<1x128xi32, #tpu.memory_space<vmem>> -> memref<128xi32, #tpu.memory_space<vmem>>
        %dma_start3A_1343 = arith.constant 0 : i32
        %dma_start3A_1344 = arith.constant 0 : i32
        %dma_start3A_1345 = tpu.memref_slice %arg24[%dma_start3A_1343, %dma_start3A_1344] : memref<10240x16xf32, #tpu.memory_space<vmem_shared>> -> memref<10240x16xf32, #tpu.memory_space<vmem_shared>>
        tpu.enqueue_indirect_dma source(%dma_start3A_1339 : memref<128x16xf32, #tpu.memory_space<vmem>>) target(%dma_start3A_1345 : memref<10240x16xf32, #tpu.memory_space<vmem_shared>>) offsets(%dma_start3A_1342 : memref<128xi32, #tpu.memory_space<vmem>>) semaphore(%run_scoped3A_1336 : memref<!tpu.dma_semaphore, #tpu.memory_space<semaphore_mem>>) {add = true}
        %dma_wait3A_1346 = arith.constant 128 : i32
        %dma_wait3A_1347 = arith.constant 0 : i32
        %dma_wait3A_1348 = tpu.memref_slice %arg22[%dma_wait3A_1346, %dma_wait3A_1347] : memref<640x16xf32, #tpu.memory_space<vmem>> -> memref<128x16xf32, #tpu.memory_space<vmem>>
        %dma_wait3A_1349 = arith.constant 0 : i32
        %dma_wait3A_1350 = tpu.memref_slice %arg15[%run_scoped3A_1323, %dma_wait3A_1349] : memref<5x128xi32, #tpu.memory_space<vmem>> -> memref<1x128xi32, #tpu.memory_space<vmem>>
        %dma_wait3A_1351 = tpu.memref_squeeze %dma_wait3A_1350 : memref<1x128xi32, #tpu.memory_space<vmem>> -> memref<128xi32, #tpu.memory_space<vmem>>
        %dma_wait3A_1352 = arith.constant 0 : i32
        %dma_wait3A_1353 = arith.constant 0 : i32
        %dma_wait3A_1354 = tpu.memref_slice %arg24[%dma_wait3A_1352, %dma_wait3A_1353] : memref<10240x16xf32, #tpu.memory_space<vmem_shared>> -> memref<10240x16xf32, #tpu.memory_space<vmem_shared>>
        tpu.wait_indirect_dma semaphore(%run_scoped3A_1336 : memref<!tpu.dma_semaphore, #tpu.memory_space<semaphore_mem>>) src(%dma_wait3A_1348 : memref<128x16xf32, #tpu.memory_space<vmem>>) dst(%dma_wait3A_1354 : memref<10240x16xf32, #tpu.memory_space<vmem_shared>>)
        tpu.yield
      }) : () -> ()
      %run_scoped3A_1324 = arith.constant 2 : i32
      "tpu.region"() ({
        %run_scoped3A_1336 = tpu.sem_alloc : memref<!tpu.dma_semaphore, #tpu.memory_space<semaphore_mem>>
        %dma_start3A_1337 = arith.constant 256 : i32
        %dma_start3A_1338 = arith.constant 0 : i32
        %dma_start3A_1339 = tpu.memref_slice %arg22[%dma_start3A_1337, %dma_start3A_1338] : memref<640x16xf32, #tpu.memory_space<vmem>> -> memref<128x16xf32, #tpu.memory_space<vmem>>
        %dma_start3A_1340 = arith.constant 0 : i32
        %dma_start3A_1341 = tpu.memref_slice %arg15[%run_scoped3A_1324, %dma_start3A_1340] : memref<5x128xi32, #tpu.memory_space<vmem>> -> memref<1x128xi32, #tpu.memory_space<vmem>>
        %dma_start3A_1342 = tpu.memref_squeeze %dma_start3A_1341 : memref<1x128xi32, #tpu.memory_space<vmem>> -> memref<128xi32, #tpu.memory_space<vmem>>
        %dma_start3A_1343 = arith.constant 0 : i32
        %dma_start3A_1344 = arith.constant 0 : i32
        %dma_start3A_1345 = tpu.memref_slice %arg24[%dma_start3A_1343, %dma_start3A_1344] : memref<10240x16xf32, #tpu.memory_space<vmem_shared>> -> memref<10240x16xf32, #tpu.memory_space<vmem_shared>>
        tpu.enqueue_indirect_dma source(%dma_start3A_1339 : memref<128x16xf32, #tpu.memory_space<vmem>>) target(%dma_start3A_1345 : memref<10240x16xf32, #tpu.memory_space<vmem_shared>>) offsets(%dma_start3A_1342 : memref<128xi32, #tpu.memory_space<vmem>>) semaphore(%run_scoped3A_1336 : memref<!tpu.dma_semaphore, #tpu.memory_space<semaphore_mem>>) {add = true}
        %dma_wait3A_1346 = arith.constant 256 : i32
        %dma_wait3A_1347 = arith.constant 0 : i32
        %dma_wait3A_1348 = tpu.memref_slice %arg22[%dma_wait3A_1346, %dma_wait3A_1347] : memref<640x16xf32, #tpu.memory_space<vmem>> -> memref<128x16xf32, #tpu.memory_space<vmem>>
        %dma_wait3A_1349 = arith.constant 0 : i32
        %dma_wait3A_1350 = tpu.memref_slice %arg15[%run_scoped3A_1324, %dma_wait3A_1349] : memref<5x128xi32, #tpu.memory_space<vmem>> -> memref<1x128xi32, #tpu.memory_space<vmem>>
        %dma_wait3A_1351 = tpu.memref_squeeze %dma_wait3A_1350 : memref<1x128xi32, #tpu.memory_space<vmem>> -> memref<128xi32, #tpu.memory_space<vmem>>
        %dma_wait3A_1352 = arith.constant 0 : i32
        %dma_wait3A_1353 = arith.constant 0 : i32
        %dma_wait3A_1354 = tpu.memref_slice %arg24[%dma_wait3A_1352, %dma_wait3A_1353] : memref<10240x16xf32, #tpu.memory_space<vmem_shared>> -> memref<10240x16xf32, #tpu.memory_space<vmem_shared>>
        tpu.wait_indirect_dma semaphore(%run_scoped3A_1336 : memref<!tpu.dma_semaphore, #tpu.memory_space<semaphore_mem>>) src(%dma_wait3A_1348 : memref<128x16xf32, #tpu.memory_space<vmem>>) dst(%dma_wait3A_1354 : memref<10240x16xf32, #tpu.memory_space<vmem_shared>>)
        tpu.yield
      }) : () -> ()
      %run_scoped3A_1325 = arith.constant 3 : i32
      "tpu.region"() ({
        %run_scoped3A_1336 = tpu.sem_alloc : memref<!tpu.dma_semaphore, #tpu.memory_space<semaphore_mem>>
        %dma_start3A_1337 = arith.constant 384 : i32
        %dma_start3A_1338 = arith.constant 0 : i32
        %dma_start3A_1339 = tpu.memref_slice %arg22[%dma_start3A_1337, %dma_start3A_1338] : memref<640x16xf32, #tpu.memory_space<vmem>> -> memref<128x16xf32, #tpu.memory_space<vmem>>
        %dma_start3A_1340 = arith.constant 0 : i32
        %dma_start3A_1341 = tpu.memref_slice %arg15[%run_scoped3A_1325, %dma_start3A_1340] : memref<5x128xi32, #tpu.memory_space<vmem>> -> memref<1x128xi32, #tpu.memory_space<vmem>>
        %dma_start3A_1342 = tpu.memref_squeeze %dma_start3A_1341 : memref<1x128xi32, #tpu.memory_space<vmem>> -> memref<128xi32, #tpu.memory_space<vmem>>
        %dma_start3A_1343 = arith.constant 0 : i32
        %dma_start3A_1344 = arith.constant 0 : i32
        %dma_start3A_1345 = tpu.memref_slice %arg24[%dma_start3A_1343, %dma_start3A_1344] : memref<10240x16xf32, #tpu.memory_space<vmem_shared>> -> memref<10240x16xf32, #tpu.memory_space<vmem_shared>>
        tpu.enqueue_indirect_dma source(%dma_start3A_1339 : memref<128x16xf32, #tpu.memory_space<vmem>>) target(%dma_start3A_1345 : memref<10240x16xf32, #tpu.memory_space<vmem_shared>>) offsets(%dma_start3A_1342 : memref<128xi32, #tpu.memory_space<vmem>>) semaphore(%run_scoped3A_1336 : memref<!tpu.dma_semaphore, #tpu.memory_space<semaphore_mem>>) {add = true}
        %dma_wait3A_1346 = arith.constant 384 : i32
        %dma_wait3A_1347 = arith.constant 0 : i32
        %dma_wait3A_1348 = tpu.memref_slice %arg22[%dma_wait3A_1346, %dma_wait3A_1347] : memref<640x16xf32, #tpu.memory_space<vmem>> -> memref<128x16xf32, #tpu.memory_space<vmem>>
        %dma_wait3A_1349 = arith.constant 0 : i32
        %dma_wait3A_1350 = tpu.memref_slice %arg15[%run_scoped3A_1325, %dma_wait3A_1349] : memref<5x128xi32, #tpu.memory_space<vmem>> -> memref<1x128xi32, #tpu.memory_space<vmem>>
        %dma_wait3A_1351 = tpu.memref_squeeze %dma_wait3A_1350 : memref<1x128xi32, #tpu.memory_space<vmem>> -> memref<128xi32, #tpu.memory_space<vmem>>
        %dma_wait3A_1352 = arith.constant 0 : i32
        %dma_wait3A_1353 = arith.constant 0 : i32
        %dma_wait3A_1354 = tpu.memref_slice %arg24[%dma_wait3A_1352, %dma_wait3A_1353] : memref<10240x16xf32, #tpu.memory_space<vmem_shared>> -> memref<10240x16xf32, #tpu.memory_space<vmem_shared>>
        tpu.wait_indirect_dma semaphore(%run_scoped3A_1336 : memref<!tpu.dma_semaphore, #tpu.memory_space<semaphore_mem>>) src(%dma_wait3A_1348 : memref<128x16xf32, #tpu.memory_space<vmem>>) dst(%dma_wait3A_1354 : memref<10240x16xf32, #tpu.memory_space<vmem_shared>>)
        tpu.yield
      }) : () -> ()
      %run_scoped3A_1326 = arith.constant 4 : i32
      "tpu.region"() ({
        %run_scoped3A_1336 = tpu.sem_alloc : memref<!tpu.dma_semaphore, #tpu.memory_space<semaphore_mem>>
        %dma_start3A_1337 = arith.constant 512 : i32
        %dma_start3A_1338 = arith.constant 0 : i32
        %dma_start3A_1339 = tpu.memref_slice %arg22[%dma_start3A_1337, %dma_start3A_1338] : memref<640x16xf32, #tpu.memory_space<vmem>> -> memref<128x16xf32, #tpu.memory_space<vmem>>
        %dma_start3A_1340 = arith.constant 0 : i32
        %dma_start3A_1341 = tpu.memref_slice %arg15[%run_scoped3A_1326, %dma_start3A_1340] : memref<5x128xi32, #tpu.memory_space<vmem>> -> memref<1x128xi32, #tpu.memory_space<vmem>>
        %dma_start3A_1342 = tpu.memref_squeeze %dma_start3A_1341 : memref<1x128xi32, #tpu.memory_space<vmem>> -> memref<128xi32, #tpu.memory_space<vmem>>
        %dma_start3A_1343 = arith.constant 0 : i32
        %dma_start3A_1344 = arith.constant 0 : i32
        %dma_start3A_1345 = tpu.memref_slice %arg24[%dma_start3A_1343, %dma_start3A_1344] : memref<10240x16xf32, #tpu.memory_space<vmem_shared>> -> memref<10240x16xf32, #tpu.memory_space<vmem_shared>>
        tpu.enqueue_indirect_dma source(%dma_start3A_1339 : memref<128x16xf32, #tpu.memory_space<vmem>>) target(%dma_start3A_1345 : memref<10240x16xf32, #tpu.memory_space<vmem_shared>>) offsets(%dma_start3A_1342 : memref<128xi32, #tpu.memory_space<vmem>>) semaphore(%run_scoped3A_1336 : memref<!tpu.dma_semaphore, #tpu.memory_space<semaphore_mem>>) {add = true}
        %dma_wait3A_1346 = arith.constant 512 : i32
        %dma_wait3A_1347 = arith.constant 0 : i32
        %dma_wait3A_1348 = tpu.memref_slice %arg22[%dma_wait3A_1346, %dma_wait3A_1347] : memref<640x16xf32, #tpu.memory_space<vmem>> -> memref<128x16xf32, #tpu.memory_space<vmem>>
        %dma_wait3A_1349 = arith.constant 0 : i32
        %dma_wait3A_1350 = tpu.memref_slice %arg15[%run_scoped3A_1326, %dma_wait3A_1349] : memref<5x128xi32, #tpu.memory_space<vmem>> -> memref<1x128xi32, #tpu.memory_space<vmem>>
        %dma_wait3A_1351 = tpu.memref_squeeze %dma_wait3A_1350 : memref<1x128xi32, #tpu.memory_space<vmem>> -> memref<128xi32, #tpu.memory_space<vmem>>
        %dma_wait3A_1352 = arith.constant 0 : i32
        %dma_wait3A_1353 = arith.constant 0 : i32
        %dma_wait3A_1354 = tpu.memref_slice %arg24[%dma_wait3A_1352, %dma_wait3A_1353] : memref<10240x16xf32, #tpu.memory_space<vmem_shared>> -> memref<10240x16xf32, #tpu.memory_space<vmem_shared>>
        tpu.wait_indirect_dma semaphore(%run_scoped3A_1336 : memref<!tpu.dma_semaphore, #tpu.memory_space<semaphore_mem>>) src(%dma_wait3A_1348 : memref<128x16xf32, #tpu.memory_space<vmem>>) dst(%dma_wait3A_1354 : memref<10240x16xf32, #tpu.memory_space<vmem_shared>>)
        tpu.yield
      }) : () -> ()
      %dma_wait3A_1327 = arith.constant 0 : i32
      %dma_wait3A_1328 = arith.constant 0 : i32
      %dma_wait3A_1329 = arith.constant 0 : i32
      %dma_wait3A_1330 = tpu.memref_slice %arg10[%dma_wait3A_1327, %mul3A_1314, %dma_wait3A_1328, %dma_wait3A_1329] : memref<2x2500x8x128xf32, #tpu.memory_space<hbm>> -> memref<2x5x8x128xf32, #tpu.memory_space<hbm>>
      %dma_wait3A_1331 = arith.constant 0 : i32
      %dma_wait3A_1332 = arith.constant 0 : i32
      %dma_wait3A_1333 = arith.constant 0 : i32
      %dma_wait3A_1334 = tpu.memref_slice %arg10[%dma_wait3A_1331, %mul3A_1314, %dma_wait3A_1332, %dma_wait3A_1333] : memref<2x2500x8x128xf32, #tpu.memory_space<hbm>> -> memref<2x5x8x128xf32, #tpu.memory_space<hbm>>
      tpu.wait_dma2 semaphore(%arg27 : memref<!tpu.dma_semaphore, #tpu.memory_space<semaphore_mem>>) src(%arg21 : memref<2x5x8x128xf32, #tpu.memory_space<vmem>>) dst(%dma_wait3A_1334 : memref<2x5x8x128xf32, #tpu.memory_space<hbm>>)
      %while3A_1335 = arith.constant 0 : i32
      scf.yield %while3A_1335 : i32
    }
    %while3A_38 = arith.constant 1 : i32
    %while3A_39 = scf.for %while3A_48 = %while3A_35 to %while3A_31 step %while3A_38 iter_args(%while3A_49 = %while3A_37) -> (i32)  : i32 {
      %mul3A_50 = arith.constant 32 : i32
      %mul3A_51 = arith.muli %mul3A_50, %while3A_48 : i32
      %add3A_52 = arith.addi %add3A, %mul3A_51 : i32
      %mul3A_53 = arith.constant 640 : i32
      %mul3A_54 = arith.muli %add3A_52, %mul3A_53 : i32
      %mul3A_55 = arith.constant 5 : i32
      %mul3A_56 = arith.muli %add3A_52, %mul3A_55 : i32
      "tpu.region"() ({
        %run_scoped3A_1336 = tpu.sem_alloc : memref<!tpu.dma_semaphore, #tpu.memory_space<semaphore_mem>>
        %dma_start3A_1337 = arith.constant 0 : i32
        %dma_start3A_1338 = tpu.memref_slice %arg2[%mul3A_56, %dma_start3A_1337] : memref<2500x128xi32, #tpu.memory_space<hbm>> -> memref<5x128xi32, #tpu.memory_space<hbm>>
        %dma_start3A_1339 = arith.constant 0 : i32
        %dma_start3A_1340 = tpu.memref_slice %arg2[%mul3A_56, %dma_start3A_1339] : memref<2500x128xi32, #tpu.memory_space<hbm>> -> memref<5x128xi32, #tpu.memory_space<hbm>>
        tpu.enqueue_dma source(%dma_start3A_1340 : memref<5x128xi32, #tpu.memory_space<hbm>>) target(%arg14 : memref<5x128xi32, #tpu.memory_space<vmem>>) target_semaphore(%run_scoped3A_1336 : memref<!tpu.dma_semaphore, #tpu.memory_space<semaphore_mem>>)
        %dma_wait3A_1341 = arith.constant 0 : i32
        %dma_wait3A_1342 = tpu.memref_slice %arg2[%mul3A_56, %dma_wait3A_1341] : memref<2500x128xi32, #tpu.memory_space<hbm>> -> memref<5x128xi32, #tpu.memory_space<hbm>>
        %dma_wait3A_1343 = arith.constant 0 : i32
        %dma_wait3A_1344 = tpu.memref_slice %arg2[%mul3A_56, %dma_wait3A_1343] : memref<2500x128xi32, #tpu.memory_space<hbm>> -> memref<5x128xi32, #tpu.memory_space<hbm>>
        tpu.wait_dma2 semaphore(%run_scoped3A_1336 : memref<!tpu.dma_semaphore, #tpu.memory_space<semaphore_mem>>) src(%dma_wait3A_1344 : memref<5x128xi32, #tpu.memory_space<hbm>>) dst(%arg14 : memref<5x128xi32, #tpu.memory_space<vmem>>)
        tpu.yield
      }) : () -> ()
      %mul3A_57 = arith.constant 5 : i32
      %mul3A_58 = arith.muli %add3A_52, %mul3A_57 : i32
      "tpu.region"() ({
        %run_scoped3A_1336 = tpu.sem_alloc : memref<!tpu.dma_semaphore, #tpu.memory_space<semaphore_mem>>
        %dma_start3A_1337 = arith.constant 0 : i32
        %dma_start3A_1338 = tpu.memref_slice %arg3[%mul3A_58, %dma_start3A_1337] : memref<2500x128xi32, #tpu.memory_space<hbm>> -> memref<5x128xi32, #tpu.memory_space<hbm>>
        %dma_start3A_1339 = arith.constant 0 : i32
        %dma_start3A_1340 = tpu.memref_slice %arg3[%mul3A_58, %dma_start3A_1339] : memref<2500x128xi32, #tpu.memory_space<hbm>> -> memref<5x128xi32, #tpu.memory_space<hbm>>
        tpu.enqueue_dma source(%dma_start3A_1340 : memref<5x128xi32, #tpu.memory_space<hbm>>) target(%arg15 : memref<5x128xi32, #tpu.memory_space<vmem>>) target_semaphore(%run_scoped3A_1336 : memref<!tpu.dma_semaphore, #tpu.memory_space<semaphore_mem>>)
        %dma_wait3A_1341 = arith.constant 0 : i32
        %dma_wait3A_1342 = tpu.memref_slice %arg3[%mul3A_58, %dma_wait3A_1341] : memref<2500x128xi32, #tpu.memory_space<hbm>> -> memref<5x128xi32, #tpu.memory_space<hbm>>
        %dma_wait3A_1343 = arith.constant 0 : i32
        %dma_wait3A_1344 = tpu.memref_slice %arg3[%mul3A_58, %dma_wait3A_1343] : memref<2500x128xi32, #tpu.memory_space<hbm>> -> memref<5x128xi32, #tpu.memory_space<hbm>>
        tpu.wait_dma2 semaphore(%run_scoped3A_1336 : memref<!tpu.dma_semaphore, #tpu.memory_space<semaphore_mem>>) src(%dma_wait3A_1344 : memref<5x128xi32, #tpu.memory_space<hbm>>) dst(%arg15 : memref<5x128xi32, #tpu.memory_space<vmem>>)
        tpu.yield
      }) : () -> ()
      %dma_start3A = arith.constant 0 : i32
      %dma_start3A_59 = arith.constant 0 : i32
      %dma_start3A_60 = arith.constant 0 : i32
      %dma_start3A_61 = tpu.memref_slice %arg16[%dma_start3A_59, %dma_start3A_60] : memref<640x16xf32, #tpu.memory_space<vmem>> -> memref<128x16xf32, #tpu.memory_space<vmem>>
      %dma_start3A_62 = arith.constant 0 : i32
      %dma_start3A_63 = tpu.memref_slice %arg14[%dma_start3A, %dma_start3A_62] : memref<5x128xi32, #tpu.memory_space<vmem>> -> memref<1x128xi32, #tpu.memory_space<vmem>>
      %dma_start3A_64 = tpu.memref_squeeze %dma_start3A_63 : memref<1x128xi32, #tpu.memory_space<vmem>> -> memref<128xi32, #tpu.memory_space<vmem>>
      %dma_start3A_65 = arith.constant 0 : i32
      %dma_start3A_66 = arith.constant 0 : i32
      %dma_start3A_67 = tpu.memref_slice %arg4[%dma_start3A_65, %dma_start3A_66] : memref<10000x16xf32, #tpu.memory_space<hbm>> -> memref<10000x16xf32, #tpu.memory_space<hbm>>
      tpu.enqueue_indirect_dma source(%dma_start3A_67 : memref<10000x16xf32, #tpu.memory_space<hbm>>) target(%dma_start3A_61 : memref<128x16xf32, #tpu.memory_space<vmem>>) offsets(%dma_start3A_64 : memref<128xi32, #tpu.memory_space<vmem>>) semaphore(%arg25 : memref<!tpu.dma_semaphore, #tpu.memory_space<semaphore_mem>>)
      %dma_start3A_68 = arith.constant 0 : i32
      %dma_start3A_69 = arith.constant 0 : i32
      %dma_start3A_70 = arith.constant 0 : i32
      %dma_start3A_71 = tpu.memref_slice %arg17[%dma_start3A_69, %dma_start3A_70] : memref<640x16xf32, #tpu.memory_space<vmem>> -> memref<128x16xf32, #tpu.memory_space<vmem>>
      %dma_start3A_72 = arith.constant 0 : i32
      %dma_start3A_73 = tpu.memref_slice %arg15[%dma_start3A_68, %dma_start3A_72] : memref<5x128xi32, #tpu.memory_space<vmem>> -> memref<1x128xi32, #tpu.memory_space<vmem>>
      %dma_start3A_74 = tpu.memref_squeeze %dma_start3A_73 : memref<1x128xi32, #tpu.memory_space<vmem>> -> memref<128xi32, #tpu.memory_space<vmem>>
      %dma_start3A_75 = arith.constant 0 : i32
      %dma_start3A_76 = arith.constant 0 : i32
      %dma_start3A_77 = tpu.memref_slice %arg5[%dma_start3A_75, %dma_start3A_76] : memref<10000x16xf32, #tpu.memory_space<hbm>> -> memref<10000x16xf32, #tpu.memory_space<hbm>>
      tpu.enqueue_indirect_dma source(%dma_start3A_77 : memref<10000x16xf32, #tpu.memory_space<hbm>>) target(%dma_start3A_71 : memref<128x16xf32, #tpu.memory_space<vmem>>) offsets(%dma_start3A_74 : memref<128xi32, #tpu.memory_space<vmem>>) semaphore(%arg25 : memref<!tpu.dma_semaphore, #tpu.memory_space<semaphore_mem>>)
      %dma_start3A_78 = arith.constant 1 : i32
      %dma_start3A_79 = arith.constant 128 : i32
      %dma_start3A_80 = arith.constant 0 : i32
      %dma_start3A_81 = tpu.memref_slice %arg16[%dma_start3A_79, %dma_start3A_80] : memref<640x16xf32, #tpu.memory_space<vmem>> -> memref<128x16xf32, #tpu.memory_space<vmem>>
      %dma_start3A_82 = arith.constant 0 : i32
      %dma_start3A_83 = tpu.memref_slice %arg14[%dma_start3A_78, %dma_start3A_82] : memref<5x128xi32, #tpu.memory_space<vmem>> -> memref<1x128xi32, #tpu.memory_space<vmem>>
      %dma_start3A_84 = tpu.memref_squeeze %dma_start3A_83 : memref<1x128xi32, #tpu.memory_space<vmem>> -> memref<128xi32, #tpu.memory_space<vmem>>
      %dma_start3A_85 = arith.constant 0 : i32
      %dma_start3A_86 = arith.constant 0 : i32
      %dma_start3A_87 = tpu.memref_slice %arg4[%dma_start3A_85, %dma_start3A_86] : memref<10000x16xf32, #tpu.memory_space<hbm>> -> memref<10000x16xf32, #tpu.memory_space<hbm>>
      tpu.enqueue_indirect_dma source(%dma_start3A_87 : memref<10000x16xf32, #tpu.memory_space<hbm>>) target(%dma_start3A_81 : memref<128x16xf32, #tpu.memory_space<vmem>>) offsets(%dma_start3A_84 : memref<128xi32, #tpu.memory_space<vmem>>) semaphore(%arg25 : memref<!tpu.dma_semaphore, #tpu.memory_space<semaphore_mem>>)
      %dma_start3A_88 = arith.constant 1 : i32
      %dma_start3A_89 = arith.constant 128 : i32
      %dma_start3A_90 = arith.constant 0 : i32
      %dma_start3A_91 = tpu.memref_slice %arg17[%dma_start3A_89, %dma_start3A_90] : memref<640x16xf32, #tpu.memory_space<vmem>> -> memref<128x16xf32, #tpu.memory_space<vmem>>
      %dma_start3A_92 = arith.constant 0 : i32
      %dma_start3A_93 = tpu.memref_slice %arg15[%dma_start3A_88, %dma_start3A_92] : memref<5x128xi32, #tpu.memory_space<vmem>> -> memref<1x128xi32, #tpu.memory_space<vmem>>
      %dma_start3A_94 = tpu.memref_squeeze %dma_start3A_93 : memref<1x128xi32, #tpu.memory_space<vmem>> -> memref<128xi32, #tpu.memory_space<vmem>>
      %dma_start3A_95 = arith.constant 0 : i32
      %dma_start3A_96 = arith.constant 0 : i32
      %dma_start3A_97 = tpu.memref_slice %arg5[%dma_start3A_95, %dma_start3A_96] : memref<10000x16xf32, #tpu.memory_space<hbm>> -> memref<10000x16xf32, #tpu.memory_space<hbm>>
      tpu.enqueue_indirect_dma source(%dma_start3A_97 : memref<10000x16xf32, #tpu.memory_space<hbm>>) target(%dma_start3A_91 : memref<128x16xf32, #tpu.memory_space<vmem>>) offsets(%dma_start3A_94 : memref<128xi32, #tpu.memory_space<vmem>>) semaphore(%arg25 : memref<!tpu.dma_semaphore, #tpu.memory_space<semaphore_mem>>)
      %dma_start3A_98 = arith.constant 2 : i32
      %dma_start3A_99 = arith.constant 256 : i32
      %dma_start3A_100 = arith.constant 0 : i32
      %dma_start3A_101 = tpu.memref_slice %arg16[%dma_start3A_99, %dma_start3A_100] : memref<640x16xf32, #tpu.memory_space<vmem>> -> memref<128x16xf32, #tpu.memory_space<vmem>>
      %dma_start3A_102 = arith.constant 0 : i32
      %dma_start3A_103 = tpu.memref_slice %arg14[%dma_start3A_98, %dma_start3A_102] : memref<5x128xi32, #tpu.memory_space<vmem>> -> memref<1x128xi32, #tpu.memory_space<vmem>>
      %dma_start3A_104 = tpu.memref_squeeze %dma_start3A_103 : memref<1x128xi32, #tpu.memory_space<vmem>> -> memref<128xi32, #tpu.memory_space<vmem>>
      %dma_start3A_105 = arith.constant 0 : i32
      %dma_start3A_106 = arith.constant 0 : i32
      %dma_start3A_107 = tpu.memref_slice %arg4[%dma_start3A_105, %dma_start3A_106] : memref<10000x16xf32, #tpu.memory_space<hbm>> -> memref<10000x16xf32, #tpu.memory_space<hbm>>
      tpu.enqueue_indirect_dma source(%dma_start3A_107 : memref<10000x16xf32, #tpu.memory_space<hbm>>) target(%dma_start3A_101 : memref<128x16xf32, #tpu.memory_space<vmem>>) offsets(%dma_start3A_104 : memref<128xi32, #tpu.memory_space<vmem>>) semaphore(%arg25 : memref<!tpu.dma_semaphore, #tpu.memory_space<semaphore_mem>>)
      %dma_start3A_108 = arith.constant 2 : i32
      %dma_start3A_109 = arith.constant 256 : i32
      %dma_start3A_110 = arith.constant 0 : i32
      %dma_start3A_111 = tpu.memref_slice %arg17[%dma_start3A_109, %dma_start3A_110] : memref<640x16xf32, #tpu.memory_space<vmem>> -> memref<128x16xf32, #tpu.memory_space<vmem>>
      %dma_start3A_112 = arith.constant 0 : i32
      %dma_start3A_113 = tpu.memref_slice %arg15[%dma_start3A_108, %dma_start3A_112] : memref<5x128xi32, #tpu.memory_space<vmem>> -> memref<1x128xi32, #tpu.memory_space<vmem>>
      %dma_start3A_114 = tpu.memref_squeeze %dma_start3A_113 : memref<1x128xi32, #tpu.memory_space<vmem>> -> memref<128xi32, #tpu.memory_space<vmem>>
      %dma_start3A_115 = arith.constant 0 : i32
      %dma_start3A_116 = arith.constant 0 : i32
      %dma_start3A_117 = tpu.memref_slice %arg5[%dma_start3A_115, %dma_start3A_116] : memref<10000x16xf32, #tpu.memory_space<hbm>> -> memref<10000x16xf32, #tpu.memory_space<hbm>>
      tpu.enqueue_indirect_dma source(%dma_start3A_117 : memref<10000x16xf32, #tpu.memory_space<hbm>>) target(%dma_start3A_111 : memref<128x16xf32, #tpu.memory_space<vmem>>) offsets(%dma_start3A_114 : memref<128xi32, #tpu.memory_space<vmem>>) semaphore(%arg25 : memref<!tpu.dma_semaphore, #tpu.memory_space<semaphore_mem>>)
      %dma_start3A_118 = arith.constant 3 : i32
      %dma_start3A_119 = arith.constant 384 : i32
      %dma_start3A_120 = arith.constant 0 : i32
      %dma_start3A_121 = tpu.memref_slice %arg16[%dma_start3A_119, %dma_start3A_120] : memref<640x16xf32, #tpu.memory_space<vmem>> -> memref<128x16xf32, #tpu.memory_space<vmem>>
      %dma_start3A_122 = arith.constant 0 : i32
      %dma_start3A_123 = tpu.memref_slice %arg14[%dma_start3A_118, %dma_start3A_122] : memref<5x128xi32, #tpu.memory_space<vmem>> -> memref<1x128xi32, #tpu.memory_space<vmem>>
      %dma_start3A_124 = tpu.memref_squeeze %dma_start3A_123 : memref<1x128xi32, #tpu.memory_space<vmem>> -> memref<128xi32, #tpu.memory_space<vmem>>
      %dma_start3A_125 = arith.constant 0 : i32
      %dma_start3A_126 = arith.constant 0 : i32
      %dma_start3A_127 = tpu.memref_slice %arg4[%dma_start3A_125, %dma_start3A_126] : memref<10000x16xf32, #tpu.memory_space<hbm>> -> memref<10000x16xf32, #tpu.memory_space<hbm>>
      tpu.enqueue_indirect_dma source(%dma_start3A_127 : memref<10000x16xf32, #tpu.memory_space<hbm>>) target(%dma_start3A_121 : memref<128x16xf32, #tpu.memory_space<vmem>>) offsets(%dma_start3A_124 : memref<128xi32, #tpu.memory_space<vmem>>) semaphore(%arg25 : memref<!tpu.dma_semaphore, #tpu.memory_space<semaphore_mem>>)
      %dma_start3A_128 = arith.constant 3 : i32
      %dma_start3A_129 = arith.constant 384 : i32
      %dma_start3A_130 = arith.constant 0 : i32
      %dma_start3A_131 = tpu.memref_slice %arg17[%dma_start3A_129, %dma_start3A_130] : memref<640x16xf32, #tpu.memory_space<vmem>> -> memref<128x16xf32, #tpu.memory_space<vmem>>
      %dma_start3A_132 = arith.constant 0 : i32
      %dma_start3A_133 = tpu.memref_slice %arg15[%dma_start3A_128, %dma_start3A_132] : memref<5x128xi32, #tpu.memory_space<vmem>> -> memref<1x128xi32, #tpu.memory_space<vmem>>
      %dma_start3A_134 = tpu.memref_squeeze %dma_start3A_133 : memref<1x128xi32, #tpu.memory_space<vmem>> -> memref<128xi32, #tpu.memory_space<vmem>>
      %dma_start3A_135 = arith.constant 0 : i32
      %dma_start3A_136 = arith.constant 0 : i32
      %dma_start3A_137 = tpu.memref_slice %arg5[%dma_start3A_135, %dma_start3A_136] : memref<10000x16xf32, #tpu.memory_space<hbm>> -> memref<10000x16xf32, #tpu.memory_space<hbm>>
      tpu.enqueue_indirect_dma source(%dma_start3A_137 : memref<10000x16xf32, #tpu.memory_space<hbm>>) target(%dma_start3A_131 : memref<128x16xf32, #tpu.memory_space<vmem>>) offsets(%dma_start3A_134 : memref<128xi32, #tpu.memory_space<vmem>>) semaphore(%arg25 : memref<!tpu.dma_semaphore, #tpu.memory_space<semaphore_mem>>)
      %dma_start3A_138 = arith.constant 4 : i32
      %dma_start3A_139 = arith.constant 512 : i32
      %dma_start3A_140 = arith.constant 0 : i32
      %dma_start3A_141 = tpu.memref_slice %arg16[%dma_start3A_139, %dma_start3A_140] : memref<640x16xf32, #tpu.memory_space<vmem>> -> memref<128x16xf32, #tpu.memory_space<vmem>>
      %dma_start3A_142 = arith.constant 0 : i32
      %dma_start3A_143 = tpu.memref_slice %arg14[%dma_start3A_138, %dma_start3A_142] : memref<5x128xi32, #tpu.memory_space<vmem>> -> memref<1x128xi32, #tpu.memory_space<vmem>>
      %dma_start3A_144 = tpu.memref_squeeze %dma_start3A_143 : memref<1x128xi32, #tpu.memory_space<vmem>> -> memref<128xi32, #tpu.memory_space<vmem>>
      %dma_start3A_145 = arith.constant 0 : i32
      %dma_start3A_146 = arith.constant 0 : i32
      %dma_start3A_147 = tpu.memref_slice %arg4[%dma_start3A_145, %dma_start3A_146] : memref<10000x16xf32, #tpu.memory_space<hbm>> -> memref<10000x16xf32, #tpu.memory_space<hbm>>
      tpu.enqueue_indirect_dma source(%dma_start3A_147 : memref<10000x16xf32, #tpu.memory_space<hbm>>) target(%dma_start3A_141 : memref<128x16xf32, #tpu.memory_space<vmem>>) offsets(%dma_start3A_144 : memref<128xi32, #tpu.memory_space<vmem>>) semaphore(%arg25 : memref<!tpu.dma_semaphore, #tpu.memory_space<semaphore_mem>>)
      %dma_start3A_148 = arith.constant 4 : i32
      %dma_start3A_149 = arith.constant 512 : i32
      %dma_start3A_150 = arith.constant 0 : i32
      %dma_start3A_151 = tpu.memref_slice %arg17[%dma_start3A_149, %dma_start3A_150] : memref<640x16xf32, #tpu.memory_space<vmem>> -> memref<128x16xf32, #tpu.memory_space<vmem>>
      %dma_start3A_152 = arith.constant 0 : i32
      %dma_start3A_153 = tpu.memref_slice %arg15[%dma_start3A_148, %dma_start3A_152] : memref<5x128xi32, #tpu.memory_space<vmem>> -> memref<1x128xi32, #tpu.memory_space<vmem>>
      %dma_start3A_154 = tpu.memref_squeeze %dma_start3A_153 : memref<1x128xi32, #tpu.memory_space<vmem>> -> memref<128xi32, #tpu.memory_space<vmem>>
      %dma_start3A_155 = arith.constant 0 : i32
      %dma_start3A_156 = arith.constant 0 : i32
      %dma_start3A_157 = tpu.memref_slice %arg5[%dma_start3A_155, %dma_start3A_156] : memref<10000x16xf32, #tpu.memory_space<hbm>> -> memref<10000x16xf32, #tpu.memory_space<hbm>>
      tpu.enqueue_indirect_dma source(%dma_start3A_157 : memref<10000x16xf32, #tpu.memory_space<hbm>>) target(%dma_start3A_151 : memref<128x16xf32, #tpu.memory_space<vmem>>) offsets(%dma_start3A_154 : memref<128xi32, #tpu.memory_space<vmem>>) semaphore(%arg25 : memref<!tpu.dma_semaphore, #tpu.memory_space<semaphore_mem>>)
      %mul3A_158 = arith.constant 80 : i32
      %mul3A_159 = arith.muli %add3A_52, %mul3A_158 : i32
      %dma_start3A_160 = arith.constant 0 : i32
      %dma_start3A_161 = tpu.memref_slice %arg8[%mul3A_159, %dma_start3A_160] : memref<40000x128xf32, #tpu.memory_space<hbm>> -> memref<80x128xf32, #tpu.memory_space<hbm>>
      %dma_start3A_162 = arith.constant 0 : i32
      %dma_start3A_163 = tpu.memref_slice %arg8[%mul3A_159, %dma_start3A_162] : memref<40000x128xf32, #tpu.memory_space<hbm>> -> memref<80x128xf32, #tpu.memory_space<hbm>>
      tpu.enqueue_dma source(%dma_start3A_163 : memref<80x128xf32, #tpu.memory_space<hbm>>) target(%arg18 : memref<80x128xf32, #tpu.memory_space<vmem>>) target_semaphore(%arg26 : memref<!tpu.dma_semaphore, #tpu.memory_space<semaphore_mem>>)
      %dma_start3A_164 = tpu.memref_slice %arg9[%mul3A_54] : memref<320000xf32, #tpu.memory_space<hbm>> -> memref<640xf32, #tpu.memory_space<hbm>>
      %dma_start3A_165 = tpu.memref_slice %arg9[%mul3A_54] : memref<320000xf32, #tpu.memory_space<hbm>> -> memref<640xf32, #tpu.memory_space<hbm>>
      tpu.enqueue_dma source(%dma_start3A_165 : memref<640xf32, #tpu.memory_space<hbm>>) target(%arg19 : memref<640xf32, #tpu.memory_space<vmem>>) target_semaphore(%arg26 : memref<!tpu.dma_semaphore, #tpu.memory_space<semaphore_mem>>)
      %dma_wait3A = arith.constant 0 : i32
      %dma_wait3A_166 = tpu.memref_slice %arg8[%mul3A_159, %dma_wait3A] : memref<40000x128xf32, #tpu.memory_space<hbm>> -> memref<80x128xf32, #tpu.memory_space<hbm>>
      %dma_wait3A_167 = arith.constant 0 : i32
      %dma_wait3A_168 = tpu.memref_slice %arg8[%mul3A_159, %dma_wait3A_167] : memref<40000x128xf32, #tpu.memory_space<hbm>> -> memref<80x128xf32, #tpu.memory_space<hbm>>
      tpu.wait_dma2 semaphore(%arg26 : memref<!tpu.dma_semaphore, #tpu.memory_space<semaphore_mem>>) src(%dma_wait3A_168 : memref<80x128xf32, #tpu.memory_space<hbm>>) dst(%arg18 : memref<80x128xf32, #tpu.memory_space<vmem>>)
      %dma_wait3A_169 = tpu.memref_slice %arg9[%mul3A_54] : memref<320000xf32, #tpu.memory_space<hbm>> -> memref<640xf32, #tpu.memory_space<hbm>>
      %dma_wait3A_170 = tpu.memref_slice %arg9[%mul3A_54] : memref<320000xf32, #tpu.memory_space<hbm>> -> memref<640xf32, #tpu.memory_space<hbm>>
      tpu.wait_dma2 semaphore(%arg26 : memref<!tpu.dma_semaphore, #tpu.memory_space<semaphore_mem>>) src(%dma_wait3A_170 : memref<640xf32, #tpu.memory_space<hbm>>) dst(%arg19 : memref<640xf32, #tpu.memory_space<vmem>>)
      %get3A = arith.constant 0 : i32
      %get3A_171 = arith.index_cast %get3A : i32 to index
      %get3A_172 = arith.constant 0 : index
      %get3A_173 = tpu.vector_load %arg14[%get3A_171, %get3A_172] {strides = array<i32>} : memref<5x128xi32, #tpu.memory_space<vmem>>, vector<16xi32>,
      %get3A_174 = arith.constant 0 : i32
      %get3A_175 = arith.index_cast %get3A_174 : i32 to index
      %get3A_176 = arith.constant 0 : index
      %get3A_177 = tpu.vector_load %arg15[%get3A_175, %get3A_176] {strides = array<i32>} : memref<5x128xi32, #tpu.memory_space<vmem>>, vector<16xi32>,
      %gather3A = tpu.vector_load_idx %arg12[%get3A_173] : memref<10000xf32, #tpu.memory_space<vmem>>[vector<16xi32>], vector<16xf32>,
      %gather3A_178 = tpu.vector_load_idx %arg13[%get3A_177] : memref<10000xf32, #tpu.memory_space<vmem>>[vector<16xi32>], vector<16xf32>,
      %add3A_179 = arith.addf %gather3A, %gather3A_178 : vector<16xf32>
      %get3A_180 = arith.constant 0 : index
      %get3A_181 = tpu.vector_load %arg19[%get3A_180] {strides = array<i32>} : memref<640xf32, #tpu.memory_space<vmem>>, vector<16xf32>,
      %add3A_182 = arith.addf %add3A_179, %get3A_181 : vector<16xf32>
      %neg3A = arith.constant 0.000000e+00 : f32
      %neg3A_183 = vector.broadcast %neg3A : f32 to vector<16xf32>
      %neg3A_184 = arith.subf %neg3A_183, %add3A_182 : vector<16xf32>
      %exp3A = math.exp %neg3A_184 : vector<16xf32>
      %add3A_185 = arith.constant 1.000000e+00 : f32
      %add3A_186 = vector.broadcast %add3A_185 : f32 to vector<16xf32>
      %add3A_187 = arith.addf %add3A_186, %exp3A : vector<16xf32>
      %div3A_188 = arith.constant 1.000000e+00 : f32
      %div3A_189 = vector.broadcast %div3A_188 : f32 to vector<16xf32>
      %div3A_190 = arith.divf %div3A_189, %add3A_187 : vector<16xf32>
      %swap3A = arith.constant 0 : index
      %swap3A_191 = tpu.vector_load %arg20[%swap3A] {strides = array<i32>} : memref<640xf32, #tpu.memory_space<vmem>>, vector<16xf32>,
      tpu.vector_store %arg20[%swap3A], %div3A_190 {strides = array<i32>} : memref<640xf32, #tpu.memory_space<vmem>>, vector<16xf32>,
      %get3A_192 = arith.constant 0 : i32
      %get3A_193 = arith.index_cast %get3A_192 : i32 to index
      %get3A_194 = arith.constant 16 : index
      %get3A_195 = tpu.vector_load %arg14[%get3A_193, %get3A_194] {strides = array<i32>} : memref<5x128xi32, #tpu.memory_space<vmem>>, vector<16xi32>,
      %get3A_196 = arith.constant 0 : i32
      %get3A_197 = arith.index_cast %get3A_196 : i32 to index
      %get3A_198 = arith.constant 16 : index
      %get3A_199 = tpu.vector_load %arg15[%get3A_197, %get3A_198] {strides = array<i32>} : memref<5x128xi32, #tpu.memory_space<vmem>>, vector<16xi32>,
      %gather3A_200 = tpu.vector_load_idx %arg12[%get3A_195] : memref<10000xf32, #tpu.memory_space<vmem>>[vector<16xi32>], vector<16xf32>,
      %gather3A_201 = tpu.vector_load_idx %arg13[%get3A_199] : memref<10000xf32, #tpu.memory_space<vmem>>[vector<16xi32>], vector<16xf32>,
      %add3A_202 = arith.addf %gather3A_200, %gather3A_201 : vector<16xf32>
      %get3A_203 = arith.constant 16 : index
      %get3A_204 = tpu.vector_load %arg19[%get3A_203] {strides = array<i32>} : memref<640xf32, #tpu.memory_space<vmem>>, vector<16xf32>,
      %add3A_205 = arith.addf %add3A_202, %get3A_204 : vector<16xf32>
      %neg3A_206 = arith.constant 0.000000e+00 : f32
      %neg3A_207 = vector.broadcast %neg3A_206 : f32 to vector<16xf32>
      %neg3A_208 = arith.subf %neg3A_207, %add3A_205 : vector<16xf32>
      %exp3A_209 = math.exp %neg3A_208 : vector<16xf32>
      %add3A_210 = arith.constant 1.000000e+00 : f32
      %add3A_211 = vector.broadcast %add3A_210 : f32 to vector<16xf32>
      %add3A_212 = arith.addf %add3A_211, %exp3A_209 : vector<16xf32>
      %div3A_213 = arith.constant 1.000000e+00 : f32
      %div3A_214 = vector.broadcast %div3A_213 : f32 to vector<16xf32>
      %div3A_215 = arith.divf %div3A_214, %add3A_212 : vector<16xf32>
      %swap3A_216 = arith.constant 16 : index
      %swap3A_217 = tpu.vector_load %arg20[%swap3A_216] {strides = array<i32>} : memref<640xf32, #tpu.memory_space<vmem>>, vector<16xf32>,
      tpu.vector_store %arg20[%swap3A_216], %div3A_215 {strides = array<i32>} : memref<640xf32, #tpu.memory_space<vmem>>, vector<16xf32>,
      %get3A_218 = arith.constant 0 : i32
      %get3A_219 = arith.index_cast %get3A_218 : i32 to index
      %get3A_220 = arith.constant 32 : index
      %get3A_221 = tpu.vector_load %arg14[%get3A_219, %get3A_220] {strides = array<i32>} : memref<5x128xi32, #tpu.memory_space<vmem>>, vector<16xi32>,
      %get3A_222 = arith.constant 0 : i32
      %get3A_223 = arith.index_cast %get3A_222 : i32 to index
      %get3A_224 = arith.constant 32 : index
      %get3A_225 = tpu.vector_load %arg15[%get3A_223, %get3A_224] {strides = array<i32>} : memref<5x128xi32, #tpu.memory_space<vmem>>, vector<16xi32>,
      %gather3A_226 = tpu.vector_load_idx %arg12[%get3A_221] : memref<10000xf32, #tpu.memory_space<vmem>>[vector<16xi32>], vector<16xf32>,
      %gather3A_227 = tpu.vector_load_idx %arg13[%get3A_225] : memref<10000xf32, #tpu.memory_space<vmem>>[vector<16xi32>], vector<16xf32>,
      %add3A_228 = arith.addf %gather3A_226, %gather3A_227 : vector<16xf32>
      %get3A_229 = arith.constant 32 : index
      %get3A_230 = tpu.vector_load %arg19[%get3A_229] {strides = array<i32>} : memref<640xf32, #tpu.memory_space<vmem>>, vector<16xf32>,
      %add3A_231 = arith.addf %add3A_228, %get3A_230 : vector<16xf32>
      %neg3A_232 = arith.constant 0.000000e+00 : f32
      %neg3A_233 = vector.broadcast %neg3A_232 : f32 to vector<16xf32>
      %neg3A_234 = arith.subf %neg3A_233, %add3A_231 : vector<16xf32>
      %exp3A_235 = math.exp %neg3A_234 : vector<16xf32>
      %add3A_236 = arith.constant 1.000000e+00 : f32
      %add3A_237 = vector.broadcast %add3A_236 : f32 to vector<16xf32>
      %add3A_238 = arith.addf %add3A_237, %exp3A_235 : vector<16xf32>
      %div3A_239 = arith.constant 1.000000e+00 : f32
      %div3A_240 = vector.broadcast %div3A_239 : f32 to vector<16xf32>
      %div3A_241 = arith.divf %div3A_240, %add3A_238 : vector<16xf32>
      %swap3A_242 = arith.constant 32 : index
      %swap3A_243 = tpu.vector_load %arg20[%swap3A_242] {strides = array<i32>} : memref<640xf32, #tpu.memory_space<vmem>>, vector<16xf32>,
      tpu.vector_store %arg20[%swap3A_242], %div3A_241 {strides = array<i32>} : memref<640xf32, #tpu.memory_space<vmem>>, vector<16xf32>,
      %get3A_244 = arith.constant 0 : i32
      %get3A_245 = arith.index_cast %get3A_244 : i32 to index
      %get3A_246 = arith.constant 48 : index
      %get3A_247 = tpu.vector_load %arg14[%get3A_245, %get3A_246] {strides = array<i32>} : memref<5x128xi32, #tpu.memory_space<vmem>>, vector<16xi32>,
      %get3A_248 = arith.constant 0 : i32
      %get3A_249 = arith.index_cast %get3A_248 : i32 to index
      %get3A_250 = arith.constant 48 : index
      %get3A_251 = tpu.vector_load %arg15[%get3A_249, %get3A_250] {strides = array<i32>} : memref<5x128xi32, #tpu.memory_space<vmem>>, vector<16xi32>,
      %gather3A_252 = tpu.vector_load_idx %arg12[%get3A_247] : memref<10000xf32, #tpu.memory_space<vmem>>[vector<16xi32>], vector<16xf32>,
      %gather3A_253 = tpu.vector_load_idx %arg13[%get3A_251] : memref<10000xf32, #tpu.memory_space<vmem>>[vector<16xi32>], vector<16xf32>,
      %add3A_254 = arith.addf %gather3A_252, %gather3A_253 : vector<16xf32>
      %get3A_255 = arith.constant 48 : index
      %get3A_256 = tpu.vector_load %arg19[%get3A_255] {strides = array<i32>} : memref<640xf32, #tpu.memory_space<vmem>>, vector<16xf32>,
      %add3A_257 = arith.addf %add3A_254, %get3A_256 : vector<16xf32>
      %neg3A_258 = arith.constant 0.000000e+00 : f32
      %neg3A_259 = vector.broadcast %neg3A_258 : f32 to vector<16xf32>
      %neg3A_260 = arith.subf %neg3A_259, %add3A_257 : vector<16xf32>
      %exp3A_261 = math.exp %neg3A_260 : vector<16xf32>
      %add3A_262 = arith.constant 1.000000e+00 : f32
      %add3A_263 = vector.broadcast %add3A_262 : f32 to vector<16xf32>
      %add3A_264 = arith.addf %add3A_263, %exp3A_261 : vector<16xf32>
      %div3A_265 = arith.constant 1.000000e+00 : f32
      %div3A_266 = vector.broadcast %div3A_265 : f32 to vector<16xf32>
      %div3A_267 = arith.divf %div3A_266, %add3A_264 : vector<16xf32>
      %swap3A_268 = arith.constant 48 : index
      %swap3A_269 = tpu.vector_load %arg20[%swap3A_268] {strides = array<i32>} : memref<640xf32, #tpu.memory_space<vmem>>, vector<16xf32>,
      tpu.vector_store %arg20[%swap3A_268], %div3A_267 {strides = array<i32>} : memref<640xf32, #tpu.memory_space<vmem>>, vector<16xf32>,
      %get3A_270 = arith.constant 0 : i32
      %get3A_271 = arith.index_cast %get3A_270 : i32 to index
      %get3A_272 = arith.constant 64 : index
      %get3A_273 = tpu.vector_load %arg14[%get3A_271, %get3A_272] {strides = array<i32>} : memref<5x128xi32, #tpu.memory_space<vmem>>, vector<16xi32>,
      %get3A_274 = arith.constant 0 : i32
      %get3A_275 = arith.index_cast %get3A_274 : i32 to index
      %get3A_276 = arith.constant 64 : index
      %get3A_277 = tpu.vector_load %arg15[%get3A_275, %get3A_276] {strides = array<i32>} : memref<5x128xi32, #tpu.memory_space<vmem>>, vector<16xi32>,
      %gather3A_278 = tpu.vector_load_idx %arg12[%get3A_273] : memref<10000xf32, #tpu.memory_space<vmem>>[vector<16xi32>], vector<16xf32>,
      %gather3A_279 = tpu.vector_load_idx %arg13[%get3A_277] : memref<10000xf32, #tpu.memory_space<vmem>>[vector<16xi32>], vector<16xf32>,
      %add3A_280 = arith.addf %gather3A_278, %gather3A_279 : vector<16xf32>
      %get3A_281 = arith.constant 64 : index
      %get3A_282 = tpu.vector_load %arg19[%get3A_281] {strides = array<i32>} : memref<640xf32, #tpu.memory_space<vmem>>, vector<16xf32>,
      %add3A_283 = arith.addf %add3A_280, %get3A_282 : vector<16xf32>
      %neg3A_284 = arith.constant 0.000000e+00 : f32
      %neg3A_285 = vector.broadcast %neg3A_284 : f32 to vector<16xf32>
      %neg3A_286 = arith.subf %neg3A_285, %add3A_283 : vector<16xf32>
      %exp3A_287 = math.exp %neg3A_286 : vector<16xf32>
      %add3A_288 = arith.constant 1.000000e+00 : f32
      %add3A_289 = vector.broadcast %add3A_288 : f32 to vector<16xf32>
      %add3A_290 = arith.addf %add3A_289, %exp3A_287 : vector<16xf32>
      %div3A_291 = arith.constant 1.000000e+00 : f32
      %div3A_292 = vector.broadcast %div3A_291 : f32 to vector<16xf32>
      %div3A_293 = arith.divf %div3A_292, %add3A_290 : vector<16xf32>
      %swap3A_294 = arith.constant 64 : index
      %swap3A_295 = tpu.vector_load %arg20[%swap3A_294] {strides = array<i32>} : memref<640xf32, #tpu.memory_space<vmem>>, vector<16xf32>,
      tpu.vector_store %arg20[%swap3A_294], %div3A_293 {strides = array<i32>} : memref<640xf32, #tpu.memory_space<vmem>>, vector<16xf32>,
      %get3A_296 = arith.constant 0 : i32
      %get3A_297 = arith.index_cast %get3A_296 : i32 to index
      %get3A_298 = arith.constant 80 : index
      %get3A_299 = tpu.vector_load %arg14[%get3A_297, %get3A_298] {strides = array<i32>} : memref<5x128xi32, #tpu.memory_space<vmem>>, vector<16xi32>,
      %get3A_300 = arith.constant 0 : i32
      %get3A_301 = arith.index_cast %get3A_300 : i32 to index
      %get3A_302 = arith.constant 80 : index
      %get3A_303 = tpu.vector_load %arg15[%get3A_301, %get3A_302] {strides = array<i32>} : memref<5x128xi32, #tpu.memory_space<vmem>>, vector<16xi32>,
      %gather3A_304 = tpu.vector_load_idx %arg12[%get3A_299] : memref<10000xf32, #tpu.memory_space<vmem>>[vector<16xi32>], vector<16xf32>,
      %gather3A_305 = tpu.vector_load_idx %arg13[%get3A_303] : memref<10000xf32, #tpu.memory_space<vmem>>[vector<16xi32>], vector<16xf32>,
      %add3A_306 = arith.addf %gather3A_304, %gather3A_305 : vector<16xf32>
      %get3A_307 = arith.constant 80 : index
      %get3A_308 = tpu.vector_load %arg19[%get3A_307] {strides = array<i32>} : memref<640xf32, #tpu.memory_space<vmem>>, vector<16xf32>,
      %add3A_309 = arith.addf %add3A_306, %get3A_308 : vector<16xf32>
      %neg3A_310 = arith.constant 0.000000e+00 : f32
      %neg3A_311 = vector.broadcast %neg3A_310 : f32 to vector<16xf32>
      %neg3A_312 = arith.subf %neg3A_311, %add3A_309 : vector<16xf32>
      %exp3A_313 = math.exp %neg3A_312 : vector<16xf32>
      %add3A_314 = arith.constant 1.000000e+00 : f32
      %add3A_315 = vector.broadcast %add3A_314 : f32 to vector<16xf32>
      %add3A_316 = arith.addf %add3A_315, %exp3A_313 : vector<16xf32>
      %div3A_317 = arith.constant 1.000000e+00 : f32
      %div3A_318 = vector.broadcast %div3A_317 : f32 to vector<16xf32>
      %div3A_319 = arith.divf %div3A_318, %add3A_316 : vector<16xf32>
      %swap3A_320 = arith.constant 80 : index
      %swap3A_321 = tpu.vector_load %arg20[%swap3A_320] {strides = array<i32>} : memref<640xf32, #tpu.memory_space<vmem>>, vector<16xf32>,
      tpu.vector_store %arg20[%swap3A_320], %div3A_319 {strides = array<i32>} : memref<640xf32, #tpu.memory_space<vmem>>, vector<16xf32>,
      %get3A_322 = arith.constant 0 : i32
      %get3A_323 = arith.index_cast %get3A_322 : i32 to index
      %get3A_324 = arith.constant 96 : index
      %get3A_325 = tpu.vector_load %arg14[%get3A_323, %get3A_324] {strides = array<i32>} : memref<5x128xi32, #tpu.memory_space<vmem>>, vector<16xi32>,
      %get3A_326 = arith.constant 0 : i32
      %get3A_327 = arith.index_cast %get3A_326 : i32 to index
      %get3A_328 = arith.constant 96 : index
      %get3A_329 = tpu.vector_load %arg15[%get3A_327, %get3A_328] {strides = array<i32>} : memref<5x128xi32, #tpu.memory_space<vmem>>, vector<16xi32>,
      %gather3A_330 = tpu.vector_load_idx %arg12[%get3A_325] : memref<10000xf32, #tpu.memory_space<vmem>>[vector<16xi32>], vector<16xf32>,
      %gather3A_331 = tpu.vector_load_idx %arg13[%get3A_329] : memref<10000xf32, #tpu.memory_space<vmem>>[vector<16xi32>], vector<16xf32>,
      %add3A_332 = arith.addf %gather3A_330, %gather3A_331 : vector<16xf32>
      %get3A_333 = arith.constant 96 : index
      %get3A_334 = tpu.vector_load %arg19[%get3A_333] {strides = array<i32>} : memref<640xf32, #tpu.memory_space<vmem>>, vector<16xf32>,
      %add3A_335 = arith.addf %add3A_332, %get3A_334 : vector<16xf32>
      %neg3A_336 = arith.constant 0.000000e+00 : f32
      %neg3A_337 = vector.broadcast %neg3A_336 : f32 to vector<16xf32>
      %neg3A_338 = arith.subf %neg3A_337, %add3A_335 : vector<16xf32>
      %exp3A_339 = math.exp %neg3A_338 : vector<16xf32>
      %add3A_340 = arith.constant 1.000000e+00 : f32
      %add3A_341 = vector.broadcast %add3A_340 : f32 to vector<16xf32>
      %add3A_342 = arith.addf %add3A_341, %exp3A_339 : vector<16xf32>
      %div3A_343 = arith.constant 1.000000e+00 : f32
      %div3A_344 = vector.broadcast %div3A_343 : f32 to vector<16xf32>
      %div3A_345 = arith.divf %div3A_344, %add3A_342 : vector<16xf32>
      %swap3A_346 = arith.constant 96 : index
      %swap3A_347 = tpu.vector_load %arg20[%swap3A_346] {strides = array<i32>} : memref<640xf32, #tpu.memory_space<vmem>>, vector<16xf32>,
      tpu.vector_store %arg20[%swap3A_346], %div3A_345 {strides = array<i32>} : memref<640xf32, #tpu.memory_space<vmem>>, vector<16xf32>,
      %get3A_348 = arith.constant 0 : i32
      %get3A_349 = arith.index_cast %get3A_348 : i32 to index
      %get3A_350 = arith.constant 112 : index
      %get3A_351 = tpu.vector_load %arg14[%get3A_349, %get3A_350] {strides = array<i32>} : memref<5x128xi32, #tpu.memory_space<vmem>>, vector<16xi32>,
      %get3A_352 = arith.constant 0 : i32
      %get3A_353 = arith.index_cast %get3A_352 : i32 to index
      %get3A_354 = arith.constant 112 : index
      %get3A_355 = tpu.vector_load %arg15[%get3A_353, %get3A_354] {strides = array<i32>} : memref<5x128xi32, #tpu.memory_space<vmem>>, vector<16xi32>,
      %gather3A_356 = tpu.vector_load_idx %arg12[%get3A_351] : memref<10000xf32, #tpu.memory_space<vmem>>[vector<16xi32>], vector<16xf32>,
      %gather3A_357 = tpu.vector_load_idx %arg13[%get3A_355] : memref<10000xf32, #tpu.memory_space<vmem>>[vector<16xi32>], vector<16xf32>,
      %add3A_358 = arith.addf %gather3A_356, %gather3A_357 : vector<16xf32>
      %get3A_359 = arith.constant 112 : index
      %get3A_360 = tpu.vector_load %arg19[%get3A_359] {strides = array<i32>} : memref<640xf32, #tpu.memory_space<vmem>>, vector<16xf32>,
      %add3A_361 = arith.addf %add3A_358, %get3A_360 : vector<16xf32>
      %neg3A_362 = arith.constant 0.000000e+00 : f32
      %neg3A_363 = vector.broadcast %neg3A_362 : f32 to vector<16xf32>
      %neg3A_364 = arith.subf %neg3A_363, %add3A_361 : vector<16xf32>
      %exp3A_365 = math.exp %neg3A_364 : vector<16xf32>
      %add3A_366 = arith.constant 1.000000e+00 : f32
      %add3A_367 = vector.broadcast %add3A_366 : f32 to vector<16xf32>
      %add3A_368 = arith.addf %add3A_367, %exp3A_365 : vector<16xf32>
      %div3A_369 = arith.constant 1.000000e+00 : f32
      %div3A_370 = vector.broadcast %div3A_369 : f32 to vector<16xf32>
      %div3A_371 = arith.divf %div3A_370, %add3A_368 : vector<16xf32>
      %swap3A_372 = arith.constant 112 : index
      %swap3A_373 = tpu.vector_load %arg20[%swap3A_372] {strides = array<i32>} : memref<640xf32, #tpu.memory_space<vmem>>, vector<16xf32>,
      tpu.vector_store %arg20[%swap3A_372], %div3A_371 {strides = array<i32>} : memref<640xf32, #tpu.memory_space<vmem>>, vector<16xf32>,
      %get3A_374 = arith.constant 1 : i32
      %get3A_375 = arith.index_cast %get3A_374 : i32 to index
      %get3A_376 = arith.constant 0 : index
      %get3A_377 = tpu.vector_load %arg14[%get3A_375, %get3A_376] {strides = array<i32>} : memref<5x128xi32, #tpu.memory_space<vmem>>, vector<16xi32>,
      %get3A_378 = arith.constant 1 : i32
      %get3A_379 = arith.index_cast %get3A_378 : i32 to index
      %get3A_380 = arith.constant 0 : index
      %get3A_381 = tpu.vector_load %arg15[%get3A_379, %get3A_380] {strides = array<i32>} : memref<5x128xi32, #tpu.memory_space<vmem>>, vector<16xi32>,
      %gather3A_382 = tpu.vector_load_idx %arg12[%get3A_377] : memref<10000xf32, #tpu.memory_space<vmem>>[vector<16xi32>], vector<16xf32>,
      %gather3A_383 = tpu.vector_load_idx %arg13[%get3A_381] : memref<10000xf32, #tpu.memory_space<vmem>>[vector<16xi32>], vector<16xf32>,
      %add3A_384 = arith.addf %gather3A_382, %gather3A_383 : vector<16xf32>
      %get3A_385 = arith.constant 128 : index
      %get3A_386 = tpu.vector_load %arg19[%get3A_385] {strides = array<i32>} : memref<640xf32, #tpu.memory_space<vmem>>, vector<16xf32>,
      %add3A_387 = arith.addf %add3A_384, %get3A_386 : vector<16xf32>
      %neg3A_388 = arith.constant 0.000000e+00 : f32
      %neg3A_389 = vector.broadcast %neg3A_388 : f32 to vector<16xf32>
      %neg3A_390 = arith.subf %neg3A_389, %add3A_387 : vector<16xf32>
      %exp3A_391 = math.exp %neg3A_390 : vector<16xf32>
      %add3A_392 = arith.constant 1.000000e+00 : f32
      %add3A_393 = vector.broadcast %add3A_392 : f32 to vector<16xf32>
      %add3A_394 = arith.addf %add3A_393, %exp3A_391 : vector<16xf32>
      %div3A_395 = arith.constant 1.000000e+00 : f32
      %div3A_396 = vector.broadcast %div3A_395 : f32 to vector<16xf32>
      %div3A_397 = arith.divf %div3A_396, %add3A_394 : vector<16xf32>
      %swap3A_398 = arith.constant 128 : index
      %swap3A_399 = tpu.vector_load %arg20[%swap3A_398] {strides = array<i32>} : memref<640xf32, #tpu.memory_space<vmem>>, vector<16xf32>,
      tpu.vector_store %arg20[%swap3A_398], %div3A_397 {strides = array<i32>} : memref<640xf32, #tpu.memory_space<vmem>>, vector<16xf32>,
      %get3A_400 = arith.constant 1 : i32
      %get3A_401 = arith.index_cast %get3A_400 : i32 to index
      %get3A_402 = arith.constant 16 : index
      %get3A_403 = tpu.vector_load %arg14[%get3A_401, %get3A_402] {strides = array<i32>} : memref<5x128xi32, #tpu.memory_space<vmem>>, vector<16xi32>,
      %get3A_404 = arith.constant 1 : i32
      %get3A_405 = arith.index_cast %get3A_404 : i32 to index
      %get3A_406 = arith.constant 16 : index
      %get3A_407 = tpu.vector_load %arg15[%get3A_405, %get3A_406] {strides = array<i32>} : memref<5x128xi32, #tpu.memory_space<vmem>>, vector<16xi32>,
      %gather3A_408 = tpu.vector_load_idx %arg12[%get3A_403] : memref<10000xf32, #tpu.memory_space<vmem>>[vector<16xi32>], vector<16xf32>,
      %gather3A_409 = tpu.vector_load_idx %arg13[%get3A_407] : memref<10000xf32, #tpu.memory_space<vmem>>[vector<16xi32>], vector<16xf32>,
      %add3A_410 = arith.addf %gather3A_408, %gather3A_409 : vector<16xf32>
      %get3A_411 = arith.constant 144 : index
      %get3A_412 = tpu.vector_load %arg19[%get3A_411] {strides = array<i32>} : memref<640xf32, #tpu.memory_space<vmem>>, vector<16xf32>,
      %add3A_413 = arith.addf %add3A_410, %get3A_412 : vector<16xf32>
      %neg3A_414 = arith.constant 0.000000e+00 : f32
      %neg3A_415 = vector.broadcast %neg3A_414 : f32 to vector<16xf32>
      %neg3A_416 = arith.subf %neg3A_415, %add3A_413 : vector<16xf32>
      %exp3A_417 = math.exp %neg3A_416 : vector<16xf32>
      %add3A_418 = arith.constant 1.000000e+00 : f32
      %add3A_419 = vector.broadcast %add3A_418 : f32 to vector<16xf32>
      %add3A_420 = arith.addf %add3A_419, %exp3A_417 : vector<16xf32>
      %div3A_421 = arith.constant 1.000000e+00 : f32
      %div3A_422 = vector.broadcast %div3A_421 : f32 to vector<16xf32>
      %div3A_423 = arith.divf %div3A_422, %add3A_420 : vector<16xf32>
      %swap3A_424 = arith.constant 144 : index
      %swap3A_425 = tpu.vector_load %arg20[%swap3A_424] {strides = array<i32>} : memref<640xf32, #tpu.memory_space<vmem>>, vector<16xf32>,
      tpu.vector_store %arg20[%swap3A_424], %div3A_423 {strides = array<i32>} : memref<640xf32, #tpu.memory_space<vmem>>, vector<16xf32>,
      %get3A_426 = arith.constant 1 : i32
      %get3A_427 = arith.index_cast %get3A_426 : i32 to index
      %get3A_428 = arith.constant 32 : index
      %get3A_429 = tpu.vector_load %arg14[%get3A_427, %get3A_428] {strides = array<i32>} : memref<5x128xi32, #tpu.memory_space<vmem>>, vector<16xi32>,
      %get3A_430 = arith.constant 1 : i32
      %get3A_431 = arith.index_cast %get3A_430 : i32 to index
      %get3A_432 = arith.constant 32 : index
      %get3A_433 = tpu.vector_load %arg15[%get3A_431, %get3A_432] {strides = array<i32>} : memref<5x128xi32, #tpu.memory_space<vmem>>, vector<16xi32>,
      %gather3A_434 = tpu.vector_load_idx %arg12[%get3A_429] : memref<10000xf32, #tpu.memory_space<vmem>>[vector<16xi32>], vector<16xf32>,
      %gather3A_435 = tpu.vector_load_idx %arg13[%get3A_433] : memref<10000xf32, #tpu.memory_space<vmem>>[vector<16xi32>], vector<16xf32>,
      %add3A_436 = arith.addf %gather3A_434, %gather3A_435 : vector<16xf32>
      %get3A_437 = arith.constant 160 : index
      %get3A_438 = tpu.vector_load %arg19[%get3A_437] {strides = array<i32>} : memref<640xf32, #tpu.memory_space<vmem>>, vector<16xf32>,
      %add3A_439 = arith.addf %add3A_436, %get3A_438 : vector<16xf32>
      %neg3A_440 = arith.constant 0.000000e+00 : f32
      %neg3A_441 = vector.broadcast %neg3A_440 : f32 to vector<16xf32>
      %neg3A_442 = arith.subf %neg3A_441, %add3A_439 : vector<16xf32>
      %exp3A_443 = math.exp %neg3A_442 : vector<16xf32>
      %add3A_444 = arith.constant 1.000000e+00 : f32
      %add3A_445 = vector.broadcast %add3A_444 : f32 to vector<16xf32>
      %add3A_446 = arith.addf %add3A_445, %exp3A_443 : vector<16xf32>
      %div3A_447 = arith.constant 1.000000e+00 : f32
      %div3A_448 = vector.broadcast %div3A_447 : f32 to vector<16xf32>
      %div3A_449 = arith.divf %div3A_448, %add3A_446 : vector<16xf32>
      %swap3A_450 = arith.constant 160 : index
      %swap3A_451 = tpu.vector_load %arg20[%swap3A_450] {strides = array<i32>} : memref<640xf32, #tpu.memory_space<vmem>>, vector<16xf32>,
      tpu.vector_store %arg20[%swap3A_450], %div3A_449 {strides = array<i32>} : memref<640xf32, #tpu.memory_space<vmem>>, vector<16xf32>,
      %get3A_452 = arith.constant 1 : i32
      %get3A_453 = arith.index_cast %get3A_452 : i32 to index
      %get3A_454 = arith.constant 48 : index
      %get3A_455 = tpu.vector_load %arg14[%get3A_453, %get3A_454] {strides = array<i32>} : memref<5x128xi32, #tpu.memory_space<vmem>>, vector<16xi32>,
      %get3A_456 = arith.constant 1 : i32
      %get3A_457 = arith.index_cast %get3A_456 : i32 to index
      %get3A_458 = arith.constant 48 : index
      %get3A_459 = tpu.vector_load %arg15[%get3A_457, %get3A_458] {strides = array<i32>} : memref<5x128xi32, #tpu.memory_space<vmem>>, vector<16xi32>,
      %gather3A_460 = tpu.vector_load_idx %arg12[%get3A_455] : memref<10000xf32, #tpu.memory_space<vmem>>[vector<16xi32>], vector<16xf32>,
      %gather3A_461 = tpu.vector_load_idx %arg13[%get3A_459] : memref<10000xf32, #tpu.memory_space<vmem>>[vector<16xi32>], vector<16xf32>,
      %add3A_462 = arith.addf %gather3A_460, %gather3A_461 : vector<16xf32>
      %get3A_463 = arith.constant 176 : index
      %get3A_464 = tpu.vector_load %arg19[%get3A_463] {strides = array<i32>} : memref<640xf32, #tpu.memory_space<vmem>>, vector<16xf32>,
      %add3A_465 = arith.addf %add3A_462, %get3A_464 : vector<16xf32>
      %neg3A_466 = arith.constant 0.000000e+00 : f32
      %neg3A_467 = vector.broadcast %neg3A_466 : f32 to vector<16xf32>
      %neg3A_468 = arith.subf %neg3A_467, %add3A_465 : vector<16xf32>
      %exp3A_469 = math.exp %neg3A_468 : vector<16xf32>
      %add3A_470 = arith.constant 1.000000e+00 : f32
      %add3A_471 = vector.broadcast %add3A_470 : f32 to vector<16xf32>
      %add3A_472 = arith.addf %add3A_471, %exp3A_469 : vector<16xf32>
      %div3A_473 = arith.constant 1.000000e+00 : f32
      %div3A_474 = vector.broadcast %div3A_473 : f32 to vector<16xf32>
      %div3A_475 = arith.divf %div3A_474, %add3A_472 : vector<16xf32>
      %swap3A_476 = arith.constant 176 : index
      %swap3A_477 = tpu.vector_load %arg20[%swap3A_476] {strides = array<i32>} : memref<640xf32, #tpu.memory_space<vmem>>, vector<16xf32>,
      tpu.vector_store %arg20[%swap3A_476], %div3A_475 {strides = array<i32>} : memref<640xf32, #tpu.memory_space<vmem>>, vector<16xf32>,
      %get3A_478 = arith.constant 1 : i32
      %get3A_479 = arith.index_cast %get3A_478 : i32 to index
      %get3A_480 = arith.constant 64 : index
      %get3A_481 = tpu.vector_load %arg14[%get3A_479, %get3A_480] {strides = array<i32>} : memref<5x128xi32, #tpu.memory_space<vmem>>, vector<16xi32>,
      %get3A_482 = arith.constant 1 : i32
      %get3A_483 = arith.index_cast %get3A_482 : i32 to index
      %get3A_484 = arith.constant 64 : index
      %get3A_485 = tpu.vector_load %arg15[%get3A_483, %get3A_484] {strides = array<i32>} : memref<5x128xi32, #tpu.memory_space<vmem>>, vector<16xi32>,
      %gather3A_486 = tpu.vector_load_idx %arg12[%get3A_481] : memref<10000xf32, #tpu.memory_space<vmem>>[vector<16xi32>], vector<16xf32>,
      %gather3A_487 = tpu.vector_load_idx %arg13[%get3A_485] : memref<10000xf32, #tpu.memory_space<vmem>>[vector<16xi32>], vector<16xf32>,
      %add3A_488 = arith.addf %gather3A_486, %gather3A_487 : vector<16xf32>
      %get3A_489 = arith.constant 192 : index
      %get3A_490 = tpu.vector_load %arg19[%get3A_489] {strides = array<i32>} : memref<640xf32, #tpu.memory_space<vmem>>, vector<16xf32>,
      %add3A_491 = arith.addf %add3A_488, %get3A_490 : vector<16xf32>
      %neg3A_492 = arith.constant 0.000000e+00 : f32
      %neg3A_493 = vector.broadcast %neg3A_492 : f32 to vector<16xf32>
      %neg3A_494 = arith.subf %neg3A_493, %add3A_491 : vector<16xf32>
      %exp3A_495 = math.exp %neg3A_494 : vector<16xf32>
      %add3A_496 = arith.constant 1.000000e+00 : f32
      %add3A_497 = vector.broadcast %add3A_496 : f32 to vector<16xf32>
      %add3A_498 = arith.addf %add3A_497, %exp3A_495 : vector<16xf32>
      %div3A_499 = arith.constant 1.000000e+00 : f32
      %div3A_500 = vector.broadcast %div3A_499 : f32 to vector<16xf32>
      %div3A_501 = arith.divf %div3A_500, %add3A_498 : vector<16xf32>
      %swap3A_502 = arith.constant 192 : index
      %swap3A_503 = tpu.vector_load %arg20[%swap3A_502] {strides = array<i32>} : memref<640xf32, #tpu.memory_space<vmem>>, vector<16xf32>,
      tpu.vector_store %arg20[%swap3A_502], %div3A_501 {strides = array<i32>} : memref<640xf32, #tpu.memory_space<vmem>>, vector<16xf32>,
      %get3A_504 = arith.constant 1 : i32
      %get3A_505 = arith.index_cast %get3A_504 : i32 to index
      %get3A_506 = arith.constant 80 : index
      %get3A_507 = tpu.vector_load %arg14[%get3A_505, %get3A_506] {strides = array<i32>} : memref<5x128xi32, #tpu.memory_space<vmem>>, vector<16xi32>,
      %get3A_508 = arith.constant 1 : i32
      %get3A_509 = arith.index_cast %get3A_508 : i32 to index
      %get3A_510 = arith.constant 80 : index
      %get3A_511 = tpu.vector_load %arg15[%get3A_509, %get3A_510] {strides = array<i32>} : memref<5x128xi32, #tpu.memory_space<vmem>>, vector<16xi32>,
      %gather3A_512 = tpu.vector_load_idx %arg12[%get3A_507] : memref<10000xf32, #tpu.memory_space<vmem>>[vector<16xi32>], vector<16xf32>,
      %gather3A_513 = tpu.vector_load_idx %arg13[%get3A_511] : memref<10000xf32, #tpu.memory_space<vmem>>[vector<16xi32>], vector<16xf32>,
      %add3A_514 = arith.addf %gather3A_512, %gather3A_513 : vector<16xf32>
      %get3A_515 = arith.constant 208 : index
      %get3A_516 = tpu.vector_load %arg19[%get3A_515] {strides = array<i32>} : memref<640xf32, #tpu.memory_space<vmem>>, vector<16xf32>,
      %add3A_517 = arith.addf %add3A_514, %get3A_516 : vector<16xf32>
      %neg3A_518 = arith.constant 0.000000e+00 : f32
      %neg3A_519 = vector.broadcast %neg3A_518 : f32 to vector<16xf32>
      %neg3A_520 = arith.subf %neg3A_519, %add3A_517 : vector<16xf32>
      %exp3A_521 = math.exp %neg3A_520 : vector<16xf32>
      %add3A_522 = arith.constant 1.000000e+00 : f32
      %add3A_523 = vector.broadcast %add3A_522 : f32 to vector<16xf32>
      %add3A_524 = arith.addf %add3A_523, %exp3A_521 : vector<16xf32>
      %div3A_525 = arith.constant 1.000000e+00 : f32
      %div3A_526 = vector.broadcast %div3A_525 : f32 to vector<16xf32>
      %div3A_527 = arith.divf %div3A_526, %add3A_524 : vector<16xf32>
      %swap3A_528 = arith.constant 208 : index
      %swap3A_529 = tpu.vector_load %arg20[%swap3A_528] {strides = array<i32>} : memref<640xf32, #tpu.memory_space<vmem>>, vector<16xf32>,
      tpu.vector_store %arg20[%swap3A_528], %div3A_527 {strides = array<i32>} : memref<640xf32, #tpu.memory_space<vmem>>, vector<16xf32>,
      %get3A_530 = arith.constant 1 : i32
      %get3A_531 = arith.index_cast %get3A_530 : i32 to index
      %get3A_532 = arith.constant 96 : index
      %get3A_533 = tpu.vector_load %arg14[%get3A_531, %get3A_532] {strides = array<i32>} : memref<5x128xi32, #tpu.memory_space<vmem>>, vector<16xi32>,
      %get3A_534 = arith.constant 1 : i32
      %get3A_535 = arith.index_cast %get3A_534 : i32 to index
      %get3A_536 = arith.constant 96 : index
      %get3A_537 = tpu.vector_load %arg15[%get3A_535, %get3A_536] {strides = array<i32>} : memref<5x128xi32, #tpu.memory_space<vmem>>, vector<16xi32>,
      %gather3A_538 = tpu.vector_load_idx %arg12[%get3A_533] : memref<10000xf32, #tpu.memory_space<vmem>>[vector<16xi32>], vector<16xf32>,
      %gather3A_539 = tpu.vector_load_idx %arg13[%get3A_537] : memref<10000xf32, #tpu.memory_space<vmem>>[vector<16xi32>], vector<16xf32>,
      %add3A_540 = arith.addf %gather3A_538, %gather3A_539 : vector<16xf32>
      %get3A_541 = arith.constant 224 : index
      %get3A_542 = tpu.vector_load %arg19[%get3A_541] {strides = array<i32>} : memref<640xf32, #tpu.memory_space<vmem>>, vector<16xf32>,
      %add3A_543 = arith.addf %add3A_540, %get3A_542 : vector<16xf32>
      %neg3A_544 = arith.constant 0.000000e+00 : f32
      %neg3A_545 = vector.broadcast %neg3A_544 : f32 to vector<16xf32>
      %neg3A_546 = arith.subf %neg3A_545, %add3A_543 : vector<16xf32>
      %exp3A_547 = math.exp %neg3A_546 : vector<16xf32>
      %add3A_548 = arith.constant 1.000000e+00 : f32
      %add3A_549 = vector.broadcast %add3A_548 : f32 to vector<16xf32>
      %add3A_550 = arith.addf %add3A_549, %exp3A_547 : vector<16xf32>
      %div3A_551 = arith.constant 1.000000e+00 : f32
      %div3A_552 = vector.broadcast %div3A_551 : f32 to vector<16xf32>
      %div3A_553 = arith.divf %div3A_552, %add3A_550 : vector<16xf32>
      %swap3A_554 = arith.constant 224 : index
      %swap3A_555 = tpu.vector_load %arg20[%swap3A_554] {strides = array<i32>} : memref<640xf32, #tpu.memory_space<vmem>>, vector<16xf32>,
      tpu.vector_store %arg20[%swap3A_554], %div3A_553 {strides = array<i32>} : memref<640xf32, #tpu.memory_space<vmem>>, vector<16xf32>,
      %get3A_556 = arith.constant 1 : i32
      %get3A_557 = arith.index_cast %get3A_556 : i32 to index
      %get3A_558 = arith.constant 112 : index
      %get3A_559 = tpu.vector_load %arg14[%get3A_557, %get3A_558] {strides = array<i32>} : memref<5x128xi32, #tpu.memory_space<vmem>>, vector<16xi32>,
      %get3A_560 = arith.constant 1 : i32
      %get3A_561 = arith.index_cast %get3A_560 : i32 to index
      %get3A_562 = arith.constant 112 : index
      %get3A_563 = tpu.vector_load %arg15[%get3A_561, %get3A_562] {strides = array<i32>} : memref<5x128xi32, #tpu.memory_space<vmem>>, vector<16xi32>,
      %gather3A_564 = tpu.vector_load_idx %arg12[%get3A_559] : memref<10000xf32, #tpu.memory_space<vmem>>[vector<16xi32>], vector<16xf32>,
      %gather3A_565 = tpu.vector_load_idx %arg13[%get3A_563] : memref<10000xf32, #tpu.memory_space<vmem>>[vector<16xi32>], vector<16xf32>,
      %add3A_566 = arith.addf %gather3A_564, %gather3A_565 : vector<16xf32>
      %get3A_567 = arith.constant 240 : index
      %get3A_568 = tpu.vector_load %arg19[%get3A_567] {strides = array<i32>} : memref<640xf32, #tpu.memory_space<vmem>>, vector<16xf32>,
      %add3A_569 = arith.addf %add3A_566, %get3A_568 : vector<16xf32>
      %neg3A_570 = arith.constant 0.000000e+00 : f32
      %neg3A_571 = vector.broadcast %neg3A_570 : f32 to vector<16xf32>
      %neg3A_572 = arith.subf %neg3A_571, %add3A_569 : vector<16xf32>
      %exp3A_573 = math.exp %neg3A_572 : vector<16xf32>
      %add3A_574 = arith.constant 1.000000e+00 : f32
      %add3A_575 = vector.broadcast %add3A_574 : f32 to vector<16xf32>
      %add3A_576 = arith.addf %add3A_575, %exp3A_573 : vector<16xf32>
      %div3A_577 = arith.constant 1.000000e+00 : f32
      %div3A_578 = vector.broadcast %div3A_577 : f32 to vector<16xf32>
      %div3A_579 = arith.divf %div3A_578, %add3A_576 : vector<16xf32>
      %swap3A_580 = arith.constant 240 : index
      %swap3A_581 = tpu.vector_load %arg20[%swap3A_580] {strides = array<i32>} : memref<640xf32, #tpu.memory_space<vmem>>, vector<16xf32>,
      tpu.vector_store %arg20[%swap3A_580], %div3A_579 {strides = array<i32>} : memref<640xf32, #tpu.memory_space<vmem>>, vector<16xf32>,
      %get3A_582 = arith.constant 2 : i32
      %get3A_583 = arith.index_cast %get3A_582 : i32 to index
      %get3A_584 = arith.constant 0 : index
      %get3A_585 = tpu.vector_load %arg14[%get3A_583, %get3A_584] {strides = array<i32>} : memref<5x128xi32, #tpu.memory_space<vmem>>, vector<16xi32>,
      %get3A_586 = arith.constant 2 : i32
      %get3A_587 = arith.index_cast %get3A_586 : i32 to index
      %get3A_588 = arith.constant 0 : index
      %get3A_589 = tpu.vector_load %arg15[%get3A_587, %get3A_588] {strides = array<i32>} : memref<5x128xi32, #tpu.memory_space<vmem>>, vector<16xi32>,
      %gather3A_590 = tpu.vector_load_idx %arg12[%get3A_585] : memref<10000xf32, #tpu.memory_space<vmem>>[vector<16xi32>], vector<16xf32>,
      %gather3A_591 = tpu.vector_load_idx %arg13[%get3A_589] : memref<10000xf32, #tpu.memory_space<vmem>>[vector<16xi32>], vector<16xf32>,
      %add3A_592 = arith.addf %gather3A_590, %gather3A_591 : vector<16xf32>
      %get3A_593 = arith.constant 256 : index
      %get3A_594 = tpu.vector_load %arg19[%get3A_593] {strides = array<i32>} : memref<640xf32, #tpu.memory_space<vmem>>, vector<16xf32>,
      %add3A_595 = arith.addf %add3A_592, %get3A_594 : vector<16xf32>
      %neg3A_596 = arith.constant 0.000000e+00 : f32
      %neg3A_597 = vector.broadcast %neg3A_596 : f32 to vector<16xf32>
      %neg3A_598 = arith.subf %neg3A_597, %add3A_595 : vector<16xf32>
      %exp3A_599 = math.exp %neg3A_598 : vector<16xf32>
      %add3A_600 = arith.constant 1.000000e+00 : f32
      %add3A_601 = vector.broadcast %add3A_600 : f32 to vector<16xf32>
      %add3A_602 = arith.addf %add3A_601, %exp3A_599 : vector<16xf32>
      %div3A_603 = arith.constant 1.000000e+00 : f32
      %div3A_604 = vector.broadcast %div3A_603 : f32 to vector<16xf32>
      %div3A_605 = arith.divf %div3A_604, %add3A_602 : vector<16xf32>
      %swap3A_606 = arith.constant 256 : index
      %swap3A_607 = tpu.vector_load %arg20[%swap3A_606] {strides = array<i32>} : memref<640xf32, #tpu.memory_space<vmem>>, vector<16xf32>,
      tpu.vector_store %arg20[%swap3A_606], %div3A_605 {strides = array<i32>} : memref<640xf32, #tpu.memory_space<vmem>>, vector<16xf32>,
      %get3A_608 = arith.constant 2 : i32
      %get3A_609 = arith.index_cast %get3A_608 : i32 to index
      %get3A_610 = arith.constant 16 : index
      %get3A_611 = tpu.vector_load %arg14[%get3A_609, %get3A_610] {strides = array<i32>} : memref<5x128xi32, #tpu.memory_space<vmem>>, vector<16xi32>,
      %get3A_612 = arith.constant 2 : i32
      %get3A_613 = arith.index_cast %get3A_612 : i32 to index
      %get3A_614 = arith.constant 16 : index
      %get3A_615 = tpu.vector_load %arg15[%get3A_613, %get3A_614] {strides = array<i32>} : memref<5x128xi32, #tpu.memory_space<vmem>>, vector<16xi32>,
      %gather3A_616 = tpu.vector_load_idx %arg12[%get3A_611] : memref<10000xf32, #tpu.memory_space<vmem>>[vector<16xi32>], vector<16xf32>,
      %gather3A_617 = tpu.vector_load_idx %arg13[%get3A_615] : memref<10000xf32, #tpu.memory_space<vmem>>[vector<16xi32>], vector<16xf32>,
      %add3A_618 = arith.addf %gather3A_616, %gather3A_617 : vector<16xf32>
      %get3A_619 = arith.constant 272 : index
      %get3A_620 = tpu.vector_load %arg19[%get3A_619] {strides = array<i32>} : memref<640xf32, #tpu.memory_space<vmem>>, vector<16xf32>,
      %add3A_621 = arith.addf %add3A_618, %get3A_620 : vector<16xf32>
      %neg3A_622 = arith.constant 0.000000e+00 : f32
      %neg3A_623 = vector.broadcast %neg3A_622 : f32 to vector<16xf32>
      %neg3A_624 = arith.subf %neg3A_623, %add3A_621 : vector<16xf32>
      %exp3A_625 = math.exp %neg3A_624 : vector<16xf32>
      %add3A_626 = arith.constant 1.000000e+00 : f32
      %add3A_627 = vector.broadcast %add3A_626 : f32 to vector<16xf32>
      %add3A_628 = arith.addf %add3A_627, %exp3A_625 : vector<16xf32>
      %div3A_629 = arith.constant 1.000000e+00 : f32
      %div3A_630 = vector.broadcast %div3A_629 : f32 to vector<16xf32>
      %div3A_631 = arith.divf %div3A_630, %add3A_628 : vector<16xf32>
      %swap3A_632 = arith.constant 272 : index
      %swap3A_633 = tpu.vector_load %arg20[%swap3A_632] {strides = array<i32>} : memref<640xf32, #tpu.memory_space<vmem>>, vector<16xf32>,
      tpu.vector_store %arg20[%swap3A_632], %div3A_631 {strides = array<i32>} : memref<640xf32, #tpu.memory_space<vmem>>, vector<16xf32>,
      %get3A_634 = arith.constant 2 : i32
      %get3A_635 = arith.index_cast %get3A_634 : i32 to index
      %get3A_636 = arith.constant 32 : index
      %get3A_637 = tpu.vector_load %arg14[%get3A_635, %get3A_636] {strides = array<i32>} : memref<5x128xi32, #tpu.memory_space<vmem>>, vector<16xi32>,
      %get3A_638 = arith.constant 2 : i32
      %get3A_639 = arith.index_cast %get3A_638 : i32 to index
      %get3A_640 = arith.constant 32 : index
      %get3A_641 = tpu.vector_load %arg15[%get3A_639, %get3A_640] {strides = array<i32>} : memref<5x128xi32, #tpu.memory_space<vmem>>, vector<16xi32>,
      %gather3A_642 = tpu.vector_load_idx %arg12[%get3A_637] : memref<10000xf32, #tpu.memory_space<vmem>>[vector<16xi32>], vector<16xf32>,
      %gather3A_643 = tpu.vector_load_idx %arg13[%get3A_641] : memref<10000xf32, #tpu.memory_space<vmem>>[vector<16xi32>], vector<16xf32>,
      %add3A_644 = arith.addf %gather3A_642, %gather3A_643 : vector<16xf32>
      %get3A_645 = arith.constant 288 : index
      %get3A_646 = tpu.vector_load %arg19[%get3A_645] {strides = array<i32>} : memref<640xf32, #tpu.memory_space<vmem>>, vector<16xf32>,
      %add3A_647 = arith.addf %add3A_644, %get3A_646 : vector<16xf32>
      %neg3A_648 = arith.constant 0.000000e+00 : f32
      %neg3A_649 = vector.broadcast %neg3A_648 : f32 to vector<16xf32>
      %neg3A_650 = arith.subf %neg3A_649, %add3A_647 : vector<16xf32>
      %exp3A_651 = math.exp %neg3A_650 : vector<16xf32>
      %add3A_652 = arith.constant 1.000000e+00 : f32
      %add3A_653 = vector.broadcast %add3A_652 : f32 to vector<16xf32>
      %add3A_654 = arith.addf %add3A_653, %exp3A_651 : vector<16xf32>
      %div3A_655 = arith.constant 1.000000e+00 : f32
      %div3A_656 = vector.broadcast %div3A_655 : f32 to vector<16xf32>
      %div3A_657 = arith.divf %div3A_656, %add3A_654 : vector<16xf32>
      %swap3A_658 = arith.constant 288 : index
      %swap3A_659 = tpu.vector_load %arg20[%swap3A_658] {strides = array<i32>} : memref<640xf32, #tpu.memory_space<vmem>>, vector<16xf32>,
      tpu.vector_store %arg20[%swap3A_658], %div3A_657 {strides = array<i32>} : memref<640xf32, #tpu.memory_space<vmem>>, vector<16xf32>,
      %get3A_660 = arith.constant 2 : i32
      %get3A_661 = arith.index_cast %get3A_660 : i32 to index
      %get3A_662 = arith.constant 48 : index
      %get3A_663 = tpu.vector_load %arg14[%get3A_661, %get3A_662] {strides = array<i32>} : memref<5x128xi32, #tpu.memory_space<vmem>>, vector<16xi32>,
      %get3A_664 = arith.constant 2 : i32
      %get3A_665 = arith.index_cast %get3A_664 : i32 to index
      %get3A_666 = arith.constant 48 : index
      %get3A_667 = tpu.vector_load %arg15[%get3A_665, %get3A_666] {strides = array<i32>} : memref<5x128xi32, #tpu.memory_space<vmem>>, vector<16xi32>,
      %gather3A_668 = tpu.vector_load_idx %arg12[%get3A_663] : memref<10000xf32, #tpu.memory_space<vmem>>[vector<16xi32>], vector<16xf32>,
      %gather3A_669 = tpu.vector_load_idx %arg13[%get3A_667] : memref<10000xf32, #tpu.memory_space<vmem>>[vector<16xi32>], vector<16xf32>,
      %add3A_670 = arith.addf %gather3A_668, %gather3A_669 : vector<16xf32>
      %get3A_671 = arith.constant 304 : index
      %get3A_672 = tpu.vector_load %arg19[%get3A_671] {strides = array<i32>} : memref<640xf32, #tpu.memory_space<vmem>>, vector<16xf32>,
      %add3A_673 = arith.addf %add3A_670, %get3A_672 : vector<16xf32>
      %neg3A_674 = arith.constant 0.000000e+00 : f32
      %neg3A_675 = vector.broadcast %neg3A_674 : f32 to vector<16xf32>
      %neg3A_676 = arith.subf %neg3A_675, %add3A_673 : vector<16xf32>
      %exp3A_677 = math.exp %neg3A_676 : vector<16xf32>
      %add3A_678 = arith.constant 1.000000e+00 : f32
      %add3A_679 = vector.broadcast %add3A_678 : f32 to vector<16xf32>
      %add3A_680 = arith.addf %add3A_679, %exp3A_677 : vector<16xf32>
      %div3A_681 = arith.constant 1.000000e+00 : f32
      %div3A_682 = vector.broadcast %div3A_681 : f32 to vector<16xf32>
      %div3A_683 = arith.divf %div3A_682, %add3A_680 : vector<16xf32>
      %swap3A_684 = arith.constant 304 : index
      %swap3A_685 = tpu.vector_load %arg20[%swap3A_684] {strides = array<i32>} : memref<640xf32, #tpu.memory_space<vmem>>, vector<16xf32>,
      tpu.vector_store %arg20[%swap3A_684], %div3A_683 {strides = array<i32>} : memref<640xf32, #tpu.memory_space<vmem>>, vector<16xf32>,
      %get3A_686 = arith.constant 2 : i32
      %get3A_687 = arith.index_cast %get3A_686 : i32 to index
      %get3A_688 = arith.constant 64 : index
      %get3A_689 = tpu.vector_load %arg14[%get3A_687, %get3A_688] {strides = array<i32>} : memref<5x128xi32, #tpu.memory_space<vmem>>, vector<16xi32>,
      %get3A_690 = arith.constant 2 : i32
      %get3A_691 = arith.index_cast %get3A_690 : i32 to index
      %get3A_692 = arith.constant 64 : index
      %get3A_693 = tpu.vector_load %arg15[%get3A_691, %get3A_692] {strides = array<i32>} : memref<5x128xi32, #tpu.memory_space<vmem>>, vector<16xi32>,
      %gather3A_694 = tpu.vector_load_idx %arg12[%get3A_689] : memref<10000xf32, #tpu.memory_space<vmem>>[vector<16xi32>], vector<16xf32>,
      %gather3A_695 = tpu.vector_load_idx %arg13[%get3A_693] : memref<10000xf32, #tpu.memory_space<vmem>>[vector<16xi32>], vector<16xf32>,
      %add3A_696 = arith.addf %gather3A_694, %gather3A_695 : vector<16xf32>
      %get3A_697 = arith.constant 320 : index
      %get3A_698 = tpu.vector_load %arg19[%get3A_697] {strides = array<i32>} : memref<640xf32, #tpu.memory_space<vmem>>, vector<16xf32>,
      %add3A_699 = arith.addf %add3A_696, %get3A_698 : vector<16xf32>
      %neg3A_700 = arith.constant 0.000000e+00 : f32
      %neg3A_701 = vector.broadcast %neg3A_700 : f32 to vector<16xf32>
      %neg3A_702 = arith.subf %neg3A_701, %add3A_699 : vector<16xf32>
      %exp3A_703 = math.exp %neg3A_702 : vector<16xf32>
      %add3A_704 = arith.constant 1.000000e+00 : f32
      %add3A_705 = vector.broadcast %add3A_704 : f32 to vector<16xf32>
      %add3A_706 = arith.addf %add3A_705, %exp3A_703 : vector<16xf32>
      %div3A_707 = arith.constant 1.000000e+00 : f32
      %div3A_708 = vector.broadcast %div3A_707 : f32 to vector<16xf32>
      %div3A_709 = arith.divf %div3A_708, %add3A_706 : vector<16xf32>
      %swap3A_710 = arith.constant 320 : index
      %swap3A_711 = tpu.vector_load %arg20[%swap3A_710] {strides = array<i32>} : memref<640xf32, #tpu.memory_space<vmem>>, vector<16xf32>,
      tpu.vector_store %arg20[%swap3A_710], %div3A_709 {strides = array<i32>} : memref<640xf32, #tpu.memory_space<vmem>>, vector<16xf32>,
      %get3A_712 = arith.constant 2 : i32
      %get3A_713 = arith.index_cast %get3A_712 : i32 to index
      %get3A_714 = arith.constant 80 : index
      %get3A_715 = tpu.vector_load %arg14[%get3A_713, %get3A_714] {strides = array<i32>} : memref<5x128xi32, #tpu.memory_space<vmem>>, vector<16xi32>,
      %get3A_716 = arith.constant 2 : i32
      %get3A_717 = arith.index_cast %get3A_716 : i32 to index
      %get3A_718 = arith.constant 80 : index
      %get3A_719 = tpu.vector_load %arg15[%get3A_717, %get3A_718] {strides = array<i32>} : memref<5x128xi32, #tpu.memory_space<vmem>>, vector<16xi32>,
      %gather3A_720 = tpu.vector_load_idx %arg12[%get3A_715] : memref<10000xf32, #tpu.memory_space<vmem>>[vector<16xi32>], vector<16xf32>,
      %gather3A_721 = tpu.vector_load_idx %arg13[%get3A_719] : memref<10000xf32, #tpu.memory_space<vmem>>[vector<16xi32>], vector<16xf32>,
      %add3A_722 = arith.addf %gather3A_720, %gather3A_721 : vector<16xf32>
      %get3A_723 = arith.constant 336 : index
      %get3A_724 = tpu.vector_load %arg19[%get3A_723] {strides = array<i32>} : memref<640xf32, #tpu.memory_space<vmem>>, vector<16xf32>,
      %add3A_725 = arith.addf %add3A_722, %get3A_724 : vector<16xf32>
      %neg3A_726 = arith.constant 0.000000e+00 : f32
      %neg3A_727 = vector.broadcast %neg3A_726 : f32 to vector<16xf32>
      %neg3A_728 = arith.subf %neg3A_727, %add3A_725 : vector<16xf32>
      %exp3A_729 = math.exp %neg3A_728 : vector<16xf32>
      %add3A_730 = arith.constant 1.000000e+00 : f32
      %add3A_731 = vector.broadcast %add3A_730 : f32 to vector<16xf32>
      %add3A_732 = arith.addf %add3A_731, %exp3A_729 : vector<16xf32>
      %div3A_733 = arith.constant 1.000000e+00 : f32
      %div3A_734 = vector.broadcast %div3A_733 : f32 to vector<16xf32>
      %div3A_735 = arith.divf %div3A_734, %add3A_732 : vector<16xf32>
      %swap3A_736 = arith.constant 336 : index
      %swap3A_737 = tpu.vector_load %arg20[%swap3A_736] {strides = array<i32>} : memref<640xf32, #tpu.memory_space<vmem>>, vector<16xf32>,
      tpu.vector_store %arg20[%swap3A_736], %div3A_735 {strides = array<i32>} : memref<640xf32, #tpu.memory_space<vmem>>, vector<16xf32>,
      %get3A_738 = arith.constant 2 : i32
      %get3A_739 = arith.index_cast %get3A_738 : i32 to index
      %get3A_740 = arith.constant 96 : index
      %get3A_741 = tpu.vector_load %arg14[%get3A_739, %get3A_740] {strides = array<i32>} : memref<5x128xi32, #tpu.memory_space<vmem>>, vector<16xi32>,
      %get3A_742 = arith.constant 2 : i32
      %get3A_743 = arith.index_cast %get3A_742 : i32 to index
      %get3A_744 = arith.constant 96 : index
      %get3A_745 = tpu.vector_load %arg15[%get3A_743, %get3A_744] {strides = array<i32>} : memref<5x128xi32, #tpu.memory_space<vmem>>, vector<16xi32>,
      %gather3A_746 = tpu.vector_load_idx %arg12[%get3A_741] : memref<10000xf32, #tpu.memory_space<vmem>>[vector<16xi32>], vector<16xf32>,
      %gather3A_747 = tpu.vector_load_idx %arg13[%get3A_745] : memref<10000xf32, #tpu.memory_space<vmem>>[vector<16xi32>], vector<16xf32>,
      %add3A_748 = arith.addf %gather3A_746, %gather3A_747 : vector<16xf32>
      %get3A_749 = arith.constant 352 : index
      %get3A_750 = tpu.vector_load %arg19[%get3A_749] {strides = array<i32>} : memref<640xf32, #tpu.memory_space<vmem>>, vector<16xf32>,
      %add3A_751 = arith.addf %add3A_748, %get3A_750 : vector<16xf32>
      %neg3A_752 = arith.constant 0.000000e+00 : f32
      %neg3A_753 = vector.broadcast %neg3A_752 : f32 to vector<16xf32>
      %neg3A_754 = arith.subf %neg3A_753, %add3A_751 : vector<16xf32>
      %exp3A_755 = math.exp %neg3A_754 : vector<16xf32>
      %add3A_756 = arith.constant 1.000000e+00 : f32
      %add3A_757 = vector.broadcast %add3A_756 : f32 to vector<16xf32>
      %add3A_758 = arith.addf %add3A_757, %exp3A_755 : vector<16xf32>
      %div3A_759 = arith.constant 1.000000e+00 : f32
      %div3A_760 = vector.broadcast %div3A_759 : f32 to vector<16xf32>
      %div3A_761 = arith.divf %div3A_760, %add3A_758 : vector<16xf32>
      %swap3A_762 = arith.constant 352 : index
      %swap3A_763 = tpu.vector_load %arg20[%swap3A_762] {strides = array<i32>} : memref<640xf32, #tpu.memory_space<vmem>>, vector<16xf32>,
      tpu.vector_store %arg20[%swap3A_762], %div3A_761 {strides = array<i32>} : memref<640xf32, #tpu.memory_space<vmem>>, vector<16xf32>,
      %get3A_764 = arith.constant 2 : i32
      %get3A_765 = arith.index_cast %get3A_764 : i32 to index
      %get3A_766 = arith.constant 112 : index
      %get3A_767 = tpu.vector_load %arg14[%get3A_765, %get3A_766] {strides = array<i32>} : memref<5x128xi32, #tpu.memory_space<vmem>>, vector<16xi32>,
      %get3A_768 = arith.constant 2 : i32
      %get3A_769 = arith.index_cast %get3A_768 : i32 to index
      %get3A_770 = arith.constant 112 : index
      %get3A_771 = tpu.vector_load %arg15[%get3A_769, %get3A_770] {strides = array<i32>} : memref<5x128xi32, #tpu.memory_space<vmem>>, vector<16xi32>,
      %gather3A_772 = tpu.vector_load_idx %arg12[%get3A_767] : memref<10000xf32, #tpu.memory_space<vmem>>[vector<16xi32>], vector<16xf32>,
      %gather3A_773 = tpu.vector_load_idx %arg13[%get3A_771] : memref<10000xf32, #tpu.memory_space<vmem>>[vector<16xi32>], vector<16xf32>,
      %add3A_774 = arith.addf %gather3A_772, %gather3A_773 : vector<16xf32>
      %get3A_775 = arith.constant 368 : index
      %get3A_776 = tpu.vector_load %arg19[%get3A_775] {strides = array<i32>} : memref<640xf32, #tpu.memory_space<vmem>>, vector<16xf32>,
      %add3A_777 = arith.addf %add3A_774, %get3A_776 : vector<16xf32>
      %neg3A_778 = arith.constant 0.000000e+00 : f32
      %neg3A_779 = vector.broadcast %neg3A_778 : f32 to vector<16xf32>
      %neg3A_780 = arith.subf %neg3A_779, %add3A_777 : vector<16xf32>
      %exp3A_781 = math.exp %neg3A_780 : vector<16xf32>
      %add3A_782 = arith.constant 1.000000e+00 : f32
      %add3A_783 = vector.broadcast %add3A_782 : f32 to vector<16xf32>
      %add3A_784 = arith.addf %add3A_783, %exp3A_781 : vector<16xf32>
      %div3A_785 = arith.constant 1.000000e+00 : f32
      %div3A_786 = vector.broadcast %div3A_785 : f32 to vector<16xf32>
      %div3A_787 = arith.divf %div3A_786, %add3A_784 : vector<16xf32>
      %swap3A_788 = arith.constant 368 : index
      %swap3A_789 = tpu.vector_load %arg20[%swap3A_788] {strides = array<i32>} : memref<640xf32, #tpu.memory_space<vmem>>, vector<16xf32>,
      tpu.vector_store %arg20[%swap3A_788], %div3A_787 {strides = array<i32>} : memref<640xf32, #tpu.memory_space<vmem>>, vector<16xf32>,
      %get3A_790 = arith.constant 3 : i32
      %get3A_791 = arith.index_cast %get3A_790 : i32 to index
      %get3A_792 = arith.constant 0 : index
      %get3A_793 = tpu.vector_load %arg14[%get3A_791, %get3A_792] {strides = array<i32>} : memref<5x128xi32, #tpu.memory_space<vmem>>, vector<16xi32>,
      %get3A_794 = arith.constant 3 : i32
      %get3A_795 = arith.index_cast %get3A_794 : i32 to index
      %get3A_796 = arith.constant 0 : index
      %get3A_797 = tpu.vector_load %arg15[%get3A_795, %get3A_796] {strides = array<i32>} : memref<5x128xi32, #tpu.memory_space<vmem>>, vector<16xi32>,
      %gather3A_798 = tpu.vector_load_idx %arg12[%get3A_793] : memref<10000xf32, #tpu.memory_space<vmem>>[vector<16xi32>], vector<16xf32>,
      %gather3A_799 = tpu.vector_load_idx %arg13[%get3A_797] : memref<10000xf32, #tpu.memory_space<vmem>>[vector<16xi32>], vector<16xf32>,
      %add3A_800 = arith.addf %gather3A_798, %gather3A_799 : vector<16xf32>
      %get3A_801 = arith.constant 384 : index
      %get3A_802 = tpu.vector_load %arg19[%get3A_801] {strides = array<i32>} : memref<640xf32, #tpu.memory_space<vmem>>, vector<16xf32>,
      %add3A_803 = arith.addf %add3A_800, %get3A_802 : vector<16xf32>
      %neg3A_804 = arith.constant 0.000000e+00 : f32
      %neg3A_805 = vector.broadcast %neg3A_804 : f32 to vector<16xf32>
      %neg3A_806 = arith.subf %neg3A_805, %add3A_803 : vector<16xf32>
      %exp3A_807 = math.exp %neg3A_806 : vector<16xf32>
      %add3A_808 = arith.constant 1.000000e+00 : f32
      %add3A_809 = vector.broadcast %add3A_808 : f32 to vector<16xf32>
      %add3A_810 = arith.addf %add3A_809, %exp3A_807 : vector<16xf32>
      %div3A_811 = arith.constant 1.000000e+00 : f32
      %div3A_812 = vector.broadcast %div3A_811 : f32 to vector<16xf32>
      %div3A_813 = arith.divf %div3A_812, %add3A_810 : vector<16xf32>
      %swap3A_814 = arith.constant 384 : index
      %swap3A_815 = tpu.vector_load %arg20[%swap3A_814] {strides = array<i32>} : memref<640xf32, #tpu.memory_space<vmem>>, vector<16xf32>,
      tpu.vector_store %arg20[%swap3A_814], %div3A_813 {strides = array<i32>} : memref<640xf32, #tpu.memory_space<vmem>>, vector<16xf32>,
      %get3A_816 = arith.constant 3 : i32
      %get3A_817 = arith.index_cast %get3A_816 : i32 to index
      %get3A_818 = arith.constant 16 : index
      %get3A_819 = tpu.vector_load %arg14[%get3A_817, %get3A_818] {strides = array<i32>} : memref<5x128xi32, #tpu.memory_space<vmem>>, vector<16xi32>,
      %get3A_820 = arith.constant 3 : i32
      %get3A_821 = arith.index_cast %get3A_820 : i32 to index
      %get3A_822 = arith.constant 16 : index
      %get3A_823 = tpu.vector_load %arg15[%get3A_821, %get3A_822] {strides = array<i32>} : memref<5x128xi32, #tpu.memory_space<vmem>>, vector<16xi32>,
      %gather3A_824 = tpu.vector_load_idx %arg12[%get3A_819] : memref<10000xf32, #tpu.memory_space<vmem>>[vector<16xi32>], vector<16xf32>,
      %gather3A_825 = tpu.vector_load_idx %arg13[%get3A_823] : memref<10000xf32, #tpu.memory_space<vmem>>[vector<16xi32>], vector<16xf32>,
      %add3A_826 = arith.addf %gather3A_824, %gather3A_825 : vector<16xf32>
      %get3A_827 = arith.constant 400 : index
      %get3A_828 = tpu.vector_load %arg19[%get3A_827] {strides = array<i32>} : memref<640xf32, #tpu.memory_space<vmem>>, vector<16xf32>,
      %add3A_829 = arith.addf %add3A_826, %get3A_828 : vector<16xf32>
      %neg3A_830 = arith.constant 0.000000e+00 : f32
      %neg3A_831 = vector.broadcast %neg3A_830 : f32 to vector<16xf32>
      %neg3A_832 = arith.subf %neg3A_831, %add3A_829 : vector<16xf32>
      %exp3A_833 = math.exp %neg3A_832 : vector<16xf32>
      %add3A_834 = arith.constant 1.000000e+00 : f32
      %add3A_835 = vector.broadcast %add3A_834 : f32 to vector<16xf32>
      %add3A_836 = arith.addf %add3A_835, %exp3A_833 : vector<16xf32>
      %div3A_837 = arith.constant 1.000000e+00 : f32
      %div3A_838 = vector.broadcast %div3A_837 : f32 to vector<16xf32>
      %div3A_839 = arith.divf %div3A_838, %add3A_836 : vector<16xf32>
      %swap3A_840 = arith.constant 400 : index
      %swap3A_841 = tpu.vector_load %arg20[%swap3A_840] {strides = array<i32>} : memref<640xf32, #tpu.memory_space<vmem>>, vector<16xf32>,
      tpu.vector_store %arg20[%swap3A_840], %div3A_839 {strides = array<i32>} : memref<640xf32, #tpu.memory_space<vmem>>, vector<16xf32>,
      %get3A_842 = arith.constant 3 : i32
      %get3A_843 = arith.index_cast %get3A_842 : i32 to index
      %get3A_844 = arith.constant 32 : index
      %get3A_845 = tpu.vector_load %arg14[%get3A_843, %get3A_844] {strides = array<i32>} : memref<5x128xi32, #tpu.memory_space<vmem>>, vector<16xi32>,
      %get3A_846 = arith.constant 3 : i32
      %get3A_847 = arith.index_cast %get3A_846 : i32 to index
      %get3A_848 = arith.constant 32 : index
      %get3A_849 = tpu.vector_load %arg15[%get3A_847, %get3A_848] {strides = array<i32>} : memref<5x128xi32, #tpu.memory_space<vmem>>, vector<16xi32>,
      %gather3A_850 = tpu.vector_load_idx %arg12[%get3A_845] : memref<10000xf32, #tpu.memory_space<vmem>>[vector<16xi32>], vector<16xf32>,
      %gather3A_851 = tpu.vector_load_idx %arg13[%get3A_849] : memref<10000xf32, #tpu.memory_space<vmem>>[vector<16xi32>], vector<16xf32>,
      %add3A_852 = arith.addf %gather3A_850, %gather3A_851 : vector<16xf32>
      %get3A_853 = arith.constant 416 : index
      %get3A_854 = tpu.vector_load %arg19[%get3A_853] {strides = array<i32>} : memref<640xf32, #tpu.memory_space<vmem>>, vector<16xf32>,
      %add3A_855 = arith.addf %add3A_852, %get3A_854 : vector<16xf32>
      %neg3A_856 = arith.constant 0.000000e+00 : f32
      %neg3A_857 = vector.broadcast %neg3A_856 : f32 to vector<16xf32>
      %neg3A_858 = arith.subf %neg3A_857, %add3A_855 : vector<16xf32>
      %exp3A_859 = math.exp %neg3A_858 : vector<16xf32>
      %add3A_860 = arith.constant 1.000000e+00 : f32
      %add3A_861 = vector.broadcast %add3A_860 : f32 to vector<16xf32>
      %add3A_862 = arith.addf %add3A_861, %exp3A_859 : vector<16xf32>
      %div3A_863 = arith.constant 1.000000e+00 : f32
      %div3A_864 = vector.broadcast %div3A_863 : f32 to vector<16xf32>
      %div3A_865 = arith.divf %div3A_864, %add3A_862 : vector<16xf32>
      %swap3A_866 = arith.constant 416 : index
      %swap3A_867 = tpu.vector_load %arg20[%swap3A_866] {strides = array<i32>} : memref<640xf32, #tpu.memory_space<vmem>>, vector<16xf32>,
      tpu.vector_store %arg20[%swap3A_866], %div3A_865 {strides = array<i32>} : memref<640xf32, #tpu.memory_space<vmem>>, vector<16xf32>,
      %get3A_868 = arith.constant 3 : i32
      %get3A_869 = arith.index_cast %get3A_868 : i32 to index
      %get3A_870 = arith.constant 48 : index
      %get3A_871 = tpu.vector_load %arg14[%get3A_869, %get3A_870] {strides = array<i32>} : memref<5x128xi32, #tpu.memory_space<vmem>>, vector<16xi32>,
      %get3A_872 = arith.constant 3 : i32
      %get3A_873 = arith.index_cast %get3A_872 : i32 to index
      %get3A_874 = arith.constant 48 : index
      %get3A_875 = tpu.vector_load %arg15[%get3A_873, %get3A_874] {strides = array<i32>} : memref<5x128xi32, #tpu.memory_space<vmem>>, vector<16xi32>,
      %gather3A_876 = tpu.vector_load_idx %arg12[%get3A_871] : memref<10000xf32, #tpu.memory_space<vmem>>[vector<16xi32>], vector<16xf32>,
      %gather3A_877 = tpu.vector_load_idx %arg13[%get3A_875] : memref<10000xf32, #tpu.memory_space<vmem>>[vector<16xi32>], vector<16xf32>,
      %add3A_878 = arith.addf %gather3A_876, %gather3A_877 : vector<16xf32>
      %get3A_879 = arith.constant 432 : index
      %get3A_880 = tpu.vector_load %arg19[%get3A_879] {strides = array<i32>} : memref<640xf32, #tpu.memory_space<vmem>>, vector<16xf32>,
      %add3A_881 = arith.addf %add3A_878, %get3A_880 : vector<16xf32>
      %neg3A_882 = arith.constant 0.000000e+00 : f32
      %neg3A_883 = vector.broadcast %neg3A_882 : f32 to vector<16xf32>
      %neg3A_884 = arith.subf %neg3A_883, %add3A_881 : vector<16xf32>
      %exp3A_885 = math.exp %neg3A_884 : vector<16xf32>
      %add3A_886 = arith.constant 1.000000e+00 : f32
      %add3A_887 = vector.broadcast %add3A_886 : f32 to vector<16xf32>
      %add3A_888 = arith.addf %add3A_887, %exp3A_885 : vector<16xf32>
      %div3A_889 = arith.constant 1.000000e+00 : f32
      %div3A_890 = vector.broadcast %div3A_889 : f32 to vector<16xf32>
      %div3A_891 = arith.divf %div3A_890, %add3A_888 : vector<16xf32>
      %swap3A_892 = arith.constant 432 : index
      %swap3A_893 = tpu.vector_load %arg20[%swap3A_892] {strides = array<i32>} : memref<640xf32, #tpu.memory_space<vmem>>, vector<16xf32>,
      tpu.vector_store %arg20[%swap3A_892], %div3A_891 {strides = array<i32>} : memref<640xf32, #tpu.memory_space<vmem>>, vector<16xf32>,
      %get3A_894 = arith.constant 3 : i32
      %get3A_895 = arith.index_cast %get3A_894 : i32 to index
      %get3A_896 = arith.constant 64 : index
      %get3A_897 = tpu.vector_load %arg14[%get3A_895, %get3A_896] {strides = array<i32>} : memref<5x128xi32, #tpu.memory_space<vmem>>, vector<16xi32>,
      %get3A_898 = arith.constant 3 : i32
      %get3A_899 = arith.index_cast %get3A_898 : i32 to index
      %get3A_900 = arith.constant 64 : index
      %get3A_901 = tpu.vector_load %arg15[%get3A_899, %get3A_900] {strides = array<i32>} : memref<5x128xi32, #tpu.memory_space<vmem>>, vector<16xi32>,
      %gather3A_902 = tpu.vector_load_idx %arg12[%get3A_897] : memref<10000xf32, #tpu.memory_space<vmem>>[vector<16xi32>], vector<16xf32>,
      %gather3A_903 = tpu.vector_load_idx %arg13[%get3A_901] : memref<10000xf32, #tpu.memory_space<vmem>>[vector<16xi32>], vector<16xf32>,
      %add3A_904 = arith.addf %gather3A_902, %gather3A_903 : vector<16xf32>
      %get3A_905 = arith.constant 448 : index
      %get3A_906 = tpu.vector_load %arg19[%get3A_905] {strides = array<i32>} : memref<640xf32, #tpu.memory_space<vmem>>, vector<16xf32>,
      %add3A_907 = arith.addf %add3A_904, %get3A_906 : vector<16xf32>
      %neg3A_908 = arith.constant 0.000000e+00 : f32
      %neg3A_909 = vector.broadcast %neg3A_908 : f32 to vector<16xf32>
      %neg3A_910 = arith.subf %neg3A_909, %add3A_907 : vector<16xf32>
      %exp3A_911 = math.exp %neg3A_910 : vector<16xf32>
      %add3A_912 = arith.constant 1.000000e+00 : f32
      %add3A_913 = vector.broadcast %add3A_912 : f32 to vector<16xf32>
      %add3A_914 = arith.addf %add3A_913, %exp3A_911 : vector<16xf32>
      %div3A_915 = arith.constant 1.000000e+00 : f32
      %div3A_916 = vector.broadcast %div3A_915 : f32 to vector<16xf32>
      %div3A_917 = arith.divf %div3A_916, %add3A_914 : vector<16xf32>
      %swap3A_918 = arith.constant 448 : index
      %swap3A_919 = tpu.vector_load %arg20[%swap3A_918] {strides = array<i32>} : memref<640xf32, #tpu.memory_space<vmem>>, vector<16xf32>,
      tpu.vector_store %arg20[%swap3A_918], %div3A_917 {strides = array<i32>} : memref<640xf32, #tpu.memory_space<vmem>>, vector<16xf32>,
      %get3A_920 = arith.constant 3 : i32
      %get3A_921 = arith.index_cast %get3A_920 : i32 to index
      %get3A_922 = arith.constant 80 : index
      %get3A_923 = tpu.vector_load %arg14[%get3A_921, %get3A_922] {strides = array<i32>} : memref<5x128xi32, #tpu.memory_space<vmem>>, vector<16xi32>,
      %get3A_924 = arith.constant 3 : i32
      %get3A_925 = arith.index_cast %get3A_924 : i32 to index
      %get3A_926 = arith.constant 80 : index
      %get3A_927 = tpu.vector_load %arg15[%get3A_925, %get3A_926] {strides = array<i32>} : memref<5x128xi32, #tpu.memory_space<vmem>>, vector<16xi32>,
      %gather3A_928 = tpu.vector_load_idx %arg12[%get3A_923] : memref<10000xf32, #tpu.memory_space<vmem>>[vector<16xi32>], vector<16xf32>,
      %gather3A_929 = tpu.vector_load_idx %arg13[%get3A_927] : memref<10000xf32, #tpu.memory_space<vmem>>[vector<16xi32>], vector<16xf32>,
      %add3A_930 = arith.addf %gather3A_928, %gather3A_929 : vector<16xf32>
      %get3A_931 = arith.constant 464 : index
      %get3A_932 = tpu.vector_load %arg19[%get3A_931] {strides = array<i32>} : memref<640xf32, #tpu.memory_space<vmem>>, vector<16xf32>,
      %add3A_933 = arith.addf %add3A_930, %get3A_932 : vector<16xf32>
      %neg3A_934 = arith.constant 0.000000e+00 : f32
      %neg3A_935 = vector.broadcast %neg3A_934 : f32 to vector<16xf32>
      %neg3A_936 = arith.subf %neg3A_935, %add3A_933 : vector<16xf32>
      %exp3A_937 = math.exp %neg3A_936 : vector<16xf32>
      %add3A_938 = arith.constant 1.000000e+00 : f32
      %add3A_939 = vector.broadcast %add3A_938 : f32 to vector<16xf32>
      %add3A_940 = arith.addf %add3A_939, %exp3A_937 : vector<16xf32>
      %div3A_941 = arith.constant 1.000000e+00 : f32
      %div3A_942 = vector.broadcast %div3A_941 : f32 to vector<16xf32>
      %div3A_943 = arith.divf %div3A_942, %add3A_940 : vector<16xf32>
      %swap3A_944 = arith.constant 464 : index
      %swap3A_945 = tpu.vector_load %arg20[%swap3A_944] {strides = array<i32>} : memref<640xf32, #tpu.memory_space<vmem>>, vector<16xf32>,
      tpu.vector_store %arg20[%swap3A_944], %div3A_943 {strides = array<i32>} : memref<640xf32, #tpu.memory_space<vmem>>, vector<16xf32>,
      %get3A_946 = arith.constant 3 : i32
      %get3A_947 = arith.index_cast %get3A_946 : i32 to index
      %get3A_948 = arith.constant 96 : index
      %get3A_949 = tpu.vector_load %arg14[%get3A_947, %get3A_948] {strides = array<i32>} : memref<5x128xi32, #tpu.memory_space<vmem>>, vector<16xi32>,
      %get3A_950 = arith.constant 3 : i32
      %get3A_951 = arith.index_cast %get3A_950 : i32 to index
      %get3A_952 = arith.constant 96 : index
      %get3A_953 = tpu.vector_load %arg15[%get3A_951, %get3A_952] {strides = array<i32>} : memref<5x128xi32, #tpu.memory_space<vmem>>, vector<16xi32>,
      %gather3A_954 = tpu.vector_load_idx %arg12[%get3A_949] : memref<10000xf32, #tpu.memory_space<vmem>>[vector<16xi32>], vector<16xf32>,
      %gather3A_955 = tpu.vector_load_idx %arg13[%get3A_953] : memref<10000xf32, #tpu.memory_space<vmem>>[vector<16xi32>], vector<16xf32>,
      %add3A_956 = arith.addf %gather3A_954, %gather3A_955 : vector<16xf32>
      %get3A_957 = arith.constant 480 : index
      %get3A_958 = tpu.vector_load %arg19[%get3A_957] {strides = array<i32>} : memref<640xf32, #tpu.memory_space<vmem>>, vector<16xf32>,
      %add3A_959 = arith.addf %add3A_956, %get3A_958 : vector<16xf32>
      %neg3A_960 = arith.constant 0.000000e+00 : f32
      %neg3A_961 = vector.broadcast %neg3A_960 : f32 to vector<16xf32>
      %neg3A_962 = arith.subf %neg3A_961, %add3A_959 : vector<16xf32>
      %exp3A_963 = math.exp %neg3A_962 : vector<16xf32>
      %add3A_964 = arith.constant 1.000000e+00 : f32
      %add3A_965 = vector.broadcast %add3A_964 : f32 to vector<16xf32>
      %add3A_966 = arith.addf %add3A_965, %exp3A_963 : vector<16xf32>
      %div3A_967 = arith.constant 1.000000e+00 : f32
      %div3A_968 = vector.broadcast %div3A_967 : f32 to vector<16xf32>
      %div3A_969 = arith.divf %div3A_968, %add3A_966 : vector<16xf32>
      %swap3A_970 = arith.constant 480 : index
      %swap3A_971 = tpu.vector_load %arg20[%swap3A_970] {strides = array<i32>} : memref<640xf32, #tpu.memory_space<vmem>>, vector<16xf32>,
      tpu.vector_store %arg20[%swap3A_970], %div3A_969 {strides = array<i32>} : memref<640xf32, #tpu.memory_space<vmem>>, vector<16xf32>,
      %get3A_972 = arith.constant 3 : i32
      %get3A_973 = arith.index_cast %get3A_972 : i32 to index
      %get3A_974 = arith.constant 112 : index
      %get3A_975 = tpu.vector_load %arg14[%get3A_973, %get3A_974] {strides = array<i32>} : memref<5x128xi32, #tpu.memory_space<vmem>>, vector<16xi32>,
      %get3A_976 = arith.constant 3 : i32
      %get3A_977 = arith.index_cast %get3A_976 : i32 to index
      %get3A_978 = arith.constant 112 : index
      %get3A_979 = tpu.vector_load %arg15[%get3A_977, %get3A_978] {strides = array<i32>} : memref<5x128xi32, #tpu.memory_space<vmem>>, vector<16xi32>,
      %gather3A_980 = tpu.vector_load_idx %arg12[%get3A_975] : memref<10000xf32, #tpu.memory_space<vmem>>[vector<16xi32>], vector<16xf32>,
      %gather3A_981 = tpu.vector_load_idx %arg13[%get3A_979] : memref<10000xf32, #tpu.memory_space<vmem>>[vector<16xi32>], vector<16xf32>,
      %add3A_982 = arith.addf %gather3A_980, %gather3A_981 : vector<16xf32>
      %get3A_983 = arith.constant 496 : index
      %get3A_984 = tpu.vector_load %arg19[%get3A_983] {strides = array<i32>} : memref<640xf32, #tpu.memory_space<vmem>>, vector<16xf32>,
      %add3A_985 = arith.addf %add3A_982, %get3A_984 : vector<16xf32>
      %neg3A_986 = arith.constant 0.000000e+00 : f32
      %neg3A_987 = vector.broadcast %neg3A_986 : f32 to vector<16xf32>
      %neg3A_988 = arith.subf %neg3A_987, %add3A_985 : vector<16xf32>
      %exp3A_989 = math.exp %neg3A_988 : vector<16xf32>
      %add3A_990 = arith.constant 1.000000e+00 : f32
      %add3A_991 = vector.broadcast %add3A_990 : f32 to vector<16xf32>
      %add3A_992 = arith.addf %add3A_991, %exp3A_989 : vector<16xf32>
      %div3A_993 = arith.constant 1.000000e+00 : f32
      %div3A_994 = vector.broadcast %div3A_993 : f32 to vector<16xf32>
      %div3A_995 = arith.divf %div3A_994, %add3A_992 : vector<16xf32>
      %swap3A_996 = arith.constant 496 : index
      %swap3A_997 = tpu.vector_load %arg20[%swap3A_996] {strides = array<i32>} : memref<640xf32, #tpu.memory_space<vmem>>, vector<16xf32>,
      tpu.vector_store %arg20[%swap3A_996], %div3A_995 {strides = array<i32>} : memref<640xf32, #tpu.memory_space<vmem>>, vector<16xf32>,
      %get3A_998 = arith.constant 4 : i32
      %get3A_999 = arith.index_cast %get3A_998 : i32 to index
      %get3A_1000 = arith.constant 0 : index
      %get3A_1001 = tpu.vector_load %arg14[%get3A_999, %get3A_1000] {strides = array<i32>} : memref<5x128xi32, #tpu.memory_space<vmem>>, vector<16xi32>,
      %get3A_1002 = arith.constant 4 : i32
      %get3A_1003 = arith.index_cast %get3A_1002 : i32 to index
      %get3A_1004 = arith.constant 0 : index
      %get3A_1005 = tpu.vector_load %arg15[%get3A_1003, %get3A_1004] {strides = array<i32>} : memref<5x128xi32, #tpu.memory_space<vmem>>, vector<16xi32>,
      %gather3A_1006 = tpu.vector_load_idx %arg12[%get3A_1001] : memref<10000xf32, #tpu.memory_space<vmem>>[vector<16xi32>], vector<16xf32>,
      %gather3A_1007 = tpu.vector_load_idx %arg13[%get3A_1005] : memref<10000xf32, #tpu.memory_space<vmem>>[vector<16xi32>], vector<16xf32>,
      %add3A_1008 = arith.addf %gather3A_1006, %gather3A_1007 : vector<16xf32>
      %get3A_1009 = arith.constant 512 : index
      %get3A_1010 = tpu.vector_load %arg19[%get3A_1009] {strides = array<i32>} : memref<640xf32, #tpu.memory_space<vmem>>, vector<16xf32>,
      %add3A_1011 = arith.addf %add3A_1008, %get3A_1010 : vector<16xf32>
      %neg3A_1012 = arith.constant 0.000000e+00 : f32
      %neg3A_1013 = vector.broadcast %neg3A_1012 : f32 to vector<16xf32>
      %neg3A_1014 = arith.subf %neg3A_1013, %add3A_1011 : vector<16xf32>
      %exp3A_1015 = math.exp %neg3A_1014 : vector<16xf32>
      %add3A_1016 = arith.constant 1.000000e+00 : f32
      %add3A_1017 = vector.broadcast %add3A_1016 : f32 to vector<16xf32>
      %add3A_1018 = arith.addf %add3A_1017, %exp3A_1015 : vector<16xf32>
      %div3A_1019 = arith.constant 1.000000e+00 : f32
      %div3A_1020 = vector.broadcast %div3A_1019 : f32 to vector<16xf32>
      %div3A_1021 = arith.divf %div3A_1020, %add3A_1018 : vector<16xf32>
      %swap3A_1022 = arith.constant 512 : index
      %swap3A_1023 = tpu.vector_load %arg20[%swap3A_1022] {strides = array<i32>} : memref<640xf32, #tpu.memory_space<vmem>>, vector<16xf32>,
      tpu.vector_store %arg20[%swap3A_1022], %div3A_1021 {strides = array<i32>} : memref<640xf32, #tpu.memory_space<vmem>>, vector<16xf32>,
      %get3A_1024 = arith.constant 4 : i32
      %get3A_1025 = arith.index_cast %get3A_1024 : i32 to index
      %get3A_1026 = arith.constant 16 : index
      %get3A_1027 = tpu.vector_load %arg14[%get3A_1025, %get3A_1026] {strides = array<i32>} : memref<5x128xi32, #tpu.memory_space<vmem>>, vector<16xi32>,
      %get3A_1028 = arith.constant 4 : i32
      %get3A_1029 = arith.index_cast %get3A_1028 : i32 to index
      %get3A_1030 = arith.constant 16 : index
      %get3A_1031 = tpu.vector_load %arg15[%get3A_1029, %get3A_1030] {strides = array<i32>} : memref<5x128xi32, #tpu.memory_space<vmem>>, vector<16xi32>,
      %gather3A_1032 = tpu.vector_load_idx %arg12[%get3A_1027] : memref<10000xf32, #tpu.memory_space<vmem>>[vector<16xi32>], vector<16xf32>,
      %gather3A_1033 = tpu.vector_load_idx %arg13[%get3A_1031] : memref<10000xf32, #tpu.memory_space<vmem>>[vector<16xi32>], vector<16xf32>,
      %add3A_1034 = arith.addf %gather3A_1032, %gather3A_1033 : vector<16xf32>
      %get3A_1035 = arith.constant 528 : index
      %get3A_1036 = tpu.vector_load %arg19[%get3A_1035] {strides = array<i32>} : memref<640xf32, #tpu.memory_space<vmem>>, vector<16xf32>,
      %add3A_1037 = arith.addf %add3A_1034, %get3A_1036 : vector<16xf32>
      %neg3A_1038 = arith.constant 0.000000e+00 : f32
      %neg3A_1039 = vector.broadcast %neg3A_1038 : f32 to vector<16xf32>
      %neg3A_1040 = arith.subf %neg3A_1039, %add3A_1037 : vector<16xf32>
      %exp3A_1041 = math.exp %neg3A_1040 : vector<16xf32>
      %add3A_1042 = arith.constant 1.000000e+00 : f32
      %add3A_1043 = vector.broadcast %add3A_1042 : f32 to vector<16xf32>
      %add3A_1044 = arith.addf %add3A_1043, %exp3A_1041 : vector<16xf32>
      %div3A_1045 = arith.constant 1.000000e+00 : f32
      %div3A_1046 = vector.broadcast %div3A_1045 : f32 to vector<16xf32>
      %div3A_1047 = arith.divf %div3A_1046, %add3A_1044 : vector<16xf32>
      %swap3A_1048 = arith.constant 528 : index
      %swap3A_1049 = tpu.vector_load %arg20[%swap3A_1048] {strides = array<i32>} : memref<640xf32, #tpu.memory_space<vmem>>, vector<16xf32>,
      tpu.vector_store %arg20[%swap3A_1048], %div3A_1047 {strides = array<i32>} : memref<640xf32, #tpu.memory_space<vmem>>, vector<16xf32>,
      %get3A_1050 = arith.constant 4 : i32
      %get3A_1051 = arith.index_cast %get3A_1050 : i32 to index
      %get3A_1052 = arith.constant 32 : index
      %get3A_1053 = tpu.vector_load %arg14[%get3A_1051, %get3A_1052] {strides = array<i32>} : memref<5x128xi32, #tpu.memory_space<vmem>>, vector<16xi32>,
      %get3A_1054 = arith.constant 4 : i32
      %get3A_1055 = arith.index_cast %get3A_1054 : i32 to index
      %get3A_1056 = arith.constant 32 : index
      %get3A_1057 = tpu.vector_load %arg15[%get3A_1055, %get3A_1056] {strides = array<i32>} : memref<5x128xi32, #tpu.memory_space<vmem>>, vector<16xi32>,
      %gather3A_1058 = tpu.vector_load_idx %arg12[%get3A_1053] : memref<10000xf32, #tpu.memory_space<vmem>>[vector<16xi32>], vector<16xf32>,
      %gather3A_1059 = tpu.vector_load_idx %arg13[%get3A_1057] : memref<10000xf32, #tpu.memory_space<vmem>>[vector<16xi32>], vector<16xf32>,
      %add3A_1060 = arith.addf %gather3A_1058, %gather3A_1059 : vector<16xf32>
      %get3A_1061 = arith.constant 544 : index
      %get3A_1062 = tpu.vector_load %arg19[%get3A_1061] {strides = array<i32>} : memref<640xf32, #tpu.memory_space<vmem>>, vector<16xf32>,
      %add3A_1063 = arith.addf %add3A_1060, %get3A_1062 : vector<16xf32>
      %neg3A_1064 = arith.constant 0.000000e+00 : f32
      %neg3A_1065 = vector.broadcast %neg3A_1064 : f32 to vector<16xf32>
      %neg3A_1066 = arith.subf %neg3A_1065, %add3A_1063 : vector<16xf32>
      %exp3A_1067 = math.exp %neg3A_1066 : vector<16xf32>
      %add3A_1068 = arith.constant 1.000000e+00 : f32
      %add3A_1069 = vector.broadcast %add3A_1068 : f32 to vector<16xf32>
      %add3A_1070 = arith.addf %add3A_1069, %exp3A_1067 : vector<16xf32>
      %div3A_1071 = arith.constant 1.000000e+00 : f32
      %div3A_1072 = vector.broadcast %div3A_1071 : f32 to vector<16xf32>
      %div3A_1073 = arith.divf %div3A_1072, %add3A_1070 : vector<16xf32>
      %swap3A_1074 = arith.constant 544 : index
      %swap3A_1075 = tpu.vector_load %arg20[%swap3A_1074] {strides = array<i32>} : memref<640xf32, #tpu.memory_space<vmem>>, vector<16xf32>,
      tpu.vector_store %arg20[%swap3A_1074], %div3A_1073 {strides = array<i32>} : memref<640xf32, #tpu.memory_space<vmem>>, vector<16xf32>,
      %get3A_1076 = arith.constant 4 : i32
      %get3A_1077 = arith.index_cast %get3A_1076 : i32 to index
      %get3A_1078 = arith.constant 48 : index
      %get3A_1079 = tpu.vector_load %arg14[%get3A_1077, %get3A_1078] {strides = array<i32>} : memref<5x128xi32, #tpu.memory_space<vmem>>, vector<16xi32>,
      %get3A_1080 = arith.constant 4 : i32
      %get3A_1081 = arith.index_cast %get3A_1080 : i32 to index
      %get3A_1082 = arith.constant 48 : index
      %get3A_1083 = tpu.vector_load %arg15[%get3A_1081, %get3A_1082] {strides = array<i32>} : memref<5x128xi32, #tpu.memory_space<vmem>>, vector<16xi32>,
      %gather3A_1084 = tpu.vector_load_idx %arg12[%get3A_1079] : memref<10000xf32, #tpu.memory_space<vmem>>[vector<16xi32>], vector<16xf32>,
      %gather3A_1085 = tpu.vector_load_idx %arg13[%get3A_1083] : memref<10000xf32, #tpu.memory_space<vmem>>[vector<16xi32>], vector<16xf32>,
      %add3A_1086 = arith.addf %gather3A_1084, %gather3A_1085 : vector<16xf32>
      %get3A_1087 = arith.constant 560 : index
      %get3A_1088 = tpu.vector_load %arg19[%get3A_1087] {strides = array<i32>} : memref<640xf32, #tpu.memory_space<vmem>>, vector<16xf32>,
      %add3A_1089 = arith.addf %add3A_1086, %get3A_1088 : vector<16xf32>
      %neg3A_1090 = arith.constant 0.000000e+00 : f32
      %neg3A_1091 = vector.broadcast %neg3A_1090 : f32 to vector<16xf32>
      %neg3A_1092 = arith.subf %neg3A_1091, %add3A_1089 : vector<16xf32>
      %exp3A_1093 = math.exp %neg3A_1092 : vector<16xf32>
      %add3A_1094 = arith.constant 1.000000e+00 : f32
      %add3A_1095 = vector.broadcast %add3A_1094 : f32 to vector<16xf32>
      %add3A_1096 = arith.addf %add3A_1095, %exp3A_1093 : vector<16xf32>
      %div3A_1097 = arith.constant 1.000000e+00 : f32
      %div3A_1098 = vector.broadcast %div3A_1097 : f32 to vector<16xf32>
      %div3A_1099 = arith.divf %div3A_1098, %add3A_1096 : vector<16xf32>
      %swap3A_1100 = arith.constant 560 : index
      %swap3A_1101 = tpu.vector_load %arg20[%swap3A_1100] {strides = array<i32>} : memref<640xf32, #tpu.memory_space<vmem>>, vector<16xf32>,
      tpu.vector_store %arg20[%swap3A_1100], %div3A_1099 {strides = array<i32>} : memref<640xf32, #tpu.memory_space<vmem>>, vector<16xf32>,
      %get3A_1102 = arith.constant 4 : i32
      %get3A_1103 = arith.index_cast %get3A_1102 : i32 to index
      %get3A_1104 = arith.constant 64 : index
      %get3A_1105 = tpu.vector_load %arg14[%get3A_1103, %get3A_1104] {strides = array<i32>} : memref<5x128xi32, #tpu.memory_space<vmem>>, vector<16xi32>,
      %get3A_1106 = arith.constant 4 : i32
      %get3A_1107 = arith.index_cast %get3A_1106 : i32 to index
      %get3A_1108 = arith.constant 64 : index
      %get3A_1109 = tpu.vector_load %arg15[%get3A_1107, %get3A_1108] {strides = array<i32>} : memref<5x128xi32, #tpu.memory_space<vmem>>, vector<16xi32>,
      %gather3A_1110 = tpu.vector_load_idx %arg12[%get3A_1105] : memref<10000xf32, #tpu.memory_space<vmem>>[vector<16xi32>], vector<16xf32>,
      %gather3A_1111 = tpu.vector_load_idx %arg13[%get3A_1109] : memref<10000xf32, #tpu.memory_space<vmem>>[vector<16xi32>], vector<16xf32>,
      %add3A_1112 = arith.addf %gather3A_1110, %gather3A_1111 : vector<16xf32>
      %get3A_1113 = arith.constant 576 : index
      %get3A_1114 = tpu.vector_load %arg19[%get3A_1113] {strides = array<i32>} : memref<640xf32, #tpu.memory_space<vmem>>, vector<16xf32>,
      %add3A_1115 = arith.addf %add3A_1112, %get3A_1114 : vector<16xf32>
      %neg3A_1116 = arith.constant 0.000000e+00 : f32
      %neg3A_1117 = vector.broadcast %neg3A_1116 : f32 to vector<16xf32>
      %neg3A_1118 = arith.subf %neg3A_1117, %add3A_1115 : vector<16xf32>
      %exp3A_1119 = math.exp %neg3A_1118 : vector<16xf32>
      %add3A_1120 = arith.constant 1.000000e+00 : f32
      %add3A_1121 = vector.broadcast %add3A_1120 : f32 to vector<16xf32>
      %add3A_1122 = arith.addf %add3A_1121, %exp3A_1119 : vector<16xf32>
      %div3A_1123 = arith.constant 1.000000e+00 : f32
      %div3A_1124 = vector.broadcast %div3A_1123 : f32 to vector<16xf32>
      %div3A_1125 = arith.divf %div3A_1124, %add3A_1122 : vector<16xf32>
      %swap3A_1126 = arith.constant 576 : index
      %swap3A_1127 = tpu.vector_load %arg20[%swap3A_1126] {strides = array<i32>} : memref<640xf32, #tpu.memory_space<vmem>>, vector<16xf32>,
      tpu.vector_store %arg20[%swap3A_1126], %div3A_1125 {strides = array<i32>} : memref<640xf32, #tpu.memory_space<vmem>>, vector<16xf32>,
      %get3A_1128 = arith.constant 4 : i32
      %get3A_1129 = arith.index_cast %get3A_1128 : i32 to index
      %get3A_1130 = arith.constant 80 : index
      %get3A_1131 = tpu.vector_load %arg14[%get3A_1129, %get3A_1130] {strides = array<i32>} : memref<5x128xi32, #tpu.memory_space<vmem>>, vector<16xi32>,
      %get3A_1132 = arith.constant 4 : i32
      %get3A_1133 = arith.index_cast %get3A_1132 : i32 to index
      %get3A_1134 = arith.constant 80 : index
      %get3A_1135 = tpu.vector_load %arg15[%get3A_1133, %get3A_1134] {strides = array<i32>} : memref<5x128xi32, #tpu.memory_space<vmem>>, vector<16xi32>,
      %gather3A_1136 = tpu.vector_load_idx %arg12[%get3A_1131] : memref<10000xf32, #tpu.memory_space<vmem>>[vector<16xi32>], vector<16xf32>,
      %gather3A_1137 = tpu.vector_load_idx %arg13[%get3A_1135] : memref<10000xf32, #tpu.memory_space<vmem>>[vector<16xi32>], vector<16xf32>,
      %add3A_1138 = arith.addf %gather3A_1136, %gather3A_1137 : vector<16xf32>
      %get3A_1139 = arith.constant 592 : index
      %get3A_1140 = tpu.vector_load %arg19[%get3A_1139] {strides = array<i32>} : memref<640xf32, #tpu.memory_space<vmem>>, vector<16xf32>,
      %add3A_1141 = arith.addf %add3A_1138, %get3A_1140 : vector<16xf32>
      %neg3A_1142 = arith.constant 0.000000e+00 : f32
      %neg3A_1143 = vector.broadcast %neg3A_1142 : f32 to vector<16xf32>
      %neg3A_1144 = arith.subf %neg3A_1143, %add3A_1141 : vector<16xf32>
      %exp3A_1145 = math.exp %neg3A_1144 : vector<16xf32>
      %add3A_1146 = arith.constant 1.000000e+00 : f32
      %add3A_1147 = vector.broadcast %add3A_1146 : f32 to vector<16xf32>
      %add3A_1148 = arith.addf %add3A_1147, %exp3A_1145 : vector<16xf32>
      %div3A_1149 = arith.constant 1.000000e+00 : f32
      %div3A_1150 = vector.broadcast %div3A_1149 : f32 to vector<16xf32>
      %div3A_1151 = arith.divf %div3A_1150, %add3A_1148 : vector<16xf32>
      %swap3A_1152 = arith.constant 592 : index
      %swap3A_1153 = tpu.vector_load %arg20[%swap3A_1152] {strides = array<i32>} : memref<640xf32, #tpu.memory_space<vmem>>, vector<16xf32>,
      tpu.vector_store %arg20[%swap3A_1152], %div3A_1151 {strides = array<i32>} : memref<640xf32, #tpu.memory_space<vmem>>, vector<16xf32>,
      %get3A_1154 = arith.constant 4 : i32
      %get3A_1155 = arith.index_cast %get3A_1154 : i32 to index
      %get3A_1156 = arith.constant 96 : index
      %get3A_1157 = tpu.vector_load %arg14[%get3A_1155, %get3A_1156] {strides = array<i32>} : memref<5x128xi32, #tpu.memory_space<vmem>>, vector<16xi32>,
      %get3A_1158 = arith.constant 4 : i32
      %get3A_1159 = arith.index_cast %get3A_1158 : i32 to index
      %get3A_1160 = arith.constant 96 : index
      %get3A_1161 = tpu.vector_load %arg15[%get3A_1159, %get3A_1160] {strides = array<i32>} : memref<5x128xi32, #tpu.memory_space<vmem>>, vector<16xi32>,
      %gather3A_1162 = tpu.vector_load_idx %arg12[%get3A_1157] : memref<10000xf32, #tpu.memory_space<vmem>>[vector<16xi32>], vector<16xf32>,
      %gather3A_1163 = tpu.vector_load_idx %arg13[%get3A_1161] : memref<10000xf32, #tpu.memory_space<vmem>>[vector<16xi32>], vector<16xf32>,
      %add3A_1164 = arith.addf %gather3A_1162, %gather3A_1163 : vector<16xf32>
      %get3A_1165 = arith.constant 608 : index
      %get3A_1166 = tpu.vector_load %arg19[%get3A_1165] {strides = array<i32>} : memref<640xf32, #tpu.memory_space<vmem>>, vector<16xf32>,
      %add3A_1167 = arith.addf %add3A_1164, %get3A_1166 : vector<16xf32>
      %neg3A_1168 = arith.constant 0.000000e+00 : f32
      %neg3A_1169 = vector.broadcast %neg3A_1168 : f32 to vector<16xf32>
      %neg3A_1170 = arith.subf %neg3A_1169, %add3A_1167 : vector<16xf32>
      %exp3A_1171 = math.exp %neg3A_1170 : vector<16xf32>
      %add3A_1172 = arith.constant 1.000000e+00 : f32
      %add3A_1173 = vector.broadcast %add3A_1172 : f32 to vector<16xf32>
      %add3A_1174 = arith.addf %add3A_1173, %exp3A_1171 : vector<16xf32>
      %div3A_1175 = arith.constant 1.000000e+00 : f32
      %div3A_1176 = vector.broadcast %div3A_1175 : f32 to vector<16xf32>
      %div3A_1177 = arith.divf %div3A_1176, %add3A_1174 : vector<16xf32>
      %swap3A_1178 = arith.constant 608 : index
      %swap3A_1179 = tpu.vector_load %arg20[%swap3A_1178] {strides = array<i32>} : memref<640xf32, #tpu.memory_space<vmem>>, vector<16xf32>,
      tpu.vector_store %arg20[%swap3A_1178], %div3A_1177 {strides = array<i32>} : memref<640xf32, #tpu.memory_space<vmem>>, vector<16xf32>,
      %get3A_1180 = arith.constant 4 : i32
      %get3A_1181 = arith.index_cast %get3A_1180 : i32 to index
      %get3A_1182 = arith.constant 112 : index
      %get3A_1183 = tpu.vector_load %arg14[%get3A_1181, %get3A_1182] {strides = array<i32>} : memref<5x128xi32, #tpu.memory_space<vmem>>, vector<16xi32>,
      %get3A_1184 = arith.constant 4 : i32
      %get3A_1185 = arith.index_cast %get3A_1184 : i32 to index
      %get3A_1186 = arith.constant 112 : index
      %get3A_1187 = tpu.vector_load %arg15[%get3A_1185, %get3A_1186] {strides = array<i32>} : memref<5x128xi32, #tpu.memory_space<vmem>>, vector<16xi32>,
      %gather3A_1188 = tpu.vector_load_idx %arg12[%get3A_1183] : memref<10000xf32, #tpu.memory_space<vmem>>[vector<16xi32>], vector<16xf32>,
      %gather3A_1189 = tpu.vector_load_idx %arg13[%get3A_1187] : memref<10000xf32, #tpu.memory_space<vmem>>[vector<16xi32>], vector<16xf32>,
      %add3A_1190 = arith.addf %gather3A_1188, %gather3A_1189 : vector<16xf32>
      %get3A_1191 = arith.constant 624 : index
      %get3A_1192 = tpu.vector_load %arg19[%get3A_1191] {strides = array<i32>} : memref<640xf32, #tpu.memory_space<vmem>>, vector<16xf32>,
      %add3A_1193 = arith.addf %add3A_1190, %get3A_1192 : vector<16xf32>
      %neg3A_1194 = arith.constant 0.000000e+00 : f32
      %neg3A_1195 = vector.broadcast %neg3A_1194 : f32 to vector<16xf32>
      %neg3A_1196 = arith.subf %neg3A_1195, %add3A_1193 : vector<16xf32>
      %exp3A_1197 = math.exp %neg3A_1196 : vector<16xf32>
      %add3A_1198 = arith.constant 1.000000e+00 : f32
      %add3A_1199 = vector.broadcast %add3A_1198 : f32 to vector<16xf32>
      %add3A_1200 = arith.addf %add3A_1199, %exp3A_1197 : vector<16xf32>
      %div3A_1201 = arith.constant 1.000000e+00 : f32
      %div3A_1202 = vector.broadcast %div3A_1201 : f32 to vector<16xf32>
      %div3A_1203 = arith.divf %div3A_1202, %add3A_1200 : vector<16xf32>
      %swap3A_1204 = arith.constant 624 : index
      %swap3A_1205 = tpu.vector_load %arg20[%swap3A_1204] {strides = array<i32>} : memref<640xf32, #tpu.memory_space<vmem>>, vector<16xf32>,
      tpu.vector_store %arg20[%swap3A_1204], %div3A_1203 {strides = array<i32>} : memref<640xf32, #tpu.memory_space<vmem>>, vector<16xf32>,
      %dma_wait3A_1206 = arith.constant 0 : i32
      %dma_wait3A_1207 = arith.constant 0 : i32
      %dma_wait3A_1208 = arith.constant 0 : i32
      %dma_wait3A_1209 = tpu.memref_slice %arg16[%dma_wait3A_1207, %dma_wait3A_1208] : memref<640x16xf32, #tpu.memory_space<vmem>> -> memref<128x16xf32, #tpu.memory_space<vmem>>
      %dma_wait3A_1210 = arith.constant 0 : i32
      %dma_wait3A_1211 = tpu.memref_slice %arg14[%dma_wait3A_1206, %dma_wait3A_1210] : memref<5x128xi32, #tpu.memory_space<vmem>> -> memref<1x128xi32, #tpu.memory_space<vmem>>
      %dma_wait3A_1212 = tpu.memref_squeeze %dma_wait3A_1211 : memref<1x128xi32, #tpu.memory_space<vmem>> -> memref<128xi32, #tpu.memory_space<vmem>>
      %dma_wait3A_1213 = arith.constant 0 : i32
      %dma_wait3A_1214 = arith.constant 0 : i32
      %dma_wait3A_1215 = tpu.memref_slice %arg4[%dma_wait3A_1213, %dma_wait3A_1214] : memref<10000x16xf32, #tpu.memory_space<hbm>> -> memref<10000x16xf32, #tpu.memory_space<hbm>>
      tpu.wait_indirect_dma semaphore(%arg25 : memref<!tpu.dma_semaphore, #tpu.memory_space<semaphore_mem>>) src(%dma_wait3A_1215 : memref<10000x16xf32, #tpu.memory_space<hbm>>) dst(%dma_wait3A_1209 : memref<128x16xf32, #tpu.memory_space<vmem>>)
      %dma_wait3A_1216 = arith.constant 0 : i32
      %dma_wait3A_1217 = arith.constant 0 : i32
      %dma_wait3A_1218 = arith.constant 0 : i32
      %dma_wait3A_1219 = tpu.memref_slice %arg17[%dma_wait3A_1217, %dma_wait3A_1218] : memref<640x16xf32, #tpu.memory_space<vmem>> -> memref<128x16xf32, #tpu.memory_space<vmem>>
      %dma_wait3A_1220 = arith.constant 0 : i32
      %dma_wait3A_1221 = tpu.memref_slice %arg15[%dma_wait3A_1216, %dma_wait3A_1220] : memref<5x128xi32, #tpu.memory_space<vmem>> -> memref<1x128xi32, #tpu.memory_space<vmem>>
      %dma_wait3A_1222 = tpu.memref_squeeze %dma_wait3A_1221 : memref<1x128xi32, #tpu.memory_space<vmem>> -> memref<128xi32, #tpu.memory_space<vmem>>
      %dma_wait3A_1223 = arith.constant 0 : i32
      %dma_wait3A_1224 = arith.constant 0 : i32
      %dma_wait3A_1225 = tpu.memref_slice %arg5[%dma_wait3A_1223, %dma_wait3A_1224] : memref<10000x16xf32, #tpu.memory_space<hbm>> -> memref<10000x16xf32, #tpu.memory_space<hbm>>
      tpu.wait_indirect_dma semaphore(%arg25 : memref<!tpu.dma_semaphore, #tpu.memory_space<semaphore_mem>>) src(%dma_wait3A_1225 : memref<10000x16xf32, #tpu.memory_space<hbm>>) dst(%dma_wait3A_1219 : memref<128x16xf32, #tpu.memory_space<vmem>>)
      %dma_wait3A_1226 = arith.constant 1 : i32
      %dma_wait3A_1227 = arith.constant 128 : i32
      %dma_wait3A_1228 = arith.constant 0 : i32
      %dma_wait3A_1229 = tpu.memref_slice %arg16[%dma_wait3A_1227, %dma_wait3A_1228] : memref<640x16xf32, #tpu.memory_space<vmem>> -> memref<128x16xf32, #tpu.memory_space<vmem>>
      %dma_wait3A_1230 = arith.constant 0 : i32
      %dma_wait3A_1231 = tpu.memref_slice %arg14[%dma_wait3A_1226, %dma_wait3A_1230] : memref<5x128xi32, #tpu.memory_space<vmem>> -> memref<1x128xi32, #tpu.memory_space<vmem>>
      %dma_wait3A_1232 = tpu.memref_squeeze %dma_wait3A_1231 : memref<1x128xi32, #tpu.memory_space<vmem>> -> memref<128xi32, #tpu.memory_space<vmem>>
      %dma_wait3A_1233 = arith.constant 0 : i32
      %dma_wait3A_1234 = arith.constant 0 : i32
      %dma_wait3A_1235 = tpu.memref_slice %arg4[%dma_wait3A_1233, %dma_wait3A_1234] : memref<10000x16xf32, #tpu.memory_space<hbm>> -> memref<10000x16xf32, #tpu.memory_space<hbm>>
      tpu.wait_indirect_dma semaphore(%arg25 : memref<!tpu.dma_semaphore, #tpu.memory_space<semaphore_mem>>) src(%dma_wait3A_1235 : memref<10000x16xf32, #tpu.memory_space<hbm>>) dst(%dma_wait3A_1229 : memref<128x16xf32, #tpu.memory_space<vmem>>)
      %dma_wait3A_1236 = arith.constant 1 : i32
      %dma_wait3A_1237 = arith.constant 128 : i32
      %dma_wait3A_1238 = arith.constant 0 : i32
      %dma_wait3A_1239 = tpu.memref_slice %arg17[%dma_wait3A_1237, %dma_wait3A_1238] : memref<640x16xf32, #tpu.memory_space<vmem>> -> memref<128x16xf32, #tpu.memory_space<vmem>>
      %dma_wait3A_1240 = arith.constant 0 : i32
      %dma_wait3A_1241 = tpu.memref_slice %arg15[%dma_wait3A_1236, %dma_wait3A_1240] : memref<5x128xi32, #tpu.memory_space<vmem>> -> memref<1x128xi32, #tpu.memory_space<vmem>>
      %dma_wait3A_1242 = tpu.memref_squeeze %dma_wait3A_1241 : memref<1x128xi32, #tpu.memory_space<vmem>> -> memref<128xi32, #tpu.memory_space<vmem>>
      %dma_wait3A_1243 = arith.constant 0 : i32
      %dma_wait3A_1244 = arith.constant 0 : i32
      %dma_wait3A_1245 = tpu.memref_slice %arg5[%dma_wait3A_1243, %dma_wait3A_1244] : memref<10000x16xf32, #tpu.memory_space<hbm>> -> memref<10000x16xf32, #tpu.memory_space<hbm>>
      tpu.wait_indirect_dma semaphore(%arg25 : memref<!tpu.dma_semaphore, #tpu.memory_space<semaphore_mem>>) src(%dma_wait3A_1245 : memref<10000x16xf32, #tpu.memory_space<hbm>>) dst(%dma_wait3A_1239 : memref<128x16xf32, #tpu.memory_space<vmem>>)
      %dma_wait3A_1246 = arith.constant 2 : i32
      %dma_wait3A_1247 = arith.constant 256 : i32
      %dma_wait3A_1248 = arith.constant 0 : i32
      %dma_wait3A_1249 = tpu.memref_slice %arg16[%dma_wait3A_1247, %dma_wait3A_1248] : memref<640x16xf32, #tpu.memory_space<vmem>> -> memref<128x16xf32, #tpu.memory_space<vmem>>
      %dma_wait3A_1250 = arith.constant 0 : i32
      %dma_wait3A_1251 = tpu.memref_slice %arg14[%dma_wait3A_1246, %dma_wait3A_1250] : memref<5x128xi32, #tpu.memory_space<vmem>> -> memref<1x128xi32, #tpu.memory_space<vmem>>
      %dma_wait3A_1252 = tpu.memref_squeeze %dma_wait3A_1251 : memref<1x128xi32, #tpu.memory_space<vmem>> -> memref<128xi32, #tpu.memory_space<vmem>>
      %dma_wait3A_1253 = arith.constant 0 : i32
      %dma_wait3A_1254 = arith.constant 0 : i32
      %dma_wait3A_1255 = tpu.memref_slice %arg4[%dma_wait3A_1253, %dma_wait3A_1254] : memref<10000x16xf32, #tpu.memory_space<hbm>> -> memref<10000x16xf32, #tpu.memory_space<hbm>>
      tpu.wait_indirect_dma semaphore(%arg25 : memref<!tpu.dma_semaphore, #tpu.memory_space<semaphore_mem>>) src(%dma_wait3A_1255 : memref<10000x16xf32, #tpu.memory_space<hbm>>) dst(%dma_wait3A_1249 : memref<128x16xf32, #tpu.memory_space<vmem>>)
      %dma_wait3A_1256 = arith.constant 2 : i32
      %dma_wait3A_1257 = arith.constant 256 : i32
      %dma_wait3A_1258 = arith.constant 0 : i32
      %dma_wait3A_1259 = tpu.memref_slice %arg17[%dma_wait3A_1257, %dma_wait3A_1258] : memref<640x16xf32, #tpu.memory_space<vmem>> -> memref<128x16xf32, #tpu.memory_space<vmem>>
      %dma_wait3A_1260 = arith.constant 0 : i32
      %dma_wait3A_1261 = tpu.memref_slice %arg15[%dma_wait3A_1256, %dma_wait3A_1260] : memref<5x128xi32, #tpu.memory_space<vmem>> -> memref<1x128xi32, #tpu.memory_space<vmem>>
      %dma_wait3A_1262 = tpu.memref_squeeze %dma_wait3A_1261 : memref<1x128xi32, #tpu.memory_space<vmem>> -> memref<128xi32, #tpu.memory_space<vmem>>
      %dma_wait3A_1263 = arith.constant 0 : i32
      %dma_wait3A_1264 = arith.constant 0 : i32
      %dma_wait3A_1265 = tpu.memref_slice %arg5[%dma_wait3A_1263, %dma_wait3A_1264] : memref<10000x16xf32, #tpu.memory_space<hbm>> -> memref<10000x16xf32, #tpu.memory_space<hbm>>
      tpu.wait_indirect_dma semaphore(%arg25 : memref<!tpu.dma_semaphore, #tpu.memory_space<semaphore_mem>>) src(%dma_wait3A_1265 : memref<10000x16xf32, #tpu.memory_space<hbm>>) dst(%dma_wait3A_1259 : memref<128x16xf32, #tpu.memory_space<vmem>>)
      %dma_wait3A_1266 = arith.constant 3 : i32
      %dma_wait3A_1267 = arith.constant 384 : i32
      %dma_wait3A_1268 = arith.constant 0 : i32
      %dma_wait3A_1269 = tpu.memref_slice %arg16[%dma_wait3A_1267, %dma_wait3A_1268] : memref<640x16xf32, #tpu.memory_space<vmem>> -> memref<128x16xf32, #tpu.memory_space<vmem>>
      %dma_wait3A_1270 = arith.constant 0 : i32
      %dma_wait3A_1271 = tpu.memref_slice %arg14[%dma_wait3A_1266, %dma_wait3A_1270] : memref<5x128xi32, #tpu.memory_space<vmem>> -> memref<1x128xi32, #tpu.memory_space<vmem>>
      %dma_wait3A_1272 = tpu.memref_squeeze %dma_wait3A_1271 : memref<1x128xi32, #tpu.memory_space<vmem>> -> memref<128xi32, #tpu.memory_space<vmem>>
      %dma_wait3A_1273 = arith.constant 0 : i32
      %dma_wait3A_1274 = arith.constant 0 : i32
      %dma_wait3A_1275 = tpu.memref_slice %arg4[%dma_wait3A_1273, %dma_wait3A_1274] : memref<10000x16xf32, #tpu.memory_space<hbm>> -> memref<10000x16xf32, #tpu.memory_space<hbm>>
      tpu.wait_indirect_dma semaphore(%arg25 : memref<!tpu.dma_semaphore, #tpu.memory_space<semaphore_mem>>) src(%dma_wait3A_1275 : memref<10000x16xf32, #tpu.memory_space<hbm>>) dst(%dma_wait3A_1269 : memref<128x16xf32, #tpu.memory_space<vmem>>)
      %dma_wait3A_1276 = arith.constant 3 : i32
      %dma_wait3A_1277 = arith.constant 384 : i32
      %dma_wait3A_1278 = arith.constant 0 : i32
      %dma_wait3A_1279 = tpu.memref_slice %arg17[%dma_wait3A_1277, %dma_wait3A_1278] : memref<640x16xf32, #tpu.memory_space<vmem>> -> memref<128x16xf32, #tpu.memory_space<vmem>>
      %dma_wait3A_1280 = arith.constant 0 : i32
      %dma_wait3A_1281 = tpu.memref_slice %arg15[%dma_wait3A_1276, %dma_wait3A_1280] : memref<5x128xi32, #tpu.memory_space<vmem>> -> memref<1x128xi32, #tpu.memory_space<vmem>>
      %dma_wait3A_1282 = tpu.memref_squeeze %dma_wait3A_1281 : memref<1x128xi32, #tpu.memory_space<vmem>> -> memref<128xi32, #tpu.memory_space<vmem>>
      %dma_wait3A_1283 = arith.constant 0 : i32
      %dma_wait3A_1284 = arith.constant 0 : i32
      %dma_wait3A_1285 = tpu.memref_slice %arg5[%dma_wait3A_1283, %dma_wait3A_1284] : memref<10000x16xf32, #tpu.memory_space<hbm>> -> memref<10000x16xf32, #tpu.memory_space<hbm>>
      tpu.wait_indirect_dma semaphore(%arg25 : memref<!tpu.dma_semaphore, #tpu.memory_space<semaphore_mem>>) src(%dma_wait3A_1285 : memref<10000x16xf32, #tpu.memory_space<hbm>>) dst(%dma_wait3A_1279 : memref<128x16xf32, #tpu.memory_space<vmem>>)
      %dma_wait3A_1286 = arith.constant 4 : i32
      %dma_wait3A_1287 = arith.constant 512 : i32
      %dma_wait3A_1288 = arith.constant 0 : i32
      %dma_wait3A_1289 = tpu.memref_slice %arg16[%dma_wait3A_1287, %dma_wait3A_1288] : memref<640x16xf32, #tpu.memory_space<vmem>> -> memref<128x16xf32, #tpu.memory_space<vmem>>
      %dma_wait3A_1290 = arith.constant 0 : i32
      %dma_wait3A_1291 = tpu.memref_slice %arg14[%dma_wait3A_1286, %dma_wait3A_1290] : memref<5x128xi32, #tpu.memory_space<vmem>> -> memref<1x128xi32, #tpu.memory_space<vmem>>
      %dma_wait3A_1292 = tpu.memref_squeeze %dma_wait3A_1291 : memref<1x128xi32, #tpu.memory_space<vmem>> -> memref<128xi32, #tpu.memory_space<vmem>>
      %dma_wait3A_1293 = arith.constant 0 : i32
      %dma_wait3A_1294 = arith.constant 0 : i32
      %dma_wait3A_1295 = tpu.memref_slice %arg4[%dma_wait3A_1293, %dma_wait3A_1294] : memref<10000x16xf32, #tpu.memory_space<hbm>> -> memref<10000x16xf32, #tpu.memory_space<hbm>>
      tpu.wait_indirect_dma semaphore(%arg25 : memref<!tpu.dma_semaphore, #tpu.memory_space<semaphore_mem>>) src(%dma_wait3A_1295 : memref<10000x16xf32, #tpu.memory_space<hbm>>) dst(%dma_wait3A_1289 : memref<128x16xf32, #tpu.memory_space<vmem>>)
      %dma_wait3A_1296 = arith.constant 4 : i32
      %dma_wait3A_1297 = arith.constant 512 : i32
      %dma_wait3A_1298 = arith.constant 0 : i32
      %dma_wait3A_1299 = tpu.memref_slice %arg17[%dma_wait3A_1297, %dma_wait3A_1298] : memref<640x16xf32, #tpu.memory_space<vmem>> -> memref<128x16xf32, #tpu.memory_space<vmem>>
      %dma_wait3A_1300 = arith.constant 0 : i32
      %dma_wait3A_1301 = tpu.memref_slice %arg15[%dma_wait3A_1296, %dma_wait3A_1300] : memref<5x128xi32, #tpu.memory_space<vmem>> -> memref<1x128xi32, #tpu.memory_space<vmem>>
      %dma_wait3A_1302 = tpu.memref_squeeze %dma_wait3A_1301 : memref<1x128xi32, #tpu.memory_space<vmem>> -> memref<128xi32, #tpu.memory_space<vmem>>
      %dma_wait3A_1303 = arith.constant 0 : i32
      %dma_wait3A_1304 = arith.constant 0 : i32
      %dma_wait3A_1305 = tpu.memref_slice %arg5[%dma_wait3A_1303, %dma_wait3A_1304] : memref<10000x16xf32, #tpu.memory_space<hbm>> -> memref<10000x16xf32, #tpu.memory_space<hbm>>
      tpu.wait_indirect_dma semaphore(%arg25 : memref<!tpu.dma_semaphore, #tpu.memory_space<semaphore_mem>>) src(%dma_wait3A_1305 : memref<10000x16xf32, #tpu.memory_space<hbm>>) dst(%dma_wait3A_1299 : memref<128x16xf32, #tpu.memory_space<vmem>>)
      %scan3A_1306 = arith.constant 0 : i32
      %scan3A_1307 = arith.constant 0 : i32
      %scan3A_1308 = arith.constant 80 : i32
      %scan3A_1309 = arith.addi %scan3A_1307, %scan3A_1308 : i32
      %scan3A_1310 = arith.constant 1 : i32
      %scan3A_1311 = scf.for %scan3A_1336 = %scan3A_1307 to %scan3A_1309 step %scan3A_1310 iter_args(%scan3A_1337 = %scan3A_1306) -> (i32)  : i32 {
        %mul3A_1338 = arith.constant 8 : i32
        %mul3A_1339 = arith.muli %scan3A_1336, %mul3A_1338 : i32
        %add3A_1340 = arith.constant 0 : i32
        %add3A_1341 = arith.addi %mul3A_1339, %add3A_1340 : i32
        %get3A_1342 = arith.index_cast %add3A_1341 : i32 to index
        %get3A_1343 = arith.constant 0 : index
        %get3A_1344 = tpu.vector_load %arg16[%get3A_1342, %get3A_1343] {strides = array<i32>} : memref<640x16xf32, #tpu.memory_space<vmem>>, vector<16xf32>,
        %get3A_1345 = arith.index_cast %add3A_1341 : i32 to index
        %get3A_1346 = arith.constant 0 : index
        %get3A_1347 = tpu.vector_load %arg17[%get3A_1345, %get3A_1346] {strides = array<i32>} : memref<640x16xf32, #tpu.memory_space<vmem>>, vector<16xf32>,
        %add3A_1348 = arith.addf %get3A_1344, %get3A_1347 : vector<16xf32>
        %get3A_1349 = arith.index_cast %scan3A_1336 : i32 to index
        %get3A_1350 = arith.constant 0 : index
        %get3A_1351 = tpu.vector_load %arg18[%get3A_1349, %get3A_1350] {strides = array<i32>} : memref<80x128xf32, #tpu.memory_space<vmem>>, vector<16xf32>,
        %add3A_1352 = arith.addf %add3A_1348, %get3A_1351 : vector<16xf32>
        %max3A = arith.constant 0.000000e+00 : f32
        %max3A_1353 = vector.broadcast %max3A : f32 to vector<16xf32>
        %max3A_1354 = arith.maximumf %add3A_1352, %max3A_1353 : vector<16xf32>
        %jit3A_1355 = arith.constant 8 : i32
        %div3A_1356 = vector.broadcast %jit3A_1355 : i32 to vector<16xi32>
        %div3A_1357 = arith.divsi %iota3A, %div3A_1356 : vector<16xi32>
        %sign3A_1358 = arith.constant 0 : i32
        %sign3A_1359 = vector.broadcast %sign3A_1358 : i32 to vector<16xi32>
        %sign3A_1360 = arith.cmpi sgt, %iota3A, %sign3A_1359 : vector<16xi32>
        %sign3A_1361 = arith.extui %sign3A_1360 : vector<16xi1> to vector<16xi32>
        %sign3A_1362 = arith.constant 0 : i32
        %sign3A_1363 = vector.broadcast %sign3A_1362 : i32 to vector<16xi32>
        %sign3A_1364 = arith.cmpi slt, %iota3A, %sign3A_1363 : vector<16xi32>
        %sign3A_1365 = arith.extui %sign3A_1364 : vector<16xi1> to vector<16xi32>
        %sign3A_1366 = arith.subi %sign3A_1361, %sign3A_1365 : vector<16xi32>
        %sign3A_1367 = arith.constant 0 : i32
        %sign3A_1368 = arith.cmpi sgt, %jit3A_1355, %sign3A_1367 : i32
        %sign3A_1369 = arith.extui %sign3A_1368 : i1 to i32
        %sign3A_1370 = arith.constant 0 : i32
        %sign3A_1371 = arith.cmpi slt, %jit3A_1355, %sign3A_1370 : i32
        %sign3A_1372 = arith.extui %sign3A_1371 : i1 to i32
        %sign3A_1373 = arith.subi %sign3A_1369, %sign3A_1372 : i32
        %ne3A_1374 = vector.broadcast %sign3A_1373 : i32 to vector<16xi32>
        %ne3A_1375 = arith.cmpi ne, %sign3A_1366, %ne3A_1374 : vector<16xi32>
        %rem3A_1376 = vector.broadcast %jit3A_1355 : i32 to vector<16xi32>
        %rem3A_1377 = arith.remsi %iota3A, %rem3A_1376 : vector<16xi32>
        %ne3A_1378 = arith.constant 0 : i32
        %ne3A_1379 = vector.broadcast %ne3A_1378 : i32 to vector<16xi32>
        %ne3A_1380 = arith.cmpi ne, %rem3A_1377, %ne3A_1379 : vector<16xi32>
        %and3A_1381 = arith.andi %ne3A_1375, %ne3A_1380 : vector<16xi1>
        %sub3A_1382 = arith.constant 1 : i32
        %sub3A_1383 = vector.broadcast %sub3A_1382 : i32 to vector<16xi32>
        %sub3A_1384 = arith.subi %div3A_1357, %sub3A_1383 : vector<16xi32>
        %select_n3A_1385 = arith.select %and3A_1381, %sub3A_1384, %div3A_1357 : vector<16xi1>, vector<16xi32>
        %jit3A_1386 = arith.constant 128 : i32
        %div3A_1387 = arith.divsi %add3A_1341, %jit3A_1386 : i32
        %sign3A_1388 = arith.constant 0 : i32
        %sign3A_1389 = arith.cmpi sgt, %add3A_1341, %sign3A_1388 : i32
        %sign3A_1390 = arith.extui %sign3A_1389 : i1 to i32
        %sign3A_1391 = arith.constant 0 : i32
        %sign3A_1392 = arith.cmpi slt, %add3A_1341, %sign3A_1391 : i32
        %sign3A_1393 = arith.extui %sign3A_1392 : i1 to i32
        %sign3A_1394 = arith.subi %sign3A_1390, %sign3A_1393 : i32
        %sign3A_1395 = arith.constant 0 : i32
        %sign3A_1396 = arith.cmpi sgt, %jit3A_1386, %sign3A_1395 : i32
        %sign3A_1397 = arith.extui %sign3A_1396 : i1 to i32
        %sign3A_1398 = arith.constant 0 : i32
        %sign3A_1399 = arith.cmpi slt, %jit3A_1386, %sign3A_1398 : i32
        %sign3A_1400 = arith.extui %sign3A_1399 : i1 to i32
        %sign3A_1401 = arith.subi %sign3A_1397, %sign3A_1400 : i32
        %ne3A_1402 = arith.cmpi ne, %sign3A_1394, %sign3A_1401 : i32
        %rem3A_1403 = arith.remsi %add3A_1341, %jit3A_1386 : i32
        %ne3A_1404 = arith.constant 0 : i32
        %ne3A_1405 = arith.cmpi ne, %rem3A_1403, %ne3A_1404 : i32
        %and3A_1406 = arith.andi %ne3A_1402, %ne3A_1405 : i1
        %sub3A_1407 = arith.constant 1 : i32
        %sub3A_1408 = arith.subi %div3A_1387, %sub3A_1407 : i32
        %select_n3A_1409 = arith.select %and3A_1406, %sub3A_1408, %div3A_1387 : i32
        %broadcast_in_dim3A = vector.broadcast %select_n3A_1409 : i32 to vector<16xi32>
        %jit3A_1410 = arith.constant 8 : i32
        %eq3A = arith.constant 0 : i32
        %eq3A_1411 = arith.cmpi eq, %jit3A_1410, %eq3A : i32
        %jit3A_1412 = arith.constant 1 : i32
        %select_n3A_1413 = arith.select %eq3A_1411, %jit3A_1412, %jit3A_1410 : i32
        %rem3A_1414 = vector.broadcast %select_n3A_1413 : i32 to vector<16xi32>
        %rem3A_1415 = arith.remsi %iota3A, %rem3A_1414 : vector<16xi32>
        %ne3A_1416 = arith.constant 0 : i32
        %ne3A_1417 = vector.broadcast %ne3A_1416 : i32 to vector<16xi32>
        %ne3A_1418 = arith.cmpi ne, %rem3A_1415, %ne3A_1417 : vector<16xi32>
        %lt3A = arith.constant 0 : i32
        %lt3A_1419 = vector.broadcast %lt3A : i32 to vector<16xi32>
        %lt3A_1420 = arith.cmpi slt, %rem3A_1415, %lt3A_1419 : vector<16xi32>
        %lt3A_1421 = arith.constant 0 : i32
        %lt3A_1422 = arith.cmpi slt, %select_n3A_1413, %lt3A_1421 : i32
        %ne3A_1423 = vector.broadcast %lt3A_1422 : i1 to vector<16xi1>
        %ne3A_1424 = vector.broadcast %ne3A_1423 : vector<16xi1> to vector<16xi1>
        %ne3A_1425 = arith.xori %lt3A_1420, %ne3A_1424 : vector<16xi1>
        %and3A_1426 = arith.andi %ne3A_1425, %ne3A_1418 : vector<16xi1>
        %add3A_1427 = vector.broadcast %select_n3A_1413 : i32 to vector<16xi32>
        %add3A_1428 = arith.addi %rem3A_1415, %add3A_1427 : vector<16xi32>
        %select_n3A_1429 = arith.select %and3A_1426, %add3A_1428, %rem3A_1415 : vector<16xi1>, vector<16xi32>
        %jit3A_1430 = arith.constant 128 : i32
        %eq3A_1431 = arith.constant 0 : i32
        %eq3A_1432 = arith.cmpi eq, %jit3A_1430, %eq3A_1431 : i32
        %jit3A_1433 = arith.constant 1 : i32
        %select_n3A_1434 = arith.select %eq3A_1432, %jit3A_1433, %jit3A_1430 : i32
        %rem3A_1435 = arith.remsi %add3A_1341, %select_n3A_1434 : i32
        %ne3A_1436 = arith.constant 0 : i32
        %ne3A_1437 = arith.cmpi ne, %rem3A_1435, %ne3A_1436 : i32
        %lt3A_1438 = arith.constant 0 : i32
        %lt3A_1439 = arith.cmpi slt, %rem3A_1435, %lt3A_1438 : i32
        %lt3A_1440 = arith.constant 0 : i32
        %lt3A_1441 = arith.cmpi slt, %select_n3A_1434, %lt3A_1440 : i32
        %ne3A_1442 = arith.xori %lt3A_1439, %lt3A_1441 : i1
        %and3A_1443 = arith.andi %ne3A_1442, %ne3A_1437 : i1
        %add3A_1444 = arith.addi %rem3A_1435, %select_n3A_1434 : i32
        %select_n3A_1445 = arith.select %and3A_1443, %add3A_1444, %rem3A_1435 : i32
        %broadcast_in_dim3A_1446 = vector.broadcast %select_n3A_1445 : i32 to vector<16xi32>
        tpu.vector_store_idx %arg21[%select_n3A_1385, %broadcast_in_dim3A, %select_n3A_1429, %broadcast_in_dim3A_1446], %max3A_1354 : memref<2x5x8x128xf32, #tpu.memory_space<vmem>>[vector<16xi32>, vector<16xi32>, vector<16xi32>, vector<16xi32>], vector<16xf32>,
        %broadcast_in_dim3A_1447 = vector.broadcast %add3A_1341 : i32 to vector<16xi32>
        %gather3A_1448 = tpu.vector_load_idx %arg20[%broadcast_in_dim3A_1447] : memref<640xf32, #tpu.memory_space<vmem>>[vector<16xi32>], vector<16xf32>,
        %mul3A_1449 = arith.mulf %max3A_1354, %gather3A_1448 : vector<16xf32>
        %swap3A_1450 = arith.index_cast %add3A_1341 : i32 to index
        %swap3A_1451 = arith.constant 0 : index
        %swap3A_1452 = tpu.vector_load %arg22[%swap3A_1450, %swap3A_1451] {strides = array<i32>} : memref<640x16xf32, #tpu.memory_space<vmem>>, vector<16xf32>,
        tpu.vector_store %arg22[%swap3A_1450, %swap3A_1451], %mul3A_1449 {strides = array<i32>} : memref<640x16xf32, #tpu.memory_space<vmem>>, vector<16xf32>,
        %mul3A_1453 = arith.constant 8 : i32
        %mul3A_1454 = arith.muli %scan3A_1336, %mul3A_1453 : i32
        %add3A_1455 = arith.constant 1 : i32
        %add3A_1456 = arith.addi %mul3A_1454, %add3A_1455 : i32
        %get3A_1457 = arith.index_cast %add3A_1456 : i32 to index
        %get3A_1458 = arith.constant 0 : index
        %get3A_1459 = tpu.vector_load %arg16[%get3A_1457, %get3A_1458] {strides = array<i32>} : memref<640x16xf32, #tpu.memory_space<vmem>>, vector<16xf32>,
        %get3A_1460 = arith.index_cast %add3A_1456 : i32 to index
        %get3A_1461 = arith.constant 0 : index
        %get3A_1462 = tpu.vector_load %arg17[%get3A_1460, %get3A_1461] {strides = array<i32>} : memref<640x16xf32, #tpu.memory_space<vmem>>, vector<16xf32>,
        %add3A_1463 = arith.addf %get3A_1459, %get3A_1462 : vector<16xf32>
        %get3A_1464 = arith.index_cast %scan3A_1336 : i32 to index
        %get3A_1465 = arith.constant 16 : index
        %get3A_1466 = tpu.vector_load %arg18[%get3A_1464, %get3A_1465] {strides = array<i32>} : memref<80x128xf32, #tpu.memory_space<vmem>>, vector<16xf32>,
        %add3A_1467 = arith.addf %add3A_1463, %get3A_1466 : vector<16xf32>
        %max3A_1468 = arith.constant 0.000000e+00 : f32
        %max3A_1469 = vector.broadcast %max3A_1468 : f32 to vector<16xf32>
        %max3A_1470 = arith.maximumf %add3A_1467, %max3A_1469 : vector<16xf32>
        %jit3A_1471 = arith.constant 8 : i32
        %div3A_1472 = vector.broadcast %jit3A_1471 : i32 to vector<16xi32>
        %div3A_1473 = arith.divsi %iota3A, %div3A_1472 : vector<16xi32>
        %sign3A_1474 = arith.constant 0 : i32
        %sign3A_1475 = vector.broadcast %sign3A_1474 : i32 to vector<16xi32>
        %sign3A_1476 = arith.cmpi sgt, %iota3A, %sign3A_1475 : vector<16xi32>
        %sign3A_1477 = arith.extui %sign3A_1476 : vector<16xi1> to vector<16xi32>
        %sign3A_1478 = arith.constant 0 : i32
        %sign3A_1479 = vector.broadcast %sign3A_1478 : i32 to vector<16xi32>
        %sign3A_1480 = arith.cmpi slt, %iota3A, %sign3A_1479 : vector<16xi32>
        %sign3A_1481 = arith.extui %sign3A_1480 : vector<16xi1> to vector<16xi32>
        %sign3A_1482 = arith.subi %sign3A_1477, %sign3A_1481 : vector<16xi32>
        %sign3A_1483 = arith.constant 0 : i32
        %sign3A_1484 = arith.cmpi sgt, %jit3A_1471, %sign3A_1483 : i32
        %sign3A_1485 = arith.extui %sign3A_1484 : i1 to i32
        %sign3A_1486 = arith.constant 0 : i32
        %sign3A_1487 = arith.cmpi slt, %jit3A_1471, %sign3A_1486 : i32
        %sign3A_1488 = arith.extui %sign3A_1487 : i1 to i32
        %sign3A_1489 = arith.subi %sign3A_1485, %sign3A_1488 : i32
        %ne3A_1490 = vector.broadcast %sign3A_1489 : i32 to vector<16xi32>
        %ne3A_1491 = arith.cmpi ne, %sign3A_1482, %ne3A_1490 : vector<16xi32>
        %rem3A_1492 = vector.broadcast %jit3A_1471 : i32 to vector<16xi32>
        %rem3A_1493 = arith.remsi %iota3A, %rem3A_1492 : vector<16xi32>
        %ne3A_1494 = arith.constant 0 : i32
        %ne3A_1495 = vector.broadcast %ne3A_1494 : i32 to vector<16xi32>
        %ne3A_1496 = arith.cmpi ne, %rem3A_1493, %ne3A_1495 : vector<16xi32>
        %and3A_1497 = arith.andi %ne3A_1491, %ne3A_1496 : vector<16xi1>
        %sub3A_1498 = arith.constant 1 : i32
        %sub3A_1499 = vector.broadcast %sub3A_1498 : i32 to vector<16xi32>
        %sub3A_1500 = arith.subi %div3A_1473, %sub3A_1499 : vector<16xi32>
        %select_n3A_1501 = arith.select %and3A_1497, %sub3A_1500, %div3A_1473 : vector<16xi1>, vector<16xi32>
        %jit3A_1502 = arith.constant 128 : i32
        %div3A_1503 = arith.divsi %add3A_1456, %jit3A_1502 : i32
        %sign3A_1504 = arith.constant 0 : i32
        %sign3A_1505 = arith.cmpi sgt, %add3A_1456, %sign3A_1504 : i32
        %sign3A_1506 = arith.extui %sign3A_1505 : i1 to i32
        %sign3A_1507 = arith.constant 0 : i32
        %sign3A_1508 = arith.cmpi slt, %add3A_1456, %sign3A_1507 : i32
        %sign3A_1509 = arith.extui %sign3A_1508 : i1 to i32
        %sign3A_1510 = arith.subi %sign3A_1506, %sign3A_1509 : i32
        %sign3A_1511 = arith.constant 0 : i32
        %sign3A_1512 = arith.cmpi sgt, %jit3A_1502, %sign3A_1511 : i32
        %sign3A_1513 = arith.extui %sign3A_1512 : i1 to i32
        %sign3A_1514 = arith.constant 0 : i32
        %sign3A_1515 = arith.cmpi slt, %jit3A_1502, %sign3A_1514 : i32
        %sign3A_1516 = arith.extui %sign3A_1515 : i1 to i32
        %sign3A_1517 = arith.subi %sign3A_1513, %sign3A_1516 : i32
        %ne3A_1518 = arith.cmpi ne, %sign3A_1510, %sign3A_1517 : i32
        %rem3A_1519 = arith.remsi %add3A_1456, %jit3A_1502 : i32
        %ne3A_1520 = arith.constant 0 : i32
        %ne3A_1521 = arith.cmpi ne, %rem3A_1519, %ne3A_1520 : i32
        %and3A_1522 = arith.andi %ne3A_1518, %ne3A_1521 : i1
        %sub3A_1523 = arith.constant 1 : i32
        %sub3A_1524 = arith.subi %div3A_1503, %sub3A_1523 : i32
        %select_n3A_1525 = arith.select %and3A_1522, %sub3A_1524, %div3A_1503 : i32
        %broadcast_in_dim3A_1526 = vector.broadcast %select_n3A_1525 : i32 to vector<16xi32>
        %jit3A_1527 = arith.constant 8 : i32
        %eq3A_1528 = arith.constant 0 : i32
        %eq3A_1529 = arith.cmpi eq, %jit3A_1527, %eq3A_1528 : i32
        %jit3A_1530 = arith.constant 1 : i32
        %select_n3A_1531 = arith.select %eq3A_1529, %jit3A_1530, %jit3A_1527 : i32
        %rem3A_1532 = vector.broadcast %select_n3A_1531 : i32 to vector<16xi32>
        %rem3A_1533 = arith.remsi %iota3A, %rem3A_1532 : vector<16xi32>
        %ne3A_1534 = arith.constant 0 : i32
        %ne3A_1535 = vector.broadcast %ne3A_1534 : i32 to vector<16xi32>
        %ne3A_1536 = arith.cmpi ne, %rem3A_1533, %ne3A_1535 : vector<16xi32>
        %lt3A_1537 = arith.constant 0 : i32
        %lt3A_1538 = vector.broadcast %lt3A_1537 : i32 to vector<16xi32>
        %lt3A_1539 = arith.cmpi slt, %rem3A_1533, %lt3A_1538 : vector<16xi32>
        %lt3A_1540 = arith.constant 0 : i32
        %lt3A_1541 = arith.cmpi slt, %select_n3A_1531, %lt3A_1540 : i32
        %ne3A_1542 = vector.broadcast %lt3A_1541 : i1 to vector<16xi1>
        %ne3A_1543 = vector.broadcast %ne3A_1542 : vector<16xi1> to vector<16xi1>
        %ne3A_1544 = arith.xori %lt3A_1539, %ne3A_1543 : vector<16xi1>
        %and3A_1545 = arith.andi %ne3A_1544, %ne3A_1536 : vector<16xi1>
        %add3A_1546 = vector.broadcast %select_n3A_1531 : i32 to vector<16xi32>
        %add3A_1547 = arith.addi %rem3A_1533, %add3A_1546 : vector<16xi32>
        %select_n3A_1548 = arith.select %and3A_1545, %add3A_1547, %rem3A_1533 : vector<16xi1>, vector<16xi32>
        %jit3A_1549 = arith.constant 128 : i32
        %eq3A_1550 = arith.constant 0 : i32
        %eq3A_1551 = arith.cmpi eq, %jit3A_1549, %eq3A_1550 : i32
        %jit3A_1552 = arith.constant 1 : i32
        %select_n3A_1553 = arith.select %eq3A_1551, %jit3A_1552, %jit3A_1549 : i32
        %rem3A_1554 = arith.remsi %add3A_1456, %select_n3A_1553 : i32
        %ne3A_1555 = arith.constant 0 : i32
        %ne3A_1556 = arith.cmpi ne, %rem3A_1554, %ne3A_1555 : i32
        %lt3A_1557 = arith.constant 0 : i32
        %lt3A_1558 = arith.cmpi slt, %rem3A_1554, %lt3A_1557 : i32
        %lt3A_1559 = arith.constant 0 : i32
        %lt3A_1560 = arith.cmpi slt, %select_n3A_1553, %lt3A_1559 : i32
        %ne3A_1561 = arith.xori %lt3A_1558, %lt3A_1560 : i1
        %and3A_1562 = arith.andi %ne3A_1561, %ne3A_1556 : i1
        %add3A_1563 = arith.addi %rem3A_1554, %select_n3A_1553 : i32
        %select_n3A_1564 = arith.select %and3A_1562, %add3A_1563, %rem3A_1554 : i32
        %broadcast_in_dim3A_1565 = vector.broadcast %select_n3A_1564 : i32 to vector<16xi32>
        tpu.vector_store_idx %arg21[%select_n3A_1501, %broadcast_in_dim3A_1526, %select_n3A_1548, %broadcast_in_dim3A_1565], %max3A_1470 : memref<2x5x8x128xf32, #tpu.memory_space<vmem>>[vector<16xi32>, vector<16xi32>, vector<16xi32>, vector<16xi32>], vector<16xf32>,
        %broadcast_in_dim3A_1566 = vector.broadcast %add3A_1456 : i32 to vector<16xi32>
        %gather3A_1567 = tpu.vector_load_idx %arg20[%broadcast_in_dim3A_1566] : memref<640xf32, #tpu.memory_space<vmem>>[vector<16xi32>], vector<16xf32>,
        %mul3A_1568 = arith.mulf %max3A_1470, %gather3A_1567 : vector<16xf32>
        %swap3A_1569 = arith.index_cast %add3A_1456 : i32 to index
        %swap3A_1570 = arith.constant 0 : index
        %swap3A_1571 = tpu.vector_load %arg22[%swap3A_1569, %swap3A_1570] {strides = array<i32>} : memref<640x16xf32, #tpu.memory_space<vmem>>, vector<16xf32>,
        tpu.vector_store %arg22[%swap3A_1569, %swap3A_1570], %mul3A_1568 {strides = array<i32>} : memref<640x16xf32, #tpu.memory_space<vmem>>, vector<16xf32>,
        %mul3A_1572 = arith.constant 8 : i32
        %mul3A_1573 = arith.muli %scan3A_1336, %mul3A_1572 : i32
        %add3A_1574 = arith.constant 2 : i32
        %add3A_1575 = arith.addi %mul3A_1573, %add3A_1574 : i32
        %get3A_1576 = arith.index_cast %add3A_1575 : i32 to index
        %get3A_1577 = arith.constant 0 : index
        %get3A_1578 = tpu.vector_load %arg16[%get3A_1576, %get3A_1577] {strides = array<i32>} : memref<640x16xf32, #tpu.memory_space<vmem>>, vector<16xf32>,
        %get3A_1579 = arith.index_cast %add3A_1575 : i32 to index
        %get3A_1580 = arith.constant 0 : index
        %get3A_1581 = tpu.vector_load %arg17[%get3A_1579, %get3A_1580] {strides = array<i32>} : memref<640x16xf32, #tpu.memory_space<vmem>>, vector<16xf32>,
        %add3A_1582 = arith.addf %get3A_1578, %get3A_1581 : vector<16xf32>
        %get3A_1583 = arith.index_cast %scan3A_1336 : i32 to index
        %get3A_1584 = arith.constant 32 : index
        %get3A_1585 = tpu.vector_load %arg18[%get3A_1583, %get3A_1584] {strides = array<i32>} : memref<80x128xf32, #tpu.memory_space<vmem>>, vector<16xf32>,
        %add3A_1586 = arith.addf %add3A_1582, %get3A_1585 : vector<16xf32>
        %max3A_1587 = arith.constant 0.000000e+00 : f32
        %max3A_1588 = vector.broadcast %max3A_1587 : f32 to vector<16xf32>
        %max3A_1589 = arith.maximumf %add3A_1586, %max3A_1588 : vector<16xf32>
        %jit3A_1590 = arith.constant 8 : i32
        %div3A_1591 = vector.broadcast %jit3A_1590 : i32 to vector<16xi32>
        %div3A_1592 = arith.divsi %iota3A, %div3A_1591 : vector<16xi32>
        %sign3A_1593 = arith.constant 0 : i32
        %sign3A_1594 = vector.broadcast %sign3A_1593 : i32 to vector<16xi32>
        %sign3A_1595 = arith.cmpi sgt, %iota3A, %sign3A_1594 : vector<16xi32>
        %sign3A_1596 = arith.extui %sign3A_1595 : vector<16xi1> to vector<16xi32>
        %sign3A_1597 = arith.constant 0 : i32
        %sign3A_1598 = vector.broadcast %sign3A_1597 : i32 to vector<16xi32>
        %sign3A_1599 = arith.cmpi slt, %iota3A, %sign3A_1598 : vector<16xi32>
        %sign3A_1600 = arith.extui %sign3A_1599 : vector<16xi1> to vector<16xi32>
        %sign3A_1601 = arith.subi %sign3A_1596, %sign3A_1600 : vector<16xi32>
        %sign3A_1602 = arith.constant 0 : i32
        %sign3A_1603 = arith.cmpi sgt, %jit3A_1590, %sign3A_1602 : i32
        %sign3A_1604 = arith.extui %sign3A_1603 : i1 to i32
        %sign3A_1605 = arith.constant 0 : i32
        %sign3A_1606 = arith.cmpi slt, %jit3A_1590, %sign3A_1605 : i32
        %sign3A_1607 = arith.extui %sign3A_1606 : i1 to i32
        %sign3A_1608 = arith.subi %sign3A_1604, %sign3A_1607 : i32
        %ne3A_1609 = vector.broadcast %sign3A_1608 : i32 to vector<16xi32>
        %ne3A_1610 = arith.cmpi ne, %sign3A_1601, %ne3A_1609 : vector<16xi32>
        %rem3A_1611 = vector.broadcast %jit3A_1590 : i32 to vector<16xi32>
        %rem3A_1612 = arith.remsi %iota3A, %rem3A_1611 : vector<16xi32>
        %ne3A_1613 = arith.constant 0 : i32
        %ne3A_1614 = vector.broadcast %ne3A_1613 : i32 to vector<16xi32>
        %ne3A_1615 = arith.cmpi ne, %rem3A_1612, %ne3A_1614 : vector<16xi32>
        %and3A_1616 = arith.andi %ne3A_1610, %ne3A_1615 : vector<16xi1>
        %sub3A_1617 = arith.constant 1 : i32
        %sub3A_1618 = vector.broadcast %sub3A_1617 : i32 to vector<16xi32>
        %sub3A_1619 = arith.subi %div3A_1592, %sub3A_1618 : vector<16xi32>
        %select_n3A_1620 = arith.select %and3A_1616, %sub3A_1619, %div3A_1592 : vector<16xi1>, vector<16xi32>
        %jit3A_1621 = arith.constant 128 : i32
        %div3A_1622 = arith.divsi %add3A_1575, %jit3A_1621 : i32
        %sign3A_1623 = arith.constant 0 : i32
        %sign3A_1624 = arith.cmpi sgt, %add3A_1575, %sign3A_1623 : i32
        %sign3A_1625 = arith.extui %sign3A_1624 : i1 to i32
        %sign3A_1626 = arith.constant 0 : i32
        %sign3A_1627 = arith.cmpi slt, %add3A_1575, %sign3A_1626 : i32
        %sign3A_1628 = arith.extui %sign3A_1627 : i1 to i32
        %sign3A_1629 = arith.subi %sign3A_1625, %sign3A_1628 : i32
        %sign3A_1630 = arith.constant 0 : i32
        %sign3A_1631 = arith.cmpi sgt, %jit3A_1621, %sign3A_1630 : i32
        %sign3A_1632 = arith.extui %sign3A_1631 : i1 to i32
        %sign3A_1633 = arith.constant 0 : i32
        %sign3A_1634 = arith.cmpi slt, %jit3A_1621, %sign3A_1633 : i32
        %sign3A_1635 = arith.extui %sign3A_1634 : i1 to i32
        %sign3A_1636 = arith.subi %sign3A_1632, %sign3A_1635 : i32
        %ne3A_1637 = arith.cmpi ne, %sign3A_1629, %sign3A_1636 : i32
        %rem3A_1638 = arith.remsi %add3A_1575, %jit3A_1621 : i32
        %ne3A_1639 = arith.constant 0 : i32
        %ne3A_1640 = arith.cmpi ne, %rem3A_1638, %ne3A_1639 : i32
        %and3A_1641 = arith.andi %ne3A_1637, %ne3A_1640 : i1
        %sub3A_1642 = arith.constant 1 : i32
        %sub3A_1643 = arith.subi %div3A_1622, %sub3A_1642 : i32
        %select_n3A_1644 = arith.select %and3A_1641, %sub3A_1643, %div3A_1622 : i32
        %broadcast_in_dim3A_1645 = vector.broadcast %select_n3A_1644 : i32 to vector<16xi32>
        %jit3A_1646 = arith.constant 8 : i32
        %eq3A_1647 = arith.constant 0 : i32
        %eq3A_1648 = arith.cmpi eq, %jit3A_1646, %eq3A_1647 : i32
        %jit3A_1649 = arith.constant 1 : i32
        %select_n3A_1650 = arith.select %eq3A_1648, %jit3A_1649, %jit3A_1646 : i32
        %rem3A_1651 = vector.broadcast %select_n3A_1650 : i32 to vector<16xi32>
        %rem3A_1652 = arith.remsi %iota3A, %rem3A_1651 : vector<16xi32>
        %ne3A_1653 = arith.constant 0 : i32
        %ne3A_1654 = vector.broadcast %ne3A_1653 : i32 to vector<16xi32>
        %ne3A_1655 = arith.cmpi ne, %rem3A_1652, %ne3A_1654 : vector<16xi32>
        %lt3A_1656 = arith.constant 0 : i32
        %lt3A_1657 = vector.broadcast %lt3A_1656 : i32 to vector<16xi32>
        %lt3A_1658 = arith.cmpi slt, %rem3A_1652, %lt3A_1657 : vector<16xi32>
        %lt3A_1659 = arith.constant 0 : i32
        %lt3A_1660 = arith.cmpi slt, %select_n3A_1650, %lt3A_1659 : i32
        %ne3A_1661 = vector.broadcast %lt3A_1660 : i1 to vector<16xi1>
        %ne3A_1662 = vector.broadcast %ne3A_1661 : vector<16xi1> to vector<16xi1>
        %ne3A_1663 = arith.xori %lt3A_1658, %ne3A_1662 : vector<16xi1>
        %and3A_1664 = arith.andi %ne3A_1663, %ne3A_1655 : vector<16xi1>
        %add3A_1665 = vector.broadcast %select_n3A_1650 : i32 to vector<16xi32>
        %add3A_1666 = arith.addi %rem3A_1652, %add3A_1665 : vector<16xi32>
        %select_n3A_1667 = arith.select %and3A_1664, %add3A_1666, %rem3A_1652 : vector<16xi1>, vector<16xi32>
        %jit3A_1668 = arith.constant 128 : i32
        %eq3A_1669 = arith.constant 0 : i32
        %eq3A_1670 = arith.cmpi eq, %jit3A_1668, %eq3A_1669 : i32
        %jit3A_1671 = arith.constant 1 : i32
        %select_n3A_1672 = arith.select %eq3A_1670, %jit3A_1671, %jit3A_1668 : i32
        %rem3A_1673 = arith.remsi %add3A_1575, %select_n3A_1672 : i32
        %ne3A_1674 = arith.constant 0 : i32
        %ne3A_1675 = arith.cmpi ne, %rem3A_1673, %ne3A_1674 : i32
        %lt3A_1676 = arith.constant 0 : i32
        %lt3A_1677 = arith.cmpi slt, %rem3A_1673, %lt3A_1676 : i32
        %lt3A_1678 = arith.constant 0 : i32
        %lt3A_1679 = arith.cmpi slt, %select_n3A_1672, %lt3A_1678 : i32
        %ne3A_1680 = arith.xori %lt3A_1677, %lt3A_1679 : i1
        %and3A_1681 = arith.andi %ne3A_1680, %ne3A_1675 : i1
        %add3A_1682 = arith.addi %rem3A_1673, %select_n3A_1672 : i32
        %select_n3A_1683 = arith.select %and3A_1681, %add3A_1682, %rem3A_1673 : i32
        %broadcast_in_dim3A_1684 = vector.broadcast %select_n3A_1683 : i32 to vector<16xi32>
        tpu.vector_store_idx %arg21[%select_n3A_1620, %broadcast_in_dim3A_1645, %select_n3A_1667, %broadcast_in_dim3A_1684], %max3A_1589 : memref<2x5x8x128xf32, #tpu.memory_space<vmem>>[vector<16xi32>, vector<16xi32>, vector<16xi32>, vector<16xi32>], vector<16xf32>,
        %broadcast_in_dim3A_1685 = vector.broadcast %add3A_1575 : i32 to vector<16xi32>
        %gather3A_1686 = tpu.vector_load_idx %arg20[%broadcast_in_dim3A_1685] : memref<640xf32, #tpu.memory_space<vmem>>[vector<16xi32>], vector<16xf32>,
        %mul3A_1687 = arith.mulf %max3A_1589, %gather3A_1686 : vector<16xf32>
        %swap3A_1688 = arith.index_cast %add3A_1575 : i32 to index
        %swap3A_1689 = arith.constant 0 : index
        %swap3A_1690 = tpu.vector_load %arg22[%swap3A_1688, %swap3A_1689] {strides = array<i32>} : memref<640x16xf32, #tpu.memory_space<vmem>>, vector<16xf32>,
        tpu.vector_store %arg22[%swap3A_1688, %swap3A_1689], %mul3A_1687 {strides = array<i32>} : memref<640x16xf32, #tpu.memory_space<vmem>>, vector<16xf32>,
        %mul3A_1691 = arith.constant 8 : i32
        %mul3A_1692 = arith.muli %scan3A_1336, %mul3A_1691 : i32
        %add3A_1693 = arith.constant 3 : i32
        %add3A_1694 = arith.addi %mul3A_1692, %add3A_1693 : i32
        %get3A_1695 = arith.index_cast %add3A_1694 : i32 to index
        %get3A_1696 = arith.constant 0 : index
        %get3A_1697 = tpu.vector_load %arg16[%get3A_1695, %get3A_1696] {strides = array<i32>} : memref<640x16xf32, #tpu.memory_space<vmem>>, vector<16xf32>,
        %get3A_1698 = arith.index_cast %add3A_1694 : i32 to index
        %get3A_1699 = arith.constant 0 : index
        %get3A_1700 = tpu.vector_load %arg17[%get3A_1698, %get3A_1699] {strides = array<i32>} : memref<640x16xf32, #tpu.memory_space<vmem>>, vector<16xf32>,
        %add3A_1701 = arith.addf %get3A_1697, %get3A_1700 : vector<16xf32>
        %get3A_1702 = arith.index_cast %scan3A_1336 : i32 to index
        %get3A_1703 = arith.constant 48 : index
        %get3A_1704 = tpu.vector_load %arg18[%get3A_1702, %get3A_1703] {strides = array<i32>} : memref<80x128xf32, #tpu.memory_space<vmem>>, vector<16xf32>,
        %add3A_1705 = arith.addf %add3A_1701, %get3A_1704 : vector<16xf32>
        %max3A_1706 = arith.constant 0.000000e+00 : f32
        %max3A_1707 = vector.broadcast %max3A_1706 : f32 to vector<16xf32>
        %max3A_1708 = arith.maximumf %add3A_1705, %max3A_1707 : vector<16xf32>
        %jit3A_1709 = arith.constant 8 : i32
        %div3A_1710 = vector.broadcast %jit3A_1709 : i32 to vector<16xi32>
        %div3A_1711 = arith.divsi %iota3A, %div3A_1710 : vector<16xi32>
        %sign3A_1712 = arith.constant 0 : i32
        %sign3A_1713 = vector.broadcast %sign3A_1712 : i32 to vector<16xi32>
        %sign3A_1714 = arith.cmpi sgt, %iota3A, %sign3A_1713 : vector<16xi32>
        %sign3A_1715 = arith.extui %sign3A_1714 : vector<16xi1> to vector<16xi32>
        %sign3A_1716 = arith.constant 0 : i32
        %sign3A_1717 = vector.broadcast %sign3A_1716 : i32 to vector<16xi32>
        %sign3A_1718 = arith.cmpi slt, %iota3A, %sign3A_1717 : vector<16xi32>
        %sign3A_1719 = arith.extui %sign3A_1718 : vector<16xi1> to vector<16xi32>
        %sign3A_1720 = arith.subi %sign3A_1715, %sign3A_1719 : vector<16xi32>
        %sign3A_1721 = arith.constant 0 : i32
        %sign3A_1722 = arith.cmpi sgt, %jit3A_1709, %sign3A_1721 : i32
        %sign3A_1723 = arith.extui %sign3A_1722 : i1 to i32
        %sign3A_1724 = arith.constant 0 : i32
        %sign3A_1725 = arith.cmpi slt, %jit3A_1709, %sign3A_1724 : i32
        %sign3A_1726 = arith.extui %sign3A_1725 : i1 to i32
        %sign3A_1727 = arith.subi %sign3A_1723, %sign3A_1726 : i32
        %ne3A_1728 = vector.broadcast %sign3A_1727 : i32 to vector<16xi32>
        %ne3A_1729 = arith.cmpi ne, %sign3A_1720, %ne3A_1728 : vector<16xi32>
        %rem3A_1730 = vector.broadcast %jit3A_1709 : i32 to vector<16xi32>
        %rem3A_1731 = arith.remsi %iota3A, %rem3A_1730 : vector<16xi32>
        %ne3A_1732 = arith.constant 0 : i32
        %ne3A_1733 = vector.broadcast %ne3A_1732 : i32 to vector<16xi32>
        %ne3A_1734 = arith.cmpi ne, %rem3A_1731, %ne3A_1733 : vector<16xi32>
        %and3A_1735 = arith.andi %ne3A_1729, %ne3A_1734 : vector<16xi1>
        %sub3A_1736 = arith.constant 1 : i32
        %sub3A_1737 = vector.broadcast %sub3A_1736 : i32 to vector<16xi32>
        %sub3A_1738 = arith.subi %div3A_1711, %sub3A_1737 : vector<16xi32>
        %select_n3A_1739 = arith.select %and3A_1735, %sub3A_1738, %div3A_1711 : vector<16xi1>, vector<16xi32>
        %jit3A_1740 = arith.constant 128 : i32
        %div3A_1741 = arith.divsi %add3A_1694, %jit3A_1740 : i32
        %sign3A_1742 = arith.constant 0 : i32
        %sign3A_1743 = arith.cmpi sgt, %add3A_1694, %sign3A_1742 : i32
        %sign3A_1744 = arith.extui %sign3A_1743 : i1 to i32
        %sign3A_1745 = arith.constant 0 : i32
        %sign3A_1746 = arith.cmpi slt, %add3A_1694, %sign3A_1745 : i32
        %sign3A_1747 = arith.extui %sign3A_1746 : i1 to i32
        %sign3A_1748 = arith.subi %sign3A_1744, %sign3A_1747 : i32
        %sign3A_1749 = arith.constant 0 : i32
        %sign3A_1750 = arith.cmpi sgt, %jit3A_1740, %sign3A_1749 : i32
        %sign3A_1751 = arith.extui %sign3A_1750 : i1 to i32
        %sign3A_1752 = arith.constant 0 : i32
        %sign3A_1753 = arith.cmpi slt, %jit3A_1740, %sign3A_1752 : i32
        %sign3A_1754 = arith.extui %sign3A_1753 : i1 to i32
        %sign3A_1755 = arith.subi %sign3A_1751, %sign3A_1754 : i32
        %ne3A_1756 = arith.cmpi ne, %sign3A_1748, %sign3A_1755 : i32
        %rem3A_1757 = arith.remsi %add3A_1694, %jit3A_1740 : i32
        %ne3A_1758 = arith.constant 0 : i32
        %ne3A_1759 = arith.cmpi ne, %rem3A_1757, %ne3A_1758 : i32
        %and3A_1760 = arith.andi %ne3A_1756, %ne3A_1759 : i1
        %sub3A_1761 = arith.constant 1 : i32
        %sub3A_1762 = arith.subi %div3A_1741, %sub3A_1761 : i32
        %select_n3A_1763 = arith.select %and3A_1760, %sub3A_1762, %div3A_1741 : i32
        %broadcast_in_dim3A_1764 = vector.broadcast %select_n3A_1763 : i32 to vector<16xi32>
        %jit3A_1765 = arith.constant 8 : i32
        %eq3A_1766 = arith.constant 0 : i32
        %eq3A_1767 = arith.cmpi eq, %jit3A_1765, %eq3A_1766 : i32
        %jit3A_1768 = arith.constant 1 : i32
        %select_n3A_1769 = arith.select %eq3A_1767, %jit3A_1768, %jit3A_1765 : i32
        %rem3A_1770 = vector.broadcast %select_n3A_1769 : i32 to vector<16xi32>
        %rem3A_1771 = arith.remsi %iota3A, %rem3A_1770 : vector<16xi32>
        %ne3A_1772 = arith.constant 0 : i32
        %ne3A_1773 = vector.broadcast %ne3A_1772 : i32 to vector<16xi32>
        %ne3A_1774 = arith.cmpi ne, %rem3A_1771, %ne3A_1773 : vector<16xi32>
        %lt3A_1775 = arith.constant 0 : i32
        %lt3A_1776 = vector.broadcast %lt3A_1775 : i32 to vector<16xi32>
        %lt3A_1777 = arith.cmpi slt, %rem3A_1771, %lt3A_1776 : vector<16xi32>
        %lt3A_1778 = arith.constant 0 : i32
        %lt3A_1779 = arith.cmpi slt, %select_n3A_1769, %lt3A_1778 : i32
        %ne3A_1780 = vector.broadcast %lt3A_1779 : i1 to vector<16xi1>
        %ne3A_1781 = vector.broadcast %ne3A_1780 : vector<16xi1> to vector<16xi1>
        %ne3A_1782 = arith.xori %lt3A_1777, %ne3A_1781 : vector<16xi1>
        %and3A_1783 = arith.andi %ne3A_1782, %ne3A_1774 : vector<16xi1>
        %add3A_1784 = vector.broadcast %select_n3A_1769 : i32 to vector<16xi32>
        %add3A_1785 = arith.addi %rem3A_1771, %add3A_1784 : vector<16xi32>
        %select_n3A_1786 = arith.select %and3A_1783, %add3A_1785, %rem3A_1771 : vector<16xi1>, vector<16xi32>
        %jit3A_1787 = arith.constant 128 : i32
        %eq3A_1788 = arith.constant 0 : i32
        %eq3A_1789 = arith.cmpi eq, %jit3A_1787, %eq3A_1788 : i32
        %jit3A_1790 = arith.constant 1 : i32
        %select_n3A_1791 = arith.select %eq3A_1789, %jit3A_1790, %jit3A_1787 : i32
        %rem3A_1792 = arith.remsi %add3A_1694, %select_n3A_1791 : i32
        %ne3A_1793 = arith.constant 0 : i32
        %ne3A_1794 = arith.cmpi ne, %rem3A_1792, %ne3A_1793 : i32
        %lt3A_1795 = arith.constant 0 : i32
        %lt3A_1796 = arith.cmpi slt, %rem3A_1792, %lt3A_1795 : i32
        %lt3A_1797 = arith.constant 0 : i32
        %lt3A_1798 = arith.cmpi slt, %select_n3A_1791, %lt3A_1797 : i32
        %ne3A_1799 = arith.xori %lt3A_1796, %lt3A_1798 : i1
        %and3A_1800 = arith.andi %ne3A_1799, %ne3A_1794 : i1
        %add3A_1801 = arith.addi %rem3A_1792, %select_n3A_1791 : i32
        %select_n3A_1802 = arith.select %and3A_1800, %add3A_1801, %rem3A_1792 : i32
        %broadcast_in_dim3A_1803 = vector.broadcast %select_n3A_1802 : i32 to vector<16xi32>
        tpu.vector_store_idx %arg21[%select_n3A_1739, %broadcast_in_dim3A_1764, %select_n3A_1786, %broadcast_in_dim3A_1803], %max3A_1708 : memref<2x5x8x128xf32, #tpu.memory_space<vmem>>[vector<16xi32>, vector<16xi32>, vector<16xi32>, vector<16xi32>], vector<16xf32>,
        %broadcast_in_dim3A_1804 = vector.broadcast %add3A_1694 : i32 to vector<16xi32>
        %gather3A_1805 = tpu.vector_load_idx %arg20[%broadcast_in_dim3A_1804] : memref<640xf32, #tpu.memory_space<vmem>>[vector<16xi32>], vector<16xf32>,
        %mul3A_1806 = arith.mulf %max3A_1708, %gather3A_1805 : vector<16xf32>
        %swap3A_1807 = arith.index_cast %add3A_1694 : i32 to index
        %swap3A_1808 = arith.constant 0 : index
        %swap3A_1809 = tpu.vector_load %arg22[%swap3A_1807, %swap3A_1808] {strides = array<i32>} : memref<640x16xf32, #tpu.memory_space<vmem>>, vector<16xf32>,
        tpu.vector_store %arg22[%swap3A_1807, %swap3A_1808], %mul3A_1806 {strides = array<i32>} : memref<640x16xf32, #tpu.memory_space<vmem>>, vector<16xf32>,
        %mul3A_1810 = arith.constant 8 : i32
        %mul3A_1811 = arith.muli %scan3A_1336, %mul3A_1810 : i32
        %add3A_1812 = arith.constant 4 : i32
        %add3A_1813 = arith.addi %mul3A_1811, %add3A_1812 : i32
        %get3A_1814 = arith.index_cast %add3A_1813 : i32 to index
        %get3A_1815 = arith.constant 0 : index
        %get3A_1816 = tpu.vector_load %arg16[%get3A_1814, %get3A_1815] {strides = array<i32>} : memref<640x16xf32, #tpu.memory_space<vmem>>, vector<16xf32>,
        %get3A_1817 = arith.index_cast %add3A_1813 : i32 to index
        %get3A_1818 = arith.constant 0 : index
        %get3A_1819 = tpu.vector_load %arg17[%get3A_1817, %get3A_1818] {strides = array<i32>} : memref<640x16xf32, #tpu.memory_space<vmem>>, vector<16xf32>,
        %add3A_1820 = arith.addf %get3A_1816, %get3A_1819 : vector<16xf32>
        %get3A_1821 = arith.index_cast %scan3A_1336 : i32 to index
        %get3A_1822 = arith.constant 64 : index
        %get3A_1823 = tpu.vector_load %arg18[%get3A_1821, %get3A_1822] {strides = array<i32>} : memref<80x128xf32, #tpu.memory_space<vmem>>, vector<16xf32>,
        %add3A_1824 = arith.addf %add3A_1820, %get3A_1823 : vector<16xf32>
        %max3A_1825 = arith.constant 0.000000e+00 : f32
        %max3A_1826 = vector.broadcast %max3A_1825 : f32 to vector<16xf32>
        %max3A_1827 = arith.maximumf %add3A_1824, %max3A_1826 : vector<16xf32>
        %jit3A_1828 = arith.constant 8 : i32
        %div3A_1829 = vector.broadcast %jit3A_1828 : i32 to vector<16xi32>
        %div3A_1830 = arith.divsi %iota3A, %div3A_1829 : vector<16xi32>
        %sign3A_1831 = arith.constant 0 : i32
        %sign3A_1832 = vector.broadcast %sign3A_1831 : i32 to vector<16xi32>
        %sign3A_1833 = arith.cmpi sgt, %iota3A, %sign3A_1832 : vector<16xi32>
        %sign3A_1834 = arith.extui %sign3A_1833 : vector<16xi1> to vector<16xi32>
        %sign3A_1835 = arith.constant 0 : i32
        %sign3A_1836 = vector.broadcast %sign3A_1835 : i32 to vector<16xi32>
        %sign3A_1837 = arith.cmpi slt, %iota3A, %sign3A_1836 : vector<16xi32>
        %sign3A_1838 = arith.extui %sign3A_1837 : vector<16xi1> to vector<16xi32>
        %sign3A_1839 = arith.subi %sign3A_1834, %sign3A_1838 : vector<16xi32>
        %sign3A_1840 = arith.constant 0 : i32
        %sign3A_1841 = arith.cmpi sgt, %jit3A_1828, %sign3A_1840 : i32
        %sign3A_1842 = arith.extui %sign3A_1841 : i1 to i32
        %sign3A_1843 = arith.constant 0 : i32
        %sign3A_1844 = arith.cmpi slt, %jit3A_1828, %sign3A_1843 : i32
        %sign3A_1845 = arith.extui %sign3A_1844 : i1 to i32
        %sign3A_1846 = arith.subi %sign3A_1842, %sign3A_1845 : i32
        %ne3A_1847 = vector.broadcast %sign3A_1846 : i32 to vector<16xi32>
        %ne3A_1848 = arith.cmpi ne, %sign3A_1839, %ne3A_1847 : vector<16xi32>
        %rem3A_1849 = vector.broadcast %jit3A_1828 : i32 to vector<16xi32>
        %rem3A_1850 = arith.remsi %iota3A, %rem3A_1849 : vector<16xi32>
        %ne3A_1851 = arith.constant 0 : i32
        %ne3A_1852 = vector.broadcast %ne3A_1851 : i32 to vector<16xi32>
        %ne3A_1853 = arith.cmpi ne, %rem3A_1850, %ne3A_1852 : vector<16xi32>
        %and3A_1854 = arith.andi %ne3A_1848, %ne3A_1853 : vector<16xi1>
        %sub3A_1855 = arith.constant 1 : i32
        %sub3A_1856 = vector.broadcast %sub3A_1855 : i32 to vector<16xi32>
        %sub3A_1857 = arith.subi %div3A_1830, %sub3A_1856 : vector<16xi32>
        %select_n3A_1858 = arith.select %and3A_1854, %sub3A_1857, %div3A_1830 : vector<16xi1>, vector<16xi32>
        %jit3A_1859 = arith.constant 128 : i32
        %div3A_1860 = arith.divsi %add3A_1813, %jit3A_1859 : i32
        %sign3A_1861 = arith.constant 0 : i32
        %sign3A_1862 = arith.cmpi sgt, %add3A_1813, %sign3A_1861 : i32
        %sign3A_1863 = arith.extui %sign3A_1862 : i1 to i32
        %sign3A_1864 = arith.constant 0 : i32
        %sign3A_1865 = arith.cmpi slt, %add3A_1813, %sign3A_1864 : i32
        %sign3A_1866 = arith.extui %sign3A_1865 : i1 to i32
        %sign3A_1867 = arith.subi %sign3A_1863, %sign3A_1866 : i32
        %sign3A_1868 = arith.constant 0 : i32
        %sign3A_1869 = arith.cmpi sgt, %jit3A_1859, %sign3A_1868 : i32
        %sign3A_1870 = arith.extui %sign3A_1869 : i1 to i32
        %sign3A_1871 = arith.constant 0 : i32
        %sign3A_1872 = arith.cmpi slt, %jit3A_1859, %sign3A_1871 : i32
        %sign3A_1873 = arith.extui %sign3A_1872 : i1 to i32
        %sign3A_1874 = arith.subi %sign3A_1870, %sign3A_1873 : i32
        %ne3A_1875 = arith.cmpi ne, %sign3A_1867, %sign3A_1874 : i32
        %rem3A_1876 = arith.remsi %add3A_1813, %jit3A_1859 : i32
        %ne3A_1877 = arith.constant 0 : i32
        %ne3A_1878 = arith.cmpi ne, %rem3A_1876, %ne3A_1877 : i32
        %and3A_1879 = arith.andi %ne3A_1875, %ne3A_1878 : i1
        %sub3A_1880 = arith.constant 1 : i32
        %sub3A_1881 = arith.subi %div3A_1860, %sub3A_1880 : i32
        %select_n3A_1882 = arith.select %and3A_1879, %sub3A_1881, %div3A_1860 : i32
        %broadcast_in_dim3A_1883 = vector.broadcast %select_n3A_1882 : i32 to vector<16xi32>
        %jit3A_1884 = arith.constant 8 : i32
        %eq3A_1885 = arith.constant 0 : i32
        %eq3A_1886 = arith.cmpi eq, %jit3A_1884, %eq3A_1885 : i32
        %jit3A_1887 = arith.constant 1 : i32
        %select_n3A_1888 = arith.select %eq3A_1886, %jit3A_1887, %jit3A_1884 : i32
        %rem3A_1889 = vector.broadcast %select_n3A_1888 : i32 to vector<16xi32>
        %rem3A_1890 = arith.remsi %iota3A, %rem3A_1889 : vector<16xi32>
        %ne3A_1891 = arith.constant 0 : i32
        %ne3A_1892 = vector.broadcast %ne3A_1891 : i32 to vector<16xi32>
        %ne3A_1893 = arith.cmpi ne, %rem3A_1890, %ne3A_1892 : vector<16xi32>
        %lt3A_1894 = arith.constant 0 : i32
        %lt3A_1895 = vector.broadcast %lt3A_1894 : i32 to vector<16xi32>
        %lt3A_1896 = arith.cmpi slt, %rem3A_1890, %lt3A_1895 : vector<16xi32>
        %lt3A_1897 = arith.constant 0 : i32
        %lt3A_1898 = arith.cmpi slt, %select_n3A_1888, %lt3A_1897 : i32
        %ne3A_1899 = vector.broadcast %lt3A_1898 : i1 to vector<16xi1>
        %ne3A_1900 = vector.broadcast %ne3A_1899 : vector<16xi1> to vector<16xi1>
        %ne3A_1901 = arith.xori %lt3A_1896, %ne3A_1900 : vector<16xi1>
        %and3A_1902 = arith.andi %ne3A_1901, %ne3A_1893 : vector<16xi1>
        %add3A_1903 = vector.broadcast %select_n3A_1888 : i32 to vector<16xi32>
        %add3A_1904 = arith.addi %rem3A_1890, %add3A_1903 : vector<16xi32>
        %select_n3A_1905 = arith.select %and3A_1902, %add3A_1904, %rem3A_1890 : vector<16xi1>, vector<16xi32>
        %jit3A_1906 = arith.constant 128 : i32
        %eq3A_1907 = arith.constant 0 : i32
        %eq3A_1908 = arith.cmpi eq, %jit3A_1906, %eq3A_1907 : i32
        %jit3A_1909 = arith.constant 1 : i32
        %select_n3A_1910 = arith.select %eq3A_1908, %jit3A_1909, %jit3A_1906 : i32
        %rem3A_1911 = arith.remsi %add3A_1813, %select_n3A_1910 : i32
        %ne3A_1912 = arith.constant 0 : i32
        %ne3A_1913 = arith.cmpi ne, %rem3A_1911, %ne3A_1912 : i32
        %lt3A_1914 = arith.constant 0 : i32
        %lt3A_1915 = arith.cmpi slt, %rem3A_1911, %lt3A_1914 : i32
        %lt3A_1916 = arith.constant 0 : i32
        %lt3A_1917 = arith.cmpi slt, %select_n3A_1910, %lt3A_1916 : i32
        %ne3A_1918 = arith.xori %lt3A_1915, %lt3A_1917 : i1
        %and3A_1919 = arith.andi %ne3A_1918, %ne3A_1913 : i1
        %add3A_1920 = arith.addi %rem3A_1911, %select_n3A_1910 : i32
        %select_n3A_1921 = arith.select %and3A_1919, %add3A_1920, %rem3A_1911 : i32
        %broadcast_in_dim3A_1922 = vector.broadcast %select_n3A_1921 : i32 to vector<16xi32>
        tpu.vector_store_idx %arg21[%select_n3A_1858, %broadcast_in_dim3A_1883, %select_n3A_1905, %broadcast_in_dim3A_1922], %max3A_1827 : memref<2x5x8x128xf32, #tpu.memory_space<vmem>>[vector<16xi32>, vector<16xi32>, vector<16xi32>, vector<16xi32>], vector<16xf32>,
        %broadcast_in_dim3A_1923 = vector.broadcast %add3A_1813 : i32 to vector<16xi32>
        %gather3A_1924 = tpu.vector_load_idx %arg20[%broadcast_in_dim3A_1923] : memref<640xf32, #tpu.memory_space<vmem>>[vector<16xi32>], vector<16xf32>,
        %mul3A_1925 = arith.mulf %max3A_1827, %gather3A_1924 : vector<16xf32>
        %swap3A_1926 = arith.index_cast %add3A_1813 : i32 to index
        %swap3A_1927 = arith.constant 0 : index
        %swap3A_1928 = tpu.vector_load %arg22[%swap3A_1926, %swap3A_1927] {strides = array<i32>} : memref<640x16xf32, #tpu.memory_space<vmem>>, vector<16xf32>,
        tpu.vector_store %arg22[%swap3A_1926, %swap3A_1927], %mul3A_1925 {strides = array<i32>} : memref<640x16xf32, #tpu.memory_space<vmem>>, vector<16xf32>,
        %mul3A_1929 = arith.constant 8 : i32
        %mul3A_1930 = arith.muli %scan3A_1336, %mul3A_1929 : i32
        %add3A_1931 = arith.constant 5 : i32
        %add3A_1932 = arith.addi %mul3A_1930, %add3A_1931 : i32
        %get3A_1933 = arith.index_cast %add3A_1932 : i32 to index
        %get3A_1934 = arith.constant 0 : index
        %get3A_1935 = tpu.vector_load %arg16[%get3A_1933, %get3A_1934] {strides = array<i32>} : memref<640x16xf32, #tpu.memory_space<vmem>>, vector<16xf32>,
        %get3A_1936 = arith.index_cast %add3A_1932 : i32 to index
        %get3A_1937 = arith.constant 0 : index
        %get3A_1938 = tpu.vector_load %arg17[%get3A_1936, %get3A_1937] {strides = array<i32>} : memref<640x16xf32, #tpu.memory_space<vmem>>, vector<16xf32>,
        %add3A_1939 = arith.addf %get3A_1935, %get3A_1938 : vector<16xf32>
        %get3A_1940 = arith.index_cast %scan3A_1336 : i32 to index
        %get3A_1941 = arith.constant 80 : index
        %get3A_1942 = tpu.vector_load %arg18[%get3A_1940, %get3A_1941] {strides = array<i32>} : memref<80x128xf32, #tpu.memory_space<vmem>>, vector<16xf32>,
        %add3A_1943 = arith.addf %add3A_1939, %get3A_1942 : vector<16xf32>
        %max3A_1944 = arith.constant 0.000000e+00 : f32
        %max3A_1945 = vector.broadcast %max3A_1944 : f32 to vector<16xf32>
        %max3A_1946 = arith.maximumf %add3A_1943, %max3A_1945 : vector<16xf32>
        %jit3A_1947 = arith.constant 8 : i32
        %div3A_1948 = vector.broadcast %jit3A_1947 : i32 to vector<16xi32>
        %div3A_1949 = arith.divsi %iota3A, %div3A_1948 : vector<16xi32>
        %sign3A_1950 = arith.constant 0 : i32
        %sign3A_1951 = vector.broadcast %sign3A_1950 : i32 to vector<16xi32>
        %sign3A_1952 = arith.cmpi sgt, %iota3A, %sign3A_1951 : vector<16xi32>
        %sign3A_1953 = arith.extui %sign3A_1952 : vector<16xi1> to vector<16xi32>
        %sign3A_1954 = arith.constant 0 : i32
        %sign3A_1955 = vector.broadcast %sign3A_1954 : i32 to vector<16xi32>
        %sign3A_1956 = arith.cmpi slt, %iota3A, %sign3A_1955 : vector<16xi32>
        %sign3A_1957 = arith.extui %sign3A_1956 : vector<16xi1> to vector<16xi32>
        %sign3A_1958 = arith.subi %sign3A_1953, %sign3A_1957 : vector<16xi32>
        %sign3A_1959 = arith.constant 0 : i32
        %sign3A_1960 = arith.cmpi sgt, %jit3A_1947, %sign3A_1959 : i32
        %sign3A_1961 = arith.extui %sign3A_1960 : i1 to i32
        %sign3A_1962 = arith.constant 0 : i32
        %sign3A_1963 = arith.cmpi slt, %jit3A_1947, %sign3A_1962 : i32
        %sign3A_1964 = arith.extui %sign3A_1963 : i1 to i32
        %sign3A_1965 = arith.subi %sign3A_1961, %sign3A_1964 : i32
        %ne3A_1966 = vector.broadcast %sign3A_1965 : i32 to vector<16xi32>
        %ne3A_1967 = arith.cmpi ne, %sign3A_1958, %ne3A_1966 : vector<16xi32>
        %rem3A_1968 = vector.broadcast %jit3A_1947 : i32 to vector<16xi32>
        %rem3A_1969 = arith.remsi %iota3A, %rem3A_1968 : vector<16xi32>
        %ne3A_1970 = arith.constant 0 : i32
        %ne3A_1971 = vector.broadcast %ne3A_1970 : i32 to vector<16xi32>
        %ne3A_1972 = arith.cmpi ne, %rem3A_1969, %ne3A_1971 : vector<16xi32>
        %and3A_1973 = arith.andi %ne3A_1967, %ne3A_1972 : vector<16xi1>
        %sub3A_1974 = arith.constant 1 : i32
        %sub3A_1975 = vector.broadcast %sub3A_1974 : i32 to vector<16xi32>
        %sub3A_1976 = arith.subi %div3A_1949, %sub3A_1975 : vector<16xi32>
        %select_n3A_1977 = arith.select %and3A_1973, %sub3A_1976, %div3A_1949 : vector<16xi1>, vector<16xi32>
        %jit3A_1978 = arith.constant 128 : i32
        %div3A_1979 = arith.divsi %add3A_1932, %jit3A_1978 : i32
        %sign3A_1980 = arith.constant 0 : i32
        %sign3A_1981 = arith.cmpi sgt, %add3A_1932, %sign3A_1980 : i32
        %sign3A_1982 = arith.extui %sign3A_1981 : i1 to i32
        %sign3A_1983 = arith.constant 0 : i32
        %sign3A_1984 = arith.cmpi slt, %add3A_1932, %sign3A_1983 : i32
        %sign3A_1985 = arith.extui %sign3A_1984 : i1 to i32
        %sign3A_1986 = arith.subi %sign3A_1982, %sign3A_1985 : i32
        %sign3A_1987 = arith.constant 0 : i32
        %sign3A_1988 = arith.cmpi sgt, %jit3A_1978, %sign3A_1987 : i32
        %sign3A_1989 = arith.extui %sign3A_1988 : i1 to i32
        %sign3A_1990 = arith.constant 0 : i32
        %sign3A_1991 = arith.cmpi slt, %jit3A_1978, %sign3A_1990 : i32
        %sign3A_1992 = arith.extui %sign3A_1991 : i1 to i32
        %sign3A_1993 = arith.subi %sign3A_1989, %sign3A_1992 : i32
        %ne3A_1994 = arith.cmpi ne, %sign3A_1986, %sign3A_1993 : i32
        %rem3A_1995 = arith.remsi %add3A_1932, %jit3A_1978 : i32
        %ne3A_1996 = arith.constant 0 : i32
        %ne3A_1997 = arith.cmpi ne, %rem3A_1995, %ne3A_1996 : i32
        %and3A_1998 = arith.andi %ne3A_1994, %ne3A_1997 : i1
        %sub3A_1999 = arith.constant 1 : i32
        %sub3A_2000 = arith.subi %div3A_1979, %sub3A_1999 : i32
        %select_n3A_2001 = arith.select %and3A_1998, %sub3A_2000, %div3A_1979 : i32
        %broadcast_in_dim3A_2002 = vector.broadcast %select_n3A_2001 : i32 to vector<16xi32>
        %jit3A_2003 = arith.constant 8 : i32
        %eq3A_2004 = arith.constant 0 : i32
        %eq3A_2005 = arith.cmpi eq, %jit3A_2003, %eq3A_2004 : i32
        %jit3A_2006 = arith.constant 1 : i32
        %select_n3A_2007 = arith.select %eq3A_2005, %jit3A_2006, %jit3A_2003 : i32
        %rem3A_2008 = vector.broadcast %select_n3A_2007 : i32 to vector<16xi32>
        %rem3A_2009 = arith.remsi %iota3A, %rem3A_2008 : vector<16xi32>
        %ne3A_2010 = arith.constant 0 : i32
        %ne3A_2011 = vector.broadcast %ne3A_2010 : i32 to vector<16xi32>
        %ne3A_2012 = arith.cmpi ne, %rem3A_2009, %ne3A_2011 : vector<16xi32>
        %lt3A_2013 = arith.constant 0 : i32
        %lt3A_2014 = vector.broadcast %lt3A_2013 : i32 to vector<16xi32>
        %lt3A_2015 = arith.cmpi slt, %rem3A_2009, %lt3A_2014 : vector<16xi32>
        %lt3A_2016 = arith.constant 0 : i32
        %lt3A_2017 = arith.cmpi slt, %select_n3A_2007, %lt3A_2016 : i32
        %ne3A_2018 = vector.broadcast %lt3A_2017 : i1 to vector<16xi1>
        %ne3A_2019 = vector.broadcast %ne3A_2018 : vector<16xi1> to vector<16xi1>
        %ne3A_2020 = arith.xori %lt3A_2015, %ne3A_2019 : vector<16xi1>
        %and3A_2021 = arith.andi %ne3A_2020, %ne3A_2012 : vector<16xi1>
        %add3A_2022 = vector.broadcast %select_n3A_2007 : i32 to vector<16xi32>
        %add3A_2023 = arith.addi %rem3A_2009, %add3A_2022 : vector<16xi32>
        %select_n3A_2024 = arith.select %and3A_2021, %add3A_2023, %rem3A_2009 : vector<16xi1>, vector<16xi32>
        %jit3A_2025 = arith.constant 128 : i32
        %eq3A_2026 = arith.constant 0 : i32
        %eq3A_2027 = arith.cmpi eq, %jit3A_2025, %eq3A_2026 : i32
        %jit3A_2028 = arith.constant 1 : i32
        %select_n3A_2029 = arith.select %eq3A_2027, %jit3A_2028, %jit3A_2025 : i32
        %rem3A_2030 = arith.remsi %add3A_1932, %select_n3A_2029 : i32
        %ne3A_2031 = arith.constant 0 : i32
        %ne3A_2032 = arith.cmpi ne, %rem3A_2030, %ne3A_2031 : i32
        %lt3A_2033 = arith.constant 0 : i32
        %lt3A_2034 = arith.cmpi slt, %rem3A_2030, %lt3A_2033 : i32
        %lt3A_2035 = arith.constant 0 : i32
        %lt3A_2036 = arith.cmpi slt, %select_n3A_2029, %lt3A_2035 : i32
        %ne3A_2037 = arith.xori %lt3A_2034, %lt3A_2036 : i1
        %and3A_2038 = arith.andi %ne3A_2037, %ne3A_2032 : i1
        %add3A_2039 = arith.addi %rem3A_2030, %select_n3A_2029 : i32
        %select_n3A_2040 = arith.select %and3A_2038, %add3A_2039, %rem3A_2030 : i32
        %broadcast_in_dim3A_2041 = vector.broadcast %select_n3A_2040 : i32 to vector<16xi32>
        tpu.vector_store_idx %arg21[%select_n3A_1977, %broadcast_in_dim3A_2002, %select_n3A_2024, %broadcast_in_dim3A_2041], %max3A_1946 : memref<2x5x8x128xf32, #tpu.memory_space<vmem>>[vector<16xi32>, vector<16xi32>, vector<16xi32>, vector<16xi32>], vector<16xf32>,
        %broadcast_in_dim3A_2042 = vector.broadcast %add3A_1932 : i32 to vector<16xi32>
        %gather3A_2043 = tpu.vector_load_idx %arg20[%broadcast_in_dim3A_2042] : memref<640xf32, #tpu.memory_space<vmem>>[vector<16xi32>], vector<16xf32>,
        %mul3A_2044 = arith.mulf %max3A_1946, %gather3A_2043 : vector<16xf32>
        %swap3A_2045 = arith.index_cast %add3A_1932 : i32 to index
        %swap3A_2046 = arith.constant 0 : index
        %swap3A_2047 = tpu.vector_load %arg22[%swap3A_2045, %swap3A_2046] {strides = array<i32>} : memref<640x16xf32, #tpu.memory_space<vmem>>, vector<16xf32>,
        tpu.vector_store %arg22[%swap3A_2045, %swap3A_2046], %mul3A_2044 {strides = array<i32>} : memref<640x16xf32, #tpu.memory_space<vmem>>, vector<16xf32>,
        %mul3A_2048 = arith.constant 8 : i32
        %mul3A_2049 = arith.muli %scan3A_1336, %mul3A_2048 : i32
        %add3A_2050 = arith.constant 6 : i32
        %add3A_2051 = arith.addi %mul3A_2049, %add3A_2050 : i32
        %get3A_2052 = arith.index_cast %add3A_2051 : i32 to index
        %get3A_2053 = arith.constant 0 : index
        %get3A_2054 = tpu.vector_load %arg16[%get3A_2052, %get3A_2053] {strides = array<i32>} : memref<640x16xf32, #tpu.memory_space<vmem>>, vector<16xf32>,
        %get3A_2055 = arith.index_cast %add3A_2051 : i32 to index
        %get3A_2056 = arith.constant 0 : index
        %get3A_2057 = tpu.vector_load %arg17[%get3A_2055, %get3A_2056] {strides = array<i32>} : memref<640x16xf32, #tpu.memory_space<vmem>>, vector<16xf32>,
        %add3A_2058 = arith.addf %get3A_2054, %get3A_2057 : vector<16xf32>
        %get3A_2059 = arith.index_cast %scan3A_1336 : i32 to index
        %get3A_2060 = arith.constant 96 : index
        %get3A_2061 = tpu.vector_load %arg18[%get3A_2059, %get3A_2060] {strides = array<i32>} : memref<80x128xf32, #tpu.memory_space<vmem>>, vector<16xf32>,
        %add3A_2062 = arith.addf %add3A_2058, %get3A_2061 : vector<16xf32>
        %max3A_2063 = arith.constant 0.000000e+00 : f32
        %max3A_2064 = vector.broadcast %max3A_2063 : f32 to vector<16xf32>
        %max3A_2065 = arith.maximumf %add3A_2062, %max3A_2064 : vector<16xf32>
        %jit3A_2066 = arith.constant 8 : i32
        %div3A_2067 = vector.broadcast %jit3A_2066 : i32 to vector<16xi32>
        %div3A_2068 = arith.divsi %iota3A, %div3A_2067 : vector<16xi32>
        %sign3A_2069 = arith.constant 0 : i32
        %sign3A_2070 = vector.broadcast %sign3A_2069 : i32 to vector<16xi32>
        %sign3A_2071 = arith.cmpi sgt, %iota3A, %sign3A_2070 : vector<16xi32>
        %sign3A_2072 = arith.extui %sign3A_2071 : vector<16xi1> to vector<16xi32>
        %sign3A_2073 = arith.constant 0 : i32
        %sign3A_2074 = vector.broadcast %sign3A_2073 : i32 to vector<16xi32>
        %sign3A_2075 = arith.cmpi slt, %iota3A, %sign3A_2074 : vector<16xi32>
        %sign3A_2076 = arith.extui %sign3A_2075 : vector<16xi1> to vector<16xi32>
        %sign3A_2077 = arith.subi %sign3A_2072, %sign3A_2076 : vector<16xi32>
        %sign3A_2078 = arith.constant 0 : i32
        %sign3A_2079 = arith.cmpi sgt, %jit3A_2066, %sign3A_2078 : i32
        %sign3A_2080 = arith.extui %sign3A_2079 : i1 to i32
        %sign3A_2081 = arith.constant 0 : i32
        %sign3A_2082 = arith.cmpi slt, %jit3A_2066, %sign3A_2081 : i32
        %sign3A_2083 = arith.extui %sign3A_2082 : i1 to i32
        %sign3A_2084 = arith.subi %sign3A_2080, %sign3A_2083 : i32
        %ne3A_2085 = vector.broadcast %sign3A_2084 : i32 to vector<16xi32>
        %ne3A_2086 = arith.cmpi ne, %sign3A_2077, %ne3A_2085 : vector<16xi32>
        %rem3A_2087 = vector.broadcast %jit3A_2066 : i32 to vector<16xi32>
        %rem3A_2088 = arith.remsi %iota3A, %rem3A_2087 : vector<16xi32>
        %ne3A_2089 = arith.constant 0 : i32
        %ne3A_2090 = vector.broadcast %ne3A_2089 : i32 to vector<16xi32>
        %ne3A_2091 = arith.cmpi ne, %rem3A_2088, %ne3A_2090 : vector<16xi32>
        %and3A_2092 = arith.andi %ne3A_2086, %ne3A_2091 : vector<16xi1>
        %sub3A_2093 = arith.constant 1 : i32
        %sub3A_2094 = vector.broadcast %sub3A_2093 : i32 to vector<16xi32>
        %sub3A_2095 = arith.subi %div3A_2068, %sub3A_2094 : vector<16xi32>
        %select_n3A_2096 = arith.select %and3A_2092, %sub3A_2095, %div3A_2068 : vector<16xi1>, vector<16xi32>
        %jit3A_2097 = arith.constant 128 : i32
        %div3A_2098 = arith.divsi %add3A_2051, %jit3A_2097 : i32
        %sign3A_2099 = arith.constant 0 : i32
        %sign3A_2100 = arith.cmpi sgt, %add3A_2051, %sign3A_2099 : i32
        %sign3A_2101 = arith.extui %sign3A_2100 : i1 to i32
        %sign3A_2102 = arith.constant 0 : i32
        %sign3A_2103 = arith.cmpi slt, %add3A_2051, %sign3A_2102 : i32
        %sign3A_2104 = arith.extui %sign3A_2103 : i1 to i32
        %sign3A_2105 = arith.subi %sign3A_2101, %sign3A_2104 : i32
        %sign3A_2106 = arith.constant 0 : i32
        %sign3A_2107 = arith.cmpi sgt, %jit3A_2097, %sign3A_2106 : i32
        %sign3A_2108 = arith.extui %sign3A_2107 : i1 to i32
        %sign3A_2109 = arith.constant 0 : i32
        %sign3A_2110 = arith.cmpi slt, %jit3A_2097, %sign3A_2109 : i32
        %sign3A_2111 = arith.extui %sign3A_2110 : i1 to i32
        %sign3A_2112 = arith.subi %sign3A_2108, %sign3A_2111 : i32
        %ne3A_2113 = arith.cmpi ne, %sign3A_2105, %sign3A_2112 : i32
        %rem3A_2114 = arith.remsi %add3A_2051, %jit3A_2097 : i32
        %ne3A_2115 = arith.constant 0 : i32
        %ne3A_2116 = arith.cmpi ne, %rem3A_2114, %ne3A_2115 : i32
        %and3A_2117 = arith.andi %ne3A_2113, %ne3A_2116 : i1
        %sub3A_2118 = arith.constant 1 : i32
        %sub3A_2119 = arith.subi %div3A_2098, %sub3A_2118 : i32
        %select_n3A_2120 = arith.select %and3A_2117, %sub3A_2119, %div3A_2098 : i32
        %broadcast_in_dim3A_2121 = vector.broadcast %select_n3A_2120 : i32 to vector<16xi32>
        %jit3A_2122 = arith.constant 8 : i32
        %eq3A_2123 = arith.constant 0 : i32
        %eq3A_2124 = arith.cmpi eq, %jit3A_2122, %eq3A_2123 : i32
        %jit3A_2125 = arith.constant 1 : i32
        %select_n3A_2126 = arith.select %eq3A_2124, %jit3A_2125, %jit3A_2122 : i32
        %rem3A_2127 = vector.broadcast %select_n3A_2126 : i32 to vector<16xi32>
        %rem3A_2128 = arith.remsi %iota3A, %rem3A_2127 : vector<16xi32>
        %ne3A_2129 = arith.constant 0 : i32
        %ne3A_2130 = vector.broadcast %ne3A_2129 : i32 to vector<16xi32>
        %ne3A_2131 = arith.cmpi ne, %rem3A_2128, %ne3A_2130 : vector<16xi32>
        %lt3A_2132 = arith.constant 0 : i32
        %lt3A_2133 = vector.broadcast %lt3A_2132 : i32 to vector<16xi32>
        %lt3A_2134 = arith.cmpi slt, %rem3A_2128, %lt3A_2133 : vector<16xi32>
        %lt3A_2135 = arith.constant 0 : i32
        %lt3A_2136 = arith.cmpi slt, %select_n3A_2126, %lt3A_2135 : i32
        %ne3A_2137 = vector.broadcast %lt3A_2136 : i1 to vector<16xi1>
        %ne3A_2138 = vector.broadcast %ne3A_2137 : vector<16xi1> to vector<16xi1>
        %ne3A_2139 = arith.xori %lt3A_2134, %ne3A_2138 : vector<16xi1>
        %and3A_2140 = arith.andi %ne3A_2139, %ne3A_2131 : vector<16xi1>
        %add3A_2141 = vector.broadcast %select_n3A_2126 : i32 to vector<16xi32>
        %add3A_2142 = arith.addi %rem3A_2128, %add3A_2141 : vector<16xi32>
        %select_n3A_2143 = arith.select %and3A_2140, %add3A_2142, %rem3A_2128 : vector<16xi1>, vector<16xi32>
        %jit3A_2144 = arith.constant 128 : i32
        %eq3A_2145 = arith.constant 0 : i32
        %eq3A_2146 = arith.cmpi eq, %jit3A_2144, %eq3A_2145 : i32
        %jit3A_2147 = arith.constant 1 : i32
        %select_n3A_2148 = arith.select %eq3A_2146, %jit3A_2147, %jit3A_2144 : i32
        %rem3A_2149 = arith.remsi %add3A_2051, %select_n3A_2148 : i32
        %ne3A_2150 = arith.constant 0 : i32
        %ne3A_2151 = arith.cmpi ne, %rem3A_2149, %ne3A_2150 : i32
        %lt3A_2152 = arith.constant 0 : i32
        %lt3A_2153 = arith.cmpi slt, %rem3A_2149, %lt3A_2152 : i32
        %lt3A_2154 = arith.constant 0 : i32
        %lt3A_2155 = arith.cmpi slt, %select_n3A_2148, %lt3A_2154 : i32
        %ne3A_2156 = arith.xori %lt3A_2153, %lt3A_2155 : i1
        %and3A_2157 = arith.andi %ne3A_2156, %ne3A_2151 : i1
        %add3A_2158 = arith.addi %rem3A_2149, %select_n3A_2148 : i32
        %select_n3A_2159 = arith.select %and3A_2157, %add3A_2158, %rem3A_2149 : i32
        %broadcast_in_dim3A_2160 = vector.broadcast %select_n3A_2159 : i32 to vector<16xi32>
        tpu.vector_store_idx %arg21[%select_n3A_2096, %broadcast_in_dim3A_2121, %select_n3A_2143, %broadcast_in_dim3A_2160], %max3A_2065 : memref<2x5x8x128xf32, #tpu.memory_space<vmem>>[vector<16xi32>, vector<16xi32>, vector<16xi32>, vector<16xi32>], vector<16xf32>,
        %broadcast_in_dim3A_2161 = vector.broadcast %add3A_2051 : i32 to vector<16xi32>
        %gather3A_2162 = tpu.vector_load_idx %arg20[%broadcast_in_dim3A_2161] : memref<640xf32, #tpu.memory_space<vmem>>[vector<16xi32>], vector<16xf32>,
        %mul3A_2163 = arith.mulf %max3A_2065, %gather3A_2162 : vector<16xf32>
        %swap3A_2164 = arith.index_cast %add3A_2051 : i32 to index
        %swap3A_2165 = arith.constant 0 : index
        %swap3A_2166 = tpu.vector_load %arg22[%swap3A_2164, %swap3A_2165] {strides = array<i32>} : memref<640x16xf32, #tpu.memory_space<vmem>>, vector<16xf32>,
        tpu.vector_store %arg22[%swap3A_2164, %swap3A_2165], %mul3A_2163 {strides = array<i32>} : memref<640x16xf32, #tpu.memory_space<vmem>>, vector<16xf32>,
        %mul3A_2167 = arith.constant 8 : i32
        %mul3A_2168 = arith.muli %scan3A_1336, %mul3A_2167 : i32
        %add3A_2169 = arith.constant 7 : i32
        %add3A_2170 = arith.addi %mul3A_2168, %add3A_2169 : i32
        %get3A_2171 = arith.index_cast %add3A_2170 : i32 to index
        %get3A_2172 = arith.constant 0 : index
        %get3A_2173 = tpu.vector_load %arg16[%get3A_2171, %get3A_2172] {strides = array<i32>} : memref<640x16xf32, #tpu.memory_space<vmem>>, vector<16xf32>,
        %get3A_2174 = arith.index_cast %add3A_2170 : i32 to index
        %get3A_2175 = arith.constant 0 : index
        %get3A_2176 = tpu.vector_load %arg17[%get3A_2174, %get3A_2175] {strides = array<i32>} : memref<640x16xf32, #tpu.memory_space<vmem>>, vector<16xf32>,
        %add3A_2177 = arith.addf %get3A_2173, %get3A_2176 : vector<16xf32>
        %get3A_2178 = arith.index_cast %scan3A_1336 : i32 to index
        %get3A_2179 = arith.constant 112 : index
        %get3A_2180 = tpu.vector_load %arg18[%get3A_2178, %get3A_2179] {strides = array<i32>} : memref<80x128xf32, #tpu.memory_space<vmem>>, vector<16xf32>,
        %add3A_2181 = arith.addf %add3A_2177, %get3A_2180 : vector<16xf32>
        %max3A_2182 = arith.constant 0.000000e+00 : f32
        %max3A_2183 = vector.broadcast %max3A_2182 : f32 to vector<16xf32>
        %max3A_2184 = arith.maximumf %add3A_2181, %max3A_2183 : vector<16xf32>
        %jit3A_2185 = arith.constant 8 : i32
        %div3A_2186 = vector.broadcast %jit3A_2185 : i32 to vector<16xi32>
        %div3A_2187 = arith.divsi %iota3A, %div3A_2186 : vector<16xi32>
        %sign3A_2188 = arith.constant 0 : i32
        %sign3A_2189 = vector.broadcast %sign3A_2188 : i32 to vector<16xi32>
        %sign3A_2190 = arith.cmpi sgt, %iota3A, %sign3A_2189 : vector<16xi32>
        %sign3A_2191 = arith.extui %sign3A_2190 : vector<16xi1> to vector<16xi32>
        %sign3A_2192 = arith.constant 0 : i32
        %sign3A_2193 = vector.broadcast %sign3A_2192 : i32 to vector<16xi32>
        %sign3A_2194 = arith.cmpi slt, %iota3A, %sign3A_2193 : vector<16xi32>
        %sign3A_2195 = arith.extui %sign3A_2194 : vector<16xi1> to vector<16xi32>
        %sign3A_2196 = arith.subi %sign3A_2191, %sign3A_2195 : vector<16xi32>
        %sign3A_2197 = arith.constant 0 : i32
        %sign3A_2198 = arith.cmpi sgt, %jit3A_2185, %sign3A_2197 : i32
        %sign3A_2199 = arith.extui %sign3A_2198 : i1 to i32
        %sign3A_2200 = arith.constant 0 : i32
        %sign3A_2201 = arith.cmpi slt, %jit3A_2185, %sign3A_2200 : i32
        %sign3A_2202 = arith.extui %sign3A_2201 : i1 to i32
        %sign3A_2203 = arith.subi %sign3A_2199, %sign3A_2202 : i32
        %ne3A_2204 = vector.broadcast %sign3A_2203 : i32 to vector<16xi32>
        %ne3A_2205 = arith.cmpi ne, %sign3A_2196, %ne3A_2204 : vector<16xi32>
        %rem3A_2206 = vector.broadcast %jit3A_2185 : i32 to vector<16xi32>
        %rem3A_2207 = arith.remsi %iota3A, %rem3A_2206 : vector<16xi32>
        %ne3A_2208 = arith.constant 0 : i32
        %ne3A_2209 = vector.broadcast %ne3A_2208 : i32 to vector<16xi32>
        %ne3A_2210 = arith.cmpi ne, %rem3A_2207, %ne3A_2209 : vector<16xi32>
        %and3A_2211 = arith.andi %ne3A_2205, %ne3A_2210 : vector<16xi1>
        %sub3A_2212 = arith.constant 1 : i32
        %sub3A_2213 = vector.broadcast %sub3A_2212 : i32 to vector<16xi32>
        %sub3A_2214 = arith.subi %div3A_2187, %sub3A_2213 : vector<16xi32>
        %select_n3A_2215 = arith.select %and3A_2211, %sub3A_2214, %div3A_2187 : vector<16xi1>, vector<16xi32>
        %jit3A_2216 = arith.constant 128 : i32
        %div3A_2217 = arith.divsi %add3A_2170, %jit3A_2216 : i32
        %sign3A_2218 = arith.constant 0 : i32
        %sign3A_2219 = arith.cmpi sgt, %add3A_2170, %sign3A_2218 : i32
        %sign3A_2220 = arith.extui %sign3A_2219 : i1 to i32
        %sign3A_2221 = arith.constant 0 : i32
        %sign3A_2222 = arith.cmpi slt, %add3A_2170, %sign3A_2221 : i32
        %sign3A_2223 = arith.extui %sign3A_2222 : i1 to i32
        %sign3A_2224 = arith.subi %sign3A_2220, %sign3A_2223 : i32
        %sign3A_2225 = arith.constant 0 : i32
        %sign3A_2226 = arith.cmpi sgt, %jit3A_2216, %sign3A_2225 : i32
        %sign3A_2227 = arith.extui %sign3A_2226 : i1 to i32
        %sign3A_2228 = arith.constant 0 : i32
        %sign3A_2229 = arith.cmpi slt, %jit3A_2216, %sign3A_2228 : i32
        %sign3A_2230 = arith.extui %sign3A_2229 : i1 to i32
        %sign3A_2231 = arith.subi %sign3A_2227, %sign3A_2230 : i32
        %ne3A_2232 = arith.cmpi ne, %sign3A_2224, %sign3A_2231 : i32
        %rem3A_2233 = arith.remsi %add3A_2170, %jit3A_2216 : i32
        %ne3A_2234 = arith.constant 0 : i32
        %ne3A_2235 = arith.cmpi ne, %rem3A_2233, %ne3A_2234 : i32
        %and3A_2236 = arith.andi %ne3A_2232, %ne3A_2235 : i1
        %sub3A_2237 = arith.constant 1 : i32
        %sub3A_2238 = arith.subi %div3A_2217, %sub3A_2237 : i32
        %select_n3A_2239 = arith.select %and3A_2236, %sub3A_2238, %div3A_2217 : i32
        %broadcast_in_dim3A_2240 = vector.broadcast %select_n3A_2239 : i32 to vector<16xi32>
        %jit3A_2241 = arith.constant 8 : i32
        %eq3A_2242 = arith.constant 0 : i32
        %eq3A_2243 = arith.cmpi eq, %jit3A_2241, %eq3A_2242 : i32
        %jit3A_2244 = arith.constant 1 : i32
        %select_n3A_2245 = arith.select %eq3A_2243, %jit3A_2244, %jit3A_2241 : i32
        %rem3A_2246 = vector.broadcast %select_n3A_2245 : i32 to vector<16xi32>
        %rem3A_2247 = arith.remsi %iota3A, %rem3A_2246 : vector<16xi32>
        %ne3A_2248 = arith.constant 0 : i32
        %ne3A_2249 = vector.broadcast %ne3A_2248 : i32 to vector<16xi32>
        %ne3A_2250 = arith.cmpi ne, %rem3A_2247, %ne3A_2249 : vector<16xi32>
        %lt3A_2251 = arith.constant 0 : i32
        %lt3A_2252 = vector.broadcast %lt3A_2251 : i32 to vector<16xi32>
        %lt3A_2253 = arith.cmpi slt, %rem3A_2247, %lt3A_2252 : vector<16xi32>
        %lt3A_2254 = arith.constant 0 : i32
        %lt3A_2255 = arith.cmpi slt, %select_n3A_2245, %lt3A_2254 : i32
        %ne3A_2256 = vector.broadcast %lt3A_2255 : i1 to vector<16xi1>
        %ne3A_2257 = vector.broadcast %ne3A_2256 : vector<16xi1> to vector<16xi1>
        %ne3A_2258 = arith.xori %lt3A_2253, %ne3A_2257 : vector<16xi1>
        %and3A_2259 = arith.andi %ne3A_2258, %ne3A_2250 : vector<16xi1>
        %add3A_2260 = vector.broadcast %select_n3A_2245 : i32 to vector<16xi32>
        %add3A_2261 = arith.addi %rem3A_2247, %add3A_2260 : vector<16xi32>
        %select_n3A_2262 = arith.select %and3A_2259, %add3A_2261, %rem3A_2247 : vector<16xi1>, vector<16xi32>
        %jit3A_2263 = arith.constant 128 : i32
        %eq3A_2264 = arith.constant 0 : i32
        %eq3A_2265 = arith.cmpi eq, %jit3A_2263, %eq3A_2264 : i32
        %jit3A_2266 = arith.constant 1 : i32
        %select_n3A_2267 = arith.select %eq3A_2265, %jit3A_2266, %jit3A_2263 : i32
        %rem3A_2268 = arith.remsi %add3A_2170, %select_n3A_2267 : i32
        %ne3A_2269 = arith.constant 0 : i32
        %ne3A_2270 = arith.cmpi ne, %rem3A_2268, %ne3A_2269 : i32
        %lt3A_2271 = arith.constant 0 : i32
        %lt3A_2272 = arith.cmpi slt, %rem3A_2268, %lt3A_2271 : i32
        %lt3A_2273 = arith.constant 0 : i32
        %lt3A_2274 = arith.cmpi slt, %select_n3A_2267, %lt3A_2273 : i32
        %ne3A_2275 = arith.xori %lt3A_2272, %lt3A_2274 : i1
        %and3A_2276 = arith.andi %ne3A_2275, %ne3A_2270 : i1
        %add3A_2277 = arith.addi %rem3A_2268, %select_n3A_2267 : i32
        %select_n3A_2278 = arith.select %and3A_2276, %add3A_2277, %rem3A_2268 : i32
        %broadcast_in_dim3A_2279 = vector.broadcast %select_n3A_2278 : i32 to vector<16xi32>
        tpu.vector_store_idx %arg21[%select_n3A_2215, %broadcast_in_dim3A_2240, %select_n3A_2262, %broadcast_in_dim3A_2279], %max3A_2184 : memref<2x5x8x128xf32, #tpu.memory_space<vmem>>[vector<16xi32>, vector<16xi32>, vector<16xi32>, vector<16xi32>], vector<16xf32>,
        %broadcast_in_dim3A_2280 = vector.broadcast %add3A_2170 : i32 to vector<16xi32>
        %gather3A_2281 = tpu.vector_load_idx %arg20[%broadcast_in_dim3A_2280] : memref<640xf32, #tpu.memory_space<vmem>>[vector<16xi32>], vector<16xf32>,
        %mul3A_2282 = arith.mulf %max3A_2184, %gather3A_2281 : vector<16xf32>
        %swap3A_2283 = arith.index_cast %add3A_2170 : i32 to index
        %swap3A_2284 = arith.constant 0 : index
        %swap3A_2285 = tpu.vector_load %arg22[%swap3A_2283, %swap3A_2284] {strides = array<i32>} : memref<640x16xf32, #tpu.memory_space<vmem>>, vector<16xf32>,
        tpu.vector_store %arg22[%swap3A_2283, %swap3A_2284], %mul3A_2282 {strides = array<i32>} : memref<640x16xf32, #tpu.memory_space<vmem>>, vector<16xf32>,
        %scan3A_2286 = arith.constant 0 : i32
        scf.yield %scan3A_2286 : i32
      }
      %scan3A_1312 = arith.constant 80 : i32
      %mul3A_1313 = arith.constant 5 : i32
      %mul3A_1314 = arith.muli %add3A_52, %mul3A_1313 : i32
      %dma_start3A_1315 = arith.constant 0 : i32
      %dma_start3A_1316 = arith.constant 0 : i32
      %dma_start3A_1317 = arith.constant 0 : i32
      %dma_start3A_1318 = tpu.memref_slice %arg10[%dma_start3A_1315, %mul3A_1314, %dma_start3A_1316, %dma_start3A_1317] : memref<2x2500x8x128xf32, #tpu.memory_space<hbm>> -> memref<2x5x8x128xf32, #tpu.memory_space<hbm>>
      %dma_start3A_1319 = arith.constant 0 : i32
      %dma_start3A_1320 = arith.constant 0 : i32
      %dma_start3A_1321 = arith.constant 0 : i32
      %dma_start3A_1322 = tpu.memref_slice %arg10[%dma_start3A_1319, %mul3A_1314, %dma_start3A_1320, %dma_start3A_1321] : memref<2x2500x8x128xf32, #tpu.memory_space<hbm>> -> memref<2x5x8x128xf32, #tpu.memory_space<hbm>>
      tpu.enqueue_dma source(%arg21 : memref<2x5x8x128xf32, #tpu.memory_space<vmem>>) target(%dma_start3A_1322 : memref<2x5x8x128xf32, #tpu.memory_space<hbm>>) target_semaphore(%arg27 : memref<!tpu.dma_semaphore, #tpu.memory_space<semaphore_mem>>)
      %run_scoped3A = arith.constant 0 : i32
      "tpu.region"() ({
        %run_scoped3A_1336 = tpu.sem_alloc : memref<!tpu.dma_semaphore, #tpu.memory_space<semaphore_mem>>
        %dma_start3A_1337 = arith.constant 0 : i32
        %dma_start3A_1338 = arith.constant 0 : i32
        %dma_start3A_1339 = tpu.memref_slice %arg22[%dma_start3A_1337, %dma_start3A_1338] : memref<640x16xf32, #tpu.memory_space<vmem>> -> memref<128x16xf32, #tpu.memory_space<vmem>>
        %dma_start3A_1340 = arith.constant 0 : i32
        %dma_start3A_1341 = tpu.memref_slice %arg15[%run_scoped3A, %dma_start3A_1340] : memref<5x128xi32, #tpu.memory_space<vmem>> -> memref<1x128xi32, #tpu.memory_space<vmem>>
        %dma_start3A_1342 = tpu.memref_squeeze %dma_start3A_1341 : memref<1x128xi32, #tpu.memory_space<vmem>> -> memref<128xi32, #tpu.memory_space<vmem>>
        %dma_start3A_1343 = arith.constant 0 : i32
        %dma_start3A_1344 = arith.constant 0 : i32
        %dma_start3A_1345 = tpu.memref_slice %arg24[%dma_start3A_1343, %dma_start3A_1344] : memref<10240x16xf32, #tpu.memory_space<vmem_shared>> -> memref<10240x16xf32, #tpu.memory_space<vmem_shared>>
        tpu.enqueue_indirect_dma source(%dma_start3A_1339 : memref<128x16xf32, #tpu.memory_space<vmem>>) target(%dma_start3A_1345 : memref<10240x16xf32, #tpu.memory_space<vmem_shared>>) offsets(%dma_start3A_1342 : memref<128xi32, #tpu.memory_space<vmem>>) semaphore(%run_scoped3A_1336 : memref<!tpu.dma_semaphore, #tpu.memory_space<semaphore_mem>>) {add = true}
        %dma_wait3A_1346 = arith.constant 0 : i32
        %dma_wait3A_1347 = arith.constant 0 : i32
        %dma_wait3A_1348 = tpu.memref_slice %arg22[%dma_wait3A_1346, %dma_wait3A_1347] : memref<640x16xf32, #tpu.memory_space<vmem>> -> memref<128x16xf32, #tpu.memory_space<vmem>>
        %dma_wait3A_1349 = arith.constant 0 : i32
        %dma_wait3A_1350 = tpu.memref_slice %arg15[%run_scoped3A, %dma_wait3A_1349] : memref<5x128xi32, #tpu.memory_space<vmem>> -> memref<1x128xi32, #tpu.memory_space<vmem>>
        %dma_wait3A_1351 = tpu.memref_squeeze %dma_wait3A_1350 : memref<1x128xi32, #tpu.memory_space<vmem>> -> memref<128xi32, #tpu.memory_space<vmem>>
        %dma_wait3A_1352 = arith.constant 0 : i32
        %dma_wait3A_1353 = arith.constant 0 : i32
        %dma_wait3A_1354 = tpu.memref_slice %arg24[%dma_wait3A_1352, %dma_wait3A_1353] : memref<10240x16xf32, #tpu.memory_space<vmem_shared>> -> memref<10240x16xf32, #tpu.memory_space<vmem_shared>>
        tpu.wait_indirect_dma semaphore(%run_scoped3A_1336 : memref<!tpu.dma_semaphore, #tpu.memory_space<semaphore_mem>>) src(%dma_wait3A_1348 : memref<128x16xf32, #tpu.memory_space<vmem>>) dst(%dma_wait3A_1354 : memref<10240x16xf32, #tpu.memory_space<vmem_shared>>)
        tpu.yield
      }) : () -> ()
      %run_scoped3A_1323 = arith.constant 1 : i32
      "tpu.region"() ({
        %run_scoped3A_1336 = tpu.sem_alloc : memref<!tpu.dma_semaphore, #tpu.memory_space<semaphore_mem>>
        %dma_start3A_1337 = arith.constant 128 : i32
        %dma_start3A_1338 = arith.constant 0 : i32
        %dma_start3A_1339 = tpu.memref_slice %arg22[%dma_start3A_1337, %dma_start3A_1338] : memref<640x16xf32, #tpu.memory_space<vmem>> -> memref<128x16xf32, #tpu.memory_space<vmem>>
        %dma_start3A_1340 = arith.constant 0 : i32
        %dma_start3A_1341 = tpu.memref_slice %arg15[%run_scoped3A_1323, %dma_start3A_1340] : memref<5x128xi32, #tpu.memory_space<vmem>> -> memref<1x128xi32, #tpu.memory_space<vmem>>
        %dma_start3A_1342 = tpu.memref_squeeze %dma_start3A_1341 : memref<1x128xi32, #tpu.memory_space<vmem>> -> memref<128xi32, #tpu.memory_space<vmem>>
        %dma_start3A_1343 = arith.constant 0 : i32
        %dma_start3A_1344 = arith.constant 0 : i32
        %dma_start3A_1345 = tpu.memref_slice %arg24[%dma_start3A_1343, %dma_start3A_1344] : memref<10240x16xf32, #tpu.memory_space<vmem_shared>> -> memref<10240x16xf32, #tpu.memory_space<vmem_shared>>
        tpu.enqueue_indirect_dma source(%dma_start3A_1339 : memref<128x16xf32, #tpu.memory_space<vmem>>) target(%dma_start3A_1345 : memref<10240x16xf32, #tpu.memory_space<vmem_shared>>) offsets(%dma_start3A_1342 : memref<128xi32, #tpu.memory_space<vmem>>) semaphore(%run_scoped3A_1336 : memref<!tpu.dma_semaphore, #tpu.memory_space<semaphore_mem>>) {add = true}
        %dma_wait3A_1346 = arith.constant 128 : i32
        %dma_wait3A_1347 = arith.constant 0 : i32
        %dma_wait3A_1348 = tpu.memref_slice %arg22[%dma_wait3A_1346, %dma_wait3A_1347] : memref<640x16xf32, #tpu.memory_space<vmem>> -> memref<128x16xf32, #tpu.memory_space<vmem>>
        %dma_wait3A_1349 = arith.constant 0 : i32
        %dma_wait3A_1350 = tpu.memref_slice %arg15[%run_scoped3A_1323, %dma_wait3A_1349] : memref<5x128xi32, #tpu.memory_space<vmem>> -> memref<1x128xi32, #tpu.memory_space<vmem>>
        %dma_wait3A_1351 = tpu.memref_squeeze %dma_wait3A_1350 : memref<1x128xi32, #tpu.memory_space<vmem>> -> memref<128xi32, #tpu.memory_space<vmem>>
        %dma_wait3A_1352 = arith.constant 0 : i32
        %dma_wait3A_1353 = arith.constant 0 : i32
        %dma_wait3A_1354 = tpu.memref_slice %arg24[%dma_wait3A_1352, %dma_wait3A_1353] : memref<10240x16xf32, #tpu.memory_space<vmem_shared>> -> memref<10240x16xf32, #tpu.memory_space<vmem_shared>>
        tpu.wait_indirect_dma semaphore(%run_scoped3A_1336 : memref<!tpu.dma_semaphore, #tpu.memory_space<semaphore_mem>>) src(%dma_wait3A_1348 : memref<128x16xf32, #tpu.memory_space<vmem>>) dst(%dma_wait3A_1354 : memref<10240x16xf32, #tpu.memory_space<vmem_shared>>)
        tpu.yield
      }) : () -> ()
      %run_scoped3A_1324 = arith.constant 2 : i32
      "tpu.region"() ({
        %run_scoped3A_1336 = tpu.sem_alloc : memref<!tpu.dma_semaphore, #tpu.memory_space<semaphore_mem>>
        %dma_start3A_1337 = arith.constant 256 : i32
        %dma_start3A_1338 = arith.constant 0 : i32
        %dma_start3A_1339 = tpu.memref_slice %arg22[%dma_start3A_1337, %dma_start3A_1338] : memref<640x16xf32, #tpu.memory_space<vmem>> -> memref<128x16xf32, #tpu.memory_space<vmem>>
        %dma_start3A_1340 = arith.constant 0 : i32
        %dma_start3A_1341 = tpu.memref_slice %arg15[%run_scoped3A_1324, %dma_start3A_1340] : memref<5x128xi32, #tpu.memory_space<vmem>> -> memref<1x128xi32, #tpu.memory_space<vmem>>
        %dma_start3A_1342 = tpu.memref_squeeze %dma_start3A_1341 : memref<1x128xi32, #tpu.memory_space<vmem>> -> memref<128xi32, #tpu.memory_space<vmem>>
        %dma_start3A_1343 = arith.constant 0 : i32
        %dma_start3A_1344 = arith.constant 0 : i32
        %dma_start3A_1345 = tpu.memref_slice %arg24[%dma_start3A_1343, %dma_start3A_1344] : memref<10240x16xf32, #tpu.memory_space<vmem_shared>> -> memref<10240x16xf32, #tpu.memory_space<vmem_shared>>
        tpu.enqueue_indirect_dma source(%dma_start3A_1339 : memref<128x16xf32, #tpu.memory_space<vmem>>) target(%dma_start3A_1345 : memref<10240x16xf32, #tpu.memory_space<vmem_shared>>) offsets(%dma_start3A_1342 : memref<128xi32, #tpu.memory_space<vmem>>) semaphore(%run_scoped3A_1336 : memref<!tpu.dma_semaphore, #tpu.memory_space<semaphore_mem>>) {add = true}
        %dma_wait3A_1346 = arith.constant 256 : i32
        %dma_wait3A_1347 = arith.constant 0 : i32
        %dma_wait3A_1348 = tpu.memref_slice %arg22[%dma_wait3A_1346, %dma_wait3A_1347] : memref<640x16xf32, #tpu.memory_space<vmem>> -> memref<128x16xf32, #tpu.memory_space<vmem>>
        %dma_wait3A_1349 = arith.constant 0 : i32
        %dma_wait3A_1350 = tpu.memref_slice %arg15[%run_scoped3A_1324, %dma_wait3A_1349] : memref<5x128xi32, #tpu.memory_space<vmem>> -> memref<1x128xi32, #tpu.memory_space<vmem>>
        %dma_wait3A_1351 = tpu.memref_squeeze %dma_wait3A_1350 : memref<1x128xi32, #tpu.memory_space<vmem>> -> memref<128xi32, #tpu.memory_space<vmem>>
        %dma_wait3A_1352 = arith.constant 0 : i32
        %dma_wait3A_1353 = arith.constant 0 : i32
        %dma_wait3A_1354 = tpu.memref_slice %arg24[%dma_wait3A_1352, %dma_wait3A_1353] : memref<10240x16xf32, #tpu.memory_space<vmem_shared>> -> memref<10240x16xf32, #tpu.memory_space<vmem_shared>>
        tpu.wait_indirect_dma semaphore(%run_scoped3A_1336 : memref<!tpu.dma_semaphore, #tpu.memory_space<semaphore_mem>>) src(%dma_wait3A_1348 : memref<128x16xf32, #tpu.memory_space<vmem>>) dst(%dma_wait3A_1354 : memref<10240x16xf32, #tpu.memory_space<vmem_shared>>)
        tpu.yield
      }) : () -> ()
      %run_scoped3A_1325 = arith.constant 3 : i32
      "tpu.region"() ({
        %run_scoped3A_1336 = tpu.sem_alloc : memref<!tpu.dma_semaphore, #tpu.memory_space<semaphore_mem>>
        %dma_start3A_1337 = arith.constant 384 : i32
        %dma_start3A_1338 = arith.constant 0 : i32
        %dma_start3A_1339 = tpu.memref_slice %arg22[%dma_start3A_1337, %dma_start3A_1338] : memref<640x16xf32, #tpu.memory_space<vmem>> -> memref<128x16xf32, #tpu.memory_space<vmem>>
        %dma_start3A_1340 = arith.constant 0 : i32
        %dma_start3A_1341 = tpu.memref_slice %arg15[%run_scoped3A_1325, %dma_start3A_1340] : memref<5x128xi32, #tpu.memory_space<vmem>> -> memref<1x128xi32, #tpu.memory_space<vmem>>
        %dma_start3A_1342 = tpu.memref_squeeze %dma_start3A_1341 : memref<1x128xi32, #tpu.memory_space<vmem>> -> memref<128xi32, #tpu.memory_space<vmem>>
        %dma_start3A_1343 = arith.constant 0 : i32
        %dma_start3A_1344 = arith.constant 0 : i32
        %dma_start3A_1345 = tpu.memref_slice %arg24[%dma_start3A_1343, %dma_start3A_1344] : memref<10240x16xf32, #tpu.memory_space<vmem_shared>> -> memref<10240x16xf32, #tpu.memory_space<vmem_shared>>
        tpu.enqueue_indirect_dma source(%dma_start3A_1339 : memref<128x16xf32, #tpu.memory_space<vmem>>) target(%dma_start3A_1345 : memref<10240x16xf32, #tpu.memory_space<vmem_shared>>) offsets(%dma_start3A_1342 : memref<128xi32, #tpu.memory_space<vmem>>) semaphore(%run_scoped3A_1336 : memref<!tpu.dma_semaphore, #tpu.memory_space<semaphore_mem>>) {add = true}
        %dma_wait3A_1346 = arith.constant 384 : i32
        %dma_wait3A_1347 = arith.constant 0 : i32
        %dma_wait3A_1348 = tpu.memref_slice %arg22[%dma_wait3A_1346, %dma_wait3A_1347] : memref<640x16xf32, #tpu.memory_space<vmem>> -> memref<128x16xf32, #tpu.memory_space<vmem>>
        %dma_wait3A_1349 = arith.constant 0 : i32
        %dma_wait3A_1350 = tpu.memref_slice %arg15[%run_scoped3A_1325, %dma_wait3A_1349] : memref<5x128xi32, #tpu.memory_space<vmem>> -> memref<1x128xi32, #tpu.memory_space<vmem>>
        %dma_wait3A_1351 = tpu.memref_squeeze %dma_wait3A_1350 : memref<1x128xi32, #tpu.memory_space<vmem>> -> memref<128xi32, #tpu.memory_space<vmem>>
        %dma_wait3A_1352 = arith.constant 0 : i32
        %dma_wait3A_1353 = arith.constant 0 : i32
        %dma_wait3A_1354 = tpu.memref_slice %arg24[%dma_wait3A_1352, %dma_wait3A_1353] : memref<10240x16xf32, #tpu.memory_space<vmem_shared>> -> memref<10240x16xf32, #tpu.memory_space<vmem_shared>>
        tpu.wait_indirect_dma semaphore(%run_scoped3A_1336 : memref<!tpu.dma_semaphore, #tpu.memory_space<semaphore_mem>>) src(%dma_wait3A_1348 : memref<128x16xf32, #tpu.memory_space<vmem>>) dst(%dma_wait3A_1354 : memref<10240x16xf32, #tpu.memory_space<vmem_shared>>)
        tpu.yield
      }) : () -> ()
      %run_scoped3A_1326 = arith.constant 4 : i32
      "tpu.region"() ({
        %run_scoped3A_1336 = tpu.sem_alloc : memref<!tpu.dma_semaphore, #tpu.memory_space<semaphore_mem>>
        %dma_start3A_1337 = arith.constant 512 : i32
        %dma_start3A_1338 = arith.constant 0 : i32
        %dma_start3A_1339 = tpu.memref_slice %arg22[%dma_start3A_1337, %dma_start3A_1338] : memref<640x16xf32, #tpu.memory_space<vmem>> -> memref<128x16xf32, #tpu.memory_space<vmem>>
        %dma_start3A_1340 = arith.constant 0 : i32
        %dma_start3A_1341 = tpu.memref_slice %arg15[%run_scoped3A_1326, %dma_start3A_1340] : memref<5x128xi32, #tpu.memory_space<vmem>> -> memref<1x128xi32, #tpu.memory_space<vmem>>
        %dma_start3A_1342 = tpu.memref_squeeze %dma_start3A_1341 : memref<1x128xi32, #tpu.memory_space<vmem>> -> memref<128xi32, #tpu.memory_space<vmem>>
        %dma_start3A_1343 = arith.constant 0 : i32
        %dma_start3A_1344 = arith.constant 0 : i32
        %dma_start3A_1345 = tpu.memref_slice %arg24[%dma_start3A_1343, %dma_start3A_1344] : memref<10240x16xf32, #tpu.memory_space<vmem_shared>> -> memref<10240x16xf32, #tpu.memory_space<vmem_shared>>
        tpu.enqueue_indirect_dma source(%dma_start3A_1339 : memref<128x16xf32, #tpu.memory_space<vmem>>) target(%dma_start3A_1345 : memref<10240x16xf32, #tpu.memory_space<vmem_shared>>) offsets(%dma_start3A_1342 : memref<128xi32, #tpu.memory_space<vmem>>) semaphore(%run_scoped3A_1336 : memref<!tpu.dma_semaphore, #tpu.memory_space<semaphore_mem>>) {add = true}
        %dma_wait3A_1346 = arith.constant 512 : i32
        %dma_wait3A_1347 = arith.constant 0 : i32
        %dma_wait3A_1348 = tpu.memref_slice %arg22[%dma_wait3A_1346, %dma_wait3A_1347] : memref<640x16xf32, #tpu.memory_space<vmem>> -> memref<128x16xf32, #tpu.memory_space<vmem>>
        %dma_wait3A_1349 = arith.constant 0 : i32
        %dma_wait3A_1350 = tpu.memref_slice %arg15[%run_scoped3A_1326, %dma_wait3A_1349] : memref<5x128xi32, #tpu.memory_space<vmem>> -> memref<1x128xi32, #tpu.memory_space<vmem>>
        %dma_wait3A_1351 = tpu.memref_squeeze %dma_wait3A_1350 : memref<1x128xi32, #tpu.memory_space<vmem>> -> memref<128xi32, #tpu.memory_space<vmem>>
        %dma_wait3A_1352 = arith.constant 0 : i32
        %dma_wait3A_1353 = arith.constant 0 : i32
        %dma_wait3A_1354 = tpu.memref_slice %arg24[%dma_wait3A_1352, %dma_wait3A_1353] : memref<10240x16xf32, #tpu.memory_space<vmem_shared>> -> memref<10240x16xf32, #tpu.memory_space<vmem_shared>>
        tpu.wait_indirect_dma semaphore(%run_scoped3A_1336 : memref<!tpu.dma_semaphore, #tpu.memory_space<semaphore_mem>>) src(%dma_wait3A_1348 : memref<128x16xf32, #tpu.memory_space<vmem>>) dst(%dma_wait3A_1354 : memref<10240x16xf32, #tpu.memory_space<vmem_shared>>)
        tpu.yield
      }) : () -> ()
      %dma_wait3A_1327 = arith.constant 0 : i32
      %dma_wait3A_1328 = arith.constant 0 : i32
      %dma_wait3A_1329 = arith.constant 0 : i32
      %dma_wait3A_1330 = tpu.memref_slice %arg10[%dma_wait3A_1327, %mul3A_1314, %dma_wait3A_1328, %dma_wait3A_1329] : memref<2x2500x8x128xf32, #tpu.memory_space<hbm>> -> memref<2x5x8x128xf32, #tpu.memory_space<hbm>>
      %dma_wait3A_1331 = arith.constant 0 : i32
      %dma_wait3A_1332 = arith.constant 0 : i32
      %dma_wait3A_1333 = arith.constant 0 : i32
      %dma_wait3A_1334 = tpu.memref_slice %arg10[%dma_wait3A_1331, %mul3A_1314, %dma_wait3A_1332, %dma_wait3A_1333] : memref<2x2500x8x128xf32, #tpu.memory_space<hbm>> -> memref<2x5x8x128xf32, #tpu.memory_space<hbm>>
      tpu.wait_dma2 semaphore(%arg27 : memref<!tpu.dma_semaphore, #tpu.memory_space<semaphore_mem>>) src(%arg21 : memref<2x5x8x128xf32, #tpu.memory_space<vmem>>) dst(%dma_wait3A_1334 : memref<2x5x8x128xf32, #tpu.memory_space<hbm>>)
      %while3A_1335 = arith.constant 0 : i32
      scf.yield %while3A_1335 : i32
    }
    %barrier3A_40 = arith.constant 0 : index
    tpu.barrier barrier_id(%barrier3A_40)
    %mul3A_41 = arith.constant 640 : i32
    %mul3A_42 = arith.muli %arg1, %mul3A_41 : i32
    "tpu.region"() ({
      %run_scoped3A = tpu.sem_alloc : memref<!tpu.dma_semaphore, #tpu.memory_space<semaphore_mem>>
      %dma_start3A = arith.constant 0 : i32
      %dma_start3A_48 = tpu.memref_slice %arg24[%mul3A_42, %dma_start3A] : memref<10240x16xf32, #tpu.memory_space<vmem_shared>> -> memref<640x16xf32, #tpu.memory_space<vmem_shared>>
      %dma_start3A_49 = arith.constant 0 : i32
      %dma_start3A_50 = tpu.memref_slice %arg24[%mul3A_42, %dma_start3A_49] : memref<10240x16xf32, #tpu.memory_space<vmem_shared>> -> memref<640x16xf32, #tpu.memory_space<vmem_shared>>
      tpu.enqueue_dma source(%dma_start3A_50 : memref<640x16xf32, #tpu.memory_space<vmem_shared>>) target(%arg23 : memref<640x16xf32, #tpu.memory_space<vmem>>) target_semaphore(%run_scoped3A : memref<!tpu.dma_semaphore, #tpu.memory_space<semaphore_mem>>)
      %dma_wait3A = arith.constant 0 : i32
      %dma_wait3A_51 = tpu.memref_slice %arg24[%mul3A_42, %dma_wait3A] : memref<10240x16xf32, #tpu.memory_space<vmem_shared>> -> memref<640x16xf32, #tpu.memory_space<vmem_shared>>
      %dma_wait3A_52 = arith.constant 0 : i32
      %dma_wait3A_53 = tpu.memref_slice %arg24[%mul3A_42, %dma_wait3A_52] : memref<10240x16xf32, #tpu.memory_space<vmem_shared>> -> memref<640x16xf32, #tpu.memory_space<vmem_shared>>
      tpu.wait_dma2 semaphore(%run_scoped3A : memref<!tpu.dma_semaphore, #tpu.memory_space<semaphore_mem>>) src(%dma_wait3A_53 : memref<640x16xf32, #tpu.memory_space<vmem_shared>>) dst(%arg23 : memref<640x16xf32, #tpu.memory_space<vmem>>)
      tpu.yield
    }) : () -> ()
    %mul3A_43 = arith.constant 10240 : i32
    %mul3A_44 = arith.muli %arg0, %mul3A_43 : i32
    %mul3A_45 = arith.constant 640 : i32
    %mul3A_46 = arith.muli %arg1, %mul3A_45 : i32
    %add3A_47 = arith.addi %mul3A_44, %mul3A_46 : i32
    "tpu.region"() ({
      %run_scoped3A = tpu.sem_alloc : memref<!tpu.dma_semaphore, #tpu.memory_space<semaphore_mem>>
      %dma_start3A = arith.constant 0 : i32
      %dma_start3A_48 = tpu.memref_slice %arg11[%add3A_47, %dma_start3A] : memref<20480x16xf32, #tpu.memory_space<hbm>> -> memref<640x16xf32, #tpu.memory_space<hbm>>
      %dma_start3A_49 = arith.constant 0 : i32
      %dma_start3A_50 = tpu.memref_slice %arg11[%add3A_47, %dma_start3A_49] : memref<20480x16xf32, #tpu.memory_space<hbm>> -> memref<640x16xf32, #tpu.memory_space<hbm>>
      tpu.enqueue_dma source(%arg23 : memref<640x16xf32, #tpu.memory_space<vmem>>) target(%dma_start3A_50 : memref<640x16xf32, #tpu.memory_space<hbm>>) target_semaphore(%run_scoped3A : memref<!tpu.dma_semaphore, #tpu.memory_space<semaphore_mem>>)
      %dma_wait3A = arith.constant 0 : i32
      %dma_wait3A_51 = tpu.memref_slice %arg11[%add3A_47, %dma_wait3A] : memref<20480x16xf32, #tpu.memory_space<hbm>> -> memref<640x16xf32, #tpu.memory_space<hbm>>
      %dma_wait3A_52 = arith.constant 0 : i32
      %dma_wait3A_53 = tpu.memref_slice %arg11[%add3A_47, %dma_wait3A_52] : memref<20480x16xf32, #tpu.memory_space<hbm>> -> memref<640x16xf32, #tpu.memory_space<hbm>>
      tpu.wait_dma2 semaphore(%run_scoped3A : memref<!tpu.dma_semaphore, #tpu.memory_space<semaphore_mem>>) src(%arg23 : memref<640x16xf32, #tpu.memory_space<vmem>>) dst(%dma_wait3A_53 : memref<640x16xf32, #tpu.memory_space<hbm>>)
      tpu.yield
    }) : () -> ()
    return
  }
}

</mosaic_0001>

<sc_bundles>
// kernel: _sc_edge.3.cloned.1.call-start
scs
__scs_entry_jumppad:
0x0: {  	(pc) =	sbr.rel $0x88, $3  }
0x1: {  	(tag) =	ssettag $0x0;
	lr =	simm.s32 $0x1  }
0x2: {  	[smem:$0x3F99] =	sst lr;
	_ =	strace $0xD0000000  }
0x3: {  	_ = 	snop  }
0x4: {  	_ = 	snop  }
0x5: {  	_ = 	snop  }
0x6: {  	_ = 	snop  }
0x7: {  	_ = 	snop  }
__scs_overlays_trampoline_lowered:
0x8: {  	[smem:$0x3FA8] =	sst s0  }
0x9: {  	[smem:$0x3FA9] =	sst s1  }
0xa: {  	[smem:$0x3FAA] =	sst s2  }
0xb: {  	[smem:$0x3FAB] =	sst s3  }
0xc: {  	[smem:$0x3FAC] =	sst s4  }
0xd: {  	[smem:$0x3FAD] =	sst s5  }
0xe: {  	[smem:$0x3FAE] =	sst s6  }
0xf: {  	[smem:$0x3FAF] =	sst s7  }
0x10: {  	[smem:$0x3FB0] =	sst s8  }
0x11: {  	[smem:$0x3FB1] =	sst s9;
	s0 =	simm.s32 @!p0 $0x0  }
0x12: {  	s1 =	sld [smem:$0x3F97];
	s0 =	simm.s32 @p0 $0x1  }
0x13: {  	[smem:$0x3FB2] =	sst s0;
	s0 =	simm.s32 @!p1 $0x0  }
0x14: {  	s2 =	sld [smem:$0x3F96];
	s0 =	simm.s32 @p1 $0x1  }
0x15: {  	[smem:$0x3FB3] =	sst s0;
	s0 =	simm.s32 @!p2 $0x0  }
0x16: {  	s3 =	sld [smem:$0x3FDB];
	s0 =	simm.s32 @p2 $0x1  }
0x17: {  	s4 =	simm.s32 $0x1BF5;
	[smem:$0x3FB5] =	sst s0  }
0x18: {  	s0 =	sld [smem:$0x3F98];
	_ =	swait.ge [sflag:s4], $0x0  }
0x19: {  	s7 =	sld [smem:$0x3F99]  }
0x1a: {  	s8 =	sadd.s32 $0xFFFFE003, lr  }
0x1b: {  	s9 =	sadd.s32 $0xFFFFFEF7, lr;
	s5 =	simm.s32 $0xFFFFFFFF;
	p2 =	slt.u32 s8, $0xFFFFF086  }
0x1c: {  	p1 =	slt.u32 s9, $0xF7A;
	s5 =	simm.s32 @!p2 $0x0  }
0x1d: {  	s5 =	simm.s32 @p1 $0x1;
	p0 =	seq.s32 s7, s2  }
0x1e: {  	s7 =	smul.u32 @!p0 $0xF7A, s2;
	p2 =	seq.s32 @!p0 s5, $0x0  }
0x1f: {  	s9 =	smul.u32 $0xF7A, s1;
	s8 =	simm.s32 @!p0 $0x1BF5;
	p2 =	por !p2, p0  }
0x20: {  	[sflag:s8] =	ssyncset.s32 @!p0 $0xFFFFF086;
	s6 =	sadd.s32 @!p0 s3, s7;
	s7 =	simm.s32 @!p0 $0x108  }
0x21: {  	s3 =	sadd.s32 s3, s9;
	s6 =	sadd.s32 @!p0 $0x88, s6;
	s7 =	simm.s32 @p2 $0x1082  }
0x22: {  	[simem:s7], [sflag:s8] =	dma.local @!p0 [hbm:s6], $0xF7A  }
0x23: {  	s9 =	sor.u32 $0xD0000000, s2;
	s6 =	simm.s32 $0x108;
	_ =	swait.ge @!p0 [sflag:s8], $0x0  }
0x24: {  	s3 =	sadd.s32 $0x88, s3;
	s6 =	simm.s32 @!p1 $0x1082;
	[sflag:s4] =	ssyncset.s32 $0xFFFFF086  }
0x25: {  	[simem:s6], [sflag:s4] =	dma.local [hbm:s3], $0xF7A  }
0x26: {  	[smem:$0x3F99] =	sst s1;
	(tag) =	ssettag s2;
	_ =	strace s9  }
0x27: {  	s1 =	sld [smem:$0x3FA9]  }
0x28: {  	s2 =	sld [smem:$0x3FAA]  }
0x29: {  	s4 =	sld [smem:$0x3FAC]  }
0x2a: {  	p0 =	seq.s32 s5, $0x0;
	s5 =	sld [smem:$0x3FAD]  }
0x2b: {  	s6 =	sld [smem:$0x3FAE]  }
0x2c: {  	s7 =	sld [smem:$0x3FAF]  }
0x2d: {  	s3 =	simm.s32 $0x108;
	s8 =	sld [smem:$0x3FB0]  }
0x2e: {  	s3 =	simm.s32 @!p0 $0x1082;
	s9 =	sld [smem:$0x3FB1]  }
0x2f: {  	lr =	sadd.s32 s0, s3;
	s0 =	sld [smem:$0x3FA8]  }
0x30: {  	s3 =	sld [smem:$0x3FAB]  }
0x31: {  	[smem:$0x3FB4] =	sst s10  }
0x32: {  	s10 =	sld [smem:$0x3FB2];
	_ =	sdelay $0x3  }
0x33: {  	p0 =	seq.s32 s10, $0x1;
	s10 =	sld [smem:$0x3FB4];
	_ =	sdelay $0x3  }
0x34: {  	[smem:$0x3FB4] =	sst s10  }
0x35: {  	s10 =	sld [smem:$0x3FB3];
	_ =	sdelay $0x3  }
0x36: {  	p1 =	seq.s32 s10, $0x1;
	s10 =	sld [smem:$0x3FB4];
	_ =	sdelay $0x3  }
0x37: {  	[smem:$0x3FB4] =	sst s10  }
0x38: {  	s10 =	sld [smem:$0x3FB5]  }
0x39: {  	_ = 	snop;
	(pc) =	sbr.ind lr, $3  }
0x3a: {  	_ = 	snop  }
0x3b: {  	_ = 	snop  }
0x3c: {  	p2 =	seq.s32 s10, $0x1;
	s10 =	sld [smem:$0x3FB4]  }
0x3d: {  	_ =	shalt  }
0x3e: {  	_ =	shalt  }
0x3f: {  	_ =	shalt  }
0x40: {  	_ =	shalt  }
0x41: {  	_ =	shalt  }
0x42: {  	_ =	shalt  }
0x43: {  	_ =	shalt  }
0x44: {  	_ =	shalt  }
0x45: {  	_ =	shalt  }
0x46: {  	_ =	shalt  }
0x47: {  	_ =	shalt  }
0x48: {  	_ =	shalt  }
0x49: {  	_ =	shalt  }
0x4a: {  	_ =	shalt  }
0x4b: {  	_ =	shalt  }
0x4c: {  	_ =	shalt  }
0x4d: {  	_ =	shalt  }
0x4e: {  	_ =	shalt  }
0x4f: {  	_ =	shalt  }
0x50: {  	_ =	shalt  }
0x51: {  	_ =	shalt  }
0x52: {  	_ =	shalt  }
0x53: {  	_ =	shalt  }
0x54: {  	_ =	shalt  }
0x55: {  	_ =	shalt  }
0x56: {  	_ =	shalt  }
0x57: {  	_ =	shalt  }
0x58: {  	_ =	shalt  }
0x59: {  	_ =	shalt  }
0x5a: {  	_ =	shalt  }
0x5b: {  	_ =	shalt  }
0x5c: {  	_ =	shalt  }
0x5d: {  	_ =	shalt  }
0x5e: {  	_ =	shalt  }
0x5f: {  	_ =	shalt  }
0x60: {  	_ =	shalt  }
0x61: {  	_ =	shalt  }
0x62: {  	_ =	shalt  }
0x63: {  	_ =	shalt  }
0x64: {  	_ =	shalt  }
0x65: {  	_ =	shalt  }
0x66: {  	_ =	shalt  }
0x67: {  	_ =	shalt  }
0x68: {  	_ =	shalt  }
0x69: {  	_ =	shalt  }
0x6a: {  	_ =	shalt  }
0x6b: {  	_ =	shalt  }
0x6c: {  	_ =	shalt  }
0x6d: {  	_ =	shalt  }
0x6e: {  	_ =	shalt  }
0x6f: {  	_ =	shalt  }
0x70: {  	_ =	shalt  }
0x71: {  	_ =	shalt  }
0x72: {  	_ =	shalt  }
0x73: {  	_ =	shalt  }
0x74: {  	_ =	shalt  }
0x75: {  	_ =	shalt  }
0x76: {  	_ =	shalt  }
0x77: {  	_ =	shalt  }
0x78: {  	_ =	shalt  }
0x79: {  	_ =	shalt  }
0x7a: {  	_ =	shalt  }
0x7b: {  	_ =	shalt  }
0x7c: {  	_ =	shalt  }
0x7d: {  	_ =	shalt  }
0x7e: {  	_ =	shalt  }
0x7f: {  	_ =	shalt  }
0x80: {  	_ =	shalt  }
0x81: {  	_ =	shalt  }
0x82: {  	_ =	shalt  }
0x83: {  	_ =	shalt  }
0x84: {  	_ =	shalt  }
0x85: {  	_ =	shalt  }
0x86: {  	_ =	shalt  }
0x87: {  	_ =	shalt  }
.Lfunc_end0:
.L_simem_size_0:
called_computation_lowered:
.L_overlay_start_0:
0x88: {  	s2 =	sld [smem:$0x3FD9]  }
0x89: {  	s3 =	sld [smem:$0x3FFE];
	_ =	sdelay $0x1  }
0x8a: {  	s1 =	srdreg.scid  }
0x8b: {  	s0 =	sand.u32 $0x1, s1  }
0x8c: {  	s14 =	sshll.u32 s0, $0xA;
	s2 =	sadd.s32 s3, s2  }
0x8d: {  	s2 =	sadd.s32 s2, s14  }
0x8e: {  	[smem:$0x3FC0] =	sst s2  }
0x8f: {  	_ = 	snop  }
0x90: {  	s2 =	sld [smem:$0x3FC9]  }
0x91: {  	s15 =	sld [smem:$0x3FC8]  }
0x92: {  	s4 =	sld [smem:$0x3FC5]  }
0x93: {  	s5 =	sld [smem:$0x3FD0]  }
0x94: {  	s6 =	sld [smem:$0x3FC4]  }
0x95: {  	s7 =	sld [smem:$0x3FC3]  }
0x96: {  	s9 =	simm.s32 $0xA;
	s10 =	simm.s32 $0x10;
	s8 =	sld [smem:$0x3FC2]  }
0x97: {  	[smem:s10], [sflag:s9] =	dma.local [hbm:s5], $0x1  }
0x98: {  	_ =	swait.eq [sflag:s9], $0x1  }
0x99: {  	[sflag:s9] =	ssyncset.done $0x0  }
0x9a: {  	s16 =	sld [smem:$0x10];
	[sflag:s9] =	ssyncadd.s32 $0xFFFFFFFF  }
0x9b: {  	s17 =	sld [smem:$0x11];
	(tm) =	ssettm $0x1  }
0x9c: {  	s18 =	sld [smem:$0x3FFB];
	_ =	sdelay $0x3  }
0x9d: {  	_ =	strace s18  }
0x9e: {  	s10 =	sld [smem:$0x3FFC];
	_ =	sdelay $0x3  }
0x9f: {  	_ =	strace s10  }
0xa0: {  	s10 =	sld [smem:$0x3FFD];
	_ =	sdelay $0x3  }
0xa1: {  	_ =	strace s10  }
0xa2: {  	_ =	strace $0x8FFFFFFF  }
0xa3: {  	s19 =	sld [smem:$0x3FDB];
	_ =	sdelay $0x1  }
0xa4: {  	s11 =	simm.s32 $_scs_section_size  }
0xa5: {  	s12 =	simm.s32 $_size__tile_overlayer_lowered;
	s13 =	simm.s32 $_tile_overlayer_lowered  }
0xa6: {  	s22 =	simm.s32 $0x1BFF;
	s21 =	sshll.u32 s13, $0x1;
	s10 =	sadd.s32 s11, s19  }
0xa7: {  	s20 =	sshll.u32 s12, $0x1;
	s14 =	simm.s32 $0x0;
	s12 =	sadd.s32 s21, s10  }
0xa8: {  	[timem:s14], [sflag:s22] =	dma.local [hbm:s12], s20  }
0xa9: {  	_ =	swait.ge [sflag:s22], s20  }
0xaa: {  	s11 =	ssub.s32 $0x0, s20;
	[sflag:s22] =	ssyncset.done $0x0  }
0xab: {  	[sflag:s22] =	ssyncadd.s32 s11;
	_ =	sdelay $0x1  }
0xac: {  	s23 =	simm.s32 $0x1B8B  }
0xad: {  	_ =	swait.ge [sflag:s23], $0x1  }
0xae: {  	[sflag:s23] =	ssyncset.done $0x0  }
0xaf: {  	s25 =	simm.s32 $0x1B8E;
	s24 =	sld [smem:$0x3FFE];
	[sflag:s23] =	ssyncadd.s32 $0xFFFFFFFF  }
0xb0: {  	s26 =	simm.s32 $execute0_lowered;
	[smem:$0x3FD2] =	sst s25  }
0xb1: {  	s12 =	sshll.u32 s26, $0x1;
	_ =	strace $0x80000046;
	[dreg:$0x1] =	wrdreg $0xFFFFFFFF  }
0xb2: {  	s28 =	simm.s32 $_size_execute0_lowered;
	s10 =	sadd.s32 s10, s12;
	[dreg:$0x0] =	wrdreg $0x0  }
0xb3: {  	s12 =	sshll.u32 s28, $0x1;
	[dreg:$0x2] =	wrdreg s10  }
0xb4: {  	[dreg:$0x3] =	wrdreg s12  }
0xb5: {  	[dreg:$0x4] =	wrdreg $0xC0  }
0xb6: {  	_ =	task [dreg:s14], $0x5FFFF  }
0xb7: {  	[dreg:$0x1] =	wrdreg $0xFFFFFFFF  }
0xb8: {  	[dreg:$0x0] =	wrdreg $0x60  }
0xb9: {  	[dreg:$0x2] =	wrdreg s2  }
0xba: {  	[dreg:$0x3] =	wrdreg s15  }
0xbb: {  	[dreg:$0x4] =	wrdreg s24  }
0xbc: {  	[dreg:$0x5] =	wrdreg s4  }
0xbd: {  	[dreg:$0x6] =	wrdreg s6  }
0xbe: {  	[dreg:$0x7] =	wrdreg s7  }
0xbf: {  	[dreg:$0x8] =	wrdreg s8  }
0xc0: {  	[dreg:$0x9] =	wrdreg s16  }
0xc1: {  	[dreg:$0xa] =	wrdreg s17  }
0xc2: {  	[dreg:$0xb] =	wrdreg $0x148200  }
0xc3: {  	[dreg:$0xc] =	wrdreg $0x9  }
0xc4: {  	_ =	task.clear_ibuf [dreg:s14], $0xDFFFF;
	_ =	strace $0x90000046  }
0xc5: {  	s29 =	simm.s32 $0x9;
	_ =	strace $0x80000048  }
0xc6: {  	_ =	swait.ge [sflag:s29], $0x1  }
0xc7: {  	[sflag:s29] =	ssyncadd.s32 $0xFFFFFFFF  }
0xc8: {  	_ =	strace $0x90000048  }
0xc9: {  	_ =	sfence  }
0xca: {  	s30 =	sld [smem:$0x0];
	_ =	sdelay $0x2  }
0xcb: {  	s31 =	sshll.u32 s1, $0xD;
	s1 =	sshrl.u32 s1, $0x2  }
0xcc: {  	s3 =	sand.u32 $0x4000, s31;
	s1 =	sadd.s32 s1, s30  }
0xcd: {  	s0 =	sor.u32 s3, s0;
	s1 =	sshll.u32 s1, $0x11  }
0xce: {  	s0 =	sor.u32 s1, s0  }
0xcf: {  	s0 =	sadd.s32 $0x8F2B, s0  }
0xd0: {  	[sflag:s0] =	ssyncadd.remote.s32 $0x1  }
0xd1: {  	_ =	sfence.sel $0xFFFF  }
0xd2: {  	[dreg:$0x0] =	wrdreg $0xFFFFFFFF;
	(pc) =	sbr.abs _section_cstart, $3  }
0xd3: {  	[dreg:$0x1] =	wrdreg $0xFFFFFFFF  }
0xd4: {  	_ =	task.clear_ibuf [dreg:s14], $0x2FFFF;
	_ =	strace $0x9FFFFFFF  }
0xd5: {  	(tm) =	ssettm $0x7FFFFFFF  }
tec
execute0_lowered:
.L_overlay_start_1:
0x0: {  	(tag) =	ssettag $0x1  }
0x1: {  	v0 =	vimm.f32 $0.0e+00;
	vm14 =	vcmask $0x300  }
0x2: {  	v1 =	vimm.s32 $0x0;
	v2 =	vimm.s32 $0x1780;
	v3 =	vimm.s32 $0x1781  }
0x3: {  	vm13 =	vcmask $0x704;
	vm12 =	vcmask $0xB08;
	vm11 =	vcmask $0xF0C  }
0x4: {  	vm10 =	vcmask $0x1310;
	vm9 =	vcmask $0x1714;
	vm8 =	vcmask $0x1B18  }
0x5: {  	vm7 =	vcmask $0x1F1C;
	vm6 =	vcmask $0x2320;
	vm5 =	vcmask $0x2724  }
0x6: {  	vm4 =	vcmask $0x2B28;
	vm3 =	vcmask $0x2F2C;
	vm2 =	vcmask $0x3330  }
0x7: {  	vm1 =	vcmask $0x3734;
	vm0 =	vcmask $0x3B38;
	v4 =	vimm.s32 $0x1782  }
0x8: {  	v5 =	vimm.s32 $0x1783;
	v6 =	vimm.s32 $0x1784;
	v7 =	vimm.s32 $0x1785  }
0x9: {  	v8 =	vimm.s32 $0x1786;
	v9 =	vimm.s32 $0x1787;
	v2 =	vsel vm14, $0x0, v2  }
0xa: {  	v3 =	vsel vm14, $0x1, v3;
	v1 =	vsel vm14, $0x3, v1;
	v4 =	vsel vm14, $0x2, v4  }
0xb: {  	v5 =	vsel vm14, $0x3, v5;
	v6 =	vsel vm14, $0x4, v6;
	v7 =	vsel vm14, $0x5, v7  }
0xc: {  	v8 =	vsel vm14, $0x6, v8;
	v9 =	vsel vm14, $0x7, v9;
	v2 =	vsel vm13, $0x80, v2  }
0xd: {  	v3 =	vsel vm13, $0x81, v3;
	v4 =	vsel vm13, $0x82, v4;
	v5 =	vsel vm13, $0x83, v5  }
0xe: {  	v6 =	vsel vm13, $0x84, v6;
	v7 =	vsel vm13, $0x85, v7;
	v8 =	vsel vm13, $0x86, v8  }
0xf: {  	v9 =	vsel vm13, $0x87, v9;
	v2 =	vsel vm12, $0x100, v2;
	v3 =	vsel vm12, $0x101, v3  }
0x10: {  	v4 =	vsel vm12, $0x102, v4;
	v5 =	vsel vm12, $0x103, v5;
	v6 =	vsel vm12, $0x104, v6  }
0x11: {  	v7 =	vsel vm12, $0x105, v7;
	v8 =	vsel vm12, $0x106, v8;
	v9 =	vsel vm12, $0x107, v9  }
0x12: {  	v2 =	vsel vm11, $0x180, v2;
	v3 =	vsel vm11, $0x181, v3;
	v4 =	vsel vm11, $0x182, v4  }
0x13: {  	v5 =	vsel vm11, $0x183, v5;
	v6 =	vsel vm11, $0x184, v6;
	v7 =	vsel vm11, $0x185, v7  }
0x14: {  	v8 =	vsel vm11, $0x186, v8;
	v9 =	vsel vm11, $0x187, v9;
	v2 =	vsel vm10, $0x200, v2  }
0x15: {  	v3 =	vsel vm10, $0x201, v3;
	v4 =	vsel vm10, $0x202, v4;
	v5 =	vsel vm10, $0x203, v5  }
0x16: {  	v6 =	vsel vm10, $0x204, v6;
	v7 =	vsel vm10, $0x205, v7;
	v8 =	vsel vm10, $0x206, v8  }
0x17: {  	v9 =	vsel vm10, $0x207, v9;
	v2 =	vsel vm9, $0x280, v2;
	v3 =	vsel vm9, $0x281, v3  }
0x18: {  	v4 =	vsel vm9, $0x282, v4;
	v5 =	vsel vm9, $0x283, v5;
	v6 =	vsel vm9, $0x284, v6  }
0x19: {  	v7 =	vsel vm9, $0x285, v7;
	v8 =	vsel vm9, $0x286, v8;
	v9 =	vsel vm9, $0x287, v9  }
0x1a: {  	v2 =	vsel vm8, $0x300, v2;
	v3 =	vsel vm8, $0x301, v3;
	v4 =	vsel vm8, $0x302, v4  }
0x1b: {  	v5 =	vsel vm8, $0x303, v5;
	v6 =	vsel vm8, $0x304, v6;
	v7 =	vsel vm8, $0x305, v7  }
0x1c: {  	v8 =	vsel vm8, $0x306, v8;
	v9 =	vsel vm8, $0x307, v9;
	v2 =	vsel vm7, $0x380, v2  }
0x1d: {  	v3 =	vsel vm7, $0x381, v3;
	v4 =	vsel vm7, $0x382, v4;
	v5 =	vsel vm7, $0x383, v5  }
0x1e: {  	v6 =	vsel vm7, $0x384, v6;
	v7 =	vsel vm7, $0x385, v7;
	v8 =	vsel vm7, $0x386, v8  }
0x1f: {  	v9 =	vsel vm7, $0x387, v9;
	v2 =	vsel vm6, $0x1400, v2;
	v3 =	vsel vm6, $0x1401, v3  }
0x20: {  	v4 =	vsel vm6, $0x1402, v4;
	v5 =	vsel vm6, $0x1403, v5;
	v6 =	vsel vm6, $0x1404, v6  }
0x21: {  	s0 =	rddreg [dreg:$0x2];
	v7 =	vsel vm6, $0x1405, v7;
	v8 =	vsel vm6, $0x1406, v8;
	v9 =	vsel vm6, $0x1407, v9  }
0x22: {  	s1 =	rddreg [dreg:$0x8];
	v2 =	vsel vm5, $0x1480, v2;
	v3 =	vsel vm5, $0x1481, v3;
	v4 =	vsel vm5, $0x1482, v4  }
0x23: {  	s8 =	rddreg [dreg:$0x9];
	s10 =	simm.s32 $0x0;
	s2 =	srdreg.scid;
	v5 =	vsel vm5, $0x1483, v5;
	v6 =	vsel vm5, $0x1484, v6;
	v7 =	vsel vm5, $0x1485, v7  }
0x24: {  	s6 =	stileid.u32;
	s18 =	simm.s32 $0x4;
	s19 =	simm.s32 $0x2710;
	v8 =	vsel vm5, $0x1486, v8;
	v9 =	vsel vm5, $0x1487, v9;
	v2 =	vsel vm4, $0x1500, v2  }
0x25: {  	s22 =	simm.s32 $0x50A0;
	s23 =	simm.s32 $0x80;
	s13 =	simm.s32 $0x5220;
	v3 =	vsel vm4, $0x1501, v3;
	v4 =	vsel vm4, $0x1502, v4;
	v5 =	vsel vm4, $0x1503, v5  }
0x26: {  	s24 =	simm.s32 $0x1;
	s25 =	simm.s32 $0xD020;
	s9 =	simm.s32 $0x3;
	v6 =	vsel vm4, $0x1504, v6;
	v7 =	vsel vm4, $0x1505, v7;
	v8 =	vsel vm4, $0x1506, v8  }
0x27: {  	s20 =	simm.s32 $0x0;
	[smem:$0x7FF] =	sst s10;
	s11 =	sadd.s32 $0xA00, s0;
	v9 =	vsel vm4, $0x1507, v9;
	v2 =	vsel vm3, $0x1580, v2;
	v3 =	vsel vm3, $0x1581, v3  }
0x28: {  	s2 =	sand.u32 $0x1, s2;
	s3 =	smul.u32 $0x500, s6;
	s12 =	sadd.s32 $0x5A00, s0;
	v4 =	vsel vm3, $0x1582, v4;
	v5 =	vsel vm3, $0x1583, v5;
	v6 =	vsel vm3, $0x1584, v6  }
0x29: {  	s4 =	smul.u32 $0xA000, s6;
	s6 =	sshll.u32 s6, $0x1;
	_ =	strace $0x80000047;
	v7 =	vsel vm3, $0x1585, v7;
	v8 =	vsel vm3, $0x1586, v8;
	v9 =	vsel vm3, $0x1587, v9  }
0x2a: {  	s26 =	ssub.s32 $0x2, s2;
	s7 =	smul.u32 $0x5000, s2;
	s28 =	sor.u32 s6, s2;
	v2 =	vsel vm2, $0x1600, v2;
	v3 =	vsel vm2, $0x1601, v3;
	v4 =	vsel vm2, $0x1602, v4  }
0x2b: {  	s6 =	simm.s32 $0x2;
	s2 =	simm.s32 $0x0;
	s5 =	sshrl.u32 s26, $0x1;
	v5 =	vsel vm2, $0x1603, v5;
	v6 =	vsel vm2, $0x1604, v6;
	v7 =	vsel vm2, $0x1605, v7  }
0x2c: {  	s4 =	sshrl.u32 s4, $0x2;
	[dreg:$0xb] =	wrdreg s28;
	s30 =	ssub.s32 $0x1F3, s28;
	v8 =	vsel vm2, $0x1606, v8;
	v9 =	vsel vm2, $0x1607, v9;
	v2 =	vsel vm1, $0x1680, v2  }
0x2d: {  	s0 =	ssub.s32 s26, s5;
	s4 =	sadd.s32 s4, s8;
	s31 =	sshrl.u32 s30, $0x5;
	v3 =	vsel vm1, $0x1681, v3;
	v4 =	vsel vm1, $0x1682, v4;
	v5 =	vsel vm1, $0x1683, v5  }
0x2e: {  	s29 =	sadd.s32 s3, s7;
	s3 =	simm.s32 $0x12020;
	[dreg:$0xe] =	wrdreg s31;
	v6 =	vsel vm1, $0x1684, v6;
	v7 =	vsel vm1, $0x1685, v7;
	v8 =	vsel vm1, $0x1686, v8  }
0x2f: {  	s5 =	simm.s32 $0x5120;
	s1 =	sadd.s32 s1, s29;
	[dreg:$0xc] =	wrdreg s4;
	v9 =	vsel vm1, $0x1687, v9;
	v2 =	vsel vm0, $0x1700, v2;
	v3 =	vsel vm0, $0x1701, v3  }
0x30: {  	s7 =	simm.s32 $0x51A0;
	s0 =	smax.u32 s0, $0x1;
	[dreg:$0xd] =	wrdreg s1;
	v4 =	vsel vm0, $0x1702, v4;
	v5 =	vsel vm0, $0x1703, v5;
	v6 =	vsel vm0, $0x1704, v6  }
0x31: {  	s26 =	simm.s32 $0xCDA0;
	[dreg:$0xf] =	wrdreg s0;
	s0 =	simm.s32 $0x52A0;
	v7 =	vsel vm0, $0x1705, v7;
	v8 =	vsel vm0, $0x1706, v8;
	v9 =	vsel vm0, $0x1707, v9  }
.LBB2_1:
0x32: {  	[dreg:$0x10] =	wrdreg s2  }
0x33: {  	s1 =	rddreg [dreg:$0x3]  }
0x34: {  	[tilespmem:s10], [sflag:$0x4] =	stream.linear.gather [hbm4b:s1+s10], $0x2710, $0x38;
	[tilespmem:$0x17020] =	vst v63  }
0x35: {  	_ =	swait.ge [sflag:s18], $0x2710  }
0x36: {  	[sflag:s18] =	ssyncset.done $0x0  }
0x37: {  	[sflag:s18] =	ssyncadd.s32 $0xFFFFD8F0  }
0x38: {  	s31 =	rddreg [dreg:$0x4]  }
0x39: {  	[tilespmem:s19], [sflag:$0x4] =	stream.linear.gather [hbm4b:s31+s10], $0x2710, $0x38;
	[tilespmem:$0x17020] =	vst v63  }
0x3a: {  	_ =	swait.ge [sflag:s18], $0x2710  }
0x3b: {  	[sflag:s18] =	ssyncset.done $0x0  }
0x3c: {  	s2 =	simm.s32 $0x0;
	s1 =	simm.s32 $0x40;
	[sflag:s18] =	ssyncadd.s32 $0xFFFFD8F0  }
.LBB2_2:
0x3d: {  	p0 =	sne.s32 s1, $0x9FC0;
	[tilespmem:s2+$0x12020] =	vst v0;
	s2 =	smov.u32 s1;
	s1 =	sadd.s32 $0x40, s1  }
.Ltmp0:
0x3e: {  	(pc) =	sbr.rel @p0 .LBB2_2-.Ltmp0, $2  }
0x3f: {  	_ =	sdelay $0x2  }
0x40: {  	s2 =	sshra.s32 s2, $0x2  }
0x41: {  	[tilespmem:s2+$0x12020] =	vst v0  }
0x42: {  	[spmem:s4] =	stream.linear.scatter [tilespmem:s3], [sflag:$0x4], $0x2800, $0x38;
	[tilespmem:$0x17020] =	vst v63  }
0x43: {  	_ =	swait.ge [sflag:s18], $0x2800  }
0x44: {  	[sflag:s18] =	ssyncset.done $0x0  }
0x45: {  	[sflag:s18] =	ssyncadd.s32 $0xFFFFD800  }
0x46: {  	s14 =	simm.s32 $0x0;
	[bflag:$0x0] =	sbarrier.arrive $0xFFFF  }
.LBB2_4:
0x47: {  	s1 =	sshll.u32 s14, $0x5;
	s2 =	rddreg [dreg:$0xb]  }
0x48: {  	s1 =	sor.u32 s2, s1  }
0x49: {  	s2 =	smul.u32 $0x280, s1;
	_ =	sdelay $0x1  }
0x4a: {  	s3 =	rddreg [dreg:$0x0];
	s2 =	sshrl.u32 s2, $0x3  }
0x4b: {  	s4 =	simm.s32 $0x4E20;
	s3 =	sadd.s32 s3, s2  }
0x4c: {  	[tilespmem:s4], [sflag:$0x4] =	stream.linear.gather [hbm4b:s3+s20], $0x280, $0x38;
	[tilespmem:$0x17020] =	vst v63  }
0x4d: {  	_ =	swait.ge [sflag:s18], $0x280  }
0x4e: {  	[sflag:s18] =	ssyncset.done $0x0  }
0x4f: {  	[sflag:s18] =	ssyncadd.s32 $0xFFFFFD80  }
0x50: {  	s21 =	rddreg [dreg:$0x1]  }
0x51: {  	s3 =	sadd.s32 s21, s2  }
0x52: {  	[tilespmem:s22], [sflag:$0x4] =	stream.linear.gather [hbm4b:s3+s20], $0x280, $0x38;
	[tilespmem:$0x17020] =	vst v63  }
0x53: {  	_ =	swait.ge [sflag:s18], $0x280  }
0x54: {  	[sflag:s18] =	ssyncset.done $0x0  }
0x55: {  	s29 =	simm.s32 $0x5320;
	[sflag:s18] =	ssyncadd.s32 $0xFFFFFD80  }
0x56: {  	[tilespmem:s29], [sflag:$0x1] =	stream.indirect.gather [hbm4b:s11+s23], $0x10, s4, s23, $0xb8;
	[tilespmem:$0x17020] =	vst v63  }
0x57: {  	s10 =	simm.s32 $0x7B20  }
0x58: {  	[tilespmem:s10], [sflag:$0x1] =	stream.indirect.gather [hbm4b:s12+s23], $0x10, s22, s23, $0xb8;
	[tilespmem:$0x17020] =	vst v63  }
0x59: {  	s15 =	simm.s32 $0x4EA0;
	s16 =	simm.s32 $0x5B20  }
0x5a: {  	[tilespmem:s16], [sflag:$0x1] =	stream.indirect.gather [hbm4b:s11+s23], $0x10, s15, s23, $0xb8;
	[tilespmem:$0x17020] =	vst v63  }
0x5b: {  	s17 =	simm.s32 $0x8320  }
0x5c: {  	[tilespmem:s17], [sflag:$0x1] =	stream.indirect.gather [hbm4b:s12+s23], $0x10, s5, s23, $0xb8;
	[tilespmem:$0x17020] =	vst v63  }
0x5d: {  	s21 =	simm.s32 $0x4F20;
	s29 =	simm.s32 $0x6320  }
0x5e: {  	[tilespmem:s29], [sflag:$0x1] =	stream.indirect.gather [hbm4b:s11+s23], $0x10, s21, s23, $0xb8;
	[tilespmem:$0x17020] =	vst v63  }
0x5f: {  	s5 =	simm.s32 $0x8B20  }
0x60: {  	[tilespmem:s5], [sflag:$0x1] =	stream.indirect.gather [hbm4b:s12+s23], $0x10, s7, s23, $0xb8;
	[tilespmem:$0x17020] =	vst v63  }
0x61: {  	s10 =	simm.s32 $0x4FA0;
	s15 =	simm.s32 $0x6B20  }
0x62: {  	[tilespmem:s15], [sflag:$0x1] =	stream.indirect.gather [hbm4b:s11+s23], $0x10, s10, s23, $0xb8;
	[tilespmem:$0x17020] =	vst v63  }
0x63: {  	s16 =	simm.s32 $0x9320  }
0x64: {  	[tilespmem:s16], [sflag:$0x1] =	stream.indirect.gather [hbm4b:s12+s23], $0x10, s13, s23, $0xb8;
	[tilespmem:$0x17020] =	vst v63  }
0x65: {  	s17 =	simm.s32 $0x5020;
	s21 =	simm.s32 $0x7320;
	s29 =	smul.u32 $0x2800, s1  }
0x66: {  	[tilespmem:s21], [sflag:$0x1] =	stream.indirect.gather [hbm4b:s11+s23], $0x10, s17, s23, $0xb8;
	[tilespmem:$0x17020] =	vst v63  }
0x67: {  	s5 =	simm.s32 $0x9B20;
	s3 =	sshrl.u32 s29, $0x3;
	s7 =	rddreg [dreg:$0x5]  }
0x68: {  	[tilespmem:s5], [sflag:$0x1] =	stream.indirect.gather [hbm4b:s12+s23], $0x10, s0, s23, $0xb8;
	[tilespmem:$0x17020] =	vst v63  }
0x69: {  	s3 =	sadd.s32 s7, s3;
	s10 =	simm.s32 $0xA320;
	s13 =	rddreg [dreg:$0x6]  }
0x6a: {  	[tilespmem:s10], [sflag:$0x2] =	stream.linear.gather [hbm4b:s3+s20], $0x2800, $0x38;
	[tilespmem:$0x17020] =	vst v63  }
0x6b: {  	s15 =	simm.s32 $0xCB20;
	s2 =	sadd.s32 s13, s2  }
0x6c: {  	[tilespmem:s15], [sflag:$0x2] =	stream.linear.gather [hbm4b:s2+s20], $0x280, $0x38;
	[tilespmem:$0x17020] =	vst v63  }
0x6d: {  	_ =	swait.ge [sflag:s6], $0x2800  }
0x6e: {  	[sflag:s6] =	ssyncset.done $0x0  }
0x6f: {  	[sflag:s6] =	ssyncadd.s32 $0xFFFFD800  }
0x70: {  	_ =	swait.ge [sflag:s6], $0x280  }
0x71: {  	[sflag:s6] =	ssyncset.done $0x0  }
0x72: {  	[sflag:s6] =	ssyncadd.s32 $0xFFFFFD80  }
0x73: {  	v10 =	vld [tilespmem:$0x4E20]  }
0x74: {  	v11 =	vld [tilespmem:$0x50A0];
	_ =	sdelay $0x6  }
0x75: {  	v10 =	vld.idx.msk [tilespmem:v10+s20+$0x0], $0xffff  }
0x76: {  	v11 =	vld.idx.msk [tilespmem:v11+s19+$0x0], $0xffff;
	_ =	sdelay $0x1  }
0x77: {  	v12 =	vld [tilespmem:$0xCB20];
	_ =	sdelay $0x2  }
0x78: {  	v10 =	vadd.f32 v11, v10;
	_ =	sdelay $0x1  }
0x79: {  	v10 =	vadd.f32 v12, v10;
	_ =	sdelay $0x1  }
0x7a: {  	v10 =	vsub.f32 $0.0e+00, v10;
	_ =	sdelay $0x1  }
0x7b: {  	v10 =	vmul.f32 $1.442695020e+00, v10;
	_ =	sdelay $0x1  }
0x7c: {  	(erf) = vpow2.f32 v10;
	_ =	sdelay $0x8  }
0x7d: {  	v10 =	vpop (erf)  }
0x7e: {  	v10 =	vadd.f32 $1.000000000e+00, v10;
	_ =	sdelay $0x1  }
0x7f: {  	(erf) = vrcp.f32 v10;
	_ =	sdelay $0x2  }
0x80: {  	v10 =	vld [tilespmem:$0x4E30]  }
0x81: {  	v11 =	vld [tilespmem:$0x50B0];
	_ =	sdelay $0x4  }
0x82: {  	v12 =	vpop (erf)  }
0x83: {  	[tilespmem:$0xCDA0] =	vst v12  }
0x84: {  	v10 =	vld.idx.msk [tilespmem:v10+s20+$0x0], $0xffff  }
0x85: {  	v11 =	vld.idx.msk [tilespmem:v11+s19+$0x0], $0xffff;
	_ =	sdelay $0x1  }
0x86: {  	v12 =	vld [tilespmem:$0xCB30];
	_ =	sdelay $0x2  }
0x87: {  	v10 =	vadd.f32 v11, v10;
	_ =	sdelay $0x1  }
0x88: {  	v10 =	vadd.f32 v12, v10;
	_ =	sdelay $0x1  }
0x89: {  	v10 =	vsub.f32 $0.0e+00, v10;
	_ =	sdelay $0x1  }
0x8a: {  	v10 =	vmul.f32 $1.442695020e+00, v10;
	_ =	sdelay $0x1  }
0x8b: {  	(erf) = vpow2.f32 v10;
	_ =	sdelay $0x8  }
0x8c: {  	v10 =	vpop (erf)  }
0x8d: {  	v10 =	vadd.f32 $1.000000000e+00, v10;
	_ =	sdelay $0x1  }
0x8e: {  	(erf) = vrcp.f32 v10;
	_ =	sdelay $0x2  }
0x8f: {  	v10 =	vld [tilespmem:$0x4E40]  }
0x90: {  	v11 =	vld [tilespmem:$0x50C0];
	_ =	sdelay $0x4  }
0x91: {  	v12 =	vpop (erf)  }
0x92: {  	[tilespmem:$0xCDB0] =	vst v12  }
0x93: {  	v10 =	vld.idx.msk [tilespmem:v10+s20+$0x0], $0xffff  }
0x94: {  	v11 =	vld.idx.msk [tilespmem:v11+s19+$0x0], $0xffff;
	_ =	sdelay $0x1  }
0x95: {  	v12 =	vld [tilespmem:$0xCB40];
	_ =	sdelay $0x2  }
0x96: {  	v10 =	vadd.f32 v11, v10;
	_ =	sdelay $0x1  }
0x97: {  	v10 =	vadd.f32 v12, v10;
	_ =	sdelay $0x1  }
0x98: {  	v10 =	vsub.f32 $0.0e+00, v10;
	_ =	sdelay $0x1  }
0x99: {  	v10 =	vmul.f32 $1.442695020e+00, v10;
	_ =	sdelay $0x1  }
0x9a: {  	(erf) = vpow2.f32 v10;
	_ =	sdelay $0x8  }
0x9b: {  	v10 =	vpop (erf)  }
0x9c: {  	v10 =	vadd.f32 $1.000000000e+00, v10;
	_ =	sdelay $0x1  }
0x9d: {  	(erf) = vrcp.f32 v10;
	_ =	sdelay $0x2  }
0x9e: {  	v10 =	vld [tilespmem:$0x4E50]  }
0x9f: {  	v11 =	vld [tilespmem:$0x50D0];
	_ =	sdelay $0x4  }
0xa0: {  	v12 =	vpop (erf)  }
0xa1: {  	[tilespmem:$0xCDC0] =	vst v12  }
0xa2: {  	v10 =	vld.idx.msk [tilespmem:v10+s20+$0x0], $0xffff  }
0xa3: {  	v11 =	vld.idx.msk [tilespmem:v11+s19+$0x0], $0xffff;
	_ =	sdelay $0x1  }
0xa4: {  	v12 =	vld [tilespmem:$0xCB50];
	_ =	sdelay $0x2  }
0xa5: {  	v10 =	vadd.f32 v11, v10;
	_ =	sdelay $0x1  }
0xa6: {  	v10 =	vadd.f32 v12, v10;
	_ =	sdelay $0x1  }
0xa7: {  	v10 =	vsub.f32 $0.0e+00, v10;
	_ =	sdelay $0x1  }
0xa8: {  	v10 =	vmul.f32 $1.442695020e+00, v10;
	_ =	sdelay $0x1  }
0xa9: {  	(erf) = vpow2.f32 v10;
	_ =	sdelay $0x8  }
0xaa: {  	v10 =	vpop (erf)  }
0xab: {  	v10 =	vadd.f32 $1.000000000e+00, v10;
	_ =	sdelay $0x1  }
0xac: {  	(erf) = vrcp.f32 v10;
	_ =	sdelay $0x2  }
0xad: {  	v10 =	vld [tilespmem:$0x4E60]  }
0xae: {  	v11 =	vld [tilespmem:$0x50E0];
	_ =	sdelay $0x4  }
0xaf: {  	v12 =	vpop (erf)  }
0xb0: {  	[tilespmem:$0xCDD0] =	vst v12  }
0xb1: {  	v10 =	vld.idx.msk [tilespmem:v10+s20+$0x0], $0xffff  }
0xb2: {  	v11 =	vld.idx.msk [tilespmem:v11+s19+$0x0], $0xffff;
	_ =	sdelay $0x1  }
0xb3: {  	v12 =	vld [tilespmem:$0xCB60];
	_ =	sdelay $0x2  }
0xb4: {  	v10 =	vadd.f32 v11, v10;
	_ =	sdelay $0x1  }
0xb5: {  	v10 =	vadd.f32 v12, v10;
	_ =	sdelay $0x1  }
0xb6: {  	v10 =	vsub.f32 $0.0e+00, v10;
	_ =	sdelay $0x1  }
0xb7: {  	v10 =	vmul.f32 $1.442695020e+00, v10;
	_ =	sdelay $0x1  }
0xb8: {  	(erf) = vpow2.f32 v10;
	_ =	sdelay $0x8  }
0xb9: {  	v10 =	vpop (erf)  }
0xba: {  	v10 =	vadd.f32 $1.000000000e+00, v10;
	_ =	sdelay $0x1  }
0xbb: {  	(erf) = vrcp.f32 v10;
	_ =	sdelay $0x2  }
0xbc: {  	v10 =	vld [tilespmem:$0x4E70]  }
0xbd: {  	v11 =	vld [tilespmem:$0x50F0];
	_ =	sdelay $0x4  }
0xbe: {  	v12 =	vpop (erf)  }
0xbf: {  	[tilespmem:$0xCDE0] =	vst v12  }
0xc0: {  	v10 =	vld.idx.msk [tilespmem:v10+s20+$0x0], $0xffff  }
0xc1: {  	v11 =	vld.idx.msk [tilespmem:v11+s19+$0x0], $0xffff;
	_ =	sdelay $0x1  }
0xc2: {  	v12 =	vld [tilespmem:$0xCB70];
	_ =	sdelay $0x2  }
0xc3: {  	v10 =	vadd.f32 v11, v10;
	_ =	sdelay $0x1  }
0xc4: {  	v10 =	vadd.f32 v12, v10;
	_ =	sdelay $0x1  }
0xc5: {  	v10 =	vsub.f32 $0.0e+00, v10;
	_ =	sdelay $0x1  }
0xc6: {  	v10 =	vmul.f32 $1.442695020e+00, v10;
	_ =	sdelay $0x1  }
0xc7: {  	(erf) = vpow2.f32 v10;
	_ =	sdelay $0x8  }
0xc8: {  	v10 =	vpop (erf)  }
0xc9: {  	v10 =	vadd.f32 $1.000000000e+00, v10;
	_ =	sdelay $0x1  }
0xca: {  	(erf) = vrcp.f32 v10;
	_ =	sdelay $0x2  }
0xcb: {  	v10 =	vld [tilespmem:$0x4E80]  }
0xcc: {  	v11 =	vld [tilespmem:$0x5100];
	_ =	sdelay $0x4  }
0xcd: {  	v12 =	vpop (erf)  }
0xce: {  	[tilespmem:$0xCDF0] =	vst v12  }
0xcf: {  	v10 =	vld.idx.msk [tilespmem:v10+s20+$0x0], $0xffff  }
0xd0: {  	v11 =	vld.idx.msk [tilespmem:v11+s19+$0x0], $0xffff;
	_ =	sdelay $0x1  }
0xd1: {  	v12 =	vld [tilespmem:$0xCB80];
	_ =	sdelay $0x2  }
0xd2: {  	v10 =	vadd.f32 v11, v10;
	_ =	sdelay $0x1  }
0xd3: {  	v10 =	vadd.f32 v12, v10;
	_ =	sdelay $0x1  }
0xd4: {  	v10 =	vsub.f32 $0.0e+00, v10;
	_ =	sdelay $0x1  }
0xd5: {  	v10 =	vmul.f32 $1.442695020e+00, v10;
	_ =	sdelay $0x1  }
0xd6: {  	(erf) = vpow2.f32 v10;
	_ =	sdelay $0x8  }
0xd7: {  	v10 =	vpop (erf)  }
0xd8: {  	v10 =	vadd.f32 $1.000000000e+00, v10;
	_ =	sdelay $0x1  }
0xd9: {  	(erf) = vrcp.f32 v10;
	_ =	sdelay $0x2  }
0xda: {  	v10 =	vld [tilespmem:$0x4E90]  }
0xdb: {  	v11 =	vld [tilespmem:$0x5110];
	_ =	sdelay $0x4  }
0xdc: {  	v12 =	vpop (erf)  }
0xdd: {  	[tilespmem:$0xCE00] =	vst v12  }
0xde: {  	v10 =	vld.idx.msk [tilespmem:v10+s20+$0x0], $0xffff  }
0xdf: {  	v11 =	vld.idx.msk [tilespmem:v11+s19+$0x0], $0xffff;
	_ =	sdelay $0x1  }
0xe0: {  	v12 =	vld [tilespmem:$0xCB90];
	_ =	sdelay $0x2  }
0xe1: {  	v10 =	vadd.f32 v11, v10;
	_ =	sdelay $0x1  }
0xe2: {  	v10 =	vadd.f32 v12, v10;
	_ =	sdelay $0x1  }
0xe3: {  	v10 =	vsub.f32 $0.0e+00, v10;
	_ =	sdelay $0x1  }
0xe4: {  	v10 =	vmul.f32 $1.442695020e+00, v10;
	_ =	sdelay $0x1  }
0xe5: {  	(erf) = vpow2.f32 v10;
	_ =	sdelay $0x8  }
0xe6: {  	v10 =	vpop (erf)  }
0xe7: {  	v10 =	vadd.f32 $1.000000000e+00, v10;
	_ =	sdelay $0x1  }
0xe8: {  	(erf) = vrcp.f32 v10;
	_ =	sdelay $0x2  }
0xe9: {  	v10 =	vld [tilespmem:$0x4EA0]  }
0xea: {  	v11 =	vld [tilespmem:$0x5120];
	_ =	sdelay $0x4  }
0xeb: {  	v12 =	vpop (erf)  }
0xec: {  	[tilespmem:$0xCE10] =	vst v12  }
0xed: {  	v10 =	vld.idx.msk [tilespmem:v10+s20+$0x0], $0xffff  }
0xee: {  	v11 =	vld.idx.msk [tilespmem:v11+s19+$0x0], $0xffff;
	_ =	sdelay $0x1  }
0xef: {  	v12 =	vld [tilespmem:$0xCBA0];
	_ =	sdelay $0x2  }
0xf0: {  	v10 =	vadd.f32 v11, v10;
	_ =	sdelay $0x1  }
0xf1: {  	v10 =	vadd.f32 v12, v10;
	_ =	sdelay $0x1  }
0xf2: {  	v10 =	vsub.f32 $0.0e+00, v10;
	_ =	sdelay $0x1  }
0xf3: {  	v10 =	vmul.f32 $1.442695020e+00, v10;
	_ =	sdelay $0x1  }
0xf4: {  	(erf) = vpow2.f32 v10;
	_ =	sdelay $0x8  }
0xf5: {  	v10 =	vpop (erf)  }
0xf6: {  	v10 =	vadd.f32 $1.000000000e+00, v10;
	_ =	sdelay $0x1  }
0xf7: {  	(erf) = vrcp.f32 v10;
	_ =	sdelay $0x2  }
0xf8: {  	v10 =	vld [tilespmem:$0x4EB0]  }
0xf9: {  	v11 =	vld [tilespmem:$0x5130];
	_ =	sdelay $0x4  }
0xfa: {  	v12 =	vpop (erf)  }
0xfb: {  	[tilespmem:$0xCE20] =	vst v12  }
0xfc: {  	v10 =	vld.idx.msk [tilespmem:v10+s20+$0x0], $0xffff  }
0xfd: {  	v11 =	vld.idx.msk [tilespmem:v11+s19+$0x0], $0xffff;
	_ =	sdelay $0x1  }
0xfe: {  	v12 =	vld [tilespmem:$0xCBB0];
	_ =	sdelay $0x2  }
0xff: {  	v10 =	vadd.f32 v11, v10;
	_ =	sdelay $0x1  }
0x100: {  	v10 =	vadd.f32 v12, v10;
	_ =	sdelay $0x1  }
0x101: {  	v10 =	vsub.f32 $0.0e+00, v10;
	_ =	sdelay $0x1  }
0x102: {  	v10 =	vmul.f32 $1.442695020e+00, v10;
	_ =	sdelay $0x1  }
0x103: {  	(erf) = vpow2.f32 v10;
	_ =	sdelay $0x8  }
0x104: {  	v10 =	vpop (erf)  }
0x105: {  	v10 =	vadd.f32 $1.000000000e+00, v10;
	_ =	sdelay $0x1  }
0x106: {  	(erf) = vrcp.f32 v10;
	_ =	sdelay $0x2  }
0x107: {  	v10 =	vld [tilespmem:$0x4EC0]  }
0x108: {  	v11 =	vld [tilespmem:$0x5140];
	_ =	sdelay $0x4  }
0x109: {  	v12 =	vpop (erf)  }
0x10a: {  	[tilespmem:$0xCE30] =	vst v12  }
0x10b: {  	v10 =	vld.idx.msk [tilespmem:v10+s20+$0x0], $0xffff  }
0x10c: {  	v11 =	vld.idx.msk [tilespmem:v11+s19+$0x0], $0xffff;
	_ =	sdelay $0x1  }
0x10d: {  	v12 =	vld [tilespmem:$0xCBC0];
	_ =	sdelay $0x2  }
0x10e: {  	v10 =	vadd.f32 v11, v10;
	_ =	sdelay $0x1  }
0x10f: {  	v10 =	vadd.f32 v12, v10;
	_ =	sdelay $0x1  }
0x110: {  	v10 =	vsub.f32 $0.0e+00, v10;
	_ =	sdelay $0x1  }
0x111: {  	v10 =	vmul.f32 $1.442695020e+00, v10;
	_ =	sdelay $0x1  }
0x112: {  	(erf) = vpow2.f32 v10;
	_ =	sdelay $0x8  }
0x113: {  	v10 =	vpop (erf)  }
0x114: {  	v10 =	vadd.f32 $1.000000000e+00, v10;
	_ =	sdelay $0x1  }
0x115: {  	(erf) = vrcp.f32 v10;
	_ =	sdelay $0x2  }
0x116: {  	v10 =	vld [tilespmem:$0x4ED0]  }
0x117: {  	v11 =	vld [tilespmem:$0x5150];
	_ =	sdelay $0x4  }
0x118: {  	v12 =	vpop (erf)  }
0x119: {  	[tilespmem:$0xCE40] =	vst v12  }
0x11a: {  	v10 =	vld.idx.msk [tilespmem:v10+s20+$0x0], $0xffff  }
0x11b: {  	v11 =	vld.idx.msk [tilespmem:v11+s19+$0x0], $0xffff;
	_ =	sdelay $0x1  }
0x11c: {  	v12 =	vld [tilespmem:$0xCBD0];
	_ =	sdelay $0x2  }
0x11d: {  	v10 =	vadd.f32 v11, v10;
	_ =	sdelay $0x1  }
0x11e: {  	v10 =	vadd.f32 v12, v10;
	_ =	sdelay $0x1  }
0x11f: {  	v10 =	vsub.f32 $0.0e+00, v10;
	_ =	sdelay $0x1  }
0x120: {  	v10 =	vmul.f32 $1.442695020e+00, v10;
	_ =	sdelay $0x1  }
0x121: {  	(erf) = vpow2.f32 v10;
	_ =	sdelay $0x8  }
0x122: {  	v10 =	vpop (erf)  }
0x123: {  	v10 =	vadd.f32 $1.000000000e+00, v10;
	_ =	sdelay $0x1  }
0x124: {  	(erf) = vrcp.f32 v10;
	_ =	sdelay $0x2  }
0x125: {  	v10 =	vld [tilespmem:$0x4EE0]  }
0x126: {  	v11 =	vld [tilespmem:$0x5160];
	_ =	sdelay $0x4  }
0x127: {  	v12 =	vpop (erf)  }
0x128: {  	[tilespmem:$0xCE50] =	vst v12  }
0x129: {  	v10 =	vld.idx.msk [tilespmem:v10+s20+$0x0], $0xffff  }
0x12a: {  	v11 =	vld.idx.msk [tilespmem:v11+s19+$0x0], $0xffff;
	_ =	sdelay $0x1  }
0x12b: {  	v12 =	vld [tilespmem:$0xCBE0];
	_ =	sdelay $0x2  }
0x12c: {  	v10 =	vadd.f32 v11, v10;
	_ =	sdelay $0x1  }
0x12d: {  	v10 =	vadd.f32 v12, v10;
	_ =	sdelay $0x1  }
0x12e: {  	v10 =	vsub.f32 $0.0e+00, v10;
	_ =	sdelay $0x1  }
0x12f: {  	v10 =	vmul.f32 $1.442695020e+00, v10;
	_ =	sdelay $0x1  }
0x130: {  	(erf) = vpow2.f32 v10;
	_ =	sdelay $0x8  }
0x131: {  	v10 =	vpop (erf)  }
0x132: {  	v10 =	vadd.f32 $1.000000000e+00, v10;
	_ =	sdelay $0x1  }
0x133: {  	(erf) = vrcp.f32 v10;
	_ =	sdelay $0x2  }
0x134: {  	v10 =	vld [tilespmem:$0x4EF0]  }
0x135: {  	v11 =	vld [tilespmem:$0x5170];
	_ =	sdelay $0x4  }
0x136: {  	v12 =	vpop (erf)  }
0x137: {  	[tilespmem:$0xCE60] =	vst v12  }
0x138: {  	v10 =	vld.idx.msk [tilespmem:v10+s20+$0x0], $0xffff  }
0x139: {  	v11 =	vld.idx.msk [tilespmem:v11+s19+$0x0], $0xffff;
	_ =	sdelay $0x1  }
0x13a: {  	v12 =	vld [tilespmem:$0xCBF0];
	_ =	sdelay $0x2  }
0x13b: {  	v10 =	vadd.f32 v11, v10;
	_ =	sdelay $0x1  }
0x13c: {  	v10 =	vadd.f32 v12, v10;
	_ =	sdelay $0x1  }
0x13d: {  	v10 =	vsub.f32 $0.0e+00, v10;
	_ =	sdelay $0x1  }
0x13e: {  	v10 =	vmul.f32 $1.442695020e+00, v10;
	_ =	sdelay $0x1  }
0x13f: {  	(erf) = vpow2.f32 v10;
	_ =	sdelay $0x8  }
0x140: {  	v10 =	vpop (erf)  }
0x141: {  	v10 =	vadd.f32 $1.000000000e+00, v10;
	_ =	sdelay $0x1  }
0x142: {  	(erf) = vrcp.f32 v10;
	_ =	sdelay $0x2  }
0x143: {  	v10 =	vld [tilespmem:$0x4F00]  }
0x144: {  	v11 =	vld [tilespmem:$0x5180];
	_ =	sdelay $0x4  }
0x145: {  	v12 =	vpop (erf)  }
0x146: {  	[tilespmem:$0xCE70] =	vst v12  }
0x147: {  	v10 =	vld.idx.msk [tilespmem:v10+s20+$0x0], $0xffff  }
0x148: {  	v11 =	vld.idx.msk [tilespmem:v11+s19+$0x0], $0xffff;
	_ =	sdelay $0x1  }
0x149: {  	v12 =	vld [tilespmem:$0xCC00];
	_ =	sdelay $0x2  }
0x14a: {  	v10 =	vadd.f32 v11, v10;
	_ =	sdelay $0x1  }
0x14b: {  	v10 =	vadd.f32 v12, v10;
	_ =	sdelay $0x1  }
0x14c: {  	v10 =	vsub.f32 $0.0e+00, v10;
	_ =	sdelay $0x1  }
0x14d: {  	v10 =	vmul.f32 $1.442695020e+00, v10;
	_ =	sdelay $0x1  }
0x14e: {  	(erf) = vpow2.f32 v10;
	_ =	sdelay $0x8  }
0x14f: {  	v10 =	vpop (erf)  }
0x150: {  	v10 =	vadd.f32 $1.000000000e+00, v10;
	_ =	sdelay $0x1  }
0x151: {  	(erf) = vrcp.f32 v10;
	_ =	sdelay $0x2  }
0x152: {  	v10 =	vld [tilespmem:$0x4F10]  }
0x153: {  	v11 =	vld [tilespmem:$0x5190];
	_ =	sdelay $0x4  }
0x154: {  	v12 =	vpop (erf)  }
0x155: {  	[tilespmem:$0xCE80] =	vst v12  }
0x156: {  	v10 =	vld.idx.msk [tilespmem:v10+s20+$0x0], $0xffff  }
0x157: {  	v11 =	vld.idx.msk [tilespmem:v11+s19+$0x0], $0xffff;
	_ =	sdelay $0x1  }
0x158: {  	v12 =	vld [tilespmem:$0xCC10];
	_ =	sdelay $0x2  }
0x159: {  	v10 =	vadd.f32 v11, v10;
	_ =	sdelay $0x1  }
0x15a: {  	v10 =	vadd.f32 v12, v10;
	_ =	sdelay $0x1  }
0x15b: {  	v10 =	vsub.f32 $0.0e+00, v10;
	_ =	sdelay $0x1  }
0x15c: {  	v10 =	vmul.f32 $1.442695020e+00, v10;
	_ =	sdelay $0x1  }
0x15d: {  	(erf) = vpow2.f32 v10;
	_ =	sdelay $0x8  }
0x15e: {  	v10 =	vpop (erf)  }
0x15f: {  	v10 =	vadd.f32 $1.000000000e+00, v10;
	_ =	sdelay $0x1  }
0x160: {  	(erf) = vrcp.f32 v10;
	_ =	sdelay $0x2  }
0x161: {  	v10 =	vld [tilespmem:$0x4F20]  }
0x162: {  	v11 =	vld [tilespmem:$0x51A0];
	_ =	sdelay $0x4  }
0x163: {  	v12 =	vpop (erf)  }
0x164: {  	[tilespmem:$0xCE90] =	vst v12  }
0x165: {  	v10 =	vld.idx.msk [tilespmem:v10+s20+$0x0], $0xffff  }
0x166: {  	v11 =	vld.idx.msk [tilespmem:v11+s19+$0x0], $0xffff;
	_ =	sdelay $0x1  }
0x167: {  	v12 =	vld [tilespmem:$0xCC20];
	_ =	sdelay $0x2  }
0x168: {  	v10 =	vadd.f32 v11, v10;
	_ =	sdelay $0x1  }
0x169: {  	v10 =	vadd.f32 v12, v10;
	_ =	sdelay $0x1  }
0x16a: {  	v10 =	vsub.f32 $0.0e+00, v10;
	_ =	sdelay $0x1  }
0x16b: {  	v10 =	vmul.f32 $1.442695020e+00, v10;
	_ =	sdelay $0x1  }
0x16c: {  	(erf) = vpow2.f32 v10;
	_ =	sdelay $0x8  }
0x16d: {  	v10 =	vpop (erf)  }
0x16e: {  	v10 =	vadd.f32 $1.000000000e+00, v10;
	_ =	sdelay $0x1  }
0x16f: {  	(erf) = vrcp.f32 v10;
	_ =	sdelay $0x2  }
0x170: {  	v10 =	vld [tilespmem:$0x4F30]  }
0x171: {  	v11 =	vld [tilespmem:$0x51B0];
	_ =	sdelay $0x4  }
0x172: {  	v12 =	vpop (erf)  }
0x173: {  	[tilespmem:$0xCEA0] =	vst v12  }
0x174: {  	v10 =	vld.idx.msk [tilespmem:v10+s20+$0x0], $0xffff  }
0x175: {  	v11 =	vld.idx.msk [tilespmem:v11+s19+$0x0], $0xffff;
	_ =	sdelay $0x1  }
0x176: {  	v12 =	vld [tilespmem:$0xCC30];
	_ =	sdelay $0x2  }
0x177: {  	v10 =	vadd.f32 v11, v10;
	_ =	sdelay $0x1  }
0x178: {  	v10 =	vadd.f32 v12, v10;
	_ =	sdelay $0x1  }
0x179: {  	v10 =	vsub.f32 $0.0e+00, v10;
	_ =	sdelay $0x1  }
0x17a: {  	v10 =	vmul.f32 $1.442695020e+00, v10;
	_ =	sdelay $0x1  }
0x17b: {  	(erf) = vpow2.f32 v10;
	_ =	sdelay $0x8  }
0x17c: {  	v10 =	vpop (erf)  }
0x17d: {  	v10 =	vadd.f32 $1.000000000e+00, v10;
	_ =	sdelay $0x1  }
0x17e: {  	(erf) = vrcp.f32 v10;
	_ =	sdelay $0x2  }
0x17f: {  	v10 =	vld [tilespmem:$0x4F40]  }
0x180: {  	v11 =	vld [tilespmem:$0x51C0];
	_ =	sdelay $0x4  }
0x181: {  	v12 =	vpop (erf)  }
0x182: {  	[tilespmem:$0xCEB0] =	vst v12  }
0x183: {  	v10 =	vld.idx.msk [tilespmem:v10+s20+$0x0], $0xffff  }
0x184: {  	v11 =	vld.idx.msk [tilespmem:v11+s19+$0x0], $0xffff;
	_ =	sdelay $0x1  }
0x185: {  	v12 =	vld [tilespmem:$0xCC40];
	_ =	sdelay $0x2  }
0x186: {  	v10 =	vadd.f32 v11, v10;
	_ =	sdelay $0x1  }
0x187: {  	v10 =	vadd.f32 v12, v10;
	_ =	sdelay $0x1  }
0x188: {  	v10 =	vsub.f32 $0.0e+00, v10;
	_ =	sdelay $0x1  }
0x189: {  	v10 =	vmul.f32 $1.442695020e+00, v10;
	_ =	sdelay $0x1  }
0x18a: {  	(erf) = vpow2.f32 v10;
	_ =	sdelay $0x8  }
0x18b: {  	v10 =	vpop (erf)  }
0x18c: {  	v10 =	vadd.f32 $1.000000000e+00, v10;
	_ =	sdelay $0x1  }
0x18d: {  	(erf) = vrcp.f32 v10;
	_ =	sdelay $0x2  }
0x18e: {  	v10 =	vld [tilespmem:$0x4F50]  }
0x18f: {  	v11 =	vld [tilespmem:$0x51D0];
	_ =	sdelay $0x4  }
0x190: {  	v12 =	vpop (erf)  }
0x191: {  	[tilespmem:$0xCEC0] =	vst v12  }
0x192: {  	v10 =	vld.idx.msk [tilespmem:v10+s20+$0x0], $0xffff  }
0x193: {  	v11 =	vld.idx.msk [tilespmem:v11+s19+$0x0], $0xffff;
	_ =	sdelay $0x1  }
0x194: {  	v12 =	vld [tilespmem:$0xCC50];
	_ =	sdelay $0x2  }
0x195: {  	v10 =	vadd.f32 v11, v10;
	_ =	sdelay $0x1  }
0x196: {  	v10 =	vadd.f32 v12, v10;
	_ =	sdelay $0x1  }
0x197: {  	v10 =	vsub.f32 $0.0e+00, v10;
	_ =	sdelay $0x1  }
0x198: {  	v10 =	vmul.f32 $1.442695020e+00, v10;
	_ =	sdelay $0x1  }
0x199: {  	(erf) = vpow2.f32 v10;
	_ =	sdelay $0x8  }
0x19a: {  	v10 =	vpop (erf)  }
0x19b: {  	v10 =	vadd.f32 $1.000000000e+00, v10;
	_ =	sdelay $0x1  }
0x19c: {  	(erf) = vrcp.f32 v10;
	_ =	sdelay $0x2  }
0x19d: {  	v10 =	vld [tilespmem:$0x4F60]  }
0x19e: {  	v11 =	vld [tilespmem:$0x51E0];
	_ =	sdelay $0x4  }
0x19f: {  	v12 =	vpop (erf)  }
0x1a0: {  	[tilespmem:$0xCED0] =	vst v12  }
0x1a1: {  	v10 =	vld.idx.msk [tilespmem:v10+s20+$0x0], $0xffff  }
0x1a2: {  	v11 =	vld.idx.msk [tilespmem:v11+s19+$0x0], $0xffff;
	_ =	sdelay $0x1  }
0x1a3: {  	v12 =	vld [tilespmem:$0xCC60];
	_ =	sdelay $0x2  }
0x1a4: {  	v10 =	vadd.f32 v11, v10;
	_ =	sdelay $0x1  }
0x1a5: {  	v10 =	vadd.f32 v12, v10;
	_ =	sdelay $0x1  }
0x1a6: {  	v10 =	vsub.f32 $0.0e+00, v10;
	_ =	sdelay $0x1  }
0x1a7: {  	v10 =	vmul.f32 $1.442695020e+00, v10;
	_ =	sdelay $0x1  }
0x1a8: {  	(erf) = vpow2.f32 v10;
	_ =	sdelay $0x8  }
0x1a9: {  	v10 =	vpop (erf)  }
0x1aa: {  	v10 =	vadd.f32 $1.000000000e+00, v10;
	_ =	sdelay $0x1  }
0x1ab: {  	(erf) = vrcp.f32 v10;
	_ =	sdelay $0x2  }
0x1ac: {  	v10 =	vld [tilespmem:$0x4F70]  }
0x1ad: {  	v11 =	vld [tilespmem:$0x51F0];
	_ =	sdelay $0x4  }
0x1ae: {  	v12 =	vpop (erf)  }
0x1af: {  	[tilespmem:$0xCEE0] =	vst v12  }
0x1b0: {  	v10 =	vld.idx.msk [tilespmem:v10+s20+$0x0], $0xffff  }
0x1b1: {  	v11 =	vld.idx.msk [tilespmem:v11+s19+$0x0], $0xffff;
	_ =	sdelay $0x1  }
0x1b2: {  	v12 =	vld [tilespmem:$0xCC70];
	_ =	sdelay $0x2  }
0x1b3: {  	v10 =	vadd.f32 v11, v10;
	_ =	sdelay $0x1  }
0x1b4: {  	v10 =	vadd.f32 v12, v10;
	_ =	sdelay $0x1  }
0x1b5: {  	v10 =	vsub.f32 $0.0e+00, v10;
	_ =	sdelay $0x1  }
0x1b6: {  	v10 =	vmul.f32 $1.442695020e+00, v10;
	_ =	sdelay $0x1  }
0x1b7: {  	(erf) = vpow2.f32 v10;
	_ =	sdelay $0x8  }
0x1b8: {  	v10 =	vpop (erf)  }
0x1b9: {  	v10 =	vadd.f32 $1.000000000e+00, v10;
	_ =	sdelay $0x1  }
0x1ba: {  	(erf) = vrcp.f32 v10;
	_ =	sdelay $0x2  }
0x1bb: {  	v10 =	vld [tilespmem:$0x4F80]  }
0x1bc: {  	v11 =	vld [tilespmem:$0x5200];
	_ =	sdelay $0x4  }
0x1bd: {  	v12 =	vpop (erf)  }
0x1be: {  	[tilespmem:$0xCEF0] =	vst v12  }
0x1bf: {  	v10 =	vld.idx.msk [tilespmem:v10+s20+$0x0], $0xffff  }
0x1c0: {  	v11 =	vld.idx.msk [tilespmem:v11+s19+$0x0], $0xffff;
	_ =	sdelay $0x1  }
0x1c1: {  	v12 =	vld [tilespmem:$0xCC80];
	_ =	sdelay $0x2  }
0x1c2: {  	v10 =	vadd.f32 v11, v10;
	_ =	sdelay $0x1  }
0x1c3: {  	v10 =	vadd.f32 v12, v10;
	_ =	sdelay $0x1  }
0x1c4: {  	v10 =	vsub.f32 $0.0e+00, v10;
	_ =	sdelay $0x1  }
0x1c5: {  	v10 =	vmul.f32 $1.442695020e+00, v10;
	_ =	sdelay $0x1  }
0x1c6: {  	(erf) = vpow2.f32 v10;
	_ =	sdelay $0x8  }
0x1c7: {  	v10 =	vpop (erf)  }
0x1c8: {  	v10 =	vadd.f32 $1.000000000e+00, v10;
	_ =	sdelay $0x1  }
0x1c9: {  	(erf) = vrcp.f32 v10;
	_ =	sdelay $0x2  }
0x1ca: {  	v10 =	vld [tilespmem:$0x4F90]  }
0x1cb: {  	v11 =	vld [tilespmem:$0x5210];
	_ =	sdelay $0x4  }
0x1cc: {  	v12 =	vpop (erf)  }
0x1cd: {  	[tilespmem:$0xCF00] =	vst v12  }
0x1ce: {  	v10 =	vld.idx.msk [tilespmem:v10+s20+$0x0], $0xffff  }
0x1cf: {  	v11 =	vld.idx.msk [tilespmem:v11+s19+$0x0], $0xffff;
	_ =	sdelay $0x1  }
0x1d0: {  	v12 =	vld [tilespmem:$0xCC90];
	_ =	sdelay $0x2  }
0x1d1: {  	v10 =	vadd.f32 v11, v10;
	_ =	sdelay $0x1  }
0x1d2: {  	v10 =	vadd.f32 v12, v10;
	_ =	sdelay $0x1  }
0x1d3: {  	v10 =	vsub.f32 $0.0e+00, v10;
	_ =	sdelay $0x1  }
0x1d4: {  	v10 =	vmul.f32 $1.442695020e+00, v10;
	_ =	sdelay $0x1  }
0x1d5: {  	(erf) = vpow2.f32 v10;
	_ =	sdelay $0x8  }
0x1d6: {  	v10 =	vpop (erf)  }
0x1d7: {  	v10 =	vadd.f32 $1.000000000e+00, v10;
	_ =	sdelay $0x1  }
0x1d8: {  	(erf) = vrcp.f32 v10;
	_ =	sdelay $0x2  }
0x1d9: {  	v10 =	vld [tilespmem:$0x4FA0]  }
0x1da: {  	v11 =	vld [tilespmem:$0x5220];
	_ =	sdelay $0x4  }
0x1db: {  	v12 =	vpop (erf)  }
0x1dc: {  	[tilespmem:$0xCF10] =	vst v12  }
0x1dd: {  	v10 =	vld.idx.msk [tilespmem:v10+s20+$0x0], $0xffff  }
0x1de: {  	v11 =	vld.idx.msk [tilespmem:v11+s19+$0x0], $0xffff;
	_ =	sdelay $0x1  }
0x1df: {  	v12 =	vld [tilespmem:$0xCCA0];
	_ =	sdelay $0x2  }
0x1e0: {  	v10 =	vadd.f32 v11, v10;
	_ =	sdelay $0x1  }
0x1e1: {  	v10 =	vadd.f32 v12, v10;
	_ =	sdelay $0x1  }
0x1e2: {  	v10 =	vsub.f32 $0.0e+00, v10;
	_ =	sdelay $0x1  }
0x1e3: {  	v10 =	vmul.f32 $1.442695020e+00, v10;
	_ =	sdelay $0x1  }
0x1e4: {  	(erf) = vpow2.f32 v10;
	_ =	sdelay $0x8  }
0x1e5: {  	v10 =	vpop (erf)  }
0x1e6: {  	v10 =	vadd.f32 $1.000000000e+00, v10;
	_ =	sdelay $0x1  }
0x1e7: {  	(erf) = vrcp.f32 v10;
	_ =	sdelay $0x2  }
0x1e8: {  	v10 =	vld [tilespmem:$0x4FB0]  }
0x1e9: {  	v11 =	vld [tilespmem:$0x5230];
	_ =	sdelay $0x4  }
0x1ea: {  	v12 =	vpop (erf)  }
0x1eb: {  	[tilespmem:$0xCF20] =	vst v12  }
0x1ec: {  	v10 =	vld.idx.msk [tilespmem:v10+s20+$0x0], $0xffff  }
0x1ed: {  	v11 =	vld.idx.msk [tilespmem:v11+s19+$0x0], $0xffff;
	_ =	sdelay $0x1  }
0x1ee: {  	v12 =	vld [tilespmem:$0xCCB0];
	_ =	sdelay $0x2  }
0x1ef: {  	v10 =	vadd.f32 v11, v10;
	_ =	sdelay $0x1  }
0x1f0: {  	v10 =	vadd.f32 v12, v10;
	_ =	sdelay $0x1  }
0x1f1: {  	v10 =	vsub.f32 $0.0e+00, v10;
	_ =	sdelay $0x1  }
0x1f2: {  	v10 =	vmul.f32 $1.442695020e+00, v10;
	_ =	sdelay $0x1  }
0x1f3: {  	(erf) = vpow2.f32 v10;
	_ =	sdelay $0x8  }
0x1f4: {  	v10 =	vpop (erf)  }
0x1f5: {  	v10 =	vadd.f32 $1.000000000e+00, v10;
	_ =	sdelay $0x1  }
0x1f6: {  	(erf) = vrcp.f32 v10;
	_ =	sdelay $0x2  }
0x1f7: {  	v10 =	vld [tilespmem:$0x4FC0]  }
0x1f8: {  	v11 =	vld [tilespmem:$0x5240];
	_ =	sdelay $0x4  }
0x1f9: {  	v12 =	vpop (erf)  }
0x1fa: {  	[tilespmem:$0xCF30] =	vst v12  }
0x1fb: {  	v10 =	vld.idx.msk [tilespmem:v10+s20+$0x0], $0xffff  }
0x1fc: {  	v11 =	vld.idx.msk [tilespmem:v11+s19+$0x0], $0xffff;
	_ =	sdelay $0x1  }
0x1fd: {  	v12 =	vld [tilespmem:$0xCCC0];
	_ =	sdelay $0x2  }
0x1fe: {  	v10 =	vadd.f32 v11, v10;
	_ =	sdelay $0x1  }
0x1ff: {  	v10 =	vadd.f32 v12, v10;
	_ =	sdelay $0x1  }
0x200: {  	v10 =	vsub.f32 $0.0e+00, v10;
	_ =	sdelay $0x1  }
0x201: {  	v10 =	vmul.f32 $1.442695020e+00, v10;
	_ =	sdelay $0x1  }
0x202: {  	(erf) = vpow2.f32 v10;
	_ =	sdelay $0x8  }
0x203: {  	v10 =	vpop (erf)  }
0x204: {  	v10 =	vadd.f32 $1.000000000e+00, v10;
	_ =	sdelay $0x1  }
0x205: {  	(erf) = vrcp.f32 v10;
	_ =	sdelay $0x2  }
0x206: {  	v10 =	vld [tilespmem:$0x4FD0]  }
0x207: {  	v11 =	vld [tilespmem:$0x5250];
	_ =	sdelay $0x4  }
0x208: {  	v12 =	vpop (erf)  }
0x209: {  	[tilespmem:$0xCF40] =	vst v12  }
0x20a: {  	v10 =	vld.idx.msk [tilespmem:v10+s20+$0x0], $0xffff  }
0x20b: {  	v11 =	vld.idx.msk [tilespmem:v11+s19+$0x0], $0xffff;
	_ =	sdelay $0x1  }
0x20c: {  	v12 =	vld [tilespmem:$0xCCD0];
	_ =	sdelay $0x2  }
0x20d: {  	v10 =	vadd.f32 v11, v10;
	_ =	sdelay $0x1  }
0x20e: {  	v10 =	vadd.f32 v12, v10;
	_ =	sdelay $0x1  }
0x20f: {  	v10 =	vsub.f32 $0.0e+00, v10;
	_ =	sdelay $0x1  }
0x210: {  	v10 =	vmul.f32 $1.442695020e+00, v10;
	_ =	sdelay $0x1  }
0x211: {  	(erf) = vpow2.f32 v10;
	_ =	sdelay $0x8  }
0x212: {  	v10 =	vpop (erf)  }
0x213: {  	v10 =	vadd.f32 $1.000000000e+00, v10;
	_ =	sdelay $0x1  }
0x214: {  	(erf) = vrcp.f32 v10;
	_ =	sdelay $0x2  }
0x215: {  	v10 =	vld [tilespmem:$0x4FE0]  }
0x216: {  	v11 =	vld [tilespmem:$0x5260];
	_ =	sdelay $0x4  }
0x217: {  	v12 =	vpop (erf)  }
0x218: {  	[tilespmem:$0xCF50] =	vst v12  }
0x219: {  	v10 =	vld.idx.msk [tilespmem:v10+s20+$0x0], $0xffff  }
0x21a: {  	v11 =	vld.idx.msk [tilespmem:v11+s19+$0x0], $0xffff;
	_ =	sdelay $0x1  }
0x21b: {  	v12 =	vld [tilespmem:$0xCCE0];
	_ =	sdelay $0x2  }
0x21c: {  	v10 =	vadd.f32 v11, v10;
	_ =	sdelay $0x1  }
0x21d: {  	v10 =	vadd.f32 v12, v10;
	_ =	sdelay $0x1  }
0x21e: {  	v10 =	vsub.f32 $0.0e+00, v10;
	_ =	sdelay $0x1  }
0x21f: {  	v10 =	vmul.f32 $1.442695020e+00, v10;
	_ =	sdelay $0x1  }
0x220: {  	(erf) = vpow2.f32 v10;
	_ =	sdelay $0x8  }
0x221: {  	v10 =	vpop (erf)  }
0x222: {  	v10 =	vadd.f32 $1.000000000e+00, v10;
	_ =	sdelay $0x1  }
0x223: {  	(erf) = vrcp.f32 v10;
	_ =	sdelay $0x2  }
0x224: {  	v10 =	vld [tilespmem:$0x4FF0]  }
0x225: {  	v11 =	vld [tilespmem:$0x5270];
	_ =	sdelay $0x4  }
0x226: {  	v12 =	vpop (erf)  }
0x227: {  	[tilespmem:$0xCF60] =	vst v12  }
0x228: {  	v10 =	vld.idx.msk [tilespmem:v10+s20+$0x0], $0xffff  }
0x229: {  	v11 =	vld.idx.msk [tilespmem:v11+s19+$0x0], $0xffff;
	_ =	sdelay $0x1  }
0x22a: {  	v12 =	vld [tilespmem:$0xCCF0];
	_ =	sdelay $0x2  }
0x22b: {  	v10 =	vadd.f32 v11, v10;
	_ =	sdelay $0x1  }
0x22c: {  	v10 =	vadd.f32 v12, v10;
	_ =	sdelay $0x1  }
0x22d: {  	v10 =	vsub.f32 $0.0e+00, v10;
	_ =	sdelay $0x1  }
0x22e: {  	v10 =	vmul.f32 $1.442695020e+00, v10;
	_ =	sdelay $0x1  }
0x22f: {  	(erf) = vpow2.f32 v10;
	_ =	sdelay $0x8  }
0x230: {  	v10 =	vpop (erf)  }
0x231: {  	v10 =	vadd.f32 $1.000000000e+00, v10;
	_ =	sdelay $0x1  }
0x232: {  	(erf) = vrcp.f32 v10;
	_ =	sdelay $0x2  }
0x233: {  	v10 =	vld [tilespmem:$0x5000]  }
0x234: {  	v11 =	vld [tilespmem:$0x5280];
	_ =	sdelay $0x4  }
0x235: {  	v12 =	vpop (erf)  }
0x236: {  	[tilespmem:$0xCF70] =	vst v12  }
0x237: {  	v10 =	vld.idx.msk [tilespmem:v10+s20+$0x0], $0xffff  }
0x238: {  	v11 =	vld.idx.msk [tilespmem:v11+s19+$0x0], $0xffff;
	_ =	sdelay $0x1  }
0x239: {  	v12 =	vld [tilespmem:$0xCD00];
	_ =	sdelay $0x2  }
0x23a: {  	v10 =	vadd.f32 v11, v10;
	_ =	sdelay $0x1  }
0x23b: {  	v10 =	vadd.f32 v12, v10;
	_ =	sdelay $0x1  }
0x23c: {  	v10 =	vsub.f32 $0.0e+00, v10;
	_ =	sdelay $0x1  }
0x23d: {  	v10 =	vmul.f32 $1.442695020e+00, v10;
	_ =	sdelay $0x1  }
0x23e: {  	(erf) = vpow2.f32 v10;
	_ =	sdelay $0x8  }
0x23f: {  	v10 =	vpop (erf)  }
0x240: {  	v10 =	vadd.f32 $1.000000000e+00, v10;
	_ =	sdelay $0x1  }
0x241: {  	(erf) = vrcp.f32 v10;
	_ =	sdelay $0x2  }
0x242: {  	v10 =	vld [tilespmem:$0x5010]  }
0x243: {  	v11 =	vld [tilespmem:$0x5290];
	_ =	sdelay $0x4  }
0x244: {  	v12 =	vpop (erf)  }
0x245: {  	[tilespmem:$0xCF80] =	vst v12  }
0x246: {  	v10 =	vld.idx.msk [tilespmem:v10+s20+$0x0], $0xffff  }
0x247: {  	v11 =	vld.idx.msk [tilespmem:v11+s19+$0x0], $0xffff;
	_ =	sdelay $0x1  }
0x248: {  	v12 =	vld [tilespmem:$0xCD10];
	_ =	sdelay $0x2  }
0x249: {  	v10 =	vadd.f32 v11, v10;
	_ =	sdelay $0x1  }
0x24a: {  	v10 =	vadd.f32 v12, v10;
	_ =	sdelay $0x1  }
0x24b: {  	v10 =	vsub.f32 $0.0e+00, v10;
	_ =	sdelay $0x1  }
0x24c: {  	v10 =	vmul.f32 $1.442695020e+00, v10;
	_ =	sdelay $0x1  }
0x24d: {  	(erf) = vpow2.f32 v10;
	_ =	sdelay $0x8  }
0x24e: {  	v10 =	vpop (erf)  }
0x24f: {  	v10 =	vadd.f32 $1.000000000e+00, v10;
	_ =	sdelay $0x1  }
0x250: {  	(erf) = vrcp.f32 v10;
	_ =	sdelay $0x2  }
0x251: {  	v10 =	vld [tilespmem:$0x5020]  }
0x252: {  	v11 =	vld [tilespmem:$0x52A0];
	_ =	sdelay $0x4  }
0x253: {  	v12 =	vpop (erf)  }
0x254: {  	[tilespmem:$0xCF90] =	vst v12  }
0x255: {  	v10 =	vld.idx.msk [tilespmem:v10+s20+$0x0], $0xffff  }
0x256: {  	v11 =	vld.idx.msk [tilespmem:v11+s19+$0x0], $0xffff;
	_ =	sdelay $0x1  }
0x257: {  	v12 =	vld [tilespmem:$0xCD20];
	_ =	sdelay $0x2  }
0x258: {  	v10 =	vadd.f32 v11, v10;
	_ =	sdelay $0x1  }
0x259: {  	v10 =	vadd.f32 v12, v10;
	_ =	sdelay $0x1  }
0x25a: {  	v10 =	vsub.f32 $0.0e+00, v10;
	_ =	sdelay $0x1  }
0x25b: {  	v10 =	vmul.f32 $1.442695020e+00, v10;
	_ =	sdelay $0x1  }
0x25c: {  	(erf) = vpow2.f32 v10;
	_ =	sdelay $0x8  }
0x25d: {  	v10 =	vpop (erf)  }
0x25e: {  	v10 =	vadd.f32 $1.000000000e+00, v10;
	_ =	sdelay $0x1  }
0x25f: {  	(erf) = vrcp.f32 v10;
	_ =	sdelay $0x2  }
0x260: {  	v10 =	vld [tilespmem:$0x5030]  }
0x261: {  	v11 =	vld [tilespmem:$0x52B0];
	_ =	sdelay $0x4  }
0x262: {  	v12 =	vpop (erf)  }
0x263: {  	[tilespmem:$0xCFA0] =	vst v12  }
0x264: {  	v10 =	vld.idx.msk [tilespmem:v10+s20+$0x0], $0xffff  }
0x265: {  	v11 =	vld.idx.msk [tilespmem:v11+s19+$0x0], $0xffff;
	_ =	sdelay $0x1  }
0x266: {  	v12 =	vld [tilespmem:$0xCD30];
	_ =	sdelay $0x2  }
0x267: {  	v10 =	vadd.f32 v11, v10;
	_ =	sdelay $0x1  }
0x268: {  	v10 =	vadd.f32 v12, v10;
	_ =	sdelay $0x1  }
0x269: {  	v10 =	vsub.f32 $0.0e+00, v10;
	_ =	sdelay $0x1  }
0x26a: {  	v10 =	vmul.f32 $1.442695020e+00, v10;
	_ =	sdelay $0x1  }
0x26b: {  	(erf) = vpow2.f32 v10;
	_ =	sdelay $0x8  }
0x26c: {  	v10 =	vpop (erf)  }
0x26d: {  	v10 =	vadd.f32 $1.000000000e+00, v10;
	_ =	sdelay $0x1  }
0x26e: {  	(erf) = vrcp.f32 v10;
	_ =	sdelay $0x2  }
0x26f: {  	v10 =	vld [tilespmem:$0x5040]  }
0x270: {  	v11 =	vld [tilespmem:$0x52C0];
	_ =	sdelay $0x4  }
0x271: {  	v12 =	vpop (erf)  }
0x272: {  	[tilespmem:$0xCFB0] =	vst v12  }
0x273: {  	v10 =	vld.idx.msk [tilespmem:v10+s20+$0x0], $0xffff  }
0x274: {  	v11 =	vld.idx.msk [tilespmem:v11+s19+$0x0], $0xffff;
	_ =	sdelay $0x1  }
0x275: {  	v12 =	vld [tilespmem:$0xCD40];
	_ =	sdelay $0x2  }
0x276: {  	v10 =	vadd.f32 v11, v10;
	_ =	sdelay $0x1  }
0x277: {  	v10 =	vadd.f32 v12, v10;
	_ =	sdelay $0x1  }
0x278: {  	v10 =	vsub.f32 $0.0e+00, v10;
	_ =	sdelay $0x1  }
0x279: {  	v10 =	vmul.f32 $1.442695020e+00, v10;
	_ =	sdelay $0x1  }
0x27a: {  	(erf) = vpow2.f32 v10;
	_ =	sdelay $0x8  }
0x27b: {  	v10 =	vpop (erf)  }
0x27c: {  	v10 =	vadd.f32 $1.000000000e+00, v10;
	_ =	sdelay $0x1  }
0x27d: {  	(erf) = vrcp.f32 v10;
	_ =	sdelay $0x2  }
0x27e: {  	v10 =	vld [tilespmem:$0x5050]  }
0x27f: {  	v11 =	vld [tilespmem:$0x52D0];
	_ =	sdelay $0x4  }
0x280: {  	v12 =	vpop (erf)  }
0x281: {  	[tilespmem:$0xCFC0] =	vst v12  }
0x282: {  	v10 =	vld.idx.msk [tilespmem:v10+s20+$0x0], $0xffff  }
0x283: {  	v11 =	vld.idx.msk [tilespmem:v11+s19+$0x0], $0xffff;
	_ =	sdelay $0x1  }
0x284: {  	v12 =	vld [tilespmem:$0xCD50];
	_ =	sdelay $0x2  }
0x285: {  	v10 =	vadd.f32 v11, v10;
	_ =	sdelay $0x1  }
0x286: {  	v10 =	vadd.f32 v12, v10;
	_ =	sdelay $0x1  }
0x287: {  	v10 =	vsub.f32 $0.0e+00, v10;
	_ =	sdelay $0x1  }
0x288: {  	v10 =	vmul.f32 $1.442695020e+00, v10;
	_ =	sdelay $0x1  }
0x289: {  	(erf) = vpow2.f32 v10;
	_ =	sdelay $0x8  }
0x28a: {  	v10 =	vpop (erf)  }
0x28b: {  	v10 =	vadd.f32 $1.000000000e+00, v10;
	_ =	sdelay $0x1  }
0x28c: {  	(erf) = vrcp.f32 v10;
	_ =	sdelay $0x2  }
0x28d: {  	v10 =	vld [tilespmem:$0x5060]  }
0x28e: {  	v11 =	vld [tilespmem:$0x52E0];
	_ =	sdelay $0x4  }
0x28f: {  	v12 =	vpop (erf)  }
0x290: {  	[tilespmem:$0xCFD0] =	vst v12  }
0x291: {  	v10 =	vld.idx.msk [tilespmem:v10+s20+$0x0], $0xffff  }
0x292: {  	v11 =	vld.idx.msk [tilespmem:v11+s19+$0x0], $0xffff;
	_ =	sdelay $0x1  }
0x293: {  	v12 =	vld [tilespmem:$0xCD60];
	_ =	sdelay $0x2  }
0x294: {  	v10 =	vadd.f32 v11, v10;
	_ =	sdelay $0x1  }
0x295: {  	v10 =	vadd.f32 v12, v10;
	_ =	sdelay $0x1  }
0x296: {  	v10 =	vsub.f32 $0.0e+00, v10;
	_ =	sdelay $0x1  }
0x297: {  	v10 =	vmul.f32 $1.442695020e+00, v10;
	_ =	sdelay $0x1  }
0x298: {  	(erf) = vpow2.f32 v10;
	_ =	sdelay $0x8  }
0x299: {  	v10 =	vpop (erf)  }
0x29a: {  	v10 =	vadd.f32 $1.000000000e+00, v10;
	_ =	sdelay $0x1  }
0x29b: {  	(erf) = vrcp.f32 v10;
	_ =	sdelay $0x2  }
0x29c: {  	v10 =	vld [tilespmem:$0x5070]  }
0x29d: {  	v11 =	vld [tilespmem:$0x52F0];
	_ =	sdelay $0x4  }
0x29e: {  	v12 =	vpop (erf)  }
0x29f: {  	[tilespmem:$0xCFE0] =	vst v12  }
0x2a0: {  	v10 =	vld.idx.msk [tilespmem:v10+s20+$0x0], $0xffff  }
0x2a1: {  	v11 =	vld.idx.msk [tilespmem:v11+s19+$0x0], $0xffff;
	_ =	sdelay $0x1  }
0x2a2: {  	v12 =	vld [tilespmem:$0xCD70];
	_ =	sdelay $0x2  }
0x2a3: {  	v10 =	vadd.f32 v11, v10;
	_ =	sdelay $0x1  }
0x2a4: {  	v10 =	vadd.f32 v12, v10;
	_ =	sdelay $0x1  }
0x2a5: {  	v10 =	vsub.f32 $0.0e+00, v10;
	_ =	sdelay $0x1  }
0x2a6: {  	v10 =	vmul.f32 $1.442695020e+00, v10;
	_ =	sdelay $0x1  }
0x2a7: {  	(erf) = vpow2.f32 v10;
	_ =	sdelay $0x8  }
0x2a8: {  	v10 =	vpop (erf)  }
0x2a9: {  	v10 =	vadd.f32 $1.000000000e+00, v10;
	_ =	sdelay $0x1  }
0x2aa: {  	(erf) = vrcp.f32 v10;
	_ =	sdelay $0x2  }
0x2ab: {  	v10 =	vld [tilespmem:$0x5080]  }
0x2ac: {  	v11 =	vld [tilespmem:$0x5300];
	_ =	sdelay $0x4  }
0x2ad: {  	v12 =	vpop (erf)  }
0x2ae: {  	[tilespmem:$0xCFF0] =	vst v12  }
0x2af: {  	v10 =	vld.idx.msk [tilespmem:v10+s20+$0x0], $0xffff  }
0x2b0: {  	v11 =	vld.idx.msk [tilespmem:v11+s19+$0x0], $0xffff;
	_ =	sdelay $0x1  }
0x2b1: {  	v12 =	vld [tilespmem:$0xCD80];
	_ =	sdelay $0x2  }
0x2b2: {  	v10 =	vadd.f32 v11, v10;
	_ =	sdelay $0x1  }
0x2b3: {  	v10 =	vadd.f32 v12, v10;
	_ =	sdelay $0x1  }
0x2b4: {  	v10 =	vsub.f32 $0.0e+00, v10;
	_ =	sdelay $0x1  }
0x2b5: {  	v10 =	vmul.f32 $1.442695020e+00, v10;
	_ =	sdelay $0x1  }
0x2b6: {  	(erf) = vpow2.f32 v10;
	_ =	sdelay $0x8  }
0x2b7: {  	v10 =	vpop (erf)  }
0x2b8: {  	v10 =	vadd.f32 $1.000000000e+00, v10;
	_ =	sdelay $0x1  }
0x2b9: {  	(erf) = vrcp.f32 v10;
	_ =	sdelay $0x2  }
0x2ba: {  	v10 =	vld [tilespmem:$0x5090]  }
0x2bb: {  	v11 =	vld [tilespmem:$0x5310];
	_ =	sdelay $0x4  }
0x2bc: {  	v12 =	vpop (erf)  }
0x2bd: {  	[tilespmem:$0xD000] =	vst v12  }
0x2be: {  	v10 =	vld.idx.msk [tilespmem:v10+s20+$0x0], $0xffff  }
0x2bf: {  	v11 =	vld.idx.msk [tilespmem:v11+s19+$0x0], $0xffff;
	_ =	sdelay $0x1  }
0x2c0: {  	v12 =	vld [tilespmem:$0xCD90];
	_ =	sdelay $0x2  }
0x2c1: {  	v10 =	vadd.f32 v11, v10;
	_ =	sdelay $0x1  }
0x2c2: {  	v10 =	vadd.f32 v12, v10;
	_ =	sdelay $0x1  }
0x2c3: {  	v10 =	vsub.f32 $0.0e+00, v10;
	_ =	sdelay $0x1  }
0x2c4: {  	v10 =	vmul.f32 $1.442695020e+00, v10;
	_ =	sdelay $0x1  }
0x2c5: {  	(erf) = vpow2.f32 v10;
	_ =	sdelay $0x8  }
0x2c6: {  	v10 =	vpop (erf)  }
0x2c7: {  	v10 =	vadd.f32 $1.000000000e+00, v10;
	_ =	sdelay $0x1  }
0x2c8: {  	(erf) = vrcp.f32 v10;
	_ =	sdelay $0x8  }
0x2c9: {  	v10 =	vpop (erf)  }
0x2ca: {  	[tilespmem:$0xD010] =	vst v10  }
0x2cb: {  	_ =	swait.ge [sflag:s24], $0x800  }
0x2cc: {  	[sflag:s24] =	ssyncset.done $0x0  }
0x2cd: {  	[sflag:s24] =	ssyncadd.s32 $0xFFFFF800  }
0x2ce: {  	_ =	swait.ge [sflag:s24], $0x800  }
0x2cf: {  	[sflag:s24] =	ssyncset.done $0x0  }
0x2d0: {  	[sflag:s24] =	ssyncadd.s32 $0xFFFFF800  }
0x2d1: {  	_ =	swait.ge [sflag:s24], $0x800  }
0x2d2: {  	[sflag:s24] =	ssyncset.done $0x0  }
0x2d3: {  	[sflag:s24] =	ssyncadd.s32 $0xFFFFF800  }
0x2d4: {  	_ =	swait.ge [sflag:s24], $0x800  }
0x2d5: {  	[sflag:s24] =	ssyncset.done $0x0  }
0x2d6: {  	[sflag:s24] =	ssyncadd.s32 $0xFFFFF800  }
0x2d7: {  	_ =	swait.ge [sflag:s24], $0x800  }
0x2d8: {  	[sflag:s24] =	ssyncset.done $0x0  }
0x2d9: {  	[sflag:s24] =	ssyncadd.s32 $0xFFFFF800  }
0x2da: {  	_ =	swait.ge [sflag:s24], $0x800  }
0x2db: {  	[sflag:s24] =	ssyncset.done $0x0  }
0x2dc: {  	[sflag:s24] =	ssyncadd.s32 $0xFFFFF800  }
0x2dd: {  	_ =	swait.ge [sflag:s24], $0x800  }
0x2de: {  	[sflag:s24] =	ssyncset.done $0x0  }
0x2df: {  	[sflag:s24] =	ssyncadd.s32 $0xFFFFF800  }
0x2e0: {  	_ =	swait.ge [sflag:s24], $0x800  }
0x2e1: {  	[sflag:s24] =	ssyncset.done $0x0  }
0x2e2: {  	[sflag:s24] =	ssyncadd.s32 $0xFFFFF800  }
0x2e3: {  	_ =	swait.ge [sflag:s24], $0x800  }
0x2e4: {  	[sflag:s24] =	ssyncset.done $0x0  }
0x2e5: {  	[sflag:s24] =	ssyncadd.s32 $0xFFFFF800  }
0x2e6: {  	_ =	swait.ge [sflag:s24], $0x800  }
0x2e7: {  	[sflag:s24] =	ssyncset.done $0x0  }
0x2e8: {  	s16 =	sand.u32 $0x78, s20;
	s2 =	simm.s32 $0x7B60;
	[sflag:s24] =	ssyncadd.s32 $0xFFFFF800  }
0x2e9: {  	s7 =	simm.s32 $0x5360;
	v10 =	vmov s16;
	v11 =	vld [tilespmem:s2+$0xFFFFFFC0]  }
0x2ea: {  	s17 =	simm.s32 $0x0;
	v10 =	vshrl.u32 v10, $0x3;
	v12 =	vld [tilespmem:s7+$0xFFFFFFC0]  }
0x2eb: {  	s28 =	simm.s32 $0xA360;
	s5 =	sand.u32 $0xFFFFFC00, s17;
	v10 =	vshll.u32 v10, v1  }
0x2ec: {  	v13 =	vmov s20;
	v10 =	vor.u32 s5, v10;
	v14 =	vld [tilespmem:s28+$0xFFFFFFC0]  }
0x2ed: {  	v13 =	vshrl.u32 v13, $0x3;
	v10 =	vbroadcast v10, $0x0  }
0x2ee: {  	v13 =	vshll.u32 v13, v1  }
0x2ef: {  	v13 =	vbroadcast v13, $0x0;
	v10 =	vadd.s32 v2, v10;
	v11 =	vadd.f32 v11, v12;
	_ =	sdelay $0x1  }
0x2f0: {  	v11 =	vadd.f32 v14, v11;
	_ =	sdelay $0x1  }
0x2f1: {  	v11 =	vmax.f32 v11, $0.0e+00  }
0x2f2: {  	[tilespmem:v10+s25+$0x0] =	vst.idx.msk $0xffff, v11  }
0x2f3: {  	v10 =	vld.idx.msk [tilespmem:v13+s26+$0x0], $0xffff;
	_ =	sdelay $0x4  }
0x2f4: {  	v10 =	vmul.f32 v10, v11  }
0x2f5: {  	s4 =	simm.s32 $0xF860;
	s21 =	simm.s32 $0x1  }
0x2f6: {  	s29 =	sand.u32 $0x79, s21;
	[tilespmem:s4+$0xFFFFFFC0] =	vst v10  }
0x2f7: {  	v10 =	vmov s29;
	v11 =	vld [tilespmem:s2+$0xFFFFFFD0]  }
0x2f8: {  	v10 =	vshrl.u32 v10, $0x3;
	v12 =	vld [tilespmem:s7+$0xFFFFFFD0]  }
0x2f9: {  	v13 =	vmov s21;
	v10 =	vshll.u32 v10, v1  }
0x2fa: {  	v13 =	vshrl.u32 v13, $0x3;
	v14 =	vld [tilespmem:s28+$0xFFFFFFD0];
	v10 =	vor.u32 s5, v10  }
0x2fb: {  	v13 =	vshll.u32 v13, v1;
	v10 =	vbroadcast v10, $0x0  }
0x2fc: {  	v13 =	vadd.s32 $0x1, v13  }
0x2fd: {  	v10 =	vadd.s32 v3, v10;
	v11 =	vadd.f32 v11, v12;
	v12 =	vbroadcast v13, $0x0;
	_ =	sdelay $0x1  }
0x2fe: {  	v11 =	vadd.f32 v14, v11;
	_ =	sdelay $0x1  }
0x2ff: {  	v11 =	vmax.f32 v11, $0.0e+00  }
0x300: {  	[tilespmem:v10+s25+$0x0] =	vst.idx.msk $0xffff, v11  }
0x301: {  	v10 =	vld.idx.msk [tilespmem:v12+s26+$0x0], $0xffff;
	_ =	sdelay $0x4  }
0x302: {  	v10 =	vmul.f32 v10, v11  }
0x303: {  	s10 =	simm.s32 $0x2  }
0x304: {  	s15 =	sand.u32 $0x7A, s10;
	[tilespmem:s4+$0xFFFFFFD0] =	vst v10  }
0x305: {  	v10 =	vmov s15;
	v11 =	vld [tilespmem:s2+$0xFFFFFFE0]  }
0x306: {  	v10 =	vshrl.u32 v10, $0x3;
	v12 =	vld [tilespmem:s7+$0xFFFFFFE0]  }
0x307: {  	v13 =	vmov s10;
	v10 =	vshll.u32 v10, v1  }
0x308: {  	v13 =	vshrl.u32 v13, $0x3;
	v14 =	vld [tilespmem:s28+$0xFFFFFFE0];
	v10 =	vor.u32 s5, v10  }
0x309: {  	v13 =	vshll.u32 v13, v1;
	v10 =	vbroadcast v10, $0x0  }
0x30a: {  	v13 =	vadd.s32 $0x2, v13  }
0x30b: {  	v13 =	vbroadcast v13, $0x0;
	v10 =	vadd.s32 v4, v10;
	v11 =	vadd.f32 v11, v12;
	_ =	sdelay $0x1  }
0x30c: {  	v11 =	vadd.f32 v14, v11;
	_ =	sdelay $0x1  }
0x30d: {  	v11 =	vmax.f32 v11, $0.0e+00  }
0x30e: {  	[tilespmem:v10+s25+$0x0] =	vst.idx.msk $0xffff, v11  }
0x30f: {  	v10 =	vld.idx.msk [tilespmem:v13+s26+$0x0], $0xffff;
	_ =	sdelay $0x4  }
0x310: {  	v10 =	vmul.f32 v10, v11  }
0x311: {  	s16 =	simm.s32 $0x3  }
0x312: {  	s17 =	sand.u32 $0x7B, s16;
	[tilespmem:s4+$0xFFFFFFE0] =	vst v10  }
0x313: {  	v10 =	vmov s17;
	v11 =	vld [tilespmem:s7+$0xFFFFFFF0]  }
0x314: {  	v10 =	vshrl.u32 v10, $0x3;
	v12 =	vld [tilespmem:s2+$0xFFFFFFF0]  }
0x315: {  	v13 =	vmov s16;
	v10 =	vshll.u32 v10, v1  }
0x316: {  	v13 =	vshrl.u32 v13, $0x3;
	v14 =	vld [tilespmem:s28+$0xFFFFFFF0];
	v10 =	vor.u32 s5, v10  }
0x317: {  	v13 =	vshll.u32 v13, v1;
	v10 =	vbroadcast v10, $0x0  }
0x318: {  	v13 =	vadd.s32 $0x3, v13  }
0x319: {  	v13 =	vbroadcast v13, $0x0;
	v10 =	vadd.s32 v5, v10;
	v11 =	vadd.f32 v12, v11;
	_ =	sdelay $0x1  }
0x31a: {  	v11 =	vadd.f32 v14, v11;
	_ =	sdelay $0x1  }
0x31b: {  	v11 =	vmax.f32 v11, $0.0e+00  }
0x31c: {  	[tilespmem:v10+s25+$0x0] =	vst.idx.msk $0xffff, v11  }
0x31d: {  	v10 =	vld.idx.msk [tilespmem:v13+s26+$0x0], $0xffff;
	_ =	sdelay $0x4  }
0x31e: {  	v10 =	vmul.f32 v10, v11  }
0x31f: {  	s21 =	simm.s32 $0x4  }
0x320: {  	s29 =	sand.u32 $0x7C, s21;
	[tilespmem:s4+$0xFFFFFFF0] =	vst v10  }
0x321: {  	v10 =	vmov s29;
	v11 =	vld [tilespmem:s7+$0x0]  }
0x322: {  	v10 =	vshrl.u32 v10, $0x3;
	v12 =	vld [tilespmem:s2+$0x0]  }
0x323: {  	v13 =	vmov s21;
	v10 =	vshll.u32 v10, v1  }
0x324: {  	v13 =	vshrl.u32 v13, $0x3;
	v14 =	vld [tilespmem:s28+$0x0];
	v10 =	vor.u32 s5, v10  }
0x325: {  	v13 =	vshll.u32 v13, v1;
	v10 =	vbroadcast v10, $0x0  }
0x326: {  	v13 =	vadd.s32 $0x4, v13  }
0x327: {  	v13 =	vbroadcast v13, $0x0;
	v10 =	vadd.s32 v6, v10;
	v11 =	vadd.f32 v12, v11;
	_ =	sdelay $0x1  }
0x328: {  	v11 =	vadd.f32 v14, v11;
	_ =	sdelay $0x1  }
0x329: {  	v11 =	vmax.f32 v11, $0.0e+00  }
0x32a: {  	[tilespmem:v10+s25+$0x0] =	vst.idx.msk $0xffff, v11  }
0x32b: {  	v10 =	vld.idx.msk [tilespmem:v13+s26+$0x0], $0xffff;
	_ =	sdelay $0x4  }
0x32c: {  	v10 =	vmul.f32 v10, v11  }
0x32d: {  	s10 =	simm.s32 $0x5  }
0x32e: {  	s15 =	sand.u32 $0x7D, s10;
	[tilespmem:s4+$0x0] =	vst v10  }
0x32f: {  	v10 =	vmov s15;
	v11 =	vld [tilespmem:s7+$0x10]  }
0x330: {  	v10 =	vshrl.u32 v10, $0x3;
	v12 =	vld [tilespmem:s2+$0x10]  }
0x331: {  	v13 =	vmov s10;
	v10 =	vshll.u32 v10, v1  }
0x332: {  	v13 =	vshrl.u32 v13, $0x3;
	v14 =	vld [tilespmem:s28+$0x10];
	v10 =	vor.u32 s5, v10  }
0x333: {  	v13 =	vshll.u32 v13, v1;
	v10 =	vbroadcast v10, $0x0  }
0x334: {  	v13 =	vadd.s32 $0x5, v13  }
0x335: {  	v13 =	vbroadcast v13, $0x0;
	v10 =	vadd.s32 v7, v10;
	v11 =	vadd.f32 v12, v11;
	_ =	sdelay $0x1  }
0x336: {  	v11 =	vadd.f32 v14, v11;
	_ =	sdelay $0x1  }
0x337: {  	v11 =	vmax.f32 v11, $0.0e+00  }
0x338: {  	[tilespmem:v10+s25+$0x0] =	vst.idx.msk $0xffff, v11  }
0x339: {  	v10 =	vld.idx.msk [tilespmem:v13+s26+$0x0], $0xffff;
	_ =	sdelay $0x4  }
0x33a: {  	v10 =	vmul.f32 v10, v11  }
0x33b: {  	s16 =	simm.s32 $0x6  }
0x33c: {  	s17 =	sand.u32 $0x7E, s16;
	[tilespmem:s4+$0x10] =	vst v10  }
0x33d: {  	v10 =	vmov s17;
	v11 =	vld [tilespmem:s7+$0x20]  }
0x33e: {  	v10 =	vshrl.u32 v10, $0x3;
	v12 =	vld [tilespmem:s2+$0x20]  }
0x33f: {  	v13 =	vmov s16;
	v10 =	vshll.u32 v10, v1  }
0x340: {  	v13 =	vshrl.u32 v13, $0x3;
	v14 =	vld [tilespmem:s28+$0x20];
	v10 =	vor.u32 s5, v10  }
0x341: {  	v13 =	vshll.u32 v13, v1;
	v10 =	vbroadcast v10, $0x0  }
0x342: {  	v13 =	vadd.s32 $0x6, v13  }
0x343: {  	v11 =	vadd.f32 v12, v11;
	v10 =	vadd.s32 v8, v10;
	v12 =	vbroadcast v13, $0x0;
	_ =	sdelay $0x1  }
0x344: {  	v11 =	vadd.f32 v14, v11;
	_ =	sdelay $0x1  }
0x345: {  	v11 =	vmax.f32 v11, $0.0e+00  }
0x346: {  	[tilespmem:v10+s25+$0x0] =	vst.idx.msk $0xffff, v11  }
0x347: {  	v10 =	vld.idx.msk [tilespmem:v12+s26+$0x0], $0xffff;
	_ =	sdelay $0x4  }
0x348: {  	v10 =	vmul.f32 v10, v11;
	_ =	sdelay $0x1  }
0x349: {  	s21 =	simm.s32 $0x7;
	[tilespmem:s4+$0x20] =	vst v10  }
0x34a: {  	s29 =	sand.u32 $0x7F, s21;
	v10 =	vld [tilespmem:s7+$0x30]  }
0x34b: {  	v12 =	vmov s29;
	v11 =	vld [tilespmem:s2+$0x30]  }
0x34c: {  	v12 =	vshrl.u32 v12, $0x3  }
0x34d: {  	v14 =	vmov s21;
	v12 =	vshll.u32 v12, v1;
	v13 =	vld [tilespmem:s28+$0x30]  }
0x34e: {  	v14 =	vshrl.u32 v14, $0x3;
	v12 =	vor.u32 s5, v12  }
0x34f: {  	v14 =	vshll.u32 v14, v1;
	v12 =	vbroadcast v12, $0x0  }
0x350: {  	v11 =	vadd.f32 v11, v10;
	v10 =	vadd.s32 $0x7, v14  }
0x351: {  	s30 =	simm.s32 $0x1;
	s31 =	simm.s32 $0xA3E0;
	s13 =	simm.s32 $0x8;
	v12 =	vadd.s32 v9, v12;
	v10 =	vbroadcast v10, $0x0  }
0x352: {  	s5 =	simm.s32 $0x7BE0;
	s28 =	simm.s32 $0x53E0;
	s7 =	simm.s32 $0xF8E0;
	v11 =	vadd.f32 v13, v11  }
.LBB2_5:
0x353: {  	s2 =	sadd.s32 $0x3, s13  }
0x354: {  	s16 =	sadd.s32 $0x4, s13;
	s15 =	sadd.s32 $0x5, s13;
	s3 =	smov.u32 s13  }
0x355: {  	s21 =	sand.u32 $0x7B, s2;
	v13 =	vmov s2;
	s2 =	sand.u32 $0x7C, s16;
	v14 =	vmov s16;
	s16 =	sadd.s32 $0x6, s13;
	v11 =	vmax.f32 v11, $0.0e+00  }
0x356: {  	v15 =	vmov s21;
	v13 =	vshrl.u32 v13, $0x3;
	v16 =	vmov s2;
	s21 =	sand.u32 $0x7D, s15;
	s29 =	sand.u32 $0x7E, s16;
	s2 =	sadd.s32 $0x8, s13;
	[tilespmem:v12+s25+$0x0] =	vst.idx.msk $0xffff, v11  }
0x357: {  	p0 =	sne.s32 s13, $0x278;
	v17 =	vshrl.u32 v15, $0x3;
	v12 =	vshll.u32 v13, v1;
	v13 =	vmov s29;
	v10 =	vld.idx.msk [tilespmem:v10+s26+$0x0], $0xffff  }
0x358: {  	v15 =	vadd.s32 $0x3, v12;
	v12 =	vshrl.u32 v14, $0x3;
	v13 =	vshrl.u32 v13, $0x3  }
0x359: {  	v14 =	vshrl.u32 v16, $0x3;
	v16 =	vmov s21;
	v12 =	vshll.u32 v12, v1  }
0x35a: {  	s13 =	sadd.s32 $0x1, s3;
	s21 =	sadd.s32 $0x2, s3;
	v17 =	vshll.u32 v17, v1;
	v14 =	vshll.u32 v14, v1;
	v16 =	vshrl.u32 v16, $0x3  }
0x35b: {  	v20 =	vmov s16;
	s29 =	sand.u32 $0x78, s3;
	s10 =	sand.u32 $0x79, s13;
	v18 =	vmov s13;
	s17 =	sand.u32 $0x7A, s21;
	v19 =	vmov s21  }
0x35c: {  	v21 =	vmov s29;
	v22 =	vmov s10;
	v16 =	vshll.u32 v16, v1  }
0x35d: {  	s10 =	sshll.u32 s30, $0x6;
	v21 =	vshrl.u32 v21, $0x3;
	v22 =	vshrl.u32 v22, $0x3;
	v10 =	vmul.f32 v10, v11  }
0x35e: {  	s13 =	sand.u32 $0xFFFFFC00, s10;
	v11 =	vshll.u32 v21, v1;
	v21 =	vshll.u32 v22, v1;
	v22 =	vshrl.u32 v18, $0x3  }
0x35f: {  	v11 =	vor.u32 s13, v11;
	v18 =	vor.u32 s13, v21;
	v21 =	vmov s17;
	[tilespmem:s4+$0x30] =	vst v10;
	s4 =	smov.u32 s7  }
0x360: {  	v11 =	vbroadcast v11, $0x0;
	v23 =	vbroadcast v18, $0x0;
	v18 =	vshrl.u32 v21, $0x3;
	v10 =	vld [tilespmem:s5+$0xFFFFFFC0]  }
0x361: {  	v24 =	vmov s3;
	v19 =	vshrl.u32 v19, $0x3;
	v18 =	vshll.u32 v18, v1;
	v21 =	vld [tilespmem:s28+$0xFFFFFFC0]  }
0x362: {  	v24 =	vshrl.u32 v24, $0x3;
	v11 =	vadd.s32 v2, v11;
	v18 =	vor.u32 s13, v18  }
0x363: {  	v24 =	vshll.u32 v24, v1;
	v26 =	vbroadcast v18, $0x0;
	v18 =	vshll.u32 v19, v1;
	v25 =	vld [tilespmem:s31+$0xFFFFFFC0]  }
0x364: {  	v27 =	vmov s15;
	v19 =	vbroadcast v24, $0x0;
	v24 =	vadd.s32 $0x2, v18  }
0x365: {  	v13 =	vshll.u32 v13, v1;
	v17 =	vor.u32 s13, v17;
	v14 =	vor.u32 s13, v14  }
0x366: {  	s3 =	sadd.s32 $0x7, s3;
	v18 =	vbroadcast v14, $0x0;
	v10 =	vadd.f32 v10, v21;
	v21 =	vbroadcast v17, $0x0  }
0x367: {  	s10 =	sand.u32 $0x7F, s3;
	v13 =	vor.u32 s13, v13;
	v14 =	vor.u32 s13, v16;
	v17 =	vshrl.u32 v27, $0x3  }
0x368: {  	v16 =	vbroadcast v14, $0x0;
	v14 =	vshll.u32 v17, v1;
	v10 =	vadd.f32 v25, v10  }
0x369: {  	v22 =	vshll.u32 v22, v1;
	v17 =	vadd.s32 $0x5, v14;
	v14 =	vmov s10  }
0x36a: {  	v22 =	vadd.s32 $0x1, v22;
	v25 =	vmax.f32 v10, $0.0e+00;
	v10 =	vshrl.u32 v20, $0x3  }
0x36b: {  	v20 =	vmov s3;
	[tilespmem:v11+s25+$0x0] =	vst.idx.msk $0xffff, v25;
	v10 =	vshll.u32 v10, v1;
	v11 =	vshrl.u32 v14, $0x3  }
0x36c: {  	v19 =	vld.idx.msk [tilespmem:v19+s26+$0x0], $0xffff;
	v14 =	vadd.s32 $0x6, v10;
	v10 =	vshll.u32 v11, v1;
	v11 =	vshrl.u32 v20, $0x3  }
0x36d: {  	v10 =	vor.u32 s13, v10;
	v11 =	vshll.u32 v11, v1  }
0x36e: {  	v10 =	vbroadcast v10, $0x0;
	v11 =	vadd.s32 $0x7, v11;
	_ =	sdelay $0x3  }
0x36f: {  	v19 =	vmul.f32 v19, v25;
	_ =	sdelay $0x1  }
0x370: {  	[tilespmem:s7+$0xFFFFFFC0] =	vst v19  }
0x371: {  	v19 =	vld [tilespmem:s5+$0xFFFFFFD0]  }
0x372: {  	v20 =	vld [tilespmem:s28+$0xFFFFFFD0];
	_ =	sdelay $0x1  }
0x373: {  	v25 =	vld [tilespmem:s31+$0xFFFFFFD0]  }
0x374: {  	v23 =	vadd.s32 v3, v23;
	_ =	sdelay $0x1  }
0x375: {  	v19 =	vadd.f32 v19, v20;
	v20 =	vbroadcast v22, $0x0;
	_ =	sdelay $0x1  }
0x376: {  	v19 =	vadd.f32 v25, v19;
	_ =	sdelay $0x1  }
0x377: {  	v19 =	vmax.f32 v19, $0.0e+00  }
0x378: {  	[tilespmem:v23+s25+$0x0] =	vst.idx.msk $0xffff, v19  }
0x379: {  	v20 =	vld.idx.msk [tilespmem:v20+s26+$0x0], $0xffff;
	_ =	sdelay $0x5  }
0x37a: {  	v19 =	vmul.f32 v20, v19;
	_ =	sdelay $0x1  }
0x37b: {  	[tilespmem:s7+$0xFFFFFFD0] =	vst v19  }
0x37c: {  	v19 =	vld [tilespmem:s5+$0xFFFFFFE0]  }
0x37d: {  	v20 =	vld [tilespmem:s28+$0xFFFFFFE0]  }
0x37e: {  	v22 =	vld [tilespmem:s31+$0xFFFFFFE0];
	_ =	sdelay $0x1  }
0x37f: {  	v24 =	vbroadcast v24, $0x0;
	v23 =	vadd.s32 v4, v26;
	_ =	sdelay $0x1  }
0x380: {  	v19 =	vadd.f32 v19, v20;
	_ =	sdelay $0x1  }
0x381: {  	v19 =	vadd.f32 v22, v19;
	_ =	sdelay $0x1  }
0x382: {  	v19 =	vmax.f32 v19, $0.0e+00  }
0x383: {  	[tilespmem:v23+s25+$0x0] =	vst.idx.msk $0xffff, v19  }
0x384: {  	v20 =	vld.idx.msk [tilespmem:v24+s26+$0x0], $0xffff;
	_ =	sdelay $0x5  }
0x385: {  	v19 =	vmul.f32 v20, v19;
	_ =	sdelay $0x1  }
0x386: {  	[tilespmem:s7+$0xFFFFFFE0] =	vst v19  }
0x387: {  	v19 =	vld [tilespmem:s28+$0xFFFFFFF0]  }
0x388: {  	v20 =	vld [tilespmem:s5+$0xFFFFFFF0]  }
0x389: {  	v22 =	vld [tilespmem:s31+$0xFFFFFFF0];
	_ =	sdelay $0x1  }
0x38a: {  	v15 =	vbroadcast v15, $0x0;
	v21 =	vadd.s32 v5, v21;
	_ =	sdelay $0x1  }
0x38b: {  	v19 =	vadd.f32 v20, v19;
	_ =	sdelay $0x1  }
0x38c: {  	v19 =	vadd.f32 v22, v19;
	_ =	sdelay $0x1  }
0x38d: {  	v19 =	vmax.f32 v19, $0.0e+00  }
0x38e: {  	[tilespmem:v21+s25+$0x0] =	vst.idx.msk $0xffff, v19  }
0x38f: {  	v15 =	vld.idx.msk [tilespmem:v15+s26+$0x0], $0xffff;
	_ =	sdelay $0x5  }
0x390: {  	v15 =	vmul.f32 v15, v19;
	_ =	sdelay $0x1  }
0x391: {  	[tilespmem:s7+$0xFFFFFFF0] =	vst v15  }
0x392: {  	v15 =	vld [tilespmem:s28+$0x0]  }
0x393: {  	v19 =	vld [tilespmem:s5+$0x0];
	_ =	sdelay $0x1  }
0x394: {  	v12 =	vadd.s32 $0x4, v12;
	v20 =	vld [tilespmem:s31+$0x0]  }
0x395: {  	v12 =	vbroadcast v12, $0x0;
	v18 =	vadd.s32 v6, v18;
	_ =	sdelay $0x1  }
0x396: {  	v15 =	vadd.f32 v19, v15;
	_ =	sdelay $0x1  }
0x397: {  	v15 =	vadd.f32 v20, v15;
	_ =	sdelay $0x1  }
0x398: {  	v15 =	vmax.f32 v15, $0.0e+00  }
0x399: {  	[tilespmem:v18+s25+$0x0] =	vst.idx.msk $0xffff, v15  }
0x39a: {  	v12 =	vld.idx.msk [tilespmem:v12+s26+$0x0], $0xffff;
	_ =	sdelay $0x5  }
0x39b: {  	v12 =	vmul.f32 v12, v15;
	_ =	sdelay $0x1  }
0x39c: {  	[tilespmem:s7+$0x0] =	vst v12  }
0x39d: {  	v12 =	vld [tilespmem:s28+$0x10]  }
0x39e: {  	v15 =	vld [tilespmem:s5+$0x10]  }
0x39f: {  	v18 =	vld [tilespmem:s31+$0x10];
	_ =	sdelay $0x1  }
0x3a0: {  	v16 =	vadd.s32 v7, v16;
	v17 =	vbroadcast v17, $0x0;
	_ =	sdelay $0x1  }
0x3a1: {  	v12 =	vadd.f32 v15, v12;
	_ =	sdelay $0x1  }
0x3a2: {  	v12 =	vadd.f32 v18, v12;
	_ =	sdelay $0x1  }
0x3a3: {  	v12 =	vmax.f32 v12, $0.0e+00  }
0x3a4: {  	[tilespmem:v16+s25+$0x0] =	vst.idx.msk $0xffff, v12  }
0x3a5: {  	v15 =	vld.idx.msk [tilespmem:v17+s26+$0x0], $0xffff;
	_ =	sdelay $0x5  }
0x3a6: {  	v12 =	vmul.f32 v15, v12;
	_ =	sdelay $0x1  }
0x3a7: {  	[tilespmem:s7+$0x10] =	vst v12  }
0x3a8: {  	v12 =	vld [tilespmem:s28+$0x20]  }
0x3a9: {  	v15 =	vld [tilespmem:s5+$0x20]  }
0x3aa: {  	v16 =	vld [tilespmem:s31+$0x20];
	_ =	sdelay $0x1  }
0x3ab: {  	v13 =	vbroadcast v13, $0x0;
	_ =	sdelay $0x1  }
0x3ac: {  	v13 =	vadd.s32 v8, v13;
	v14 =	vbroadcast v14, $0x0;
	v12 =	vadd.f32 v15, v12;
	_ =	sdelay $0x1  }
0x3ad: {  	v12 =	vadd.f32 v16, v12;
	_ =	sdelay $0x1  }
0x3ae: {  	v12 =	vmax.f32 v12, $0.0e+00  }
0x3af: {  	[tilespmem:v13+s25+$0x0] =	vst.idx.msk $0xffff, v12  }
0x3b0: {  	v13 =	vld.idx.msk [tilespmem:v14+s26+$0x0], $0xffff;
	_ =	sdelay $0x5  }
0x3b1: {  	v12 =	vmul.f32 v13, v12;
	_ =	sdelay $0x1  }
0x3b2: {  	[tilespmem:s7+$0x20] =	vst v12  }
0x3b3: {  	v12 =	vld [tilespmem:s28+$0x30]  }
0x3b4: {  	v13 =	vld [tilespmem:s5+$0x30]  }
0x3b5: {  	v14 =	vld [tilespmem:s31+$0x30];
	_ =	sdelay $0x1  }
.Ltmp1:
0x3b6: {  	(pc) =	sbr.rel @p0 .LBB2_5-.Ltmp1, $4  }
0x3b7: {  	_ = 	snop  }
0x3b8: {  	v13 =	vadd.f32 v13, v12;
	v12 =	vadd.s32 v9, v10;
	v10 =	vbroadcast v11, $0x0  }
0x3b9: {  	s30 =	sadd.s32 $0x1, s30;
	s28 =	sadd.s32 $0x80, s28;
	s5 =	sadd.s32 $0x80, s5  }
0x3ba: {  	s13 =	smov.u32 s2;
	s7 =	sadd.s32 $0x80, s7;
	s31 =	sadd.s32 $0x80, s31;
	v11 =	vadd.f32 v14, v13  }
0x3bb: {  	_ =	sdelay $0x2  }
0x3bc: {  	v11 =	vmax.f32 v11, $0.0e+00  }
0x3bd: {  	[tilespmem:v12+s25+$0x0] =	vst.idx.msk $0xffff, v11  }
0x3be: {  	v10 =	vld.idx.msk [tilespmem:v10+s26+$0x0], $0xffff;
	_ =	sdelay $0x3  }
0x3bf: {  	s1 =	smul.u32 $0x1400, s1  }
0x3c0: {  	v10 =	vmul.f32 v10, v11  }
0x3c1: {  	s2 =	rddreg [dreg:$0x7];
	s1 =	sshrl.u32 s1, $0x3  }
0x3c2: {  	s15 =	simm.s32 $0x1400;
	s3 =	simm.s32 $0x271000;
	s1 =	sadd.s32 s2, s1;
	[tilespmem:s4+$0x30] =	vst v10  }
0x3c3: {  	[hbm4b:s1+s15] =	stream.strided.scatter [tilespmem:s25], [sflag:$0x3], $0x2800, s3, s15, $0x38;
	[tilespmem:$0x17020] =	vst v63  }
0x3c4: {  	s16 =	simm.s32 $0xF820  }
0x3c5: {  	[spmem:s8] =	stream.indirect.scatter.add.f32 [tilespmem:s16], [sflag:$0x4], $0x10, s22, s23, $0xb8;
	[tilespmem:$0x17020] =	vst v63  }
0x3c6: {  	_ =	swait.ge [sflag:s18], $0x800  }
0x3c7: {  	[sflag:s18] =	ssyncset.done $0x0  }
0x3c8: {  	s5 =	simm.s32 $0x5120;
	s17 =	simm.s32 $0x10020;
	[sflag:s18] =	ssyncadd.s32 $0xFFFFF800  }
0x3c9: {  	[spmem:s8] =	stream.indirect.scatter.add.f32 [tilespmem:s17], [sflag:$0x4], $0x10, s5, s23, $0xb8;
	[tilespmem:$0x17020] =	vst v63  }
0x3ca: {  	_ =	swait.ge [sflag:s18], $0x800  }
0x3cb: {  	[sflag:s18] =	ssyncset.done $0x0  }
0x3cc: {  	s7 =	simm.s32 $0x51A0;
	s21 =	simm.s32 $0x10820;
	[sflag:s18] =	ssyncadd.s32 $0xFFFFF800  }
0x3cd: {  	[spmem:s8] =	stream.indirect.scatter.add.f32 [tilespmem:s21], [sflag:$0x4], $0x10, s7, s23, $0xb8;
	[tilespmem:$0x17020] =	vst v63  }
0x3ce: {  	_ =	swait.ge [sflag:s18], $0x800  }
0x3cf: {  	[sflag:s18] =	ssyncset.done $0x0  }
0x3d0: {  	s13 =	simm.s32 $0x5220;
	s28 =	simm.s32 $0x11020;
	[sflag:s18] =	ssyncadd.s32 $0xFFFFF800  }
0x3d1: {  	[spmem:s8] =	stream.indirect.scatter.add.f32 [tilespmem:s28], [sflag:$0x4], $0x10, s13, s23, $0xb8;
	[tilespmem:$0x17020] =	vst v63  }
0x3d2: {  	_ =	swait.ge [sflag:s18], $0x800  }
0x3d3: {  	[sflag:s18] =	ssyncset.done $0x0  }
0x3d4: {  	s29 =	simm.s32 $0x11820;
	[sflag:s18] =	ssyncadd.s32 $0xFFFFF800  }
0x3d5: {  	[spmem:s8] =	stream.indirect.scatter.add.f32 [tilespmem:s29], [sflag:$0x4], $0x10, s0, s23, $0xb8;
	[tilespmem:$0x17020] =	vst v63  }
0x3d6: {  	_ =	swait.ge [sflag:s18], $0x800  }
0x3d7: {  	[sflag:s18] =	ssyncset.done $0x0  }
0x3d8: {  	[sflag:s18] =	ssyncadd.s32 $0xFFFFF800  }
0x3d9: {  	_ =	swait.ge [sflag:s9], $0x2800  }
0x3da: {  	s31 =	rddreg [dreg:$0xe]  }
0x3db: {  	p0 =	sne.s32 s14, s31  }
.Ltmp2:
0x3dc: {  	_ = 	snop;
	(pc) =	sbr.rel @p0 .LBB2_4-.Ltmp2, $3  }
0x3dd: {  	_ =	sdelay $0x1  }
0x3de: {  	s30 =	sadd.s32 $0x1, s14;
	[sflag:s9] =	ssyncset.done $0x0  }
0x3df: {  	[sflag:s9] =	ssyncadd.s32 $0xFFFFD800;
	s14 =	smov.u32 s30  }
0x3e0: {  	[bflag:$0x0] =	sbarrier.arrive $0xFFFF  }
0x3e1: {  	s3 =	simm.s32 $0x12020;
	s4 =	rddreg [dreg:$0xc]  }
0x3e2: {  	[tilespmem:s3], [sflag:$0x4] =	stream.linear.gather [spmem:s4], $0x2800, $0x38;
	[tilespmem:$0x17020] =	vst v63  }
0x3e3: {  	_ =	swait.ge [sflag:s18], $0x2800  }
0x3e4: {  	[sflag:s18] =	ssyncset.done $0x0  }
0x3e5: {  	s10 =	simm.s32 $0x0;
	s1 =	rddreg [dreg:$0xd];
	[sflag:s18] =	ssyncadd.s32 $0xFFFFD800  }
0x3e6: {  	[hbm4b:s1+s10] =	stream.linear.scatter [tilespmem:s3], [sflag:$0x4], $0x2800, $0x38;
	[tilespmem:$0x17020] =	vst v63  }
0x3e7: {  	_ =	swait.ge [sflag:s18], $0x2800  }
0x3e8: {  	s2 =	rddreg [dreg:$0x10]  }
0x3e9: {  	s31 =	rddreg [dreg:$0xf];
	s2 =	sadd.s32 $0x1, s2  }
0x3ea: {  	p0 =	sne.s32 s2, s31  }
.Ltmp3:
0x3eb: {  	_ = 	snop;
	(pc) =	sbr.rel @p0 .LBB2_1-.Ltmp3, $3  }
0x3ec: {  	_ =	sdelay $0x1  }
0x3ed: {  	[sflag:s18] =	ssyncset.done $0x0  }
0x3ee: {  	[sflag:s18] =	ssyncadd.s32 $0xFFFFD800  }
0x3ef: {  	_ =	sfence.sel $0x180000  }
0x3f0: {  	[bflag:$0x0] =	sbarrier.arrive $0xFFFF  }
0x3f1: {  	_ =	strace $0x90000047  }
0x3f2: {  	s0 =	stileid.u32;
	[bflag:$0x2] =	sbarrier.arrive $0xFFFF  }
0x3f3: {  	p0 =	sne.s32 s0, $0x0;
	s0 =	rddreg [dreg:$0xa]  }
0x3f4: {  	s0 =	sadd.s32 @!p0 $0x100000, s0  }
0x3f5: {  	[sflag:s0] =	ssyncadd.tile.s32 @!p0 $0x1;
	_ =	shalt  }
.Lfunc_end2:
_tile_overlayer_lowered:
.L_overlay_start_2:
0x3f6: {  	(tag) =	ssettag $0x2  }
0x3f7: {  	s0 =	rddreg [dreg:$0x0];
	s2 =	stileid.u32  }
0x3f8: {  	s1 =	rddreg [dreg:$0x1];
	p0 =	sne.s32 s2, $0x0  }
0x3f9: {  	s3 =	rddreg [dreg:$0x2];
	[bflag:$0x3] =	sbarrier.arrive $0xFFFF;
	s2 =	simm.s32 @!p0 $0x1C04  }
0x3fa: {  	[timem:s3], [sflag:s2] =	dma.local @!p0 [hbm:s0], s1  }
0x3fb: {  	s0 =	simm.s32 @!p0 $0x4  }
0x3fc: {  	_ =	swait.ge @!p0 [sflag:s0], s1  }
0x3fd: {  	s1 =	ssub.s32 @!p0 $0x0, s1;
	[sflag:s0] =	ssyncset.done @!p0 $0x0  }
0x3fe: {  	[sflag:s0] =	ssyncadd.s32 @!p0 s1  }
0x3ff: {  	[bflag:$0x3] =	sbarrier.arrive $0xFFFF  }
0x400: {  	_ =	shalt  }

</sc_bundles>
